<compile_context>
chip_gen: v7x
topology: tpu7x:2x2x1
jax: 0.10.2.dev20260603
libtpu: 0.0.44.dev20260713+nightly
codegen_flags: <defaults>
</compile_context>

<pallas_src>
import functools

import jax
import jax.numpy as jnp
from jax import lax
from jax.experimental import pallas as pl
from jax.experimental.pallas import tpu as pltpu
from jax.experimental.pallas import tpu_sc as plsc

_N = 10000
_E = 320000
_DIN = 128
_DIM = 64
_DOUT = 10
_G = 64

_NC = 2
_NS = 16
_NW = _NC * _NS
_NPAD = 10016
_RPS = _NPAD // _NS
_K = 128
_EPAD = 327680
_EPW = _EPAD // _NW
_CHUNKS = _EPW // _K
_PAT = "HSHSS"
_CONV_SLOT = {b: j for j, b in
              enumerate(b for b, p in enumerate(_PAT) if p == "S")}

_PERM = tuple(
    32 * j + (m // 2 if m % 2 == 0 else 16 + (m - 1) // 2)
    for j in (0, 1) for m in range(32)
)


def _segsum_sc(table, table_bf, packed, zeros_blk):
  mesh = plsc.VectorSubcoreMesh(core_axis_name="c", subcore_axis_name="s")

  @functools.partial(
      pl.kernel,
      out_type=jax.ShapeDtypeStruct((_NC, _NPAD, _DIM), jnp.float32),
      mesh=mesh,
      scratch_types=[
          pltpu.VMEM((_CHUNKS, _K), jnp.int32),
          [pltpu.VMEM((_K,), jnp.int32) for _ in _PAT],
          [pltpu.VMEM((_K,), jnp.int32) for _ in _PAT],
          [pltpu.VMEM((_K, _DIM),
                      jnp.float32 if p == "H" else jnp.bfloat16)
           for p in _PAT],
          [pltpu.VMEM((_K, _DIM), jnp.float32)
           for p in _PAT if p == "S"],
          pltpu.VMEM_SHARED((_NPAD, _DIM), jnp.float32),
          pltpu.VMEM_SHARED((_N, _DIM), jnp.bfloat16),
          [pltpu.SemaphoreType.DMA for _ in _PAT],
      ],
      compiler_params=pltpu.CompilerParams(use_tc_tiling_on_sc=False,
                                           needs_layout_passes=False),
  )
  def k(table_hbm, tbf_hbm, pk_hbm, z_hbm, out_hbm, pidx, sbuf, dbuf,
        rows, conv, accum, tbl, sems):
    c = lax.axis_index("c")
    s = lax.axis_index("s")
    wid = c * _NS + s

    pltpu.sync_copy(z_hbm, accum.at[pl.ds(s * _RPS, _RPS)])
    pltpu.sync_copy(tbf_hbm.at[pl.ds(s * (_N // _NS), _N // _NS)],
                    tbl.at[pl.ds(s * (_N // _NS), _N // _NS)])

    pltpu.sync_copy(pk_hbm.at[pl.ds(wid * _CHUNKS, _CHUNKS)], pidx)
    plsc.subcore_barrier()

    nslot = len(_PAT)

    def unpack(i, b):
      @pl.loop(0, _K, step=16)
      def _(v):
        w = pidx[i, pl.ds(v, 16)]
        sbuf[b][pl.ds(v, 16)] = jnp.bitwise_and(w, jnp.int32(65535))
        dbuf[b][pl.ds(v, 16)] = lax.shift_right_logical(w, 16)

    def gather(b):
      tab = table_hbm if _PAT[b] == "H" else tbl
      return pltpu.make_async_copy(tab.at[sbuf[b]], rows[b], sems[b])

    def scatter_add(b, buf):
      pltpu.sync_copy(buf, accum.at[dbuf[b]], add=True)

    def convert(b):
      cv = conv[_CONV_SLOT[b]]

      @pl.loop(0, _K, step=4)
      def _(r0):
        for dr in range(4):
          r = r0 + dr
          for j in (0, 1):
            v = rows[b][r, pl.ds(32 * j, 32)]
            w = plsc.bitcast(v, jnp.int32)
            lo = plsc.bitcast(jnp.left_shift(w, 16), jnp.float32)
            hi = plsc.bitcast(jnp.bitwise_and(w, jnp.int32(-65536)),
                              jnp.float32)
            cv[r, pl.ds(32 * j, 16)] = lo
            cv[r, pl.ds(32 * j + 16, 16)] = hi

    for b in range(nslot):
      unpack(b, b)
      gather(b).start()

    @pl.loop(0, _CHUNKS, step=nslot)
    def _(i):
      for b in range(nslot):
        ic = i + b
        gather(b).wait()
        if _PAT[b] == "S":
          convert(b)
          scatter_add(b, conv[_CONV_SLOT[b]])
        else:
          scatter_add(b, rows[b])

        @pl.when(ic + nslot < _CHUNKS)
        def _():
          unpack(ic + nslot, b)
          gather(b).start()

    plsc.subcore_barrier()
    pltpu.sync_copy(accum.at[pl.ds(s * _RPS, _RPS)],
                    out_hbm.at[c, pl.ds(s * _RPS, _RPS)])

  return k(table, table_bf, packed, zeros_blk)


_PADVAL = (_NPAD - 8) << 16


def _proj_body(x_ref, w_ref, wp_ref, src_ref, dst_ref, o_ref, ob_ref,
               pk_ref):
  o_ref[...] = jnp.dot(x_ref[...], w_ref[...],
                       preferred_element_type=jnp.float32)
  ob_ref[...] = jnp.dot(x_ref[...], wp_ref[...],
                        preferred_element_type=jnp.float32
                        ).astype(jnp.bfloat16)
  ne = _E // _K
  pk_ref[:ne, :] = jnp.bitwise_or(src_ref[...],
                                  jnp.left_shift(dst_ref[...], 16))
  pk_ref[ne:, :] = jnp.full((_EPAD // _K - ne, _K), _PADVAL, jnp.int32)


def _mid_body(agg_ref, y_ref, b1a_ref, w1b_ref, b1b_ref, g1_ref, be1_ref,
              rm1_ref, rv1_ref, w2a_ref, w2ap_ref, z_ref, zb_ref):
  agg = agg_ref[0, :_N, :] + agg_ref[1, :_N, :]
  t = jax.nn.relu(agg + y_ref[...] + b1a_ref[...])
  h = jnp.dot(t, w1b_ref[...], preferred_element_type=jnp.float32)
  h = jax.nn.relu(h + b1b_ref[...])
  h = (h - rm1_ref[...]) / jnp.sqrt(rv1_ref[...] + 1e-5) * g1_ref[...] \
      + be1_ref[...]
  z_ref[...] = jnp.dot(h, w2a_ref[...], preferred_element_type=jnp.float32)
  zb_ref[...] = jnp.dot(h, w2ap_ref[...],
                        preferred_element_type=jnp.float32
                        ).astype(jnp.bfloat16)


def _tail_body(agg_ref, z_ref, b2a_ref, w2b_ref, b2b_ref, g2_ref, be2_ref,
               rm2_ref, rv2_ref, batch_ref, wf1_ref, bf1_ref, wf2_ref,
               bf2_ref, o_ref):
  agg = agg_ref[0, :_N, :] + agg_ref[1, :_N, :]
  t = jax.nn.relu(agg + z_ref[...] + b2a_ref[...])
  h2 = jnp.dot(t, w2b_ref[...], preferred_element_type=jnp.float32)
  h2 = jax.nn.relu(h2 + b2b_ref[...])
  h2 = (h2 - rm2_ref[...]) / jnp.sqrt(rv2_ref[...] + 1e-5) * g2_ref[...] \
      + be2_ref[...]

  seg = (lax.broadcasted_iota(jnp.int32, (_G, _N), 0)
         == batch_ref[...]).astype(jnp.float32)
  pooled = jnp.dot(seg, h2, preferred_element_type=jnp.float32)
  counts = jnp.maximum(jnp.sum(seg, axis=1, keepdims=True), 1.0)
  pooled = pooled / counts

  h3 = jax.nn.relu(
      jnp.dot(pooled, wf1_ref[...], preferred_element_type=jnp.float32)
      + bf1_ref[...])
  o_ref[...] = jnp.dot(h3, wf2_ref[...],
                       preferred_element_type=jnp.float32) + bf2_ref[...]


def kernel(x, edge_index, batch, W1a, b1a, W1b, b1b, g1, be1, rm1, rv1,
           W2a, b2a, W2b, b2b, g2, be2, rm2, rv2, Wf1, bf1, Wf2, bf2):
  f32 = jnp.float32
  zeros_blk = jnp.zeros((_RPS, _DIM), f32)
  r = lambda v: v.reshape(1, -1)

  perm = jnp.asarray(_PERM, jnp.int32)

  y, ybf, packed = pl.pallas_call(
      _proj_body,
      out_shape=(jax.ShapeDtypeStruct((_N, _DIM), f32),
                 jax.ShapeDtypeStruct((_N, _DIM), jnp.bfloat16),
                 jax.ShapeDtypeStruct((_EPAD // _K, _K), jnp.int32)),
  )(x, W1a, W1a[:, perm], edge_index[0].reshape(-1, _K),
    edge_index[1].reshape(-1, _K))

  agg1 = _segsum_sc(y, ybf, packed, zeros_blk)

  z, zbf = pl.pallas_call(
      _mid_body,
      out_shape=(jax.ShapeDtypeStruct((_N, _DIM), f32),
                 jax.ShapeDtypeStruct((_N, _DIM), jnp.bfloat16)),
  )(agg1, y, r(b1a), W1b, r(b1b), r(g1), r(be1), r(rm1), r(rv1), W2a,
    W2a[:, perm])

  agg2 = _segsum_sc(z, zbf, packed, zeros_blk)

  out = pl.pallas_call(
      _tail_body,
      out_shape=jax.ShapeDtypeStruct((_G, _DOUT), f32),
  )(agg2, z, r(b2a), W2b, r(b2b), r(g2), r(be2), r(rm2), r(rv2),
    batch.reshape(1, _N), Wf1, r(bf1), Wf2, r(bf2))

  return out

# --- scband reference (transcript-rebuilt; emitter-appended) ---
"""Pipeline reference for scband-ginnet-33930241638747 (READ-ONLY COPY).

The authoritative reference and input builder live on the scoring server;
editing this copy changes nothing except your own understanding.
"""

import jax, jax.numpy as jnp
import numpy as np

N = 10000
E = 320000
DIN = 128
DIM = 64
DOUT = 10
G = 64


def setup_inputs(seed: int = 0) -> dict:
    key = jax.random.key(seed)
    ks = jax.random.split(key, 24)
    x = jax.random.normal(ks[0], (N, DIN), dtype=jnp.float32)
    edge_index = jax.random.randint(ks[1], (2, E), 0, N, dtype=jnp.int32)
    batch = jnp.sort(jax.random.randint(ks[2], (N,), 0, G, dtype=jnp.int32))

    def lin_init(k, fan_in, fan_out):
        k1, k2 = jax.random.split(k)
        bound = 1.0 / np.sqrt(fan_in)
        W = jax.random.uniform(k1, (fan_in, fan_out), minval=-bound, maxval=bound, dtype=jnp.float32)
        b = jax.random.uniform(k2, (fan_out,), minval=-bound, maxval=bound, dtype=jnp.float32)
        return W, b

    W1a, b1a = lin_init(ks[3], DIN, DIM)
    W1b, b1b = lin_init(ks[4], DIM, DIM)
    W2a, b2a = lin_init(ks[5], DIM, DIM)
    W2b, b2b = lin_init(ks[6], DIM, DIM)
    Wf1, bf1 = lin_init(ks[7], DIM, DIM)
    Wf2, bf2 = lin_init(ks[8], DIM, DOUT)

    g1 = jnp.ones((DIM,), jnp.float32)
    be1 = jnp.zeros((DIM,), jnp.float32)
    rm1 = jax.random.normal(ks[9], (DIM,), dtype=jnp.float32) * 0.1
    rv1 = jnp.ones((DIM,), jnp.float32) + jax.random.uniform(ks[10], (DIM,), dtype=jnp.float32) * 0.1
    g2 = jnp.ones((DIM,), jnp.float32)
    be2 = jnp.zeros((DIM,), jnp.float32)
    rm2 = jax.random.normal(ks[11], (DIM,), dtype=jnp.float32) * 0.1
    rv2 = jnp.ones((DIM,), jnp.float32) + jax.random.uniform(ks[12], (DIM,), dtype=jnp.float32) * 0.1

    return {
        "x": x, "edge_index": edge_index, "batch": batch,
        "W1a": W1a, "b1a": b1a, "W1b": W1b, "b1b": b1b,
        "g1": g1, "be1": be1, "rm1": rm1, "rv1": rv1,
        "W2a": W2a, "b2a": b2a, "W2b": W2b, "b2b": b2b,
        "g2": g2, "be2": be2, "rm2": rm2, "rv2": rv2,
        "Wf1": Wf1, "bf1": bf1, "Wf2": Wf2, "bf2": bf2,
    }


def reference(x, edge_index, batch,
              W1a, b1a, W1b, b1b, g1, be1, rm1, rv1,
              W2a, b2a, W2b, b2b, g2, be2, rm2, rv2,
              Wf1, bf1, Wf2, bf2):
    src = edge_index[0]
    dst = edge_index[1]

    def bn(h, g, be, rm, rv):
        return (h - rm) / jnp.sqrt(rv + 1e-5) * g + be

    # GINConv 1: out = nn1((1+eps)*x + sum_{j->i} x_j), eps=0
    agg = jax.ops.segment_sum(x[src], dst, num_segments=N)
    h = agg + x
    h = jax.nn.relu(h @ W1a + b1a)
    h = h @ W1b + b1b
    h = jax.nn.relu(h)
    h = bn(h, g1, be1, rm1, rv1)

    # GINConv 2
    agg2 = jax.ops.segment_sum(h[src], dst, num_segments=N)
    h2 = agg2 + h
    h2 = jax.nn.relu(h2 @ W2a + b2a)
    h2 = h2 @ W2b + b2b
    h2 = jax.nn.relu(h2)
    h2 = bn(h2, g2, be2, rm2, rv2)

    # global mean pool over graphs
    pooled = jax.ops.segment_sum(h2, batch, num_segments=G)
    counts = jax.ops.segment_sum(jnp.ones((N,), jnp.float32), batch, num_segments=G)
    counts = jnp.maximum(counts, 1.0)
    pooled = pooled / counts[:, None]

    h3 = jax.nn.relu(pooled @ Wf1 + bf1)
    # dropout is identity in eval mode
    out = h3 @ Wf2 + bf2
    return out

if __name__ == "__main__":
    import jax
    _d = setup_inputs()
    print(jax.jit(kernel)(*tuple(_d.values())))

</pallas_src>

<mosaic_0001>
#map = affine_map<(d0, d1) -> (0, 0)>
#map1 = affine_map<(d0, d1) -> (0, 0, 0)>
module attributes {stable_mosaic.version = 14 : i64} {
  func.func @k(%arg0: i32, %arg1: i32, %arg2: memref<10000x64xf32, #tpu.memory_space<hbm>>, %arg3: memref<10000x64xbf16, #tpu.memory_space<hbm>>, %arg4: memref<2560x128xi32, #tpu.memory_space<hbm>>, %arg5: memref<626x64xf32, #tpu.memory_space<hbm>>, %arg6: memref<2x10016x64xf32, #tpu.memory_space<hbm>>, %arg7: memref<80x128xi32, #tpu.memory_space<vmem>>, %arg8: memref<128xi32, #tpu.memory_space<vmem>>, %arg9: memref<128xi32, #tpu.memory_space<vmem>>, %arg10: memref<128xi32, #tpu.memory_space<vmem>>, %arg11: memref<128xi32, #tpu.memory_space<vmem>>, %arg12: memref<128xi32, #tpu.memory_space<vmem>>, %arg13: memref<128xi32, #tpu.memory_space<vmem>>, %arg14: memref<128xi32, #tpu.memory_space<vmem>>, %arg15: memref<128xi32, #tpu.memory_space<vmem>>, %arg16: memref<128xi32, #tpu.memory_space<vmem>>, %arg17: memref<128xi32, #tpu.memory_space<vmem>>, %arg18: memref<128x64xf32, #tpu.memory_space<vmem>>, %arg19: memref<128x64xbf16, #tpu.memory_space<vmem>>, %arg20: memref<128x64xf32, #tpu.memory_space<vmem>>, %arg21: memref<128x64xbf16, #tpu.memory_space<vmem>>, %arg22: memref<128x64xbf16, #tpu.memory_space<vmem>>, %arg23: memref<128x64xf32, #tpu.memory_space<vmem>>, %arg24: memref<128x64xf32, #tpu.memory_space<vmem>>, %arg25: memref<128x64xf32, #tpu.memory_space<vmem>>, %arg26: memref<10016x64xf32, #tpu.memory_space<vmem_shared>>, %arg27: memref<10000x64xbf16, #tpu.memory_space<vmem_shared>>, %arg28: memref<!tpu.dma_semaphore, #tpu.memory_space<semaphore_mem>>, %arg29: memref<!tpu.dma_semaphore, #tpu.memory_space<semaphore_mem>>, %arg30: memref<!tpu.dma_semaphore, #tpu.memory_space<semaphore_mem>>, %arg31: memref<!tpu.dma_semaphore, #tpu.memory_space<semaphore_mem>>, %arg32: memref<!tpu.dma_semaphore, #tpu.memory_space<semaphore_mem>>) attributes {dimension_semantics = [#tpu.dimension_semantics<core_parallel>, #tpu.dimension_semantics<subcore_parallel>], iteration_bounds = array<i64: 2, 16>, scalar_prefetch = 0 : i64, scratch_operands = 26 : i64, tpu.core_type = #tpu.core_type<sc_vector_subcore>, window_params = [{transform_indices = #map}, {transform_indices = #map}, {transform_indices = #map}, {transform_indices = #map}, {transform_indices = #map1}]} {
    %mul3A = arith.constant 16 : i32
    %mul3A_0 = arith.muli %arg0, %mul3A : i32
    %add3A = arith.addi %mul3A_0, %arg1 : i32
    %mul3A_1 = arith.constant 626 : i32
    %mul3A_2 = arith.muli %arg1, %mul3A_1 : i32
    "tpu.region"() ({
      %run_scoped3A = tpu.sem_alloc : memref<!tpu.dma_semaphore, #tpu.memory_space<semaphore_mem>>
      %dma_start3A_57 = arith.constant 0 : i32
      %dma_start3A_58 = tpu.memref_slice %arg26[%mul3A_2, %dma_start3A_57] : memref<10016x64xf32, #tpu.memory_space<vmem_shared>> -> memref<626x64xf32, #tpu.memory_space<vmem_shared>>
      tpu.enqueue_dma source(%arg5 : memref<626x64xf32, #tpu.memory_space<hbm>>) target(%dma_start3A_58 : memref<626x64xf32, #tpu.memory_space<vmem_shared>>) target_semaphore(%run_scoped3A : memref<!tpu.dma_semaphore, #tpu.memory_space<semaphore_mem>>)
      %dma_wait3A = arith.constant 0 : i32
      %dma_wait3A_59 = tpu.memref_slice %arg26[%mul3A_2, %dma_wait3A] : memref<10016x64xf32, #tpu.memory_space<vmem_shared>> -> memref<626x64xf32, #tpu.memory_space<vmem_shared>>
      tpu.wait_dma2 semaphore(%run_scoped3A : memref<!tpu.dma_semaphore, #tpu.memory_space<semaphore_mem>>) src(%arg5 : memref<626x64xf32, #tpu.memory_space<hbm>>) dst(%dma_wait3A_59 : memref<626x64xf32, #tpu.memory_space<vmem_shared>>)
      tpu.yield
    }) : () -> ()
    %mul3A_3 = arith.constant 625 : i32
    %mul3A_4 = arith.muli %arg1, %mul3A_3 : i32
    %mul3A_5 = arith.constant 625 : i32
    %mul3A_6 = arith.muli %arg1, %mul3A_5 : i32
    "tpu.region"() ({
      %run_scoped3A = tpu.sem_alloc : memref<!tpu.dma_semaphore, #tpu.memory_space<semaphore_mem>>
      %dma_start3A_57 = arith.constant 0 : i32
      %dma_start3A_58 = tpu.memref_slice %arg27[%mul3A_6, %dma_start3A_57] : memref<10000x64xbf16, #tpu.memory_space<vmem_shared>> -> memref<625x64xbf16, #tpu.memory_space<vmem_shared>>
      %dma_start3A_59 = arith.constant 0 : i32
      %dma_start3A_60 = tpu.memref_slice %arg3[%mul3A_4, %dma_start3A_59] : memref<10000x64xbf16, #tpu.memory_space<hbm>> -> memref<625x64xbf16, #tpu.memory_space<hbm>>
      tpu.enqueue_dma source(%dma_start3A_60 : memref<625x64xbf16, #tpu.memory_space<hbm>>) target(%dma_start3A_58 : memref<625x64xbf16, #tpu.memory_space<vmem_shared>>) target_semaphore(%run_scoped3A : memref<!tpu.dma_semaphore, #tpu.memory_space<semaphore_mem>>)
      %dma_wait3A = arith.constant 0 : i32
      %dma_wait3A_61 = tpu.memref_slice %arg27[%mul3A_6, %dma_wait3A] : memref<10000x64xbf16, #tpu.memory_space<vmem_shared>> -> memref<625x64xbf16, #tpu.memory_space<vmem_shared>>
      %dma_wait3A_62 = arith.constant 0 : i32
      %dma_wait3A_63 = tpu.memref_slice %arg3[%mul3A_4, %dma_wait3A_62] : memref<10000x64xbf16, #tpu.memory_space<hbm>> -> memref<625x64xbf16, #tpu.memory_space<hbm>>
      tpu.wait_dma2 semaphore(%run_scoped3A : memref<!tpu.dma_semaphore, #tpu.memory_space<semaphore_mem>>) src(%dma_wait3A_63 : memref<625x64xbf16, #tpu.memory_space<hbm>>) dst(%dma_wait3A_61 : memref<625x64xbf16, #tpu.memory_space<vmem_shared>>)
      tpu.yield
    }) : () -> ()
    %mul3A_7 = arith.constant 80 : i32
    %mul3A_8 = arith.muli %add3A, %mul3A_7 : i32
    "tpu.region"() ({
      %run_scoped3A = tpu.sem_alloc : memref<!tpu.dma_semaphore, #tpu.memory_space<semaphore_mem>>
      %dma_start3A_57 = arith.constant 0 : i32
      %dma_start3A_58 = tpu.memref_slice %arg4[%mul3A_8, %dma_start3A_57] : memref<2560x128xi32, #tpu.memory_space<hbm>> -> memref<80x128xi32, #tpu.memory_space<hbm>>
      %dma_start3A_59 = arith.constant 0 : i32
      %dma_start3A_60 = tpu.memref_slice %arg4[%mul3A_8, %dma_start3A_59] : memref<2560x128xi32, #tpu.memory_space<hbm>> -> memref<80x128xi32, #tpu.memory_space<hbm>>
      tpu.enqueue_dma source(%dma_start3A_60 : memref<80x128xi32, #tpu.memory_space<hbm>>) target(%arg7 : memref<80x128xi32, #tpu.memory_space<vmem>>) target_semaphore(%run_scoped3A : memref<!tpu.dma_semaphore, #tpu.memory_space<semaphore_mem>>)
      %dma_wait3A = arith.constant 0 : i32
      %dma_wait3A_61 = tpu.memref_slice %arg4[%mul3A_8, %dma_wait3A] : memref<2560x128xi32, #tpu.memory_space<hbm>> -> memref<80x128xi32, #tpu.memory_space<hbm>>
      %dma_wait3A_62 = arith.constant 0 : i32
      %dma_wait3A_63 = tpu.memref_slice %arg4[%mul3A_8, %dma_wait3A_62] : memref<2560x128xi32, #tpu.memory_space<hbm>> -> memref<80x128xi32, #tpu.memory_space<hbm>>
      tpu.wait_dma2 semaphore(%run_scoped3A : memref<!tpu.dma_semaphore, #tpu.memory_space<semaphore_mem>>) src(%dma_wait3A_63 : memref<80x128xi32, #tpu.memory_space<hbm>>) dst(%arg7 : memref<80x128xi32, #tpu.memory_space<vmem>>)
      tpu.yield
    }) : () -> ()
    %barrier3A = arith.constant 0 : index
    tpu.barrier barrier_id(%barrier3A)
    %scan3A = arith.constant 0 : i32
    %scan3A_9 = arith.constant 8 : i32
    %scan3A_10 = arith.addi %scan3A, %scan3A_9 : i32
    %scan3A_11 = arith.constant 1 : i32
    scf.for %scan3A_57 = %scan3A to %scan3A_10 step %scan3A_11  : i32 {
      %mul3A_58 = arith.constant 16 : i32
      %mul3A_59 = arith.muli %scan3A_57, %mul3A_58 : i32
      %add3A_60 = arith.constant 0 : i32
      %add3A_61 = arith.addi %add3A_60, %mul3A_59 : i32
      %get3A = arith.constant 0 : i32
      %get3A_62 = arith.index_cast %get3A : i32 to index
      %get3A_63 = arith.index_cast %add3A_61 : i32 to index
      %get3A_64 = tpu.vector_load %arg7[%get3A_62, %get3A_63] {strides = array<i32>} : memref<80x128xi32, #tpu.memory_space<vmem>>, vector<16xi32>,
      %and3A = arith.constant 65535 : i32
      %and3A_65 = vector.broadcast %and3A : i32 to vector<16xi32>
      %and3A_66 = arith.andi %get3A_64, %and3A_65 : vector<16xi32>
      %swap3A = arith.index_cast %add3A_61 : i32 to index
      %swap3A_67 = tpu.vector_load %arg8[%swap3A] {strides = array<i32>} : memref<128xi32, #tpu.memory_space<vmem>>, vector<16xi32>,
      tpu.vector_store %arg8[%swap3A], %and3A_66 {strides = array<i32>} : memref<128xi32, #tpu.memory_space<vmem>>, vector<16xi32>,
      %shift_right_logical3A = arith.constant 16 : i32
      %shift_right_logical3A_68 = vector.broadcast %shift_right_logical3A : i32 to vector<16xi32>
      %shift_right_logical3A_69 = arith.shrui %get3A_64, %shift_right_logical3A_68 : vector<16xi32>
      %swap3A_70 = arith.index_cast %add3A_61 : i32 to index
      %swap3A_71 = tpu.vector_load %arg13[%swap3A_70] {strides = array<i32>} : memref<128xi32, #tpu.memory_space<vmem>>, vector<16xi32>,
      tpu.vector_store %arg13[%swap3A_70], %shift_right_logical3A_69 {strides = array<i32>} : memref<128xi32, #tpu.memory_space<vmem>>, vector<16xi32>,
    }
    %scan3A_12 = arith.constant 8 : i32
    %dma_start3A = arith.constant 0 : i32
    %dma_start3A_13 = arith.constant 0 : i32
    %dma_start3A_14 = tpu.memref_slice %arg2[%dma_start3A, %dma_start3A_13] : memref<10000x64xf32, #tpu.memory_space<hbm>> -> memref<10000x64xf32, #tpu.memory_space<hbm>>
    tpu.enqueue_indirect_dma source(%dma_start3A_14 : memref<10000x64xf32, #tpu.memory_space<hbm>>) target(%arg18 : memref<128x64xf32, #tpu.memory_space<vmem>>) offsets(%arg8 : memref<128xi32, #tpu.memory_space<vmem>>) semaphore(%arg28 : memref<!tpu.dma_semaphore, #tpu.memory_space<semaphore_mem>>)
    %scan3A_15 = arith.constant 0 : i32
    %scan3A_16 = arith.constant 8 : i32
    %scan3A_17 = arith.addi %scan3A_15, %scan3A_16 : i32
    %scan3A_18 = arith.constant 1 : i32
    scf.for %scan3A_57 = %scan3A_15 to %scan3A_17 step %scan3A_18  : i32 {
      %mul3A_58 = arith.constant 16 : i32
      %mul3A_59 = arith.muli %scan3A_57, %mul3A_58 : i32
      %add3A_60 = arith.constant 0 : i32
      %add3A_61 = arith.addi %add3A_60, %mul3A_59 : i32
      %get3A = arith.constant 1 : i32
      %get3A_62 = arith.index_cast %get3A : i32 to index
      %get3A_63 = arith.index_cast %add3A_61 : i32 to index
      %get3A_64 = tpu.vector_load %arg7[%get3A_62, %get3A_63] {strides = array<i32>} : memref<80x128xi32, #tpu.memory_space<vmem>>, vector<16xi32>,
      %and3A = arith.constant 65535 : i32
      %and3A_65 = vector.broadcast %and3A : i32 to vector<16xi32>
      %and3A_66 = arith.andi %get3A_64, %and3A_65 : vector<16xi32>
      %swap3A = arith.index_cast %add3A_61 : i32 to index
      %swap3A_67 = tpu.vector_load %arg9[%swap3A] {strides = array<i32>} : memref<128xi32, #tpu.memory_space<vmem>>, vector<16xi32>,
      tpu.vector_store %arg9[%swap3A], %and3A_66 {strides = array<i32>} : memref<128xi32, #tpu.memory_space<vmem>>, vector<16xi32>,
      %shift_right_logical3A = arith.constant 16 : i32
      %shift_right_logical3A_68 = vector.broadcast %shift_right_logical3A : i32 to vector<16xi32>
      %shift_right_logical3A_69 = arith.shrui %get3A_64, %shift_right_logical3A_68 : vector<16xi32>
      %swap3A_70 = arith.index_cast %add3A_61 : i32 to index
      %swap3A_71 = tpu.vector_load %arg14[%swap3A_70] {strides = array<i32>} : memref<128xi32, #tpu.memory_space<vmem>>, vector<16xi32>,
      tpu.vector_store %arg14[%swap3A_70], %shift_right_logical3A_69 {strides = array<i32>} : memref<128xi32, #tpu.memory_space<vmem>>, vector<16xi32>,
    }
    %scan3A_19 = arith.constant 8 : i32
    %dma_start3A_20 = arith.constant 0 : i32
    %dma_start3A_21 = arith.constant 0 : i32
    %dma_start3A_22 = tpu.memref_slice %arg27[%dma_start3A_20, %dma_start3A_21] : memref<10000x64xbf16, #tpu.memory_space<vmem_shared>> -> memref<10000x64xbf16, #tpu.memory_space<vmem_shared>>
    tpu.enqueue_indirect_dma source(%dma_start3A_22 : memref<10000x64xbf16, #tpu.memory_space<vmem_shared>>) target(%arg19 : memref<128x64xbf16, #tpu.memory_space<vmem>>) offsets(%arg9 : memref<128xi32, #tpu.memory_space<vmem>>) semaphore(%arg29 : memref<!tpu.dma_semaphore, #tpu.memory_space<semaphore_mem>>)
    %scan3A_23 = arith.constant 0 : i32
    %scan3A_24 = arith.constant 8 : i32
    %scan3A_25 = arith.addi %scan3A_23, %scan3A_24 : i32
    %scan3A_26 = arith.constant 1 : i32
    scf.for %scan3A_57 = %scan3A_23 to %scan3A_25 step %scan3A_26  : i32 {
      %mul3A_58 = arith.constant 16 : i32
      %mul3A_59 = arith.muli %scan3A_57, %mul3A_58 : i32
      %add3A_60 = arith.constant 0 : i32
      %add3A_61 = arith.addi %add3A_60, %mul3A_59 : i32
      %get3A = arith.constant 2 : i32
      %get3A_62 = arith.index_cast %get3A : i32 to index
      %get3A_63 = arith.index_cast %add3A_61 : i32 to index
      %get3A_64 = tpu.vector_load %arg7[%get3A_62, %get3A_63] {strides = array<i32>} : memref<80x128xi32, #tpu.memory_space<vmem>>, vector<16xi32>,
      %and3A = arith.constant 65535 : i32
      %and3A_65 = vector.broadcast %and3A : i32 to vector<16xi32>
      %and3A_66 = arith.andi %get3A_64, %and3A_65 : vector<16xi32>
      %swap3A = arith.index_cast %add3A_61 : i32 to index
      %swap3A_67 = tpu.vector_load %arg10[%swap3A] {strides = array<i32>} : memref<128xi32, #tpu.memory_space<vmem>>, vector<16xi32>,
      tpu.vector_store %arg10[%swap3A], %and3A_66 {strides = array<i32>} : memref<128xi32, #tpu.memory_space<vmem>>, vector<16xi32>,
      %shift_right_logical3A = arith.constant 16 : i32
      %shift_right_logical3A_68 = vector.broadcast %shift_right_logical3A : i32 to vector<16xi32>
      %shift_right_logical3A_69 = arith.shrui %get3A_64, %shift_right_logical3A_68 : vector<16xi32>
      %swap3A_70 = arith.index_cast %add3A_61 : i32 to index
      %swap3A_71 = tpu.vector_load %arg15[%swap3A_70] {strides = array<i32>} : memref<128xi32, #tpu.memory_space<vmem>>, vector<16xi32>,
      tpu.vector_store %arg15[%swap3A_70], %shift_right_logical3A_69 {strides = array<i32>} : memref<128xi32, #tpu.memory_space<vmem>>, vector<16xi32>,
    }
    %scan3A_27 = arith.constant 8 : i32
    %dma_start3A_28 = arith.constant 0 : i32
    %dma_start3A_29 = arith.constant 0 : i32
    %dma_start3A_30 = tpu.memref_slice %arg2[%dma_start3A_28, %dma_start3A_29] : memref<10000x64xf32, #tpu.memory_space<hbm>> -> memref<10000x64xf32, #tpu.memory_space<hbm>>
    tpu.enqueue_indirect_dma source(%dma_start3A_30 : memref<10000x64xf32, #tpu.memory_space<hbm>>) target(%arg20 : memref<128x64xf32, #tpu.memory_space<vmem>>) offsets(%arg10 : memref<128xi32, #tpu.memory_space<vmem>>) semaphore(%arg30 : memref<!tpu.dma_semaphore, #tpu.memory_space<semaphore_mem>>)
    %scan3A_31 = arith.constant 0 : i32
    %scan3A_32 = arith.constant 8 : i32
    %scan3A_33 = arith.addi %scan3A_31, %scan3A_32 : i32
    %scan3A_34 = arith.constant 1 : i32
    scf.for %scan3A_57 = %scan3A_31 to %scan3A_33 step %scan3A_34  : i32 {
      %mul3A_58 = arith.constant 16 : i32
      %mul3A_59 = arith.muli %scan3A_57, %mul3A_58 : i32
      %add3A_60 = arith.constant 0 : i32
      %add3A_61 = arith.addi %add3A_60, %mul3A_59 : i32
      %get3A = arith.constant 3 : i32
      %get3A_62 = arith.index_cast %get3A : i32 to index
      %get3A_63 = arith.index_cast %add3A_61 : i32 to index
      %get3A_64 = tpu.vector_load %arg7[%get3A_62, %get3A_63] {strides = array<i32>} : memref<80x128xi32, #tpu.memory_space<vmem>>, vector<16xi32>,
      %and3A = arith.constant 65535 : i32
      %and3A_65 = vector.broadcast %and3A : i32 to vector<16xi32>
      %and3A_66 = arith.andi %get3A_64, %and3A_65 : vector<16xi32>
      %swap3A = arith.index_cast %add3A_61 : i32 to index
      %swap3A_67 = tpu.vector_load %arg11[%swap3A] {strides = array<i32>} : memref<128xi32, #tpu.memory_space<vmem>>, vector<16xi32>,
      tpu.vector_store %arg11[%swap3A], %and3A_66 {strides = array<i32>} : memref<128xi32, #tpu.memory_space<vmem>>, vector<16xi32>,
      %shift_right_logical3A = arith.constant 16 : i32
      %shift_right_logical3A_68 = vector.broadcast %shift_right_logical3A : i32 to vector<16xi32>
      %shift_right_logical3A_69 = arith.shrui %get3A_64, %shift_right_logical3A_68 : vector<16xi32>
      %swap3A_70 = arith.index_cast %add3A_61 : i32 to index
      %swap3A_71 = tpu.vector_load %arg16[%swap3A_70] {strides = array<i32>} : memref<128xi32, #tpu.memory_space<vmem>>, vector<16xi32>,
      tpu.vector_store %arg16[%swap3A_70], %shift_right_logical3A_69 {strides = array<i32>} : memref<128xi32, #tpu.memory_space<vmem>>, vector<16xi32>,
    }
    %scan3A_35 = arith.constant 8 : i32
    %dma_start3A_36 = arith.constant 0 : i32
    %dma_start3A_37 = arith.constant 0 : i32
    %dma_start3A_38 = tpu.memref_slice %arg27[%dma_start3A_36, %dma_start3A_37] : memref<10000x64xbf16, #tpu.memory_space<vmem_shared>> -> memref<10000x64xbf16, #tpu.memory_space<vmem_shared>>
    tpu.enqueue_indirect_dma source(%dma_start3A_38 : memref<10000x64xbf16, #tpu.memory_space<vmem_shared>>) target(%arg21 : memref<128x64xbf16, #tpu.memory_space<vmem>>) offsets(%arg11 : memref<128xi32, #tpu.memory_space<vmem>>) semaphore(%arg31 : memref<!tpu.dma_semaphore, #tpu.memory_space<semaphore_mem>>)
    %scan3A_39 = arith.constant 0 : i32
    %scan3A_40 = arith.constant 8 : i32
    %scan3A_41 = arith.addi %scan3A_39, %scan3A_40 : i32
    %scan3A_42 = arith.constant 1 : i32
    scf.for %scan3A_57 = %scan3A_39 to %scan3A_41 step %scan3A_42  : i32 {
      %mul3A_58 = arith.constant 16 : i32
      %mul3A_59 = arith.muli %scan3A_57, %mul3A_58 : i32
      %add3A_60 = arith.constant 0 : i32
      %add3A_61 = arith.addi %add3A_60, %mul3A_59 : i32
      %get3A = arith.constant 4 : i32
      %get3A_62 = arith.index_cast %get3A : i32 to index
      %get3A_63 = arith.index_cast %add3A_61 : i32 to index
      %get3A_64 = tpu.vector_load %arg7[%get3A_62, %get3A_63] {strides = array<i32>} : memref<80x128xi32, #tpu.memory_space<vmem>>, vector<16xi32>,
      %and3A = arith.constant 65535 : i32
      %and3A_65 = vector.broadcast %and3A : i32 to vector<16xi32>
      %and3A_66 = arith.andi %get3A_64, %and3A_65 : vector<16xi32>
      %swap3A = arith.index_cast %add3A_61 : i32 to index
      %swap3A_67 = tpu.vector_load %arg12[%swap3A] {strides = array<i32>} : memref<128xi32, #tpu.memory_space<vmem>>, vector<16xi32>,
      tpu.vector_store %arg12[%swap3A], %and3A_66 {strides = array<i32>} : memref<128xi32, #tpu.memory_space<vmem>>, vector<16xi32>,
      %shift_right_logical3A = arith.constant 16 : i32
      %shift_right_logical3A_68 = vector.broadcast %shift_right_logical3A : i32 to vector<16xi32>
      %shift_right_logical3A_69 = arith.shrui %get3A_64, %shift_right_logical3A_68 : vector<16xi32>
      %swap3A_70 = arith.index_cast %add3A_61 : i32 to index
      %swap3A_71 = tpu.vector_load %arg17[%swap3A_70] {strides = array<i32>} : memref<128xi32, #tpu.memory_space<vmem>>, vector<16xi32>,
      tpu.vector_store %arg17[%swap3A_70], %shift_right_logical3A_69 {strides = array<i32>} : memref<128xi32, #tpu.memory_space<vmem>>, vector<16xi32>,
    }
    %scan3A_43 = arith.constant 8 : i32
    %dma_start3A_44 = arith.constant 0 : i32
    %dma_start3A_45 = arith.constant 0 : i32
    %dma_start3A_46 = tpu.memref_slice %arg27[%dma_start3A_44, %dma_start3A_45] : memref<10000x64xbf16, #tpu.memory_space<vmem_shared>> -> memref<10000x64xbf16, #tpu.memory_space<vmem_shared>>
    tpu.enqueue_indirect_dma source(%dma_start3A_46 : memref<10000x64xbf16, #tpu.memory_space<vmem_shared>>) target(%arg22 : memref<128x64xbf16, #tpu.memory_space<vmem>>) offsets(%arg12 : memref<128xi32, #tpu.memory_space<vmem>>) semaphore(%arg32 : memref<!tpu.dma_semaphore, #tpu.memory_space<semaphore_mem>>)
    %scan3A_47 = arith.constant 0 : i32
    %scan3A_48 = arith.constant 16 : i32
    %scan3A_49 = arith.addi %scan3A_47, %scan3A_48 : i32
    %scan3A_50 = arith.constant 1 : i32
    scf.for %scan3A_57 = %scan3A_47 to %scan3A_49 step %scan3A_50  : i32 {
      %mul3A_58 = arith.constant 5 : i32
      %mul3A_59 = arith.muli %scan3A_57, %mul3A_58 : i32
      %add3A_60 = arith.constant 0 : i32
      %add3A_61 = arith.addi %add3A_60, %mul3A_59 : i32
      %add3A_62 = arith.constant 0 : i32
      %add3A_63 = arith.addi %add3A_61, %add3A_62 : i32
      %dma_wait3A = arith.constant 0 : i32
      %dma_wait3A_64 = arith.constant 0 : i32
      %dma_wait3A_65 = tpu.memref_slice %arg2[%dma_wait3A, %dma_wait3A_64] : memref<10000x64xf32, #tpu.memory_space<hbm>> -> memref<10000x64xf32, #tpu.memory_space<hbm>>
      tpu.wait_indirect_dma semaphore(%arg28 : memref<!tpu.dma_semaphore, #tpu.memory_space<semaphore_mem>>) src(%dma_wait3A_65 : memref<10000x64xf32, #tpu.memory_space<hbm>>) dst(%arg18 : memref<128x64xf32, #tpu.memory_space<vmem>>)
      "tpu.region"() ({
        %run_scoped3A = tpu.sem_alloc : memref<!tpu.dma_semaphore, #tpu.memory_space<semaphore_mem>>
        %dma_start3A_133 = arith.constant 0 : i32
        %dma_start3A_134 = arith.constant 0 : i32
        %dma_start3A_135 = tpu.memref_slice %arg26[%dma_start3A_133, %dma_start3A_134] : memref<10016x64xf32, #tpu.memory_space<vmem_shared>> -> memref<10016x64xf32, #tpu.memory_space<vmem_shared>>
        tpu.enqueue_indirect_dma source(%arg18 : memref<128x64xf32, #tpu.memory_space<vmem>>) target(%dma_start3A_135 : memref<10016x64xf32, #tpu.memory_space<vmem_shared>>) offsets(%arg13 : memref<128xi32, #tpu.memory_space<vmem>>) semaphore(%run_scoped3A : memref<!tpu.dma_semaphore, #tpu.memory_space<semaphore_mem>>) {add = true}
        %dma_wait3A_136 = arith.constant 0 : i32
        %dma_wait3A_137 = arith.constant 0 : i32
        %dma_wait3A_138 = tpu.memref_slice %arg26[%dma_wait3A_136, %dma_wait3A_137] : memref<10016x64xf32, #tpu.memory_space<vmem_shared>> -> memref<10016x64xf32, #tpu.memory_space<vmem_shared>>
        tpu.wait_indirect_dma semaphore(%run_scoped3A : memref<!tpu.dma_semaphore, #tpu.memory_space<semaphore_mem>>) src(%arg18 : memref<128x64xf32, #tpu.memory_space<vmem>>) dst(%dma_wait3A_138 : memref<10016x64xf32, #tpu.memory_space<vmem_shared>>)
        tpu.yield
      }) : () -> ()
      %add3A_66 = arith.constant 5 : i32
      %add3A_67 = arith.addi %add3A_63, %add3A_66 : i32
      %lt3A = arith.constant 80 : i32
      %lt3A_68 = arith.cmpi slt, %add3A_67, %lt3A : i32
      %convert_element_type3A = arith.extui %lt3A_68 : i1 to i32
      %cond3A = arith.constant 0 : i32
      %cond3A_69 = arith.cmpi ne, %convert_element_type3A, %cond3A : i32
      scf.if %cond3A_69 {
        %add3A_133 = arith.constant 5 : i32
        %add3A_134 = arith.addi %add3A_63, %add3A_133 : i32
        %scan3A_135 = arith.constant 0 : i32
        %scan3A_136 = arith.constant 8 : i32
        %scan3A_137 = arith.addi %scan3A_135, %scan3A_136 : i32
        %scan3A_138 = arith.constant 1 : i32
        scf.for %scan3A_143 = %scan3A_135 to %scan3A_137 step %scan3A_138  : i32 {
          %mul3A_144 = arith.constant 16 : i32
          %mul3A_145 = arith.muli %scan3A_143, %mul3A_144 : i32
          %add3A_146 = arith.constant 0 : i32
          %add3A_147 = arith.addi %add3A_146, %mul3A_145 : i32
          %get3A = arith.index_cast %add3A_134 : i32 to index
          %get3A_148 = arith.index_cast %add3A_147 : i32 to index
          %get3A_149 = tpu.vector_load %arg7[%get3A, %get3A_148] {strides = array<i32>} : memref<80x128xi32, #tpu.memory_space<vmem>>, vector<16xi32>,
          %and3A = arith.constant 65535 : i32
          %and3A_150 = vector.broadcast %and3A : i32 to vector<16xi32>
          %and3A_151 = arith.andi %get3A_149, %and3A_150 : vector<16xi32>
          %swap3A = arith.index_cast %add3A_147 : i32 to index
          %swap3A_152 = tpu.vector_load %arg8[%swap3A] {strides = array<i32>} : memref<128xi32, #tpu.memory_space<vmem>>, vector<16xi32>,
          tpu.vector_store %arg8[%swap3A], %and3A_151 {strides = array<i32>} : memref<128xi32, #tpu.memory_space<vmem>>, vector<16xi32>,
          %shift_right_logical3A = arith.constant 16 : i32
          %shift_right_logical3A_153 = vector.broadcast %shift_right_logical3A : i32 to vector<16xi32>
          %shift_right_logical3A_154 = arith.shrui %get3A_149, %shift_right_logical3A_153 : vector<16xi32>
          %swap3A_155 = arith.index_cast %add3A_147 : i32 to index
          %swap3A_156 = tpu.vector_load %arg13[%swap3A_155] {strides = array<i32>} : memref<128xi32, #tpu.memory_space<vmem>>, vector<16xi32>,
          tpu.vector_store %arg13[%swap3A_155], %shift_right_logical3A_154 {strides = array<i32>} : memref<128xi32, #tpu.memory_space<vmem>>, vector<16xi32>,
        }
        %scan3A_139 = arith.constant 8 : i32
        %dma_start3A_140 = arith.constant 0 : i32
        %dma_start3A_141 = arith.constant 0 : i32
        %dma_start3A_142 = tpu.memref_slice %arg2[%dma_start3A_140, %dma_start3A_141] : memref<10000x64xf32, #tpu.memory_space<hbm>> -> memref<10000x64xf32, #tpu.memory_space<hbm>>
        tpu.enqueue_indirect_dma source(%dma_start3A_142 : memref<10000x64xf32, #tpu.memory_space<hbm>>) target(%arg18 : memref<128x64xf32, #tpu.memory_space<vmem>>) offsets(%arg8 : memref<128xi32, #tpu.memory_space<vmem>>) semaphore(%arg28 : memref<!tpu.dma_semaphore, #tpu.memory_space<semaphore_mem>>)
      } else {
      }
      %add3A_70 = arith.constant 1 : i32
      %add3A_71 = arith.addi %add3A_61, %add3A_70 : i32
      %dma_wait3A_72 = arith.constant 0 : i32
      %dma_wait3A_73 = arith.constant 0 : i32
      %dma_wait3A_74 = tpu.memref_slice %arg27[%dma_wait3A_72, %dma_wait3A_73] : memref<10000x64xbf16, #tpu.memory_space<vmem_shared>> -> memref<10000x64xbf16, #tpu.memory_space<vmem_shared>>
      tpu.wait_indirect_dma semaphore(%arg29 : memref<!tpu.dma_semaphore, #tpu.memory_space<semaphore_mem>>) src(%dma_wait3A_74 : memref<10000x64xbf16, #tpu.memory_space<vmem_shared>>) dst(%arg19 : memref<128x64xbf16, #tpu.memory_space<vmem>>)
      %scan3A_75 = arith.constant 0 : i32
      %scan3A_76 = arith.constant 32 : i32
      %scan3A_77 = arith.addi %scan3A_75, %scan3A_76 : i32
      %scan3A_78 = arith.constant 1 : i32
      scf.for %scan3A_133 = %scan3A_75 to %scan3A_77 step %scan3A_78  : i32 {
        %mul3A_134 = arith.constant 4 : i32
        %mul3A_135 = arith.muli %scan3A_133, %mul3A_134 : i32
        %add3A_136 = arith.constant 0 : i32
        %add3A_137 = arith.addi %add3A_136, %mul3A_135 : i32
        %add3A_138 = arith.constant 0 : i32
        %add3A_139 = arith.addi %add3A_137, %add3A_138 : i32
        %get3A = arith.index_cast %add3A_139 : i32 to index
        %get3A_140 = arith.constant 0 : index
        %get3A_141 = tpu.vector_load %arg19[%get3A, %get3A_140] {strides = array<i32>} : memref<128x64xbf16, #tpu.memory_space<vmem>>, vector<32xbf16>,
        %bitcast3A = vector.bitcast %get3A_141 : vector<32xbf16> to vector<16xi32>
        %shift_left3A = arith.constant 16 : i32
        %shift_left3A_142 = vector.broadcast %shift_left3A : i32 to vector<16xi32>
        %shift_left3A_143 = arith.shli %bitcast3A, %shift_left3A_142 : vector<16xi32>
        %bitcast3A_144 = vector.bitcast %shift_left3A_143 : vector<16xi32> to vector<16xf32>
        %and3A = arith.constant -65536 : i32
        %and3A_145 = vector.broadcast %and3A : i32 to vector<16xi32>
        %and3A_146 = arith.andi %bitcast3A, %and3A_145 : vector<16xi32>
        %bitcast3A_147 = vector.bitcast %and3A_146 : vector<16xi32> to vector<16xf32>
        %swap3A = arith.index_cast %add3A_139 : i32 to index
        %swap3A_148 = arith.constant 0 : index
        %swap3A_149 = tpu.vector_load %arg23[%swap3A, %swap3A_148] {strides = array<i32>} : memref<128x64xf32, #tpu.memory_space<vmem>>, vector<16xf32>,
        tpu.vector_store %arg23[%swap3A, %swap3A_148], %bitcast3A_144 {strides = array<i32>} : memref<128x64xf32, #tpu.memory_space<vmem>>, vector<16xf32>,
        %swap3A_150 = arith.index_cast %add3A_139 : i32 to index
        %swap3A_151 = arith.constant 16 : index
        %swap3A_152 = tpu.vector_load %arg23[%swap3A_150, %swap3A_151] {strides = array<i32>} : memref<128x64xf32, #tpu.memory_space<vmem>>, vector<16xf32>,
        tpu.vector_store %arg23[%swap3A_150, %swap3A_151], %bitcast3A_147 {strides = array<i32>} : memref<128x64xf32, #tpu.memory_space<vmem>>, vector<16xf32>,
        %get3A_153 = arith.index_cast %add3A_139 : i32 to index
        %get3A_154 = arith.constant 32 : index
        %get3A_155 = tpu.vector_load %arg19[%get3A_153, %get3A_154] {strides = array<i32>} : memref<128x64xbf16, #tpu.memory_space<vmem>>, vector<32xbf16>,
        %bitcast3A_156 = vector.bitcast %get3A_155 : vector<32xbf16> to vector<16xi32>
        %shift_left3A_157 = arith.constant 16 : i32
        %shift_left3A_158 = vector.broadcast %shift_left3A_157 : i32 to vector<16xi32>
        %shift_left3A_159 = arith.shli %bitcast3A_156, %shift_left3A_158 : vector<16xi32>
        %bitcast3A_160 = vector.bitcast %shift_left3A_159 : vector<16xi32> to vector<16xf32>
        %and3A_161 = arith.constant -65536 : i32
        %and3A_162 = vector.broadcast %and3A_161 : i32 to vector<16xi32>
        %and3A_163 = arith.andi %bitcast3A_156, %and3A_162 : vector<16xi32>
        %bitcast3A_164 = vector.bitcast %and3A_163 : vector<16xi32> to vector<16xf32>
        %swap3A_165 = arith.index_cast %add3A_139 : i32 to index
        %swap3A_166 = arith.constant 32 : index
        %swap3A_167 = tpu.vector_load %arg23[%swap3A_165, %swap3A_166] {strides = array<i32>} : memref<128x64xf32, #tpu.memory_space<vmem>>, vector<16xf32>,
        tpu.vector_store %arg23[%swap3A_165, %swap3A_166], %bitcast3A_160 {strides = array<i32>} : memref<128x64xf32, #tpu.memory_space<vmem>>, vector<16xf32>,
        %swap3A_168 = arith.index_cast %add3A_139 : i32 to index
        %swap3A_169 = arith.constant 48 : index
        %swap3A_170 = tpu.vector_load %arg23[%swap3A_168, %swap3A_169] {strides = array<i32>} : memref<128x64xf32, #tpu.memory_space<vmem>>, vector<16xf32>,
        tpu.vector_store %arg23[%swap3A_168, %swap3A_169], %bitcast3A_164 {strides = array<i32>} : memref<128x64xf32, #tpu.memory_space<vmem>>, vector<16xf32>,
        %add3A_171 = arith.constant 1 : i32
        %add3A_172 = arith.addi %add3A_137, %add3A_171 : i32
        %get3A_173 = arith.index_cast %add3A_172 : i32 to index
        %get3A_174 = arith.constant 0 : index
        %get3A_175 = tpu.vector_load %arg19[%get3A_173, %get3A_174] {strides = array<i32>} : memref<128x64xbf16, #tpu.memory_space<vmem>>, vector<32xbf16>,
        %bitcast3A_176 = vector.bitcast %get3A_175 : vector<32xbf16> to vector<16xi32>
        %shift_left3A_177 = arith.constant 16 : i32
        %shift_left3A_178 = vector.broadcast %shift_left3A_177 : i32 to vector<16xi32>
        %shift_left3A_179 = arith.shli %bitcast3A_176, %shift_left3A_178 : vector<16xi32>
        %bitcast3A_180 = vector.bitcast %shift_left3A_179 : vector<16xi32> to vector<16xf32>
        %and3A_181 = arith.constant -65536 : i32
        %and3A_182 = vector.broadcast %and3A_181 : i32 to vector<16xi32>
        %and3A_183 = arith.andi %bitcast3A_176, %and3A_182 : vector<16xi32>
        %bitcast3A_184 = vector.bitcast %and3A_183 : vector<16xi32> to vector<16xf32>
        %swap3A_185 = arith.index_cast %add3A_172 : i32 to index
        %swap3A_186 = arith.constant 0 : index
        %swap3A_187 = tpu.vector_load %arg23[%swap3A_185, %swap3A_186] {strides = array<i32>} : memref<128x64xf32, #tpu.memory_space<vmem>>, vector<16xf32>,
        tpu.vector_store %arg23[%swap3A_185, %swap3A_186], %bitcast3A_180 {strides = array<i32>} : memref<128x64xf32, #tpu.memory_space<vmem>>, vector<16xf32>,
        %swap3A_188 = arith.index_cast %add3A_172 : i32 to index
        %swap3A_189 = arith.constant 16 : index
        %swap3A_190 = tpu.vector_load %arg23[%swap3A_188, %swap3A_189] {strides = array<i32>} : memref<128x64xf32, #tpu.memory_space<vmem>>, vector<16xf32>,
        tpu.vector_store %arg23[%swap3A_188, %swap3A_189], %bitcast3A_184 {strides = array<i32>} : memref<128x64xf32, #tpu.memory_space<vmem>>, vector<16xf32>,
        %get3A_191 = arith.index_cast %add3A_172 : i32 to index
        %get3A_192 = arith.constant 32 : index
        %get3A_193 = tpu.vector_load %arg19[%get3A_191, %get3A_192] {strides = array<i32>} : memref<128x64xbf16, #tpu.memory_space<vmem>>, vector<32xbf16>,
        %bitcast3A_194 = vector.bitcast %get3A_193 : vector<32xbf16> to vector<16xi32>
        %shift_left3A_195 = arith.constant 16 : i32
        %shift_left3A_196 = vector.broadcast %shift_left3A_195 : i32 to vector<16xi32>
        %shift_left3A_197 = arith.shli %bitcast3A_194, %shift_left3A_196 : vector<16xi32>
        %bitcast3A_198 = vector.bitcast %shift_left3A_197 : vector<16xi32> to vector<16xf32>
        %and3A_199 = arith.constant -65536 : i32
        %and3A_200 = vector.broadcast %and3A_199 : i32 to vector<16xi32>
        %and3A_201 = arith.andi %bitcast3A_194, %and3A_200 : vector<16xi32>
        %bitcast3A_202 = vector.bitcast %and3A_201 : vector<16xi32> to vector<16xf32>
        %swap3A_203 = arith.index_cast %add3A_172 : i32 to index
        %swap3A_204 = arith.constant 32 : index
        %swap3A_205 = tpu.vector_load %arg23[%swap3A_203, %swap3A_204] {strides = array<i32>} : memref<128x64xf32, #tpu.memory_space<vmem>>, vector<16xf32>,
        tpu.vector_store %arg23[%swap3A_203, %swap3A_204], %bitcast3A_198 {strides = array<i32>} : memref<128x64xf32, #tpu.memory_space<vmem>>, vector<16xf32>,
        %swap3A_206 = arith.index_cast %add3A_172 : i32 to index
        %swap3A_207 = arith.constant 48 : index
        %swap3A_208 = tpu.vector_load %arg23[%swap3A_206, %swap3A_207] {strides = array<i32>} : memref<128x64xf32, #tpu.memory_space<vmem>>, vector<16xf32>,
        tpu.vector_store %arg23[%swap3A_206, %swap3A_207], %bitcast3A_202 {strides = array<i32>} : memref<128x64xf32, #tpu.memory_space<vmem>>, vector<16xf32>,
        %add3A_209 = arith.constant 2 : i32
        %add3A_210 = arith.addi %add3A_137, %add3A_209 : i32
        %get3A_211 = arith.index_cast %add3A_210 : i32 to index
        %get3A_212 = arith.constant 0 : index
        %get3A_213 = tpu.vector_load %arg19[%get3A_211, %get3A_212] {strides = array<i32>} : memref<128x64xbf16, #tpu.memory_space<vmem>>, vector<32xbf16>,
        %bitcast3A_214 = vector.bitcast %get3A_213 : vector<32xbf16> to vector<16xi32>
        %shift_left3A_215 = arith.constant 16 : i32
        %shift_left3A_216 = vector.broadcast %shift_left3A_215 : i32 to vector<16xi32>
        %shift_left3A_217 = arith.shli %bitcast3A_214, %shift_left3A_216 : vector<16xi32>
        %bitcast3A_218 = vector.bitcast %shift_left3A_217 : vector<16xi32> to vector<16xf32>
        %and3A_219 = arith.constant -65536 : i32
        %and3A_220 = vector.broadcast %and3A_219 : i32 to vector<16xi32>
        %and3A_221 = arith.andi %bitcast3A_214, %and3A_220 : vector<16xi32>
        %bitcast3A_222 = vector.bitcast %and3A_221 : vector<16xi32> to vector<16xf32>
        %swap3A_223 = arith.index_cast %add3A_210 : i32 to index
        %swap3A_224 = arith.constant 0 : index
        %swap3A_225 = tpu.vector_load %arg23[%swap3A_223, %swap3A_224] {strides = array<i32>} : memref<128x64xf32, #tpu.memory_space<vmem>>, vector<16xf32>,
        tpu.vector_store %arg23[%swap3A_223, %swap3A_224], %bitcast3A_218 {strides = array<i32>} : memref<128x64xf32, #tpu.memory_space<vmem>>, vector<16xf32>,
        %swap3A_226 = arith.index_cast %add3A_210 : i32 to index
        %swap3A_227 = arith.constant 16 : index
        %swap3A_228 = tpu.vector_load %arg23[%swap3A_226, %swap3A_227] {strides = array<i32>} : memref<128x64xf32, #tpu.memory_space<vmem>>, vector<16xf32>,
        tpu.vector_store %arg23[%swap3A_226, %swap3A_227], %bitcast3A_222 {strides = array<i32>} : memref<128x64xf32, #tpu.memory_space<vmem>>, vector<16xf32>,
        %get3A_229 = arith.index_cast %add3A_210 : i32 to index
        %get3A_230 = arith.constant 32 : index
        %get3A_231 = tpu.vector_load %arg19[%get3A_229, %get3A_230] {strides = array<i32>} : memref<128x64xbf16, #tpu.memory_space<vmem>>, vector<32xbf16>,
        %bitcast3A_232 = vector.bitcast %get3A_231 : vector<32xbf16> to vector<16xi32>
        %shift_left3A_233 = arith.constant 16 : i32
        %shift_left3A_234 = vector.broadcast %shift_left3A_233 : i32 to vector<16xi32>
        %shift_left3A_235 = arith.shli %bitcast3A_232, %shift_left3A_234 : vector<16xi32>
        %bitcast3A_236 = vector.bitcast %shift_left3A_235 : vector<16xi32> to vector<16xf32>
        %and3A_237 = arith.constant -65536 : i32
        %and3A_238 = vector.broadcast %and3A_237 : i32 to vector<16xi32>
        %and3A_239 = arith.andi %bitcast3A_232, %and3A_238 : vector<16xi32>
        %bitcast3A_240 = vector.bitcast %and3A_239 : vector<16xi32> to vector<16xf32>
        %swap3A_241 = arith.index_cast %add3A_210 : i32 to index
        %swap3A_242 = arith.constant 32 : index
        %swap3A_243 = tpu.vector_load %arg23[%swap3A_241, %swap3A_242] {strides = array<i32>} : memref<128x64xf32, #tpu.memory_space<vmem>>, vector<16xf32>,
        tpu.vector_store %arg23[%swap3A_241, %swap3A_242], %bitcast3A_236 {strides = array<i32>} : memref<128x64xf32, #tpu.memory_space<vmem>>, vector<16xf32>,
        %swap3A_244 = arith.index_cast %add3A_210 : i32 to index
        %swap3A_245 = arith.constant 48 : index
        %swap3A_246 = tpu.vector_load %arg23[%swap3A_244, %swap3A_245] {strides = array<i32>} : memref<128x64xf32, #tpu.memory_space<vmem>>, vector<16xf32>,
        tpu.vector_store %arg23[%swap3A_244, %swap3A_245], %bitcast3A_240 {strides = array<i32>} : memref<128x64xf32, #tpu.memory_space<vmem>>, vector<16xf32>,
        %add3A_247 = arith.constant 3 : i32
        %add3A_248 = arith.addi %add3A_137, %add3A_247 : i32
        %get3A_249 = arith.index_cast %add3A_248 : i32 to index
        %get3A_250 = arith.constant 0 : index
        %get3A_251 = tpu.vector_load %arg19[%get3A_249, %get3A_250] {strides = array<i32>} : memref<128x64xbf16, #tpu.memory_space<vmem>>, vector<32xbf16>,
        %bitcast3A_252 = vector.bitcast %get3A_251 : vector<32xbf16> to vector<16xi32>
        %shift_left3A_253 = arith.constant 16 : i32
        %shift_left3A_254 = vector.broadcast %shift_left3A_253 : i32 to vector<16xi32>
        %shift_left3A_255 = arith.shli %bitcast3A_252, %shift_left3A_254 : vector<16xi32>
        %bitcast3A_256 = vector.bitcast %shift_left3A_255 : vector<16xi32> to vector<16xf32>
        %and3A_257 = arith.constant -65536 : i32
        %and3A_258 = vector.broadcast %and3A_257 : i32 to vector<16xi32>
        %and3A_259 = arith.andi %bitcast3A_252, %and3A_258 : vector<16xi32>
        %bitcast3A_260 = vector.bitcast %and3A_259 : vector<16xi32> to vector<16xf32>
        %swap3A_261 = arith.index_cast %add3A_248 : i32 to index
        %swap3A_262 = arith.constant 0 : index
        %swap3A_263 = tpu.vector_load %arg23[%swap3A_261, %swap3A_262] {strides = array<i32>} : memref<128x64xf32, #tpu.memory_space<vmem>>, vector<16xf32>,
        tpu.vector_store %arg23[%swap3A_261, %swap3A_262], %bitcast3A_256 {strides = array<i32>} : memref<128x64xf32, #tpu.memory_space<vmem>>, vector<16xf32>,
        %swap3A_264 = arith.index_cast %add3A_248 : i32 to index
        %swap3A_265 = arith.constant 16 : index
        %swap3A_266 = tpu.vector_load %arg23[%swap3A_264, %swap3A_265] {strides = array<i32>} : memref<128x64xf32, #tpu.memory_space<vmem>>, vector<16xf32>,
        tpu.vector_store %arg23[%swap3A_264, %swap3A_265], %bitcast3A_260 {strides = array<i32>} : memref<128x64xf32, #tpu.memory_space<vmem>>, vector<16xf32>,
        %get3A_267 = arith.index_cast %add3A_248 : i32 to index
        %get3A_268 = arith.constant 32 : index
        %get3A_269 = tpu.vector_load %arg19[%get3A_267, %get3A_268] {strides = array<i32>} : memref<128x64xbf16, #tpu.memory_space<vmem>>, vector<32xbf16>,
        %bitcast3A_270 = vector.bitcast %get3A_269 : vector<32xbf16> to vector<16xi32>
        %shift_left3A_271 = arith.constant 16 : i32
        %shift_left3A_272 = vector.broadcast %shift_left3A_271 : i32 to vector<16xi32>
        %shift_left3A_273 = arith.shli %bitcast3A_270, %shift_left3A_272 : vector<16xi32>
        %bitcast3A_274 = vector.bitcast %shift_left3A_273 : vector<16xi32> to vector<16xf32>
        %and3A_275 = arith.constant -65536 : i32
        %and3A_276 = vector.broadcast %and3A_275 : i32 to vector<16xi32>
        %and3A_277 = arith.andi %bitcast3A_270, %and3A_276 : vector<16xi32>
        %bitcast3A_278 = vector.bitcast %and3A_277 : vector<16xi32> to vector<16xf32>
        %swap3A_279 = arith.index_cast %add3A_248 : i32 to index
        %swap3A_280 = arith.constant 32 : index
        %swap3A_281 = tpu.vector_load %arg23[%swap3A_279, %swap3A_280] {strides = array<i32>} : memref<128x64xf32, #tpu.memory_space<vmem>>, vector<16xf32>,
        tpu.vector_store %arg23[%swap3A_279, %swap3A_280], %bitcast3A_274 {strides = array<i32>} : memref<128x64xf32, #tpu.memory_space<vmem>>, vector<16xf32>,
        %swap3A_282 = arith.index_cast %add3A_248 : i32 to index
        %swap3A_283 = arith.constant 48 : index
        %swap3A_284 = tpu.vector_load %arg23[%swap3A_282, %swap3A_283] {strides = array<i32>} : memref<128x64xf32, #tpu.memory_space<vmem>>, vector<16xf32>,
        tpu.vector_store %arg23[%swap3A_282, %swap3A_283], %bitcast3A_278 {strides = array<i32>} : memref<128x64xf32, #tpu.memory_space<vmem>>, vector<16xf32>,
      }
      %scan3A_79 = arith.constant 32 : i32
      "tpu.region"() ({
        %run_scoped3A = tpu.sem_alloc : memref<!tpu.dma_semaphore, #tpu.memory_space<semaphore_mem>>
        %dma_start3A_133 = arith.constant 0 : i32
        %dma_start3A_134 = arith.constant 0 : i32
        %dma_start3A_135 = tpu.memref_slice %arg26[%dma_start3A_133, %dma_start3A_134] : memref<10016x64xf32, #tpu.memory_space<vmem_shared>> -> memref<10016x64xf32, #tpu.memory_space<vmem_shared>>
        tpu.enqueue_indirect_dma source(%arg23 : memref<128x64xf32, #tpu.memory_space<vmem>>) target(%dma_start3A_135 : memref<10016x64xf32, #tpu.memory_space<vmem_shared>>) offsets(%arg14 : memref<128xi32, #tpu.memory_space<vmem>>) semaphore(%run_scoped3A : memref<!tpu.dma_semaphore, #tpu.memory_space<semaphore_mem>>) {add = true}
        %dma_wait3A_136 = arith.constant 0 : i32
        %dma_wait3A_137 = arith.constant 0 : i32
        %dma_wait3A_138 = tpu.memref_slice %arg26[%dma_wait3A_136, %dma_wait3A_137] : memref<10016x64xf32, #tpu.memory_space<vmem_shared>> -> memref<10016x64xf32, #tpu.memory_space<vmem_shared>>
        tpu.wait_indirect_dma semaphore(%run_scoped3A : memref<!tpu.dma_semaphore, #tpu.memory_space<semaphore_mem>>) src(%arg23 : memref<128x64xf32, #tpu.memory_space<vmem>>) dst(%dma_wait3A_138 : memref<10016x64xf32, #tpu.memory_space<vmem_shared>>)
        tpu.yield
      }) : () -> ()
      %add3A_80 = arith.constant 5 : i32
      %add3A_81 = arith.addi %add3A_71, %add3A_80 : i32
      %lt3A_82 = arith.constant 80 : i32
      %lt3A_83 = arith.cmpi slt, %add3A_81, %lt3A_82 : i32
      %convert_element_type3A_84 = arith.extui %lt3A_83 : i1 to i32
      %cond3A_85 = arith.constant 0 : i32
      %cond3A_86 = arith.cmpi ne, %convert_element_type3A_84, %cond3A_85 : i32
      scf.if %cond3A_86 {
        %add3A_133 = arith.constant 5 : i32
        %add3A_134 = arith.addi %add3A_71, %add3A_133 : i32
        %scan3A_135 = arith.constant 0 : i32
        %scan3A_136 = arith.constant 8 : i32
        %scan3A_137 = arith.addi %scan3A_135, %scan3A_136 : i32
        %scan3A_138 = arith.constant 1 : i32
        scf.for %scan3A_143 = %scan3A_135 to %scan3A_137 step %scan3A_138  : i32 {
          %mul3A_144 = arith.constant 16 : i32
          %mul3A_145 = arith.muli %scan3A_143, %mul3A_144 : i32
          %add3A_146 = arith.constant 0 : i32
          %add3A_147 = arith.addi %add3A_146, %mul3A_145 : i32
          %get3A = arith.index_cast %add3A_134 : i32 to index
          %get3A_148 = arith.index_cast %add3A_147 : i32 to index
          %get3A_149 = tpu.vector_load %arg7[%get3A, %get3A_148] {strides = array<i32>} : memref<80x128xi32, #tpu.memory_space<vmem>>, vector<16xi32>,
          %and3A = arith.constant 65535 : i32
          %and3A_150 = vector.broadcast %and3A : i32 to vector<16xi32>
          %and3A_151 = arith.andi %get3A_149, %and3A_150 : vector<16xi32>
          %swap3A = arith.index_cast %add3A_147 : i32 to index
          %swap3A_152 = tpu.vector_load %arg9[%swap3A] {strides = array<i32>} : memref<128xi32, #tpu.memory_space<vmem>>, vector<16xi32>,
          tpu.vector_store %arg9[%swap3A], %and3A_151 {strides = array<i32>} : memref<128xi32, #tpu.memory_space<vmem>>, vector<16xi32>,
          %shift_right_logical3A = arith.constant 16 : i32
          %shift_right_logical3A_153 = vector.broadcast %shift_right_logical3A : i32 to vector<16xi32>
          %shift_right_logical3A_154 = arith.shrui %get3A_149, %shift_right_logical3A_153 : vector<16xi32>
          %swap3A_155 = arith.index_cast %add3A_147 : i32 to index
          %swap3A_156 = tpu.vector_load %arg14[%swap3A_155] {strides = array<i32>} : memref<128xi32, #tpu.memory_space<vmem>>, vector<16xi32>,
          tpu.vector_store %arg14[%swap3A_155], %shift_right_logical3A_154 {strides = array<i32>} : memref<128xi32, #tpu.memory_space<vmem>>, vector<16xi32>,
        }
        %scan3A_139 = arith.constant 8 : i32
        %dma_start3A_140 = arith.constant 0 : i32
        %dma_start3A_141 = arith.constant 0 : i32
        %dma_start3A_142 = tpu.memref_slice %arg27[%dma_start3A_140, %dma_start3A_141] : memref<10000x64xbf16, #tpu.memory_space<vmem_shared>> -> memref<10000x64xbf16, #tpu.memory_space<vmem_shared>>
        tpu.enqueue_indirect_dma source(%dma_start3A_142 : memref<10000x64xbf16, #tpu.memory_space<vmem_shared>>) target(%arg19 : memref<128x64xbf16, #tpu.memory_space<vmem>>) offsets(%arg9 : memref<128xi32, #tpu.memory_space<vmem>>) semaphore(%arg29 : memref<!tpu.dma_semaphore, #tpu.memory_space<semaphore_mem>>)
      } else {
      }
      %add3A_87 = arith.constant 2 : i32
      %add3A_88 = arith.addi %add3A_61, %add3A_87 : i32
      %dma_wait3A_89 = arith.constant 0 : i32
      %dma_wait3A_90 = arith.constant 0 : i32
      %dma_wait3A_91 = tpu.memref_slice %arg2[%dma_wait3A_89, %dma_wait3A_90] : memref<10000x64xf32, #tpu.memory_space<hbm>> -> memref<10000x64xf32, #tpu.memory_space<hbm>>
      tpu.wait_indirect_dma semaphore(%arg30 : memref<!tpu.dma_semaphore, #tpu.memory_space<semaphore_mem>>) src(%dma_wait3A_91 : memref<10000x64xf32, #tpu.memory_space<hbm>>) dst(%arg20 : memref<128x64xf32, #tpu.memory_space<vmem>>)
      "tpu.region"() ({
        %run_scoped3A = tpu.sem_alloc : memref<!tpu.dma_semaphore, #tpu.memory_space<semaphore_mem>>
        %dma_start3A_133 = arith.constant 0 : i32
        %dma_start3A_134 = arith.constant 0 : i32
        %dma_start3A_135 = tpu.memref_slice %arg26[%dma_start3A_133, %dma_start3A_134] : memref<10016x64xf32, #tpu.memory_space<vmem_shared>> -> memref<10016x64xf32, #tpu.memory_space<vmem_shared>>
        tpu.enqueue_indirect_dma source(%arg20 : memref<128x64xf32, #tpu.memory_space<vmem>>) target(%dma_start3A_135 : memref<10016x64xf32, #tpu.memory_space<vmem_shared>>) offsets(%arg15 : memref<128xi32, #tpu.memory_space<vmem>>) semaphore(%run_scoped3A : memref<!tpu.dma_semaphore, #tpu.memory_space<semaphore_mem>>) {add = true}
        %dma_wait3A_136 = arith.constant 0 : i32
        %dma_wait3A_137 = arith.constant 0 : i32
        %dma_wait3A_138 = tpu.memref_slice %arg26[%dma_wait3A_136, %dma_wait3A_137] : memref<10016x64xf32, #tpu.memory_space<vmem_shared>> -> memref<10016x64xf32, #tpu.memory_space<vmem_shared>>
        tpu.wait_indirect_dma semaphore(%run_scoped3A : memref<!tpu.dma_semaphore, #tpu.memory_space<semaphore_mem>>) src(%arg20 : memref<128x64xf32, #tpu.memory_space<vmem>>) dst(%dma_wait3A_138 : memref<10016x64xf32, #tpu.memory_space<vmem_shared>>)
        tpu.yield
      }) : () -> ()
      %add3A_92 = arith.constant 5 : i32
      %add3A_93 = arith.addi %add3A_88, %add3A_92 : i32
      %lt3A_94 = arith.constant 80 : i32
      %lt3A_95 = arith.cmpi slt, %add3A_93, %lt3A_94 : i32
      %convert_element_type3A_96 = arith.extui %lt3A_95 : i1 to i32
      %cond3A_97 = arith.constant 0 : i32
      %cond3A_98 = arith.cmpi ne, %convert_element_type3A_96, %cond3A_97 : i32
      scf.if %cond3A_98 {
        %add3A_133 = arith.constant 5 : i32
        %add3A_134 = arith.addi %add3A_88, %add3A_133 : i32
        %scan3A_135 = arith.constant 0 : i32
        %scan3A_136 = arith.constant 8 : i32
        %scan3A_137 = arith.addi %scan3A_135, %scan3A_136 : i32
        %scan3A_138 = arith.constant 1 : i32
        scf.for %scan3A_143 = %scan3A_135 to %scan3A_137 step %scan3A_138  : i32 {
          %mul3A_144 = arith.constant 16 : i32
          %mul3A_145 = arith.muli %scan3A_143, %mul3A_144 : i32
          %add3A_146 = arith.constant 0 : i32
          %add3A_147 = arith.addi %add3A_146, %mul3A_145 : i32
          %get3A = arith.index_cast %add3A_134 : i32 to index
          %get3A_148 = arith.index_cast %add3A_147 : i32 to index
          %get3A_149 = tpu.vector_load %arg7[%get3A, %get3A_148] {strides = array<i32>} : memref<80x128xi32, #tpu.memory_space<vmem>>, vector<16xi32>,
          %and3A = arith.constant 65535 : i32
          %and3A_150 = vector.broadcast %and3A : i32 to vector<16xi32>
          %and3A_151 = arith.andi %get3A_149, %and3A_150 : vector<16xi32>
          %swap3A = arith.index_cast %add3A_147 : i32 to index
          %swap3A_152 = tpu.vector_load %arg10[%swap3A] {strides = array<i32>} : memref<128xi32, #tpu.memory_space<vmem>>, vector<16xi32>,
          tpu.vector_store %arg10[%swap3A], %and3A_151 {strides = array<i32>} : memref<128xi32, #tpu.memory_space<vmem>>, vector<16xi32>,
          %shift_right_logical3A = arith.constant 16 : i32
          %shift_right_logical3A_153 = vector.broadcast %shift_right_logical3A : i32 to vector<16xi32>
          %shift_right_logical3A_154 = arith.shrui %get3A_149, %shift_right_logical3A_153 : vector<16xi32>
          %swap3A_155 = arith.index_cast %add3A_147 : i32 to index
          %swap3A_156 = tpu.vector_load %arg15[%swap3A_155] {strides = array<i32>} : memref<128xi32, #tpu.memory_space<vmem>>, vector<16xi32>,
          tpu.vector_store %arg15[%swap3A_155], %shift_right_logical3A_154 {strides = array<i32>} : memref<128xi32, #tpu.memory_space<vmem>>, vector<16xi32>,
        }
        %scan3A_139 = arith.constant 8 : i32
        %dma_start3A_140 = arith.constant 0 : i32
        %dma_start3A_141 = arith.constant 0 : i32
        %dma_start3A_142 = tpu.memref_slice %arg2[%dma_start3A_140, %dma_start3A_141] : memref<10000x64xf32, #tpu.memory_space<hbm>> -> memref<10000x64xf32, #tpu.memory_space<hbm>>
        tpu.enqueue_indirect_dma source(%dma_start3A_142 : memref<10000x64xf32, #tpu.memory_space<hbm>>) target(%arg20 : memref<128x64xf32, #tpu.memory_space<vmem>>) offsets(%arg10 : memref<128xi32, #tpu.memory_space<vmem>>) semaphore(%arg30 : memref<!tpu.dma_semaphore, #tpu.memory_space<semaphore_mem>>)
      } else {
      }
      %add3A_99 = arith.constant 3 : i32
      %add3A_100 = arith.addi %add3A_61, %add3A_99 : i32
      %dma_wait3A_101 = arith.constant 0 : i32
      %dma_wait3A_102 = arith.constant 0 : i32
      %dma_wait3A_103 = tpu.memref_slice %arg27[%dma_wait3A_101, %dma_wait3A_102] : memref<10000x64xbf16, #tpu.memory_space<vmem_shared>> -> memref<10000x64xbf16, #tpu.memory_space<vmem_shared>>
      tpu.wait_indirect_dma semaphore(%arg31 : memref<!tpu.dma_semaphore, #tpu.memory_space<semaphore_mem>>) src(%dma_wait3A_103 : memref<10000x64xbf16, #tpu.memory_space<vmem_shared>>) dst(%arg21 : memref<128x64xbf16, #tpu.memory_space<vmem>>)
      %scan3A_104 = arith.constant 0 : i32
      %scan3A_105 = arith.constant 32 : i32
      %scan3A_106 = arith.addi %scan3A_104, %scan3A_105 : i32
      %scan3A_107 = arith.constant 1 : i32
      scf.for %scan3A_133 = %scan3A_104 to %scan3A_106 step %scan3A_107  : i32 {
        %mul3A_134 = arith.constant 4 : i32
        %mul3A_135 = arith.muli %scan3A_133, %mul3A_134 : i32
        %add3A_136 = arith.constant 0 : i32
        %add3A_137 = arith.addi %add3A_136, %mul3A_135 : i32
        %add3A_138 = arith.constant 0 : i32
        %add3A_139 = arith.addi %add3A_137, %add3A_138 : i32
        %get3A = arith.index_cast %add3A_139 : i32 to index
        %get3A_140 = arith.constant 0 : index
        %get3A_141 = tpu.vector_load %arg21[%get3A, %get3A_140] {strides = array<i32>} : memref<128x64xbf16, #tpu.memory_space<vmem>>, vector<32xbf16>,
        %bitcast3A = vector.bitcast %get3A_141 : vector<32xbf16> to vector<16xi32>
        %shift_left3A = arith.constant 16 : i32
        %shift_left3A_142 = vector.broadcast %shift_left3A : i32 to vector<16xi32>
        %shift_left3A_143 = arith.shli %bitcast3A, %shift_left3A_142 : vector<16xi32>
        %bitcast3A_144 = vector.bitcast %shift_left3A_143 : vector<16xi32> to vector<16xf32>
        %and3A = arith.constant -65536 : i32
        %and3A_145 = vector.broadcast %and3A : i32 to vector<16xi32>
        %and3A_146 = arith.andi %bitcast3A, %and3A_145 : vector<16xi32>
        %bitcast3A_147 = vector.bitcast %and3A_146 : vector<16xi32> to vector<16xf32>
        %swap3A = arith.index_cast %add3A_139 : i32 to index
        %swap3A_148 = arith.constant 0 : index
        %swap3A_149 = tpu.vector_load %arg24[%swap3A, %swap3A_148] {strides = array<i32>} : memref<128x64xf32, #tpu.memory_space<vmem>>, vector<16xf32>,
        tpu.vector_store %arg24[%swap3A, %swap3A_148], %bitcast3A_144 {strides = array<i32>} : memref<128x64xf32, #tpu.memory_space<vmem>>, vector<16xf32>,
        %swap3A_150 = arith.index_cast %add3A_139 : i32 to index
        %swap3A_151 = arith.constant 16 : index
        %swap3A_152 = tpu.vector_load %arg24[%swap3A_150, %swap3A_151] {strides = array<i32>} : memref<128x64xf32, #tpu.memory_space<vmem>>, vector<16xf32>,
        tpu.vector_store %arg24[%swap3A_150, %swap3A_151], %bitcast3A_147 {strides = array<i32>} : memref<128x64xf32, #tpu.memory_space<vmem>>, vector<16xf32>,
        %get3A_153 = arith.index_cast %add3A_139 : i32 to index
        %get3A_154 = arith.constant 32 : index
        %get3A_155 = tpu.vector_load %arg21[%get3A_153, %get3A_154] {strides = array<i32>} : memref<128x64xbf16, #tpu.memory_space<vmem>>, vector<32xbf16>,
        %bitcast3A_156 = vector.bitcast %get3A_155 : vector<32xbf16> to vector<16xi32>
        %shift_left3A_157 = arith.constant 16 : i32
        %shift_left3A_158 = vector.broadcast %shift_left3A_157 : i32 to vector<16xi32>
        %shift_left3A_159 = arith.shli %bitcast3A_156, %shift_left3A_158 : vector<16xi32>
        %bitcast3A_160 = vector.bitcast %shift_left3A_159 : vector<16xi32> to vector<16xf32>
        %and3A_161 = arith.constant -65536 : i32
        %and3A_162 = vector.broadcast %and3A_161 : i32 to vector<16xi32>
        %and3A_163 = arith.andi %bitcast3A_156, %and3A_162 : vector<16xi32>
        %bitcast3A_164 = vector.bitcast %and3A_163 : vector<16xi32> to vector<16xf32>
        %swap3A_165 = arith.index_cast %add3A_139 : i32 to index
        %swap3A_166 = arith.constant 32 : index
        %swap3A_167 = tpu.vector_load %arg24[%swap3A_165, %swap3A_166] {strides = array<i32>} : memref<128x64xf32, #tpu.memory_space<vmem>>, vector<16xf32>,
        tpu.vector_store %arg24[%swap3A_165, %swap3A_166], %bitcast3A_160 {strides = array<i32>} : memref<128x64xf32, #tpu.memory_space<vmem>>, vector<16xf32>,
        %swap3A_168 = arith.index_cast %add3A_139 : i32 to index
        %swap3A_169 = arith.constant 48 : index
        %swap3A_170 = tpu.vector_load %arg24[%swap3A_168, %swap3A_169] {strides = array<i32>} : memref<128x64xf32, #tpu.memory_space<vmem>>, vector<16xf32>,
        tpu.vector_store %arg24[%swap3A_168, %swap3A_169], %bitcast3A_164 {strides = array<i32>} : memref<128x64xf32, #tpu.memory_space<vmem>>, vector<16xf32>,
        %add3A_171 = arith.constant 1 : i32
        %add3A_172 = arith.addi %add3A_137, %add3A_171 : i32
        %get3A_173 = arith.index_cast %add3A_172 : i32 to index
        %get3A_174 = arith.constant 0 : index
        %get3A_175 = tpu.vector_load %arg21[%get3A_173, %get3A_174] {strides = array<i32>} : memref<128x64xbf16, #tpu.memory_space<vmem>>, vector<32xbf16>,
        %bitcast3A_176 = vector.bitcast %get3A_175 : vector<32xbf16> to vector<16xi32>
        %shift_left3A_177 = arith.constant 16 : i32
        %shift_left3A_178 = vector.broadcast %shift_left3A_177 : i32 to vector<16xi32>
        %shift_left3A_179 = arith.shli %bitcast3A_176, %shift_left3A_178 : vector<16xi32>
        %bitcast3A_180 = vector.bitcast %shift_left3A_179 : vector<16xi32> to vector<16xf32>
        %and3A_181 = arith.constant -65536 : i32
        %and3A_182 = vector.broadcast %and3A_181 : i32 to vector<16xi32>
        %and3A_183 = arith.andi %bitcast3A_176, %and3A_182 : vector<16xi32>
        %bitcast3A_184 = vector.bitcast %and3A_183 : vector<16xi32> to vector<16xf32>
        %swap3A_185 = arith.index_cast %add3A_172 : i32 to index
        %swap3A_186 = arith.constant 0 : index
        %swap3A_187 = tpu.vector_load %arg24[%swap3A_185, %swap3A_186] {strides = array<i32>} : memref<128x64xf32, #tpu.memory_space<vmem>>, vector<16xf32>,
        tpu.vector_store %arg24[%swap3A_185, %swap3A_186], %bitcast3A_180 {strides = array<i32>} : memref<128x64xf32, #tpu.memory_space<vmem>>, vector<16xf32>,
        %swap3A_188 = arith.index_cast %add3A_172 : i32 to index
        %swap3A_189 = arith.constant 16 : index
        %swap3A_190 = tpu.vector_load %arg24[%swap3A_188, %swap3A_189] {strides = array<i32>} : memref<128x64xf32, #tpu.memory_space<vmem>>, vector<16xf32>,
        tpu.vector_store %arg24[%swap3A_188, %swap3A_189], %bitcast3A_184 {strides = array<i32>} : memref<128x64xf32, #tpu.memory_space<vmem>>, vector<16xf32>,
        %get3A_191 = arith.index_cast %add3A_172 : i32 to index
        %get3A_192 = arith.constant 32 : index
        %get3A_193 = tpu.vector_load %arg21[%get3A_191, %get3A_192] {strides = array<i32>} : memref<128x64xbf16, #tpu.memory_space<vmem>>, vector<32xbf16>,
        %bitcast3A_194 = vector.bitcast %get3A_193 : vector<32xbf16> to vector<16xi32>
        %shift_left3A_195 = arith.constant 16 : i32
        %shift_left3A_196 = vector.broadcast %shift_left3A_195 : i32 to vector<16xi32>
        %shift_left3A_197 = arith.shli %bitcast3A_194, %shift_left3A_196 : vector<16xi32>
        %bitcast3A_198 = vector.bitcast %shift_left3A_197 : vector<16xi32> to vector<16xf32>
        %and3A_199 = arith.constant -65536 : i32
        %and3A_200 = vector.broadcast %and3A_199 : i32 to vector<16xi32>
        %and3A_201 = arith.andi %bitcast3A_194, %and3A_200 : vector<16xi32>
        %bitcast3A_202 = vector.bitcast %and3A_201 : vector<16xi32> to vector<16xf32>
        %swap3A_203 = arith.index_cast %add3A_172 : i32 to index
        %swap3A_204 = arith.constant 32 : index
        %swap3A_205 = tpu.vector_load %arg24[%swap3A_203, %swap3A_204] {strides = array<i32>} : memref<128x64xf32, #tpu.memory_space<vmem>>, vector<16xf32>,
        tpu.vector_store %arg24[%swap3A_203, %swap3A_204], %bitcast3A_198 {strides = array<i32>} : memref<128x64xf32, #tpu.memory_space<vmem>>, vector<16xf32>,
        %swap3A_206 = arith.index_cast %add3A_172 : i32 to index
        %swap3A_207 = arith.constant 48 : index
        %swap3A_208 = tpu.vector_load %arg24[%swap3A_206, %swap3A_207] {strides = array<i32>} : memref<128x64xf32, #tpu.memory_space<vmem>>, vector<16xf32>,
        tpu.vector_store %arg24[%swap3A_206, %swap3A_207], %bitcast3A_202 {strides = array<i32>} : memref<128x64xf32, #tpu.memory_space<vmem>>, vector<16xf32>,
        %add3A_209 = arith.constant 2 : i32
        %add3A_210 = arith.addi %add3A_137, %add3A_209 : i32
        %get3A_211 = arith.index_cast %add3A_210 : i32 to index
        %get3A_212 = arith.constant 0 : index
        %get3A_213 = tpu.vector_load %arg21[%get3A_211, %get3A_212] {strides = array<i32>} : memref<128x64xbf16, #tpu.memory_space<vmem>>, vector<32xbf16>,
        %bitcast3A_214 = vector.bitcast %get3A_213 : vector<32xbf16> to vector<16xi32>
        %shift_left3A_215 = arith.constant 16 : i32
        %shift_left3A_216 = vector.broadcast %shift_left3A_215 : i32 to vector<16xi32>
        %shift_left3A_217 = arith.shli %bitcast3A_214, %shift_left3A_216 : vector<16xi32>
        %bitcast3A_218 = vector.bitcast %shift_left3A_217 : vector<16xi32> to vector<16xf32>
        %and3A_219 = arith.constant -65536 : i32
        %and3A_220 = vector.broadcast %and3A_219 : i32 to vector<16xi32>
        %and3A_221 = arith.andi %bitcast3A_214, %and3A_220 : vector<16xi32>
        %bitcast3A_222 = vector.bitcast %and3A_221 : vector<16xi32> to vector<16xf32>
        %swap3A_223 = arith.index_cast %add3A_210 : i32 to index
        %swap3A_224 = arith.constant 0 : index
        %swap3A_225 = tpu.vector_load %arg24[%swap3A_223, %swap3A_224] {strides = array<i32>} : memref<128x64xf32, #tpu.memory_space<vmem>>, vector<16xf32>,
        tpu.vector_store %arg24[%swap3A_223, %swap3A_224], %bitcast3A_218 {strides = array<i32>} : memref<128x64xf32, #tpu.memory_space<vmem>>, vector<16xf32>,
        %swap3A_226 = arith.index_cast %add3A_210 : i32 to index
        %swap3A_227 = arith.constant 16 : index
        %swap3A_228 = tpu.vector_load %arg24[%swap3A_226, %swap3A_227] {strides = array<i32>} : memref<128x64xf32, #tpu.memory_space<vmem>>, vector<16xf32>,
        tpu.vector_store %arg24[%swap3A_226, %swap3A_227], %bitcast3A_222 {strides = array<i32>} : memref<128x64xf32, #tpu.memory_space<vmem>>, vector<16xf32>,
        %get3A_229 = arith.index_cast %add3A_210 : i32 to index
        %get3A_230 = arith.constant 32 : index
        %get3A_231 = tpu.vector_load %arg21[%get3A_229, %get3A_230] {strides = array<i32>} : memref<128x64xbf16, #tpu.memory_space<vmem>>, vector<32xbf16>,
        %bitcast3A_232 = vector.bitcast %get3A_231 : vector<32xbf16> to vector<16xi32>
        %shift_left3A_233 = arith.constant 16 : i32
        %shift_left3A_234 = vector.broadcast %shift_left3A_233 : i32 to vector<16xi32>
        %shift_left3A_235 = arith.shli %bitcast3A_232, %shift_left3A_234 : vector<16xi32>
        %bitcast3A_236 = vector.bitcast %shift_left3A_235 : vector<16xi32> to vector<16xf32>
        %and3A_237 = arith.constant -65536 : i32
        %and3A_238 = vector.broadcast %and3A_237 : i32 to vector<16xi32>
        %and3A_239 = arith.andi %bitcast3A_232, %and3A_238 : vector<16xi32>
        %bitcast3A_240 = vector.bitcast %and3A_239 : vector<16xi32> to vector<16xf32>
        %swap3A_241 = arith.index_cast %add3A_210 : i32 to index
        %swap3A_242 = arith.constant 32 : index
        %swap3A_243 = tpu.vector_load %arg24[%swap3A_241, %swap3A_242] {strides = array<i32>} : memref<128x64xf32, #tpu.memory_space<vmem>>, vector<16xf32>,
        tpu.vector_store %arg24[%swap3A_241, %swap3A_242], %bitcast3A_236 {strides = array<i32>} : memref<128x64xf32, #tpu.memory_space<vmem>>, vector<16xf32>,
        %swap3A_244 = arith.index_cast %add3A_210 : i32 to index
        %swap3A_245 = arith.constant 48 : index
        %swap3A_246 = tpu.vector_load %arg24[%swap3A_244, %swap3A_245] {strides = array<i32>} : memref<128x64xf32, #tpu.memory_space<vmem>>, vector<16xf32>,
        tpu.vector_store %arg24[%swap3A_244, %swap3A_245], %bitcast3A_240 {strides = array<i32>} : memref<128x64xf32, #tpu.memory_space<vmem>>, vector<16xf32>,
        %add3A_247 = arith.constant 3 : i32
        %add3A_248 = arith.addi %add3A_137, %add3A_247 : i32
        %get3A_249 = arith.index_cast %add3A_248 : i32 to index
        %get3A_250 = arith.constant 0 : index
        %get3A_251 = tpu.vector_load %arg21[%get3A_249, %get3A_250] {strides = array<i32>} : memref<128x64xbf16, #tpu.memory_space<vmem>>, vector<32xbf16>,
        %bitcast3A_252 = vector.bitcast %get3A_251 : vector<32xbf16> to vector<16xi32>
        %shift_left3A_253 = arith.constant 16 : i32
        %shift_left3A_254 = vector.broadcast %shift_left3A_253 : i32 to vector<16xi32>
        %shift_left3A_255 = arith.shli %bitcast3A_252, %shift_left3A_254 : vector<16xi32>
        %bitcast3A_256 = vector.bitcast %shift_left3A_255 : vector<16xi32> to vector<16xf32>
        %and3A_257 = arith.constant -65536 : i32
        %and3A_258 = vector.broadcast %and3A_257 : i32 to vector<16xi32>
        %and3A_259 = arith.andi %bitcast3A_252, %and3A_258 : vector<16xi32>
        %bitcast3A_260 = vector.bitcast %and3A_259 : vector<16xi32> to vector<16xf32>
        %swap3A_261 = arith.index_cast %add3A_248 : i32 to index
        %swap3A_262 = arith.constant 0 : index
        %swap3A_263 = tpu.vector_load %arg24[%swap3A_261, %swap3A_262] {strides = array<i32>} : memref<128x64xf32, #tpu.memory_space<vmem>>, vector<16xf32>,
        tpu.vector_store %arg24[%swap3A_261, %swap3A_262], %bitcast3A_256 {strides = array<i32>} : memref<128x64xf32, #tpu.memory_space<vmem>>, vector<16xf32>,
        %swap3A_264 = arith.index_cast %add3A_248 : i32 to index
        %swap3A_265 = arith.constant 16 : index
        %swap3A_266 = tpu.vector_load %arg24[%swap3A_264, %swap3A_265] {strides = array<i32>} : memref<128x64xf32, #tpu.memory_space<vmem>>, vector<16xf32>,
        tpu.vector_store %arg24[%swap3A_264, %swap3A_265], %bitcast3A_260 {strides = array<i32>} : memref<128x64xf32, #tpu.memory_space<vmem>>, vector<16xf32>,
        %get3A_267 = arith.index_cast %add3A_248 : i32 to index
        %get3A_268 = arith.constant 32 : index
        %get3A_269 = tpu.vector_load %arg21[%get3A_267, %get3A_268] {strides = array<i32>} : memref<128x64xbf16, #tpu.memory_space<vmem>>, vector<32xbf16>,
        %bitcast3A_270 = vector.bitcast %get3A_269 : vector<32xbf16> to vector<16xi32>
        %shift_left3A_271 = arith.constant 16 : i32
        %shift_left3A_272 = vector.broadcast %shift_left3A_271 : i32 to vector<16xi32>
        %shift_left3A_273 = arith.shli %bitcast3A_270, %shift_left3A_272 : vector<16xi32>
        %bitcast3A_274 = vector.bitcast %shift_left3A_273 : vector<16xi32> to vector<16xf32>
        %and3A_275 = arith.constant -65536 : i32
        %and3A_276 = vector.broadcast %and3A_275 : i32 to vector<16xi32>
        %and3A_277 = arith.andi %bitcast3A_270, %and3A_276 : vector<16xi32>
        %bitcast3A_278 = vector.bitcast %and3A_277 : vector<16xi32> to vector<16xf32>
        %swap3A_279 = arith.index_cast %add3A_248 : i32 to index
        %swap3A_280 = arith.constant 32 : index
        %swap3A_281 = tpu.vector_load %arg24[%swap3A_279, %swap3A_280] {strides = array<i32>} : memref<128x64xf32, #tpu.memory_space<vmem>>, vector<16xf32>,
        tpu.vector_store %arg24[%swap3A_279, %swap3A_280], %bitcast3A_274 {strides = array<i32>} : memref<128x64xf32, #tpu.memory_space<vmem>>, vector<16xf32>,
        %swap3A_282 = arith.index_cast %add3A_248 : i32 to index
        %swap3A_283 = arith.constant 48 : index
        %swap3A_284 = tpu.vector_load %arg24[%swap3A_282, %swap3A_283] {strides = array<i32>} : memref<128x64xf32, #tpu.memory_space<vmem>>, vector<16xf32>,
        tpu.vector_store %arg24[%swap3A_282, %swap3A_283], %bitcast3A_278 {strides = array<i32>} : memref<128x64xf32, #tpu.memory_space<vmem>>, vector<16xf32>,
      }
      %scan3A_108 = arith.constant 32 : i32
      "tpu.region"() ({
        %run_scoped3A = tpu.sem_alloc : memref<!tpu.dma_semaphore, #tpu.memory_space<semaphore_mem>>
        %dma_start3A_133 = arith.constant 0 : i32
        %dma_start3A_134 = arith.constant 0 : i32
        %dma_start3A_135 = tpu.memref_slice %arg26[%dma_start3A_133, %dma_start3A_134] : memref<10016x64xf32, #tpu.memory_space<vmem_shared>> -> memref<10016x64xf32, #tpu.memory_space<vmem_shared>>
        tpu.enqueue_indirect_dma source(%arg24 : memref<128x64xf32, #tpu.memory_space<vmem>>) target(%dma_start3A_135 : memref<10016x64xf32, #tpu.memory_space<vmem_shared>>) offsets(%arg16 : memref<128xi32, #tpu.memory_space<vmem>>) semaphore(%run_scoped3A : memref<!tpu.dma_semaphore, #tpu.memory_space<semaphore_mem>>) {add = true}
        %dma_wait3A_136 = arith.constant 0 : i32
        %dma_wait3A_137 = arith.constant 0 : i32
        %dma_wait3A_138 = tpu.memref_slice %arg26[%dma_wait3A_136, %dma_wait3A_137] : memref<10016x64xf32, #tpu.memory_space<vmem_shared>> -> memref<10016x64xf32, #tpu.memory_space<vmem_shared>>
        tpu.wait_indirect_dma semaphore(%run_scoped3A : memref<!tpu.dma_semaphore, #tpu.memory_space<semaphore_mem>>) src(%arg24 : memref<128x64xf32, #tpu.memory_space<vmem>>) dst(%dma_wait3A_138 : memref<10016x64xf32, #tpu.memory_space<vmem_shared>>)
        tpu.yield
      }) : () -> ()
      %add3A_109 = arith.constant 5 : i32
      %add3A_110 = arith.addi %add3A_100, %add3A_109 : i32
      %lt3A_111 = arith.constant 80 : i32
      %lt3A_112 = arith.cmpi slt, %add3A_110, %lt3A_111 : i32
      %convert_element_type3A_113 = arith.extui %lt3A_112 : i1 to i32
      %cond3A_114 = arith.constant 0 : i32
      %cond3A_115 = arith.cmpi ne, %convert_element_type3A_113, %cond3A_114 : i32
      scf.if %cond3A_115 {
        %add3A_133 = arith.constant 5 : i32
        %add3A_134 = arith.addi %add3A_100, %add3A_133 : i32
        %scan3A_135 = arith.constant 0 : i32
        %scan3A_136 = arith.constant 8 : i32
        %scan3A_137 = arith.addi %scan3A_135, %scan3A_136 : i32
        %scan3A_138 = arith.constant 1 : i32
        scf.for %scan3A_143 = %scan3A_135 to %scan3A_137 step %scan3A_138  : i32 {
          %mul3A_144 = arith.constant 16 : i32
          %mul3A_145 = arith.muli %scan3A_143, %mul3A_144 : i32
          %add3A_146 = arith.constant 0 : i32
          %add3A_147 = arith.addi %add3A_146, %mul3A_145 : i32
          %get3A = arith.index_cast %add3A_134 : i32 to index
          %get3A_148 = arith.index_cast %add3A_147 : i32 to index
          %get3A_149 = tpu.vector_load %arg7[%get3A, %get3A_148] {strides = array<i32>} : memref<80x128xi32, #tpu.memory_space<vmem>>, vector<16xi32>,
          %and3A = arith.constant 65535 : i32
          %and3A_150 = vector.broadcast %and3A : i32 to vector<16xi32>
          %and3A_151 = arith.andi %get3A_149, %and3A_150 : vector<16xi32>
          %swap3A = arith.index_cast %add3A_147 : i32 to index
          %swap3A_152 = tpu.vector_load %arg11[%swap3A] {strides = array<i32>} : memref<128xi32, #tpu.memory_space<vmem>>, vector<16xi32>,
          tpu.vector_store %arg11[%swap3A], %and3A_151 {strides = array<i32>} : memref<128xi32, #tpu.memory_space<vmem>>, vector<16xi32>,
          %shift_right_logical3A = arith.constant 16 : i32
          %shift_right_logical3A_153 = vector.broadcast %shift_right_logical3A : i32 to vector<16xi32>
          %shift_right_logical3A_154 = arith.shrui %get3A_149, %shift_right_logical3A_153 : vector<16xi32>
          %swap3A_155 = arith.index_cast %add3A_147 : i32 to index
          %swap3A_156 = tpu.vector_load %arg16[%swap3A_155] {strides = array<i32>} : memref<128xi32, #tpu.memory_space<vmem>>, vector<16xi32>,
          tpu.vector_store %arg16[%swap3A_155], %shift_right_logical3A_154 {strides = array<i32>} : memref<128xi32, #tpu.memory_space<vmem>>, vector<16xi32>,
        }
        %scan3A_139 = arith.constant 8 : i32
        %dma_start3A_140 = arith.constant 0 : i32
        %dma_start3A_141 = arith.constant 0 : i32
        %dma_start3A_142 = tpu.memref_slice %arg27[%dma_start3A_140, %dma_start3A_141] : memref<10000x64xbf16, #tpu.memory_space<vmem_shared>> -> memref<10000x64xbf16, #tpu.memory_space<vmem_shared>>
        tpu.enqueue_indirect_dma source(%dma_start3A_142 : memref<10000x64xbf16, #tpu.memory_space<vmem_shared>>) target(%arg21 : memref<128x64xbf16, #tpu.memory_space<vmem>>) offsets(%arg11 : memref<128xi32, #tpu.memory_space<vmem>>) semaphore(%arg31 : memref<!tpu.dma_semaphore, #tpu.memory_space<semaphore_mem>>)
      } else {
      }
      %add3A_116 = arith.constant 4 : i32
      %add3A_117 = arith.addi %add3A_61, %add3A_116 : i32
      %dma_wait3A_118 = arith.constant 0 : i32
      %dma_wait3A_119 = arith.constant 0 : i32
      %dma_wait3A_120 = tpu.memref_slice %arg27[%dma_wait3A_118, %dma_wait3A_119] : memref<10000x64xbf16, #tpu.memory_space<vmem_shared>> -> memref<10000x64xbf16, #tpu.memory_space<vmem_shared>>
      tpu.wait_indirect_dma semaphore(%arg32 : memref<!tpu.dma_semaphore, #tpu.memory_space<semaphore_mem>>) src(%dma_wait3A_120 : memref<10000x64xbf16, #tpu.memory_space<vmem_shared>>) dst(%arg22 : memref<128x64xbf16, #tpu.memory_space<vmem>>)
      %scan3A_121 = arith.constant 0 : i32
      %scan3A_122 = arith.constant 32 : i32
      %scan3A_123 = arith.addi %scan3A_121, %scan3A_122 : i32
      %scan3A_124 = arith.constant 1 : i32
      scf.for %scan3A_133 = %scan3A_121 to %scan3A_123 step %scan3A_124  : i32 {
        %mul3A_134 = arith.constant 4 : i32
        %mul3A_135 = arith.muli %scan3A_133, %mul3A_134 : i32
        %add3A_136 = arith.constant 0 : i32
        %add3A_137 = arith.addi %add3A_136, %mul3A_135 : i32
        %add3A_138 = arith.constant 0 : i32
        %add3A_139 = arith.addi %add3A_137, %add3A_138 : i32
        %get3A = arith.index_cast %add3A_139 : i32 to index
        %get3A_140 = arith.constant 0 : index
        %get3A_141 = tpu.vector_load %arg22[%get3A, %get3A_140] {strides = array<i32>} : memref<128x64xbf16, #tpu.memory_space<vmem>>, vector<32xbf16>,
        %bitcast3A = vector.bitcast %get3A_141 : vector<32xbf16> to vector<16xi32>
        %shift_left3A = arith.constant 16 : i32
        %shift_left3A_142 = vector.broadcast %shift_left3A : i32 to vector<16xi32>
        %shift_left3A_143 = arith.shli %bitcast3A, %shift_left3A_142 : vector<16xi32>
        %bitcast3A_144 = vector.bitcast %shift_left3A_143 : vector<16xi32> to vector<16xf32>
        %and3A = arith.constant -65536 : i32
        %and3A_145 = vector.broadcast %and3A : i32 to vector<16xi32>
        %and3A_146 = arith.andi %bitcast3A, %and3A_145 : vector<16xi32>
        %bitcast3A_147 = vector.bitcast %and3A_146 : vector<16xi32> to vector<16xf32>
        %swap3A = arith.index_cast %add3A_139 : i32 to index
        %swap3A_148 = arith.constant 0 : index
        %swap3A_149 = tpu.vector_load %arg25[%swap3A, %swap3A_148] {strides = array<i32>} : memref<128x64xf32, #tpu.memory_space<vmem>>, vector<16xf32>,
        tpu.vector_store %arg25[%swap3A, %swap3A_148], %bitcast3A_144 {strides = array<i32>} : memref<128x64xf32, #tpu.memory_space<vmem>>, vector<16xf32>,
        %swap3A_150 = arith.index_cast %add3A_139 : i32 to index
        %swap3A_151 = arith.constant 16 : index
        %swap3A_152 = tpu.vector_load %arg25[%swap3A_150, %swap3A_151] {strides = array<i32>} : memref<128x64xf32, #tpu.memory_space<vmem>>, vector<16xf32>,
        tpu.vector_store %arg25[%swap3A_150, %swap3A_151], %bitcast3A_147 {strides = array<i32>} : memref<128x64xf32, #tpu.memory_space<vmem>>, vector<16xf32>,
        %get3A_153 = arith.index_cast %add3A_139 : i32 to index
        %get3A_154 = arith.constant 32 : index
        %get3A_155 = tpu.vector_load %arg22[%get3A_153, %get3A_154] {strides = array<i32>} : memref<128x64xbf16, #tpu.memory_space<vmem>>, vector<32xbf16>,
        %bitcast3A_156 = vector.bitcast %get3A_155 : vector<32xbf16> to vector<16xi32>
        %shift_left3A_157 = arith.constant 16 : i32
        %shift_left3A_158 = vector.broadcast %shift_left3A_157 : i32 to vector<16xi32>
        %shift_left3A_159 = arith.shli %bitcast3A_156, %shift_left3A_158 : vector<16xi32>
        %bitcast3A_160 = vector.bitcast %shift_left3A_159 : vector<16xi32> to vector<16xf32>
        %and3A_161 = arith.constant -65536 : i32
        %and3A_162 = vector.broadcast %and3A_161 : i32 to vector<16xi32>
        %and3A_163 = arith.andi %bitcast3A_156, %and3A_162 : vector<16xi32>
        %bitcast3A_164 = vector.bitcast %and3A_163 : vector<16xi32> to vector<16xf32>
        %swap3A_165 = arith.index_cast %add3A_139 : i32 to index
        %swap3A_166 = arith.constant 32 : index
        %swap3A_167 = tpu.vector_load %arg25[%swap3A_165, %swap3A_166] {strides = array<i32>} : memref<128x64xf32, #tpu.memory_space<vmem>>, vector<16xf32>,
        tpu.vector_store %arg25[%swap3A_165, %swap3A_166], %bitcast3A_160 {strides = array<i32>} : memref<128x64xf32, #tpu.memory_space<vmem>>, vector<16xf32>,
        %swap3A_168 = arith.index_cast %add3A_139 : i32 to index
        %swap3A_169 = arith.constant 48 : index
        %swap3A_170 = tpu.vector_load %arg25[%swap3A_168, %swap3A_169] {strides = array<i32>} : memref<128x64xf32, #tpu.memory_space<vmem>>, vector<16xf32>,
        tpu.vector_store %arg25[%swap3A_168, %swap3A_169], %bitcast3A_164 {strides = array<i32>} : memref<128x64xf32, #tpu.memory_space<vmem>>, vector<16xf32>,
        %add3A_171 = arith.constant 1 : i32
        %add3A_172 = arith.addi %add3A_137, %add3A_171 : i32
        %get3A_173 = arith.index_cast %add3A_172 : i32 to index
        %get3A_174 = arith.constant 0 : index
        %get3A_175 = tpu.vector_load %arg22[%get3A_173, %get3A_174] {strides = array<i32>} : memref<128x64xbf16, #tpu.memory_space<vmem>>, vector<32xbf16>,
        %bitcast3A_176 = vector.bitcast %get3A_175 : vector<32xbf16> to vector<16xi32>
        %shift_left3A_177 = arith.constant 16 : i32
        %shift_left3A_178 = vector.broadcast %shift_left3A_177 : i32 to vector<16xi32>
        %shift_left3A_179 = arith.shli %bitcast3A_176, %shift_left3A_178 : vector<16xi32>
        %bitcast3A_180 = vector.bitcast %shift_left3A_179 : vector<16xi32> to vector<16xf32>
        %and3A_181 = arith.constant -65536 : i32
        %and3A_182 = vector.broadcast %and3A_181 : i32 to vector<16xi32>
        %and3A_183 = arith.andi %bitcast3A_176, %and3A_182 : vector<16xi32>
        %bitcast3A_184 = vector.bitcast %and3A_183 : vector<16xi32> to vector<16xf32>
        %swap3A_185 = arith.index_cast %add3A_172 : i32 to index
        %swap3A_186 = arith.constant 0 : index
        %swap3A_187 = tpu.vector_load %arg25[%swap3A_185, %swap3A_186] {strides = array<i32>} : memref<128x64xf32, #tpu.memory_space<vmem>>, vector<16xf32>,
        tpu.vector_store %arg25[%swap3A_185, %swap3A_186], %bitcast3A_180 {strides = array<i32>} : memref<128x64xf32, #tpu.memory_space<vmem>>, vector<16xf32>,
        %swap3A_188 = arith.index_cast %add3A_172 : i32 to index
        %swap3A_189 = arith.constant 16 : index
        %swap3A_190 = tpu.vector_load %arg25[%swap3A_188, %swap3A_189] {strides = array<i32>} : memref<128x64xf32, #tpu.memory_space<vmem>>, vector<16xf32>,
        tpu.vector_store %arg25[%swap3A_188, %swap3A_189], %bitcast3A_184 {strides = array<i32>} : memref<128x64xf32, #tpu.memory_space<vmem>>, vector<16xf32>,
        %get3A_191 = arith.index_cast %add3A_172 : i32 to index
        %get3A_192 = arith.constant 32 : index
        %get3A_193 = tpu.vector_load %arg22[%get3A_191, %get3A_192] {strides = array<i32>} : memref<128x64xbf16, #tpu.memory_space<vmem>>, vector<32xbf16>,
        %bitcast3A_194 = vector.bitcast %get3A_193 : vector<32xbf16> to vector<16xi32>
        %shift_left3A_195 = arith.constant 16 : i32
        %shift_left3A_196 = vector.broadcast %shift_left3A_195 : i32 to vector<16xi32>
        %shift_left3A_197 = arith.shli %bitcast3A_194, %shift_left3A_196 : vector<16xi32>
        %bitcast3A_198 = vector.bitcast %shift_left3A_197 : vector<16xi32> to vector<16xf32>
        %and3A_199 = arith.constant -65536 : i32
        %and3A_200 = vector.broadcast %and3A_199 : i32 to vector<16xi32>
        %and3A_201 = arith.andi %bitcast3A_194, %and3A_200 : vector<16xi32>
        %bitcast3A_202 = vector.bitcast %and3A_201 : vector<16xi32> to vector<16xf32>
        %swap3A_203 = arith.index_cast %add3A_172 : i32 to index
        %swap3A_204 = arith.constant 32 : index
        %swap3A_205 = tpu.vector_load %arg25[%swap3A_203, %swap3A_204] {strides = array<i32>} : memref<128x64xf32, #tpu.memory_space<vmem>>, vector<16xf32>,
        tpu.vector_store %arg25[%swap3A_203, %swap3A_204], %bitcast3A_198 {strides = array<i32>} : memref<128x64xf32, #tpu.memory_space<vmem>>, vector<16xf32>,
        %swap3A_206 = arith.index_cast %add3A_172 : i32 to index
        %swap3A_207 = arith.constant 48 : index
        %swap3A_208 = tpu.vector_load %arg25[%swap3A_206, %swap3A_207] {strides = array<i32>} : memref<128x64xf32, #tpu.memory_space<vmem>>, vector<16xf32>,
        tpu.vector_store %arg25[%swap3A_206, %swap3A_207], %bitcast3A_202 {strides = array<i32>} : memref<128x64xf32, #tpu.memory_space<vmem>>, vector<16xf32>,
        %add3A_209 = arith.constant 2 : i32
        %add3A_210 = arith.addi %add3A_137, %add3A_209 : i32
        %get3A_211 = arith.index_cast %add3A_210 : i32 to index
        %get3A_212 = arith.constant 0 : index
        %get3A_213 = tpu.vector_load %arg22[%get3A_211, %get3A_212] {strides = array<i32>} : memref<128x64xbf16, #tpu.memory_space<vmem>>, vector<32xbf16>,
        %bitcast3A_214 = vector.bitcast %get3A_213 : vector<32xbf16> to vector<16xi32>
        %shift_left3A_215 = arith.constant 16 : i32
        %shift_left3A_216 = vector.broadcast %shift_left3A_215 : i32 to vector<16xi32>
        %shift_left3A_217 = arith.shli %bitcast3A_214, %shift_left3A_216 : vector<16xi32>
        %bitcast3A_218 = vector.bitcast %shift_left3A_217 : vector<16xi32> to vector<16xf32>
        %and3A_219 = arith.constant -65536 : i32
        %and3A_220 = vector.broadcast %and3A_219 : i32 to vector<16xi32>
        %and3A_221 = arith.andi %bitcast3A_214, %and3A_220 : vector<16xi32>
        %bitcast3A_222 = vector.bitcast %and3A_221 : vector<16xi32> to vector<16xf32>
        %swap3A_223 = arith.index_cast %add3A_210 : i32 to index
        %swap3A_224 = arith.constant 0 : index
        %swap3A_225 = tpu.vector_load %arg25[%swap3A_223, %swap3A_224] {strides = array<i32>} : memref<128x64xf32, #tpu.memory_space<vmem>>, vector<16xf32>,
        tpu.vector_store %arg25[%swap3A_223, %swap3A_224], %bitcast3A_218 {strides = array<i32>} : memref<128x64xf32, #tpu.memory_space<vmem>>, vector<16xf32>,
        %swap3A_226 = arith.index_cast %add3A_210 : i32 to index
        %swap3A_227 = arith.constant 16 : index
        %swap3A_228 = tpu.vector_load %arg25[%swap3A_226, %swap3A_227] {strides = array<i32>} : memref<128x64xf32, #tpu.memory_space<vmem>>, vector<16xf32>,
        tpu.vector_store %arg25[%swap3A_226, %swap3A_227], %bitcast3A_222 {strides = array<i32>} : memref<128x64xf32, #tpu.memory_space<vmem>>, vector<16xf32>,
        %get3A_229 = arith.index_cast %add3A_210 : i32 to index
        %get3A_230 = arith.constant 32 : index
        %get3A_231 = tpu.vector_load %arg22[%get3A_229, %get3A_230] {strides = array<i32>} : memref<128x64xbf16, #tpu.memory_space<vmem>>, vector<32xbf16>,
        %bitcast3A_232 = vector.bitcast %get3A_231 : vector<32xbf16> to vector<16xi32>
        %shift_left3A_233 = arith.constant 16 : i32
        %shift_left3A_234 = vector.broadcast %shift_left3A_233 : i32 to vector<16xi32>
        %shift_left3A_235 = arith.shli %bitcast3A_232, %shift_left3A_234 : vector<16xi32>
        %bitcast3A_236 = vector.bitcast %shift_left3A_235 : vector<16xi32> to vector<16xf32>
        %and3A_237 = arith.constant -65536 : i32
        %and3A_238 = vector.broadcast %and3A_237 : i32 to vector<16xi32>
        %and3A_239 = arith.andi %bitcast3A_232, %and3A_238 : vector<16xi32>
        %bitcast3A_240 = vector.bitcast %and3A_239 : vector<16xi32> to vector<16xf32>
        %swap3A_241 = arith.index_cast %add3A_210 : i32 to index
        %swap3A_242 = arith.constant 32 : index
        %swap3A_243 = tpu.vector_load %arg25[%swap3A_241, %swap3A_242] {strides = array<i32>} : memref<128x64xf32, #tpu.memory_space<vmem>>, vector<16xf32>,
        tpu.vector_store %arg25[%swap3A_241, %swap3A_242], %bitcast3A_236 {strides = array<i32>} : memref<128x64xf32, #tpu.memory_space<vmem>>, vector<16xf32>,
        %swap3A_244 = arith.index_cast %add3A_210 : i32 to index
        %swap3A_245 = arith.constant 48 : index
        %swap3A_246 = tpu.vector_load %arg25[%swap3A_244, %swap3A_245] {strides = array<i32>} : memref<128x64xf32, #tpu.memory_space<vmem>>, vector<16xf32>,
        tpu.vector_store %arg25[%swap3A_244, %swap3A_245], %bitcast3A_240 {strides = array<i32>} : memref<128x64xf32, #tpu.memory_space<vmem>>, vector<16xf32>,
        %add3A_247 = arith.constant 3 : i32
        %add3A_248 = arith.addi %add3A_137, %add3A_247 : i32
        %get3A_249 = arith.index_cast %add3A_248 : i32 to index
        %get3A_250 = arith.constant 0 : index
        %get3A_251 = tpu.vector_load %arg22[%get3A_249, %get3A_250] {strides = array<i32>} : memref<128x64xbf16, #tpu.memory_space<vmem>>, vector<32xbf16>,
        %bitcast3A_252 = vector.bitcast %get3A_251 : vector<32xbf16> to vector<16xi32>
        %shift_left3A_253 = arith.constant 16 : i32
        %shift_left3A_254 = vector.broadcast %shift_left3A_253 : i32 to vector<16xi32>
        %shift_left3A_255 = arith.shli %bitcast3A_252, %shift_left3A_254 : vector<16xi32>
        %bitcast3A_256 = vector.bitcast %shift_left3A_255 : vector<16xi32> to vector<16xf32>
        %and3A_257 = arith.constant -65536 : i32
        %and3A_258 = vector.broadcast %and3A_257 : i32 to vector<16xi32>
        %and3A_259 = arith.andi %bitcast3A_252, %and3A_258 : vector<16xi32>
        %bitcast3A_260 = vector.bitcast %and3A_259 : vector<16xi32> to vector<16xf32>
        %swap3A_261 = arith.index_cast %add3A_248 : i32 to index
        %swap3A_262 = arith.constant 0 : index
        %swap3A_263 = tpu.vector_load %arg25[%swap3A_261, %swap3A_262] {strides = array<i32>} : memref<128x64xf32, #tpu.memory_space<vmem>>, vector<16xf32>,
        tpu.vector_store %arg25[%swap3A_261, %swap3A_262], %bitcast3A_256 {strides = array<i32>} : memref<128x64xf32, #tpu.memory_space<vmem>>, vector<16xf32>,
        %swap3A_264 = arith.index_cast %add3A_248 : i32 to index
        %swap3A_265 = arith.constant 16 : index
        %swap3A_266 = tpu.vector_load %arg25[%swap3A_264, %swap3A_265] {strides = array<i32>} : memref<128x64xf32, #tpu.memory_space<vmem>>, vector<16xf32>,
        tpu.vector_store %arg25[%swap3A_264, %swap3A_265], %bitcast3A_260 {strides = array<i32>} : memref<128x64xf32, #tpu.memory_space<vmem>>, vector<16xf32>,
        %get3A_267 = arith.index_cast %add3A_248 : i32 to index
        %get3A_268 = arith.constant 32 : index
        %get3A_269 = tpu.vector_load %arg22[%get3A_267, %get3A_268] {strides = array<i32>} : memref<128x64xbf16, #tpu.memory_space<vmem>>, vector<32xbf16>,
        %bitcast3A_270 = vector.bitcast %get3A_269 : vector<32xbf16> to vector<16xi32>
        %shift_left3A_271 = arith.constant 16 : i32
        %shift_left3A_272 = vector.broadcast %shift_left3A_271 : i32 to vector<16xi32>
        %shift_left3A_273 = arith.shli %bitcast3A_270, %shift_left3A_272 : vector<16xi32>
        %bitcast3A_274 = vector.bitcast %shift_left3A_273 : vector<16xi32> to vector<16xf32>
        %and3A_275 = arith.constant -65536 : i32
        %and3A_276 = vector.broadcast %and3A_275 : i32 to vector<16xi32>
        %and3A_277 = arith.andi %bitcast3A_270, %and3A_276 : vector<16xi32>
        %bitcast3A_278 = vector.bitcast %and3A_277 : vector<16xi32> to vector<16xf32>
        %swap3A_279 = arith.index_cast %add3A_248 : i32 to index
        %swap3A_280 = arith.constant 32 : index
        %swap3A_281 = tpu.vector_load %arg25[%swap3A_279, %swap3A_280] {strides = array<i32>} : memref<128x64xf32, #tpu.memory_space<vmem>>, vector<16xf32>,
        tpu.vector_store %arg25[%swap3A_279, %swap3A_280], %bitcast3A_274 {strides = array<i32>} : memref<128x64xf32, #tpu.memory_space<vmem>>, vector<16xf32>,
        %swap3A_282 = arith.index_cast %add3A_248 : i32 to index
        %swap3A_283 = arith.constant 48 : index
        %swap3A_284 = tpu.vector_load %arg25[%swap3A_282, %swap3A_283] {strides = array<i32>} : memref<128x64xf32, #tpu.memory_space<vmem>>, vector<16xf32>,
        tpu.vector_store %arg25[%swap3A_282, %swap3A_283], %bitcast3A_278 {strides = array<i32>} : memref<128x64xf32, #tpu.memory_space<vmem>>, vector<16xf32>,
      }
      %scan3A_125 = arith.constant 32 : i32
      "tpu.region"() ({
        %run_scoped3A = tpu.sem_alloc : memref<!tpu.dma_semaphore, #tpu.memory_space<semaphore_mem>>
        %dma_start3A_133 = arith.constant 0 : i32
        %dma_start3A_134 = arith.constant 0 : i32
        %dma_start3A_135 = tpu.memref_slice %arg26[%dma_start3A_133, %dma_start3A_134] : memref<10016x64xf32, #tpu.memory_space<vmem_shared>> -> memref<10016x64xf32, #tpu.memory_space<vmem_shared>>
        tpu.enqueue_indirect_dma source(%arg25 : memref<128x64xf32, #tpu.memory_space<vmem>>) target(%dma_start3A_135 : memref<10016x64xf32, #tpu.memory_space<vmem_shared>>) offsets(%arg17 : memref<128xi32, #tpu.memory_space<vmem>>) semaphore(%run_scoped3A : memref<!tpu.dma_semaphore, #tpu.memory_space<semaphore_mem>>) {add = true}
        %dma_wait3A_136 = arith.constant 0 : i32
        %dma_wait3A_137 = arith.constant 0 : i32
        %dma_wait3A_138 = tpu.memref_slice %arg26[%dma_wait3A_136, %dma_wait3A_137] : memref<10016x64xf32, #tpu.memory_space<vmem_shared>> -> memref<10016x64xf32, #tpu.memory_space<vmem_shared>>
        tpu.wait_indirect_dma semaphore(%run_scoped3A : memref<!tpu.dma_semaphore, #tpu.memory_space<semaphore_mem>>) src(%arg25 : memref<128x64xf32, #tpu.memory_space<vmem>>) dst(%dma_wait3A_138 : memref<10016x64xf32, #tpu.memory_space<vmem_shared>>)
        tpu.yield
      }) : () -> ()
      %add3A_126 = arith.constant 5 : i32
      %add3A_127 = arith.addi %add3A_117, %add3A_126 : i32
      %lt3A_128 = arith.constant 80 : i32
      %lt3A_129 = arith.cmpi slt, %add3A_127, %lt3A_128 : i32
      %convert_element_type3A_130 = arith.extui %lt3A_129 : i1 to i32
      %cond3A_131 = arith.constant 0 : i32
      %cond3A_132 = arith.cmpi ne, %convert_element_type3A_130, %cond3A_131 : i32
      scf.if %cond3A_132 {
        %add3A_133 = arith.constant 5 : i32
        %add3A_134 = arith.addi %add3A_117, %add3A_133 : i32
        %scan3A_135 = arith.constant 0 : i32
        %scan3A_136 = arith.constant 8 : i32
        %scan3A_137 = arith.addi %scan3A_135, %scan3A_136 : i32
        %scan3A_138 = arith.constant 1 : i32
        scf.for %scan3A_143 = %scan3A_135 to %scan3A_137 step %scan3A_138  : i32 {
          %mul3A_144 = arith.constant 16 : i32
          %mul3A_145 = arith.muli %scan3A_143, %mul3A_144 : i32
          %add3A_146 = arith.constant 0 : i32
          %add3A_147 = arith.addi %add3A_146, %mul3A_145 : i32
          %get3A = arith.index_cast %add3A_134 : i32 to index
          %get3A_148 = arith.index_cast %add3A_147 : i32 to index
          %get3A_149 = tpu.vector_load %arg7[%get3A, %get3A_148] {strides = array<i32>} : memref<80x128xi32, #tpu.memory_space<vmem>>, vector<16xi32>,
          %and3A = arith.constant 65535 : i32
          %and3A_150 = vector.broadcast %and3A : i32 to vector<16xi32>
          %and3A_151 = arith.andi %get3A_149, %and3A_150 : vector<16xi32>
          %swap3A = arith.index_cast %add3A_147 : i32 to index
          %swap3A_152 = tpu.vector_load %arg12[%swap3A] {strides = array<i32>} : memref<128xi32, #tpu.memory_space<vmem>>, vector<16xi32>,
          tpu.vector_store %arg12[%swap3A], %and3A_151 {strides = array<i32>} : memref<128xi32, #tpu.memory_space<vmem>>, vector<16xi32>,
          %shift_right_logical3A = arith.constant 16 : i32
          %shift_right_logical3A_153 = vector.broadcast %shift_right_logical3A : i32 to vector<16xi32>
          %shift_right_logical3A_154 = arith.shrui %get3A_149, %shift_right_logical3A_153 : vector<16xi32>
          %swap3A_155 = arith.index_cast %add3A_147 : i32 to index
          %swap3A_156 = tpu.vector_load %arg17[%swap3A_155] {strides = array<i32>} : memref<128xi32, #tpu.memory_space<vmem>>, vector<16xi32>,
          tpu.vector_store %arg17[%swap3A_155], %shift_right_logical3A_154 {strides = array<i32>} : memref<128xi32, #tpu.memory_space<vmem>>, vector<16xi32>,
        }
        %scan3A_139 = arith.constant 8 : i32
        %dma_start3A_140 = arith.constant 0 : i32
        %dma_start3A_141 = arith.constant 0 : i32
        %dma_start3A_142 = tpu.memref_slice %arg27[%dma_start3A_140, %dma_start3A_141] : memref<10000x64xbf16, #tpu.memory_space<vmem_shared>> -> memref<10000x64xbf16, #tpu.memory_space<vmem_shared>>
        tpu.enqueue_indirect_dma source(%dma_start3A_142 : memref<10000x64xbf16, #tpu.memory_space<vmem_shared>>) target(%arg22 : memref<128x64xbf16, #tpu.memory_space<vmem>>) offsets(%arg12 : memref<128xi32, #tpu.memory_space<vmem>>) semaphore(%arg32 : memref<!tpu.dma_semaphore, #tpu.memory_space<semaphore_mem>>)
      } else {
      }
    }
    %scan3A_51 = arith.constant 16 : i32
    %barrier3A_52 = arith.constant 0 : index
    tpu.barrier barrier_id(%barrier3A_52)
    %mul3A_53 = arith.constant 626 : i32
    %mul3A_54 = arith.muli %arg1, %mul3A_53 : i32
    %mul3A_55 = arith.constant 626 : i32
    %mul3A_56 = arith.muli %arg1, %mul3A_55 : i32
    "tpu.region"() ({
      %run_scoped3A = tpu.sem_alloc : memref<!tpu.dma_semaphore, #tpu.memory_space<semaphore_mem>>
      %dma_start3A_57 = arith.constant 0 : i32
      %dma_start3A_58 = tpu.memref_slice %arg6[%arg0, %mul3A_56, %dma_start3A_57] : memref<2x10016x64xf32, #tpu.memory_space<hbm>> -> memref<1x626x64xf32, #tpu.memory_space<hbm>>
      %dma_start3A_59 = tpu.memref_squeeze %dma_start3A_58 : memref<1x626x64xf32, #tpu.memory_space<hbm>> -> memref<626x64xf32, #tpu.memory_space<hbm>>
      %dma_start3A_60 = arith.constant 0 : i32
      %dma_start3A_61 = tpu.memref_slice %arg26[%mul3A_54, %dma_start3A_60] : memref<10016x64xf32, #tpu.memory_space<vmem_shared>> -> memref<626x64xf32, #tpu.memory_space<vmem_shared>>
      tpu.enqueue_dma source(%dma_start3A_61 : memref<626x64xf32, #tpu.memory_space<vmem_shared>>) target(%dma_start3A_59 : memref<626x64xf32, #tpu.memory_space<hbm>>) target_semaphore(%run_scoped3A : memref<!tpu.dma_semaphore, #tpu.memory_space<semaphore_mem>>)
      %dma_wait3A = arith.constant 0 : i32
      %dma_wait3A_62 = tpu.memref_slice %arg6[%arg0, %mul3A_56, %dma_wait3A] : memref<2x10016x64xf32, #tpu.memory_space<hbm>> -> memref<1x626x64xf32, #tpu.memory_space<hbm>>
      %dma_wait3A_63 = tpu.memref_squeeze %dma_wait3A_62 : memref<1x626x64xf32, #tpu.memory_space<hbm>> -> memref<626x64xf32, #tpu.memory_space<hbm>>
      %dma_wait3A_64 = arith.constant 0 : i32
      %dma_wait3A_65 = tpu.memref_slice %arg26[%mul3A_54, %dma_wait3A_64] : memref<10016x64xf32, #tpu.memory_space<vmem_shared>> -> memref<626x64xf32, #tpu.memory_space<vmem_shared>>
      tpu.wait_dma2 semaphore(%run_scoped3A : memref<!tpu.dma_semaphore, #tpu.memory_space<semaphore_mem>>) src(%dma_wait3A_65 : memref<626x64xf32, #tpu.memory_space<vmem_shared>>) dst(%dma_wait3A_63 : memref<626x64xf32, #tpu.memory_space<hbm>>)
      tpu.yield
    }) : () -> ()
    return
  }
}

#map = affine_map<(d0, d1) -> (0, 0)>
#map1 = affine_map<(d0, d1) -> (0, 0, 0)>
module attributes {stable_mosaic.version = 14 : i64} {
  func.func @k(%arg0: i32, %arg1: i32, %arg2: memref<10000x64xf32, #tpu.memory_space<hbm>>, %arg3: memref<10000x64xbf16, #tpu.memory_space<hbm>>, %arg4: memref<2560x128xi32, #tpu.memory_space<hbm>>, %arg5: memref<626x64xf32, #tpu.memory_space<hbm>>, %arg6: memref<2x10016x64xf32, #tpu.memory_space<hbm>>, %arg7: memref<80x128xi32, #tpu.memory_space<vmem>>, %arg8: memref<128xi32, #tpu.memory_space<vmem>>, %arg9: memref<128xi32, #tpu.memory_space<vmem>>, %arg10: memref<128xi32, #tpu.memory_space<vmem>>, %arg11: memref<128xi32, #tpu.memory_space<vmem>>, %arg12: memref<128xi32, #tpu.memory_space<vmem>>, %arg13: memref<128xi32, #tpu.memory_space<vmem>>, %arg14: memref<128xi32, #tpu.memory_space<vmem>>, %arg15: memref<128xi32, #tpu.memory_space<vmem>>, %arg16: memref<128xi32, #tpu.memory_space<vmem>>, %arg17: memref<128xi32, #tpu.memory_space<vmem>>, %arg18: memref<128x64xf32, #tpu.memory_space<vmem>>, %arg19: memref<128x64xbf16, #tpu.memory_space<vmem>>, %arg20: memref<128x64xf32, #tpu.memory_space<vmem>>, %arg21: memref<128x64xbf16, #tpu.memory_space<vmem>>, %arg22: memref<128x64xbf16, #tpu.memory_space<vmem>>, %arg23: memref<128x64xf32, #tpu.memory_space<vmem>>, %arg24: memref<128x64xf32, #tpu.memory_space<vmem>>, %arg25: memref<128x64xf32, #tpu.memory_space<vmem>>, %arg26: memref<10016x64xf32, #tpu.memory_space<vmem_shared>>, %arg27: memref<10000x64xbf16, #tpu.memory_space<vmem_shared>>, %arg28: memref<!tpu.dma_semaphore, #tpu.memory_space<semaphore_mem>>, %arg29: memref<!tpu.dma_semaphore, #tpu.memory_space<semaphore_mem>>, %arg30: memref<!tpu.dma_semaphore, #tpu.memory_space<semaphore_mem>>, %arg31: memref<!tpu.dma_semaphore, #tpu.memory_space<semaphore_mem>>, %arg32: memref<!tpu.dma_semaphore, #tpu.memory_space<semaphore_mem>>) attributes {dimension_semantics = [#tpu.dimension_semantics<core_parallel>, #tpu.dimension_semantics<subcore_parallel>], iteration_bounds = array<i64: 2, 16>, scalar_prefetch = 0 : i64, scratch_operands = 26 : i64, tpu.core_type = #tpu.core_type<sc_vector_subcore>, window_params = [{transform_indices = #map}, {transform_indices = #map}, {transform_indices = #map}, {transform_indices = #map}, {transform_indices = #map1}]} {
    %mul3A = arith.constant 16 : i32
    %mul3A_0 = arith.muli %arg0, %mul3A : i32
    %add3A = arith.addi %mul3A_0, %arg1 : i32
    %mul3A_1 = arith.constant 626 : i32
    %mul3A_2 = arith.muli %arg1, %mul3A_1 : i32
    "tpu.region"() ({
      %run_scoped3A = tpu.sem_alloc : memref<!tpu.dma_semaphore, #tpu.memory_space<semaphore_mem>>
      %dma_start3A_57 = arith.constant 0 : i32
      %dma_start3A_58 = tpu.memref_slice %arg26[%mul3A_2, %dma_start3A_57] : memref<10016x64xf32, #tpu.memory_space<vmem_shared>> -> memref<626x64xf32, #tpu.memory_space<vmem_shared>>
      tpu.enqueue_dma source(%arg5 : memref<626x64xf32, #tpu.memory_space<hbm>>) target(%dma_start3A_58 : memref<626x64xf32, #tpu.memory_space<vmem_shared>>) target_semaphore(%run_scoped3A : memref<!tpu.dma_semaphore, #tpu.memory_space<semaphore_mem>>)
      %dma_wait3A = arith.constant 0 : i32
      %dma_wait3A_59 = tpu.memref_slice %arg26[%mul3A_2, %dma_wait3A] : memref<10016x64xf32, #tpu.memory_space<vmem_shared>> -> memref<626x64xf32, #tpu.memory_space<vmem_shared>>
      tpu.wait_dma2 semaphore(%run_scoped3A : memref<!tpu.dma_semaphore, #tpu.memory_space<semaphore_mem>>) src(%arg5 : memref<626x64xf32, #tpu.memory_space<hbm>>) dst(%dma_wait3A_59 : memref<626x64xf32, #tpu.memory_space<vmem_shared>>)
      tpu.yield
    }) : () -> ()
    %mul3A_3 = arith.constant 625 : i32
    %mul3A_4 = arith.muli %arg1, %mul3A_3 : i32
    %mul3A_5 = arith.constant 625 : i32
    %mul3A_6 = arith.muli %arg1, %mul3A_5 : i32
    "tpu.region"() ({
      %run_scoped3A = tpu.sem_alloc : memref<!tpu.dma_semaphore, #tpu.memory_space<semaphore_mem>>
      %dma_start3A_57 = arith.constant 0 : i32
      %dma_start3A_58 = tpu.memref_slice %arg27[%mul3A_6, %dma_start3A_57] : memref<10000x64xbf16, #tpu.memory_space<vmem_shared>> -> memref<625x64xbf16, #tpu.memory_space<vmem_shared>>
      %dma_start3A_59 = arith.constant 0 : i32
      %dma_start3A_60 = tpu.memref_slice %arg3[%mul3A_4, %dma_start3A_59] : memref<10000x64xbf16, #tpu.memory_space<hbm>> -> memref<625x64xbf16, #tpu.memory_space<hbm>>
      tpu.enqueue_dma source(%dma_start3A_60 : memref<625x64xbf16, #tpu.memory_space<hbm>>) target(%dma_start3A_58 : memref<625x64xbf16, #tpu.memory_space<vmem_shared>>) target_semaphore(%run_scoped3A : memref<!tpu.dma_semaphore, #tpu.memory_space<semaphore_mem>>)
      %dma_wait3A = arith.constant 0 : i32
      %dma_wait3A_61 = tpu.memref_slice %arg27[%mul3A_6, %dma_wait3A] : memref<10000x64xbf16, #tpu.memory_space<vmem_shared>> -> memref<625x64xbf16, #tpu.memory_space<vmem_shared>>
      %dma_wait3A_62 = arith.constant 0 : i32
      %dma_wait3A_63 = tpu.memref_slice %arg3[%mul3A_4, %dma_wait3A_62] : memref<10000x64xbf16, #tpu.memory_space<hbm>> -> memref<625x64xbf16, #tpu.memory_space<hbm>>
      tpu.wait_dma2 semaphore(%run_scoped3A : memref<!tpu.dma_semaphore, #tpu.memory_space<semaphore_mem>>) src(%dma_wait3A_63 : memref<625x64xbf16, #tpu.memory_space<hbm>>) dst(%dma_wait3A_61 : memref<625x64xbf16, #tpu.memory_space<vmem_shared>>)
      tpu.yield
    }) : () -> ()
    %mul3A_7 = arith.constant 80 : i32
    %mul3A_8 = arith.muli %add3A, %mul3A_7 : i32
    "tpu.region"() ({
      %run_scoped3A = tpu.sem_alloc : memref<!tpu.dma_semaphore, #tpu.memory_space<semaphore_mem>>
      %dma_start3A_57 = arith.constant 0 : i32
      %dma_start3A_58 = tpu.memref_slice %arg4[%mul3A_8, %dma_start3A_57] : memref<2560x128xi32, #tpu.memory_space<hbm>> -> memref<80x128xi32, #tpu.memory_space<hbm>>
      %dma_start3A_59 = arith.constant 0 : i32
      %dma_start3A_60 = tpu.memref_slice %arg4[%mul3A_8, %dma_start3A_59] : memref<2560x128xi32, #tpu.memory_space<hbm>> -> memref<80x128xi32, #tpu.memory_space<hbm>>
      tpu.enqueue_dma source(%dma_start3A_60 : memref<80x128xi32, #tpu.memory_space<hbm>>) target(%arg7 : memref<80x128xi32, #tpu.memory_space<vmem>>) target_semaphore(%run_scoped3A : memref<!tpu.dma_semaphore, #tpu.memory_space<semaphore_mem>>)
      %dma_wait3A = arith.constant 0 : i32
      %dma_wait3A_61 = tpu.memref_slice %arg4[%mul3A_8, %dma_wait3A] : memref<2560x128xi32, #tpu.memory_space<hbm>> -> memref<80x128xi32, #tpu.memory_space<hbm>>
      %dma_wait3A_62 = arith.constant 0 : i32
      %dma_wait3A_63 = tpu.memref_slice %arg4[%mul3A_8, %dma_wait3A_62] : memref<2560x128xi32, #tpu.memory_space<hbm>> -> memref<80x128xi32, #tpu.memory_space<hbm>>
      tpu.wait_dma2 semaphore(%run_scoped3A : memref<!tpu.dma_semaphore, #tpu.memory_space<semaphore_mem>>) src(%dma_wait3A_63 : memref<80x128xi32, #tpu.memory_space<hbm>>) dst(%arg7 : memref<80x128xi32, #tpu.memory_space<vmem>>)
      tpu.yield
    }) : () -> ()
    %barrier3A = arith.constant 0 : index
    tpu.barrier barrier_id(%barrier3A)
    %scan3A = arith.constant 0 : i32
    %scan3A_9 = arith.constant 8 : i32
    %scan3A_10 = arith.addi %scan3A, %scan3A_9 : i32
    %scan3A_11 = arith.constant 1 : i32
    scf.for %scan3A_57 = %scan3A to %scan3A_10 step %scan3A_11  : i32 {
      %mul3A_58 = arith.constant 16 : i32
      %mul3A_59 = arith.muli %scan3A_57, %mul3A_58 : i32
      %add3A_60 = arith.constant 0 : i32
      %add3A_61 = arith.addi %add3A_60, %mul3A_59 : i32
      %get3A = arith.constant 0 : i32
      %get3A_62 = arith.index_cast %get3A : i32 to index
      %get3A_63 = arith.index_cast %add3A_61 : i32 to index
      %get3A_64 = tpu.vector_load %arg7[%get3A_62, %get3A_63] {strides = array<i32>} : memref<80x128xi32, #tpu.memory_space<vmem>>, vector<16xi32>,
      %and3A = arith.constant 65535 : i32
      %and3A_65 = vector.broadcast %and3A : i32 to vector<16xi32>
      %and3A_66 = arith.andi %get3A_64, %and3A_65 : vector<16xi32>
      %swap3A = arith.index_cast %add3A_61 : i32 to index
      %swap3A_67 = tpu.vector_load %arg8[%swap3A] {strides = array<i32>} : memref<128xi32, #tpu.memory_space<vmem>>, vector<16xi32>,
      tpu.vector_store %arg8[%swap3A], %and3A_66 {strides = array<i32>} : memref<128xi32, #tpu.memory_space<vmem>>, vector<16xi32>,
      %shift_right_logical3A = arith.constant 16 : i32
      %shift_right_logical3A_68 = vector.broadcast %shift_right_logical3A : i32 to vector<16xi32>
      %shift_right_logical3A_69 = arith.shrui %get3A_64, %shift_right_logical3A_68 : vector<16xi32>
      %swap3A_70 = arith.index_cast %add3A_61 : i32 to index
      %swap3A_71 = tpu.vector_load %arg13[%swap3A_70] {strides = array<i32>} : memref<128xi32, #tpu.memory_space<vmem>>, vector<16xi32>,
      tpu.vector_store %arg13[%swap3A_70], %shift_right_logical3A_69 {strides = array<i32>} : memref<128xi32, #tpu.memory_space<vmem>>, vector<16xi32>,
    }
    %scan3A_12 = arith.constant 8 : i32
    %dma_start3A = arith.constant 0 : i32
    %dma_start3A_13 = arith.constant 0 : i32
    %dma_start3A_14 = tpu.memref_slice %arg2[%dma_start3A, %dma_start3A_13] : memref<10000x64xf32, #tpu.memory_space<hbm>> -> memref<10000x64xf32, #tpu.memory_space<hbm>>
    tpu.enqueue_indirect_dma source(%dma_start3A_14 : memref<10000x64xf32, #tpu.memory_space<hbm>>) target(%arg18 : memref<128x64xf32, #tpu.memory_space<vmem>>) offsets(%arg8 : memref<128xi32, #tpu.memory_space<vmem>>) semaphore(%arg28 : memref<!tpu.dma_semaphore, #tpu.memory_space<semaphore_mem>>)
    %scan3A_15 = arith.constant 0 : i32
    %scan3A_16 = arith.constant 8 : i32
    %scan3A_17 = arith.addi %scan3A_15, %scan3A_16 : i32
    %scan3A_18 = arith.constant 1 : i32
    scf.for %scan3A_57 = %scan3A_15 to %scan3A_17 step %scan3A_18  : i32 {
      %mul3A_58 = arith.constant 16 : i32
      %mul3A_59 = arith.muli %scan3A_57, %mul3A_58 : i32
      %add3A_60 = arith.constant 0 : i32
      %add3A_61 = arith.addi %add3A_60, %mul3A_59 : i32
      %get3A = arith.constant 1 : i32
      %get3A_62 = arith.index_cast %get3A : i32 to index
      %get3A_63 = arith.index_cast %add3A_61 : i32 to index
      %get3A_64 = tpu.vector_load %arg7[%get3A_62, %get3A_63] {strides = array<i32>} : memref<80x128xi32, #tpu.memory_space<vmem>>, vector<16xi32>,
      %and3A = arith.constant 65535 : i32
      %and3A_65 = vector.broadcast %and3A : i32 to vector<16xi32>
      %and3A_66 = arith.andi %get3A_64, %and3A_65 : vector<16xi32>
      %swap3A = arith.index_cast %add3A_61 : i32 to index
      %swap3A_67 = tpu.vector_load %arg9[%swap3A] {strides = array<i32>} : memref<128xi32, #tpu.memory_space<vmem>>, vector<16xi32>,
      tpu.vector_store %arg9[%swap3A], %and3A_66 {strides = array<i32>} : memref<128xi32, #tpu.memory_space<vmem>>, vector<16xi32>,
      %shift_right_logical3A = arith.constant 16 : i32
      %shift_right_logical3A_68 = vector.broadcast %shift_right_logical3A : i32 to vector<16xi32>
      %shift_right_logical3A_69 = arith.shrui %get3A_64, %shift_right_logical3A_68 : vector<16xi32>
      %swap3A_70 = arith.index_cast %add3A_61 : i32 to index
      %swap3A_71 = tpu.vector_load %arg14[%swap3A_70] {strides = array<i32>} : memref<128xi32, #tpu.memory_space<vmem>>, vector<16xi32>,
      tpu.vector_store %arg14[%swap3A_70], %shift_right_logical3A_69 {strides = array<i32>} : memref<128xi32, #tpu.memory_space<vmem>>, vector<16xi32>,
    }
    %scan3A_19 = arith.constant 8 : i32
    %dma_start3A_20 = arith.constant 0 : i32
    %dma_start3A_21 = arith.constant 0 : i32
    %dma_start3A_22 = tpu.memref_slice %arg27[%dma_start3A_20, %dma_start3A_21] : memref<10000x64xbf16, #tpu.memory_space<vmem_shared>> -> memref<10000x64xbf16, #tpu.memory_space<vmem_shared>>
    tpu.enqueue_indirect_dma source(%dma_start3A_22 : memref<10000x64xbf16, #tpu.memory_space<vmem_shared>>) target(%arg19 : memref<128x64xbf16, #tpu.memory_space<vmem>>) offsets(%arg9 : memref<128xi32, #tpu.memory_space<vmem>>) semaphore(%arg29 : memref<!tpu.dma_semaphore, #tpu.memory_space<semaphore_mem>>)
    %scan3A_23 = arith.constant 0 : i32
    %scan3A_24 = arith.constant 8 : i32
    %scan3A_25 = arith.addi %scan3A_23, %scan3A_24 : i32
    %scan3A_26 = arith.constant 1 : i32
    scf.for %scan3A_57 = %scan3A_23 to %scan3A_25 step %scan3A_26  : i32 {
      %mul3A_58 = arith.constant 16 : i32
      %mul3A_59 = arith.muli %scan3A_57, %mul3A_58 : i32
      %add3A_60 = arith.constant 0 : i32
      %add3A_61 = arith.addi %add3A_60, %mul3A_59 : i32
      %get3A = arith.constant 2 : i32
      %get3A_62 = arith.index_cast %get3A : i32 to index
      %get3A_63 = arith.index_cast %add3A_61 : i32 to index
      %get3A_64 = tpu.vector_load %arg7[%get3A_62, %get3A_63] {strides = array<i32>} : memref<80x128xi32, #tpu.memory_space<vmem>>, vector<16xi32>,
      %and3A = arith.constant 65535 : i32
      %and3A_65 = vector.broadcast %and3A : i32 to vector<16xi32>
      %and3A_66 = arith.andi %get3A_64, %and3A_65 : vector<16xi32>
      %swap3A = arith.index_cast %add3A_61 : i32 to index
      %swap3A_67 = tpu.vector_load %arg10[%swap3A] {strides = array<i32>} : memref<128xi32, #tpu.memory_space<vmem>>, vector<16xi32>,
      tpu.vector_store %arg10[%swap3A], %and3A_66 {strides = array<i32>} : memref<128xi32, #tpu.memory_space<vmem>>, vector<16xi32>,
      %shift_right_logical3A = arith.constant 16 : i32
      %shift_right_logical3A_68 = vector.broadcast %shift_right_logical3A : i32 to vector<16xi32>
      %shift_right_logical3A_69 = arith.shrui %get3A_64, %shift_right_logical3A_68 : vector<16xi32>
      %swap3A_70 = arith.index_cast %add3A_61 : i32 to index
      %swap3A_71 = tpu.vector_load %arg15[%swap3A_70] {strides = array<i32>} : memref<128xi32, #tpu.memory_space<vmem>>, vector<16xi32>,
      tpu.vector_store %arg15[%swap3A_70], %shift_right_logical3A_69 {strides = array<i32>} : memref<128xi32, #tpu.memory_space<vmem>>, vector<16xi32>,
    }
    %scan3A_27 = arith.constant 8 : i32
    %dma_start3A_28 = arith.constant 0 : i32
    %dma_start3A_29 = arith.constant 0 : i32
    %dma_start3A_30 = tpu.memref_slice %arg2[%dma_start3A_28, %dma_start3A_29] : memref<10000x64xf32, #tpu.memory_space<hbm>> -> memref<10000x64xf32, #tpu.memory_space<hbm>>
    tpu.enqueue_indirect_dma source(%dma_start3A_30 : memref<10000x64xf32, #tpu.memory_space<hbm>>) target(%arg20 : memref<128x64xf32, #tpu.memory_space<vmem>>) offsets(%arg10 : memref<128xi32, #tpu.memory_space<vmem>>) semaphore(%arg30 : memref<!tpu.dma_semaphore, #tpu.memory_space<semaphore_mem>>)
    %scan3A_31 = arith.constant 0 : i32
    %scan3A_32 = arith.constant 8 : i32
    %scan3A_33 = arith.addi %scan3A_31, %scan3A_32 : i32
    %scan3A_34 = arith.constant 1 : i32
    scf.for %scan3A_57 = %scan3A_31 to %scan3A_33 step %scan3A_34  : i32 {
      %mul3A_58 = arith.constant 16 : i32
      %mul3A_59 = arith.muli %scan3A_57, %mul3A_58 : i32
      %add3A_60 = arith.constant 0 : i32
      %add3A_61 = arith.addi %add3A_60, %mul3A_59 : i32
      %get3A = arith.constant 3 : i32
      %get3A_62 = arith.index_cast %get3A : i32 to index
      %get3A_63 = arith.index_cast %add3A_61 : i32 to index
      %get3A_64 = tpu.vector_load %arg7[%get3A_62, %get3A_63] {strides = array<i32>} : memref<80x128xi32, #tpu.memory_space<vmem>>, vector<16xi32>,
      %and3A = arith.constant 65535 : i32
      %and3A_65 = vector.broadcast %and3A : i32 to vector<16xi32>
      %and3A_66 = arith.andi %get3A_64, %and3A_65 : vector<16xi32>
      %swap3A = arith.index_cast %add3A_61 : i32 to index
      %swap3A_67 = tpu.vector_load %arg11[%swap3A] {strides = array<i32>} : memref<128xi32, #tpu.memory_space<vmem>>, vector<16xi32>,
      tpu.vector_store %arg11[%swap3A], %and3A_66 {strides = array<i32>} : memref<128xi32, #tpu.memory_space<vmem>>, vector<16xi32>,
      %shift_right_logical3A = arith.constant 16 : i32
      %shift_right_logical3A_68 = vector.broadcast %shift_right_logical3A : i32 to vector<16xi32>
      %shift_right_logical3A_69 = arith.shrui %get3A_64, %shift_right_logical3A_68 : vector<16xi32>
      %swap3A_70 = arith.index_cast %add3A_61 : i32 to index
      %swap3A_71 = tpu.vector_load %arg16[%swap3A_70] {strides = array<i32>} : memref<128xi32, #tpu.memory_space<vmem>>, vector<16xi32>,
      tpu.vector_store %arg16[%swap3A_70], %shift_right_logical3A_69 {strides = array<i32>} : memref<128xi32, #tpu.memory_space<vmem>>, vector<16xi32>,
    }
    %scan3A_35 = arith.constant 8 : i32
    %dma_start3A_36 = arith.constant 0 : i32
    %dma_start3A_37 = arith.constant 0 : i32
    %dma_start3A_38 = tpu.memref_slice %arg27[%dma_start3A_36, %dma_start3A_37] : memref<10000x64xbf16, #tpu.memory_space<vmem_shared>> -> memref<10000x64xbf16, #tpu.memory_space<vmem_shared>>
    tpu.enqueue_indirect_dma source(%dma_start3A_38 : memref<10000x64xbf16, #tpu.memory_space<vmem_shared>>) target(%arg21 : memref<128x64xbf16, #tpu.memory_space<vmem>>) offsets(%arg11 : memref<128xi32, #tpu.memory_space<vmem>>) semaphore(%arg31 : memref<!tpu.dma_semaphore, #tpu.memory_space<semaphore_mem>>)
    %scan3A_39 = arith.constant 0 : i32
    %scan3A_40 = arith.constant 8 : i32
    %scan3A_41 = arith.addi %scan3A_39, %scan3A_40 : i32
    %scan3A_42 = arith.constant 1 : i32
    scf.for %scan3A_57 = %scan3A_39 to %scan3A_41 step %scan3A_42  : i32 {
      %mul3A_58 = arith.constant 16 : i32
      %mul3A_59 = arith.muli %scan3A_57, %mul3A_58 : i32
      %add3A_60 = arith.constant 0 : i32
      %add3A_61 = arith.addi %add3A_60, %mul3A_59 : i32
      %get3A = arith.constant 4 : i32
      %get3A_62 = arith.index_cast %get3A : i32 to index
      %get3A_63 = arith.index_cast %add3A_61 : i32 to index
      %get3A_64 = tpu.vector_load %arg7[%get3A_62, %get3A_63] {strides = array<i32>} : memref<80x128xi32, #tpu.memory_space<vmem>>, vector<16xi32>,
      %and3A = arith.constant 65535 : i32
      %and3A_65 = vector.broadcast %and3A : i32 to vector<16xi32>
      %and3A_66 = arith.andi %get3A_64, %and3A_65 : vector<16xi32>
      %swap3A = arith.index_cast %add3A_61 : i32 to index
      %swap3A_67 = tpu.vector_load %arg12[%swap3A] {strides = array<i32>} : memref<128xi32, #tpu.memory_space<vmem>>, vector<16xi32>,
      tpu.vector_store %arg12[%swap3A], %and3A_66 {strides = array<i32>} : memref<128xi32, #tpu.memory_space<vmem>>, vector<16xi32>,
      %shift_right_logical3A = arith.constant 16 : i32
      %shift_right_logical3A_68 = vector.broadcast %shift_right_logical3A : i32 to vector<16xi32>
      %shift_right_logical3A_69 = arith.shrui %get3A_64, %shift_right_logical3A_68 : vector<16xi32>
      %swap3A_70 = arith.index_cast %add3A_61 : i32 to index
      %swap3A_71 = tpu.vector_load %arg17[%swap3A_70] {strides = array<i32>} : memref<128xi32, #tpu.memory_space<vmem>>, vector<16xi32>,
      tpu.vector_store %arg17[%swap3A_70], %shift_right_logical3A_69 {strides = array<i32>} : memref<128xi32, #tpu.memory_space<vmem>>, vector<16xi32>,
    }
    %scan3A_43 = arith.constant 8 : i32
    %dma_start3A_44 = arith.constant 0 : i32
    %dma_start3A_45 = arith.constant 0 : i32
    %dma_start3A_46 = tpu.memref_slice %arg27[%dma_start3A_44, %dma_start3A_45] : memref<10000x64xbf16, #tpu.memory_space<vmem_shared>> -> memref<10000x64xbf16, #tpu.memory_space<vmem_shared>>
    tpu.enqueue_indirect_dma source(%dma_start3A_46 : memref<10000x64xbf16, #tpu.memory_space<vmem_shared>>) target(%arg22 : memref<128x64xbf16, #tpu.memory_space<vmem>>) offsets(%arg12 : memref<128xi32, #tpu.memory_space<vmem>>) semaphore(%arg32 : memref<!tpu.dma_semaphore, #tpu.memory_space<semaphore_mem>>)
    %scan3A_47 = arith.constant 0 : i32
    %scan3A_48 = arith.constant 16 : i32
    %scan3A_49 = arith.addi %scan3A_47, %scan3A_48 : i32
    %scan3A_50 = arith.constant 1 : i32
    scf.for %scan3A_57 = %scan3A_47 to %scan3A_49 step %scan3A_50  : i32 {
      %mul3A_58 = arith.constant 5 : i32
      %mul3A_59 = arith.muli %scan3A_57, %mul3A_58 : i32
      %add3A_60 = arith.constant 0 : i32
      %add3A_61 = arith.addi %add3A_60, %mul3A_59 : i32
      %add3A_62 = arith.constant 0 : i32
      %add3A_63 = arith.addi %add3A_61, %add3A_62 : i32
      %dma_wait3A = arith.constant 0 : i32
      %dma_wait3A_64 = arith.constant 0 : i32
      %dma_wait3A_65 = tpu.memref_slice %arg2[%dma_wait3A, %dma_wait3A_64] : memref<10000x64xf32, #tpu.memory_space<hbm>> -> memref<10000x64xf32, #tpu.memory_space<hbm>>
      tpu.wait_indirect_dma semaphore(%arg28 : memref<!tpu.dma_semaphore, #tpu.memory_space<semaphore_mem>>) src(%dma_wait3A_65 : memref<10000x64xf32, #tpu.memory_space<hbm>>) dst(%arg18 : memref<128x64xf32, #tpu.memory_space<vmem>>)
      "tpu.region"() ({
        %run_scoped3A = tpu.sem_alloc : memref<!tpu.dma_semaphore, #tpu.memory_space<semaphore_mem>>
        %dma_start3A_133 = arith.constant 0 : i32
        %dma_start3A_134 = arith.constant 0 : i32
        %dma_start3A_135 = tpu.memref_slice %arg26[%dma_start3A_133, %dma_start3A_134] : memref<10016x64xf32, #tpu.memory_space<vmem_shared>> -> memref<10016x64xf32, #tpu.memory_space<vmem_shared>>
        tpu.enqueue_indirect_dma source(%arg18 : memref<128x64xf32, #tpu.memory_space<vmem>>) target(%dma_start3A_135 : memref<10016x64xf32, #tpu.memory_space<vmem_shared>>) offsets(%arg13 : memref<128xi32, #tpu.memory_space<vmem>>) semaphore(%run_scoped3A : memref<!tpu.dma_semaphore, #tpu.memory_space<semaphore_mem>>) {add = true}
        %dma_wait3A_136 = arith.constant 0 : i32
        %dma_wait3A_137 = arith.constant 0 : i32
        %dma_wait3A_138 = tpu.memref_slice %arg26[%dma_wait3A_136, %dma_wait3A_137] : memref<10016x64xf32, #tpu.memory_space<vmem_shared>> -> memref<10016x64xf32, #tpu.memory_space<vmem_shared>>
        tpu.wait_indirect_dma semaphore(%run_scoped3A : memref<!tpu.dma_semaphore, #tpu.memory_space<semaphore_mem>>) src(%arg18 : memref<128x64xf32, #tpu.memory_space<vmem>>) dst(%dma_wait3A_138 : memref<10016x64xf32, #tpu.memory_space<vmem_shared>>)
        tpu.yield
      }) : () -> ()
      %add3A_66 = arith.constant 5 : i32
      %add3A_67 = arith.addi %add3A_63, %add3A_66 : i32
      %lt3A = arith.constant 80 : i32
      %lt3A_68 = arith.cmpi slt, %add3A_67, %lt3A : i32
      %convert_element_type3A = arith.extui %lt3A_68 : i1 to i32
      %cond3A = arith.constant 0 : i32
      %cond3A_69 = arith.cmpi ne, %convert_element_type3A, %cond3A : i32
      scf.if %cond3A_69 {
        %add3A_133 = arith.constant 5 : i32
        %add3A_134 = arith.addi %add3A_63, %add3A_133 : i32
        %scan3A_135 = arith.constant 0 : i32
        %scan3A_136 = arith.constant 8 : i32
        %scan3A_137 = arith.addi %scan3A_135, %scan3A_136 : i32
        %scan3A_138 = arith.constant 1 : i32
        scf.for %scan3A_143 = %scan3A_135 to %scan3A_137 step %scan3A_138  : i32 {
          %mul3A_144 = arith.constant 16 : i32
          %mul3A_145 = arith.muli %scan3A_143, %mul3A_144 : i32
          %add3A_146 = arith.constant 0 : i32
          %add3A_147 = arith.addi %add3A_146, %mul3A_145 : i32
          %get3A = arith.index_cast %add3A_134 : i32 to index
          %get3A_148 = arith.index_cast %add3A_147 : i32 to index
          %get3A_149 = tpu.vector_load %arg7[%get3A, %get3A_148] {strides = array<i32>} : memref<80x128xi32, #tpu.memory_space<vmem>>, vector<16xi32>,
          %and3A = arith.constant 65535 : i32
          %and3A_150 = vector.broadcast %and3A : i32 to vector<16xi32>
          %and3A_151 = arith.andi %get3A_149, %and3A_150 : vector<16xi32>
          %swap3A = arith.index_cast %add3A_147 : i32 to index
          %swap3A_152 = tpu.vector_load %arg8[%swap3A] {strides = array<i32>} : memref<128xi32, #tpu.memory_space<vmem>>, vector<16xi32>,
          tpu.vector_store %arg8[%swap3A], %and3A_151 {strides = array<i32>} : memref<128xi32, #tpu.memory_space<vmem>>, vector<16xi32>,
          %shift_right_logical3A = arith.constant 16 : i32
          %shift_right_logical3A_153 = vector.broadcast %shift_right_logical3A : i32 to vector<16xi32>
          %shift_right_logical3A_154 = arith.shrui %get3A_149, %shift_right_logical3A_153 : vector<16xi32>
          %swap3A_155 = arith.index_cast %add3A_147 : i32 to index
          %swap3A_156 = tpu.vector_load %arg13[%swap3A_155] {strides = array<i32>} : memref<128xi32, #tpu.memory_space<vmem>>, vector<16xi32>,
          tpu.vector_store %arg13[%swap3A_155], %shift_right_logical3A_154 {strides = array<i32>} : memref<128xi32, #tpu.memory_space<vmem>>, vector<16xi32>,
        }
        %scan3A_139 = arith.constant 8 : i32
        %dma_start3A_140 = arith.constant 0 : i32
        %dma_start3A_141 = arith.constant 0 : i32
        %dma_start3A_142 = tpu.memref_slice %arg2[%dma_start3A_140, %dma_start3A_141] : memref<10000x64xf32, #tpu.memory_space<hbm>> -> memref<10000x64xf32, #tpu.memory_space<hbm>>
        tpu.enqueue_indirect_dma source(%dma_start3A_142 : memref<10000x64xf32, #tpu.memory_space<hbm>>) target(%arg18 : memref<128x64xf32, #tpu.memory_space<vmem>>) offsets(%arg8 : memref<128xi32, #tpu.memory_space<vmem>>) semaphore(%arg28 : memref<!tpu.dma_semaphore, #tpu.memory_space<semaphore_mem>>)
      } else {
      }
      %add3A_70 = arith.constant 1 : i32
      %add3A_71 = arith.addi %add3A_61, %add3A_70 : i32
      %dma_wait3A_72 = arith.constant 0 : i32
      %dma_wait3A_73 = arith.constant 0 : i32
      %dma_wait3A_74 = tpu.memref_slice %arg27[%dma_wait3A_72, %dma_wait3A_73] : memref<10000x64xbf16, #tpu.memory_space<vmem_shared>> -> memref<10000x64xbf16, #tpu.memory_space<vmem_shared>>
      tpu.wait_indirect_dma semaphore(%arg29 : memref<!tpu.dma_semaphore, #tpu.memory_space<semaphore_mem>>) src(%dma_wait3A_74 : memref<10000x64xbf16, #tpu.memory_space<vmem_shared>>) dst(%arg19 : memref<128x64xbf16, #tpu.memory_space<vmem>>)
      %scan3A_75 = arith.constant 0 : i32
      %scan3A_76 = arith.constant 32 : i32
      %scan3A_77 = arith.addi %scan3A_75, %scan3A_76 : i32
      %scan3A_78 = arith.constant 1 : i32
      scf.for %scan3A_133 = %scan3A_75 to %scan3A_77 step %scan3A_78  : i32 {
        %mul3A_134 = arith.constant 4 : i32
        %mul3A_135 = arith.muli %scan3A_133, %mul3A_134 : i32
        %add3A_136 = arith.constant 0 : i32
        %add3A_137 = arith.addi %add3A_136, %mul3A_135 : i32
        %add3A_138 = arith.constant 0 : i32
        %add3A_139 = arith.addi %add3A_137, %add3A_138 : i32
        %get3A = arith.index_cast %add3A_139 : i32 to index
        %get3A_140 = arith.constant 0 : index
        %get3A_141 = tpu.vector_load %arg19[%get3A, %get3A_140] {strides = array<i32>} : memref<128x64xbf16, #tpu.memory_space<vmem>>, vector<32xbf16>,
        %bitcast3A = vector.bitcast %get3A_141 : vector<32xbf16> to vector<16xi32>
        %shift_left3A = arith.constant 16 : i32
        %shift_left3A_142 = vector.broadcast %shift_left3A : i32 to vector<16xi32>
        %shift_left3A_143 = arith.shli %bitcast3A, %shift_left3A_142 : vector<16xi32>
        %bitcast3A_144 = vector.bitcast %shift_left3A_143 : vector<16xi32> to vector<16xf32>
        %and3A = arith.constant -65536 : i32
        %and3A_145 = vector.broadcast %and3A : i32 to vector<16xi32>
        %and3A_146 = arith.andi %bitcast3A, %and3A_145 : vector<16xi32>
        %bitcast3A_147 = vector.bitcast %and3A_146 : vector<16xi32> to vector<16xf32>
        %swap3A = arith.index_cast %add3A_139 : i32 to index
        %swap3A_148 = arith.constant 0 : index
        %swap3A_149 = tpu.vector_load %arg23[%swap3A, %swap3A_148] {strides = array<i32>} : memref<128x64xf32, #tpu.memory_space<vmem>>, vector<16xf32>,
        tpu.vector_store %arg23[%swap3A, %swap3A_148], %bitcast3A_144 {strides = array<i32>} : memref<128x64xf32, #tpu.memory_space<vmem>>, vector<16xf32>,
        %swap3A_150 = arith.index_cast %add3A_139 : i32 to index
        %swap3A_151 = arith.constant 16 : index
        %swap3A_152 = tpu.vector_load %arg23[%swap3A_150, %swap3A_151] {strides = array<i32>} : memref<128x64xf32, #tpu.memory_space<vmem>>, vector<16xf32>,
        tpu.vector_store %arg23[%swap3A_150, %swap3A_151], %bitcast3A_147 {strides = array<i32>} : memref<128x64xf32, #tpu.memory_space<vmem>>, vector<16xf32>,
        %get3A_153 = arith.index_cast %add3A_139 : i32 to index
        %get3A_154 = arith.constant 32 : index
        %get3A_155 = tpu.vector_load %arg19[%get3A_153, %get3A_154] {strides = array<i32>} : memref<128x64xbf16, #tpu.memory_space<vmem>>, vector<32xbf16>,
        %bitcast3A_156 = vector.bitcast %get3A_155 : vector<32xbf16> to vector<16xi32>
        %shift_left3A_157 = arith.constant 16 : i32
        %shift_left3A_158 = vector.broadcast %shift_left3A_157 : i32 to vector<16xi32>
        %shift_left3A_159 = arith.shli %bitcast3A_156, %shift_left3A_158 : vector<16xi32>
        %bitcast3A_160 = vector.bitcast %shift_left3A_159 : vector<16xi32> to vector<16xf32>
        %and3A_161 = arith.constant -65536 : i32
        %and3A_162 = vector.broadcast %and3A_161 : i32 to vector<16xi32>
        %and3A_163 = arith.andi %bitcast3A_156, %and3A_162 : vector<16xi32>
        %bitcast3A_164 = vector.bitcast %and3A_163 : vector<16xi32> to vector<16xf32>
        %swap3A_165 = arith.index_cast %add3A_139 : i32 to index
        %swap3A_166 = arith.constant 32 : index
        %swap3A_167 = tpu.vector_load %arg23[%swap3A_165, %swap3A_166] {strides = array<i32>} : memref<128x64xf32, #tpu.memory_space<vmem>>, vector<16xf32>,
        tpu.vector_store %arg23[%swap3A_165, %swap3A_166], %bitcast3A_160 {strides = array<i32>} : memref<128x64xf32, #tpu.memory_space<vmem>>, vector<16xf32>,
        %swap3A_168 = arith.index_cast %add3A_139 : i32 to index
        %swap3A_169 = arith.constant 48 : index
        %swap3A_170 = tpu.vector_load %arg23[%swap3A_168, %swap3A_169] {strides = array<i32>} : memref<128x64xf32, #tpu.memory_space<vmem>>, vector<16xf32>,
        tpu.vector_store %arg23[%swap3A_168, %swap3A_169], %bitcast3A_164 {strides = array<i32>} : memref<128x64xf32, #tpu.memory_space<vmem>>, vector<16xf32>,
        %add3A_171 = arith.constant 1 : i32
        %add3A_172 = arith.addi %add3A_137, %add3A_171 : i32
        %get3A_173 = arith.index_cast %add3A_172 : i32 to index
        %get3A_174 = arith.constant 0 : index
        %get3A_175 = tpu.vector_load %arg19[%get3A_173, %get3A_174] {strides = array<i32>} : memref<128x64xbf16, #tpu.memory_space<vmem>>, vector<32xbf16>,
        %bitcast3A_176 = vector.bitcast %get3A_175 : vector<32xbf16> to vector<16xi32>
        %shift_left3A_177 = arith.constant 16 : i32
        %shift_left3A_178 = vector.broadcast %shift_left3A_177 : i32 to vector<16xi32>
        %shift_left3A_179 = arith.shli %bitcast3A_176, %shift_left3A_178 : vector<16xi32>
        %bitcast3A_180 = vector.bitcast %shift_left3A_179 : vector<16xi32> to vector<16xf32>
        %and3A_181 = arith.constant -65536 : i32
        %and3A_182 = vector.broadcast %and3A_181 : i32 to vector<16xi32>
        %and3A_183 = arith.andi %bitcast3A_176, %and3A_182 : vector<16xi32>
        %bitcast3A_184 = vector.bitcast %and3A_183 : vector<16xi32> to vector<16xf32>
        %swap3A_185 = arith.index_cast %add3A_172 : i32 to index
        %swap3A_186 = arith.constant 0 : index
        %swap3A_187 = tpu.vector_load %arg23[%swap3A_185, %swap3A_186] {strides = array<i32>} : memref<128x64xf32, #tpu.memory_space<vmem>>, vector<16xf32>,
        tpu.vector_store %arg23[%swap3A_185, %swap3A_186], %bitcast3A_180 {strides = array<i32>} : memref<128x64xf32, #tpu.memory_space<vmem>>, vector<16xf32>,
        %swap3A_188 = arith.index_cast %add3A_172 : i32 to index
        %swap3A_189 = arith.constant 16 : index
        %swap3A_190 = tpu.vector_load %arg23[%swap3A_188, %swap3A_189] {strides = array<i32>} : memref<128x64xf32, #tpu.memory_space<vmem>>, vector<16xf32>,
        tpu.vector_store %arg23[%swap3A_188, %swap3A_189], %bitcast3A_184 {strides = array<i32>} : memref<128x64xf32, #tpu.memory_space<vmem>>, vector<16xf32>,
        %get3A_191 = arith.index_cast %add3A_172 : i32 to index
        %get3A_192 = arith.constant 32 : index
        %get3A_193 = tpu.vector_load %arg19[%get3A_191, %get3A_192] {strides = array<i32>} : memref<128x64xbf16, #tpu.memory_space<vmem>>, vector<32xbf16>,
        %bitcast3A_194 = vector.bitcast %get3A_193 : vector<32xbf16> to vector<16xi32>
        %shift_left3A_195 = arith.constant 16 : i32
        %shift_left3A_196 = vector.broadcast %shift_left3A_195 : i32 to vector<16xi32>
        %shift_left3A_197 = arith.shli %bitcast3A_194, %shift_left3A_196 : vector<16xi32>
        %bitcast3A_198 = vector.bitcast %shift_left3A_197 : vector<16xi32> to vector<16xf32>
        %and3A_199 = arith.constant -65536 : i32
        %and3A_200 = vector.broadcast %and3A_199 : i32 to vector<16xi32>
        %and3A_201 = arith.andi %bitcast3A_194, %and3A_200 : vector<16xi32>
        %bitcast3A_202 = vector.bitcast %and3A_201 : vector<16xi32> to vector<16xf32>
        %swap3A_203 = arith.index_cast %add3A_172 : i32 to index
        %swap3A_204 = arith.constant 32 : index
        %swap3A_205 = tpu.vector_load %arg23[%swap3A_203, %swap3A_204] {strides = array<i32>} : memref<128x64xf32, #tpu.memory_space<vmem>>, vector<16xf32>,
        tpu.vector_store %arg23[%swap3A_203, %swap3A_204], %bitcast3A_198 {strides = array<i32>} : memref<128x64xf32, #tpu.memory_space<vmem>>, vector<16xf32>,
        %swap3A_206 = arith.index_cast %add3A_172 : i32 to index
        %swap3A_207 = arith.constant 48 : index
        %swap3A_208 = tpu.vector_load %arg23[%swap3A_206, %swap3A_207] {strides = array<i32>} : memref<128x64xf32, #tpu.memory_space<vmem>>, vector<16xf32>,
        tpu.vector_store %arg23[%swap3A_206, %swap3A_207], %bitcast3A_202 {strides = array<i32>} : memref<128x64xf32, #tpu.memory_space<vmem>>, vector<16xf32>,
        %add3A_209 = arith.constant 2 : i32
        %add3A_210 = arith.addi %add3A_137, %add3A_209 : i32
        %get3A_211 = arith.index_cast %add3A_210 : i32 to index
        %get3A_212 = arith.constant 0 : index
        %get3A_213 = tpu.vector_load %arg19[%get3A_211, %get3A_212] {strides = array<i32>} : memref<128x64xbf16, #tpu.memory_space<vmem>>, vector<32xbf16>,
        %bitcast3A_214 = vector.bitcast %get3A_213 : vector<32xbf16> to vector<16xi32>
        %shift_left3A_215 = arith.constant 16 : i32
        %shift_left3A_216 = vector.broadcast %shift_left3A_215 : i32 to vector<16xi32>
        %shift_left3A_217 = arith.shli %bitcast3A_214, %shift_left3A_216 : vector<16xi32>
        %bitcast3A_218 = vector.bitcast %shift_left3A_217 : vector<16xi32> to vector<16xf32>
        %and3A_219 = arith.constant -65536 : i32
        %and3A_220 = vector.broadcast %and3A_219 : i32 to vector<16xi32>
        %and3A_221 = arith.andi %bitcast3A_214, %and3A_220 : vector<16xi32>
        %bitcast3A_222 = vector.bitcast %and3A_221 : vector<16xi32> to vector<16xf32>
        %swap3A_223 = arith.index_cast %add3A_210 : i32 to index
        %swap3A_224 = arith.constant 0 : index
        %swap3A_225 = tpu.vector_load %arg23[%swap3A_223, %swap3A_224] {strides = array<i32>} : memref<128x64xf32, #tpu.memory_space<vmem>>, vector<16xf32>,
        tpu.vector_store %arg23[%swap3A_223, %swap3A_224], %bitcast3A_218 {strides = array<i32>} : memref<128x64xf32, #tpu.memory_space<vmem>>, vector<16xf32>,
        %swap3A_226 = arith.index_cast %add3A_210 : i32 to index
        %swap3A_227 = arith.constant 16 : index
        %swap3A_228 = tpu.vector_load %arg23[%swap3A_226, %swap3A_227] {strides = array<i32>} : memref<128x64xf32, #tpu.memory_space<vmem>>, vector<16xf32>,
        tpu.vector_store %arg23[%swap3A_226, %swap3A_227], %bitcast3A_222 {strides = array<i32>} : memref<128x64xf32, #tpu.memory_space<vmem>>, vector<16xf32>,
        %get3A_229 = arith.index_cast %add3A_210 : i32 to index
        %get3A_230 = arith.constant 32 : index
        %get3A_231 = tpu.vector_load %arg19[%get3A_229, %get3A_230] {strides = array<i32>} : memref<128x64xbf16, #tpu.memory_space<vmem>>, vector<32xbf16>,
        %bitcast3A_232 = vector.bitcast %get3A_231 : vector<32xbf16> to vector<16xi32>
        %shift_left3A_233 = arith.constant 16 : i32
        %shift_left3A_234 = vector.broadcast %shift_left3A_233 : i32 to vector<16xi32>
        %shift_left3A_235 = arith.shli %bitcast3A_232, %shift_left3A_234 : vector<16xi32>
        %bitcast3A_236 = vector.bitcast %shift_left3A_235 : vector<16xi32> to vector<16xf32>
        %and3A_237 = arith.constant -65536 : i32
        %and3A_238 = vector.broadcast %and3A_237 : i32 to vector<16xi32>
        %and3A_239 = arith.andi %bitcast3A_232, %and3A_238 : vector<16xi32>
        %bitcast3A_240 = vector.bitcast %and3A_239 : vector<16xi32> to vector<16xf32>
        %swap3A_241 = arith.index_cast %add3A_210 : i32 to index
        %swap3A_242 = arith.constant 32 : index
        %swap3A_243 = tpu.vector_load %arg23[%swap3A_241, %swap3A_242] {strides = array<i32>} : memref<128x64xf32, #tpu.memory_space<vmem>>, vector<16xf32>,
        tpu.vector_store %arg23[%swap3A_241, %swap3A_242], %bitcast3A_236 {strides = array<i32>} : memref<128x64xf32, #tpu.memory_space<vmem>>, vector<16xf32>,
        %swap3A_244 = arith.index_cast %add3A_210 : i32 to index
        %swap3A_245 = arith.constant 48 : index
        %swap3A_246 = tpu.vector_load %arg23[%swap3A_244, %swap3A_245] {strides = array<i32>} : memref<128x64xf32, #tpu.memory_space<vmem>>, vector<16xf32>,
        tpu.vector_store %arg23[%swap3A_244, %swap3A_245], %bitcast3A_240 {strides = array<i32>} : memref<128x64xf32, #tpu.memory_space<vmem>>, vector<16xf32>,
        %add3A_247 = arith.constant 3 : i32
        %add3A_248 = arith.addi %add3A_137, %add3A_247 : i32
        %get3A_249 = arith.index_cast %add3A_248 : i32 to index
        %get3A_250 = arith.constant 0 : index
        %get3A_251 = tpu.vector_load %arg19[%get3A_249, %get3A_250] {strides = array<i32>} : memref<128x64xbf16, #tpu.memory_space<vmem>>, vector<32xbf16>,
        %bitcast3A_252 = vector.bitcast %get3A_251 : vector<32xbf16> to vector<16xi32>
        %shift_left3A_253 = arith.constant 16 : i32
        %shift_left3A_254 = vector.broadcast %shift_left3A_253 : i32 to vector<16xi32>
        %shift_left3A_255 = arith.shli %bitcast3A_252, %shift_left3A_254 : vector<16xi32>
        %bitcast3A_256 = vector.bitcast %shift_left3A_255 : vector<16xi32> to vector<16xf32>
        %and3A_257 = arith.constant -65536 : i32
        %and3A_258 = vector.broadcast %and3A_257 : i32 to vector<16xi32>
        %and3A_259 = arith.andi %bitcast3A_252, %and3A_258 : vector<16xi32>
        %bitcast3A_260 = vector.bitcast %and3A_259 : vector<16xi32> to vector<16xf32>
        %swap3A_261 = arith.index_cast %add3A_248 : i32 to index
        %swap3A_262 = arith.constant 0 : index
        %swap3A_263 = tpu.vector_load %arg23[%swap3A_261, %swap3A_262] {strides = array<i32>} : memref<128x64xf32, #tpu.memory_space<vmem>>, vector<16xf32>,
        tpu.vector_store %arg23[%swap3A_261, %swap3A_262], %bitcast3A_256 {strides = array<i32>} : memref<128x64xf32, #tpu.memory_space<vmem>>, vector<16xf32>,
        %swap3A_264 = arith.index_cast %add3A_248 : i32 to index
        %swap3A_265 = arith.constant 16 : index
        %swap3A_266 = tpu.vector_load %arg23[%swap3A_264, %swap3A_265] {strides = array<i32>} : memref<128x64xf32, #tpu.memory_space<vmem>>, vector<16xf32>,
        tpu.vector_store %arg23[%swap3A_264, %swap3A_265], %bitcast3A_260 {strides = array<i32>} : memref<128x64xf32, #tpu.memory_space<vmem>>, vector<16xf32>,
        %get3A_267 = arith.index_cast %add3A_248 : i32 to index
        %get3A_268 = arith.constant 32 : index
        %get3A_269 = tpu.vector_load %arg19[%get3A_267, %get3A_268] {strides = array<i32>} : memref<128x64xbf16, #tpu.memory_space<vmem>>, vector<32xbf16>,
        %bitcast3A_270 = vector.bitcast %get3A_269 : vector<32xbf16> to vector<16xi32>
        %shift_left3A_271 = arith.constant 16 : i32
        %shift_left3A_272 = vector.broadcast %shift_left3A_271 : i32 to vector<16xi32>
        %shift_left3A_273 = arith.shli %bitcast3A_270, %shift_left3A_272 : vector<16xi32>
        %bitcast3A_274 = vector.bitcast %shift_left3A_273 : vector<16xi32> to vector<16xf32>
        %and3A_275 = arith.constant -65536 : i32
        %and3A_276 = vector.broadcast %and3A_275 : i32 to vector<16xi32>
        %and3A_277 = arith.andi %bitcast3A_270, %and3A_276 : vector<16xi32>
        %bitcast3A_278 = vector.bitcast %and3A_277 : vector<16xi32> to vector<16xf32>
        %swap3A_279 = arith.index_cast %add3A_248 : i32 to index
        %swap3A_280 = arith.constant 32 : index
        %swap3A_281 = tpu.vector_load %arg23[%swap3A_279, %swap3A_280] {strides = array<i32>} : memref<128x64xf32, #tpu.memory_space<vmem>>, vector<16xf32>,
        tpu.vector_store %arg23[%swap3A_279, %swap3A_280], %bitcast3A_274 {strides = array<i32>} : memref<128x64xf32, #tpu.memory_space<vmem>>, vector<16xf32>,
        %swap3A_282 = arith.index_cast %add3A_248 : i32 to index
        %swap3A_283 = arith.constant 48 : index
        %swap3A_284 = tpu.vector_load %arg23[%swap3A_282, %swap3A_283] {strides = array<i32>} : memref<128x64xf32, #tpu.memory_space<vmem>>, vector<16xf32>,
        tpu.vector_store %arg23[%swap3A_282, %swap3A_283], %bitcast3A_278 {strides = array<i32>} : memref<128x64xf32, #tpu.memory_space<vmem>>, vector<16xf32>,
      }
      %scan3A_79 = arith.constant 32 : i32
      "tpu.region"() ({
        %run_scoped3A = tpu.sem_alloc : memref<!tpu.dma_semaphore, #tpu.memory_space<semaphore_mem>>
        %dma_start3A_133 = arith.constant 0 : i32
        %dma_start3A_134 = arith.constant 0 : i32
        %dma_start3A_135 = tpu.memref_slice %arg26[%dma_start3A_133, %dma_start3A_134] : memref<10016x64xf32, #tpu.memory_space<vmem_shared>> -> memref<10016x64xf32, #tpu.memory_space<vmem_shared>>
        tpu.enqueue_indirect_dma source(%arg23 : memref<128x64xf32, #tpu.memory_space<vmem>>) target(%dma_start3A_135 : memref<10016x64xf32, #tpu.memory_space<vmem_shared>>) offsets(%arg14 : memref<128xi32, #tpu.memory_space<vmem>>) semaphore(%run_scoped3A : memref<!tpu.dma_semaphore, #tpu.memory_space<semaphore_mem>>) {add = true}
        %dma_wait3A_136 = arith.constant 0 : i32
        %dma_wait3A_137 = arith.constant 0 : i32
        %dma_wait3A_138 = tpu.memref_slice %arg26[%dma_wait3A_136, %dma_wait3A_137] : memref<10016x64xf32, #tpu.memory_space<vmem_shared>> -> memref<10016x64xf32, #tpu.memory_space<vmem_shared>>
        tpu.wait_indirect_dma semaphore(%run_scoped3A : memref<!tpu.dma_semaphore, #tpu.memory_space<semaphore_mem>>) src(%arg23 : memref<128x64xf32, #tpu.memory_space<vmem>>) dst(%dma_wait3A_138 : memref<10016x64xf32, #tpu.memory_space<vmem_shared>>)
        tpu.yield
      }) : () -> ()
      %add3A_80 = arith.constant 5 : i32
      %add3A_81 = arith.addi %add3A_71, %add3A_80 : i32
      %lt3A_82 = arith.constant 80 : i32
      %lt3A_83 = arith.cmpi slt, %add3A_81, %lt3A_82 : i32
      %convert_element_type3A_84 = arith.extui %lt3A_83 : i1 to i32
      %cond3A_85 = arith.constant 0 : i32
      %cond3A_86 = arith.cmpi ne, %convert_element_type3A_84, %cond3A_85 : i32
      scf.if %cond3A_86 {
        %add3A_133 = arith.constant 5 : i32
        %add3A_134 = arith.addi %add3A_71, %add3A_133 : i32
        %scan3A_135 = arith.constant 0 : i32
        %scan3A_136 = arith.constant 8 : i32
        %scan3A_137 = arith.addi %scan3A_135, %scan3A_136 : i32
        %scan3A_138 = arith.constant 1 : i32
        scf.for %scan3A_143 = %scan3A_135 to %scan3A_137 step %scan3A_138  : i32 {
          %mul3A_144 = arith.constant 16 : i32
          %mul3A_145 = arith.muli %scan3A_143, %mul3A_144 : i32
          %add3A_146 = arith.constant 0 : i32
          %add3A_147 = arith.addi %add3A_146, %mul3A_145 : i32
          %get3A = arith.index_cast %add3A_134 : i32 to index
          %get3A_148 = arith.index_cast %add3A_147 : i32 to index
          %get3A_149 = tpu.vector_load %arg7[%get3A, %get3A_148] {strides = array<i32>} : memref<80x128xi32, #tpu.memory_space<vmem>>, vector<16xi32>,
          %and3A = arith.constant 65535 : i32
          %and3A_150 = vector.broadcast %and3A : i32 to vector<16xi32>
          %and3A_151 = arith.andi %get3A_149, %and3A_150 : vector<16xi32>
          %swap3A = arith.index_cast %add3A_147 : i32 to index
          %swap3A_152 = tpu.vector_load %arg9[%swap3A] {strides = array<i32>} : memref<128xi32, #tpu.memory_space<vmem>>, vector<16xi32>,
          tpu.vector_store %arg9[%swap3A], %and3A_151 {strides = array<i32>} : memref<128xi32, #tpu.memory_space<vmem>>, vector<16xi32>,
          %shift_right_logical3A = arith.constant 16 : i32
          %shift_right_logical3A_153 = vector.broadcast %shift_right_logical3A : i32 to vector<16xi32>
          %shift_right_logical3A_154 = arith.shrui %get3A_149, %shift_right_logical3A_153 : vector<16xi32>
          %swap3A_155 = arith.index_cast %add3A_147 : i32 to index
          %swap3A_156 = tpu.vector_load %arg14[%swap3A_155] {strides = array<i32>} : memref<128xi32, #tpu.memory_space<vmem>>, vector<16xi32>,
          tpu.vector_store %arg14[%swap3A_155], %shift_right_logical3A_154 {strides = array<i32>} : memref<128xi32, #tpu.memory_space<vmem>>, vector<16xi32>,
        }
        %scan3A_139 = arith.constant 8 : i32
        %dma_start3A_140 = arith.constant 0 : i32
        %dma_start3A_141 = arith.constant 0 : i32
        %dma_start3A_142 = tpu.memref_slice %arg27[%dma_start3A_140, %dma_start3A_141] : memref<10000x64xbf16, #tpu.memory_space<vmem_shared>> -> memref<10000x64xbf16, #tpu.memory_space<vmem_shared>>
        tpu.enqueue_indirect_dma source(%dma_start3A_142 : memref<10000x64xbf16, #tpu.memory_space<vmem_shared>>) target(%arg19 : memref<128x64xbf16, #tpu.memory_space<vmem>>) offsets(%arg9 : memref<128xi32, #tpu.memory_space<vmem>>) semaphore(%arg29 : memref<!tpu.dma_semaphore, #tpu.memory_space<semaphore_mem>>)
      } else {
      }
      %add3A_87 = arith.constant 2 : i32
      %add3A_88 = arith.addi %add3A_61, %add3A_87 : i32
      %dma_wait3A_89 = arith.constant 0 : i32
      %dma_wait3A_90 = arith.constant 0 : i32
      %dma_wait3A_91 = tpu.memref_slice %arg2[%dma_wait3A_89, %dma_wait3A_90] : memref<10000x64xf32, #tpu.memory_space<hbm>> -> memref<10000x64xf32, #tpu.memory_space<hbm>>
      tpu.wait_indirect_dma semaphore(%arg30 : memref<!tpu.dma_semaphore, #tpu.memory_space<semaphore_mem>>) src(%dma_wait3A_91 : memref<10000x64xf32, #tpu.memory_space<hbm>>) dst(%arg20 : memref<128x64xf32, #tpu.memory_space<vmem>>)
      "tpu.region"() ({
        %run_scoped3A = tpu.sem_alloc : memref<!tpu.dma_semaphore, #tpu.memory_space<semaphore_mem>>
        %dma_start3A_133 = arith.constant 0 : i32
        %dma_start3A_134 = arith.constant 0 : i32
        %dma_start3A_135 = tpu.memref_slice %arg26[%dma_start3A_133, %dma_start3A_134] : memref<10016x64xf32, #tpu.memory_space<vmem_shared>> -> memref<10016x64xf32, #tpu.memory_space<vmem_shared>>
        tpu.enqueue_indirect_dma source(%arg20 : memref<128x64xf32, #tpu.memory_space<vmem>>) target(%dma_start3A_135 : memref<10016x64xf32, #tpu.memory_space<vmem_shared>>) offsets(%arg15 : memref<128xi32, #tpu.memory_space<vmem>>) semaphore(%run_scoped3A : memref<!tpu.dma_semaphore, #tpu.memory_space<semaphore_mem>>) {add = true}
        %dma_wait3A_136 = arith.constant 0 : i32
        %dma_wait3A_137 = arith.constant 0 : i32
        %dma_wait3A_138 = tpu.memref_slice %arg26[%dma_wait3A_136, %dma_wait3A_137] : memref<10016x64xf32, #tpu.memory_space<vmem_shared>> -> memref<10016x64xf32, #tpu.memory_space<vmem_shared>>
        tpu.wait_indirect_dma semaphore(%run_scoped3A : memref<!tpu.dma_semaphore, #tpu.memory_space<semaphore_mem>>) src(%arg20 : memref<128x64xf32, #tpu.memory_space<vmem>>) dst(%dma_wait3A_138 : memref<10016x64xf32, #tpu.memory_space<vmem_shared>>)
        tpu.yield
      }) : () -> ()
      %add3A_92 = arith.constant 5 : i32
      %add3A_93 = arith.addi %add3A_88, %add3A_92 : i32
      %lt3A_94 = arith.constant 80 : i32
      %lt3A_95 = arith.cmpi slt, %add3A_93, %lt3A_94 : i32
      %convert_element_type3A_96 = arith.extui %lt3A_95 : i1 to i32
      %cond3A_97 = arith.constant 0 : i32
      %cond3A_98 = arith.cmpi ne, %convert_element_type3A_96, %cond3A_97 : i32
      scf.if %cond3A_98 {
        %add3A_133 = arith.constant 5 : i32
        %add3A_134 = arith.addi %add3A_88, %add3A_133 : i32
        %scan3A_135 = arith.constant 0 : i32
        %scan3A_136 = arith.constant 8 : i32
        %scan3A_137 = arith.addi %scan3A_135, %scan3A_136 : i32
        %scan3A_138 = arith.constant 1 : i32
        scf.for %scan3A_143 = %scan3A_135 to %scan3A_137 step %scan3A_138  : i32 {
          %mul3A_144 = arith.constant 16 : i32
          %mul3A_145 = arith.muli %scan3A_143, %mul3A_144 : i32
          %add3A_146 = arith.constant 0 : i32
          %add3A_147 = arith.addi %add3A_146, %mul3A_145 : i32
          %get3A = arith.index_cast %add3A_134 : i32 to index
          %get3A_148 = arith.index_cast %add3A_147 : i32 to index
          %get3A_149 = tpu.vector_load %arg7[%get3A, %get3A_148] {strides = array<i32>} : memref<80x128xi32, #tpu.memory_space<vmem>>, vector<16xi32>,
          %and3A = arith.constant 65535 : i32
          %and3A_150 = vector.broadcast %and3A : i32 to vector<16xi32>
          %and3A_151 = arith.andi %get3A_149, %and3A_150 : vector<16xi32>
          %swap3A = arith.index_cast %add3A_147 : i32 to index
          %swap3A_152 = tpu.vector_load %arg10[%swap3A] {strides = array<i32>} : memref<128xi32, #tpu.memory_space<vmem>>, vector<16xi32>,
          tpu.vector_store %arg10[%swap3A], %and3A_151 {strides = array<i32>} : memref<128xi32, #tpu.memory_space<vmem>>, vector<16xi32>,
          %shift_right_logical3A = arith.constant 16 : i32
          %shift_right_logical3A_153 = vector.broadcast %shift_right_logical3A : i32 to vector<16xi32>
          %shift_right_logical3A_154 = arith.shrui %get3A_149, %shift_right_logical3A_153 : vector<16xi32>
          %swap3A_155 = arith.index_cast %add3A_147 : i32 to index
          %swap3A_156 = tpu.vector_load %arg15[%swap3A_155] {strides = array<i32>} : memref<128xi32, #tpu.memory_space<vmem>>, vector<16xi32>,
          tpu.vector_store %arg15[%swap3A_155], %shift_right_logical3A_154 {strides = array<i32>} : memref<128xi32, #tpu.memory_space<vmem>>, vector<16xi32>,
        }
        %scan3A_139 = arith.constant 8 : i32
        %dma_start3A_140 = arith.constant 0 : i32
        %dma_start3A_141 = arith.constant 0 : i32
        %dma_start3A_142 = tpu.memref_slice %arg2[%dma_start3A_140, %dma_start3A_141] : memref<10000x64xf32, #tpu.memory_space<hbm>> -> memref<10000x64xf32, #tpu.memory_space<hbm>>
        tpu.enqueue_indirect_dma source(%dma_start3A_142 : memref<10000x64xf32, #tpu.memory_space<hbm>>) target(%arg20 : memref<128x64xf32, #tpu.memory_space<vmem>>) offsets(%arg10 : memref<128xi32, #tpu.memory_space<vmem>>) semaphore(%arg30 : memref<!tpu.dma_semaphore, #tpu.memory_space<semaphore_mem>>)
      } else {
      }
      %add3A_99 = arith.constant 3 : i32
      %add3A_100 = arith.addi %add3A_61, %add3A_99 : i32
      %dma_wait3A_101 = arith.constant 0 : i32
      %dma_wait3A_102 = arith.constant 0 : i32
      %dma_wait3A_103 = tpu.memref_slice %arg27[%dma_wait3A_101, %dma_wait3A_102] : memref<10000x64xbf16, #tpu.memory_space<vmem_shared>> -> memref<10000x64xbf16, #tpu.memory_space<vmem_shared>>
      tpu.wait_indirect_dma semaphore(%arg31 : memref<!tpu.dma_semaphore, #tpu.memory_space<semaphore_mem>>) src(%dma_wait3A_103 : memref<10000x64xbf16, #tpu.memory_space<vmem_shared>>) dst(%arg21 : memref<128x64xbf16, #tpu.memory_space<vmem>>)
      %scan3A_104 = arith.constant 0 : i32
      %scan3A_105 = arith.constant 32 : i32
      %scan3A_106 = arith.addi %scan3A_104, %scan3A_105 : i32
      %scan3A_107 = arith.constant 1 : i32
      scf.for %scan3A_133 = %scan3A_104 to %scan3A_106 step %scan3A_107  : i32 {
        %mul3A_134 = arith.constant 4 : i32
        %mul3A_135 = arith.muli %scan3A_133, %mul3A_134 : i32
        %add3A_136 = arith.constant 0 : i32
        %add3A_137 = arith.addi %add3A_136, %mul3A_135 : i32
        %add3A_138 = arith.constant 0 : i32
        %add3A_139 = arith.addi %add3A_137, %add3A_138 : i32
        %get3A = arith.index_cast %add3A_139 : i32 to index
        %get3A_140 = arith.constant 0 : index
        %get3A_141 = tpu.vector_load %arg21[%get3A, %get3A_140] {strides = array<i32>} : memref<128x64xbf16, #tpu.memory_space<vmem>>, vector<32xbf16>,
        %bitcast3A = vector.bitcast %get3A_141 : vector<32xbf16> to vector<16xi32>
        %shift_left3A = arith.constant 16 : i32
        %shift_left3A_142 = vector.broadcast %shift_left3A : i32 to vector<16xi32>
        %shift_left3A_143 = arith.shli %bitcast3A, %shift_left3A_142 : vector<16xi32>
        %bitcast3A_144 = vector.bitcast %shift_left3A_143 : vector<16xi32> to vector<16xf32>
        %and3A = arith.constant -65536 : i32
        %and3A_145 = vector.broadcast %and3A : i32 to vector<16xi32>
        %and3A_146 = arith.andi %bitcast3A, %and3A_145 : vector<16xi32>
        %bitcast3A_147 = vector.bitcast %and3A_146 : vector<16xi32> to vector<16xf32>
        %swap3A = arith.index_cast %add3A_139 : i32 to index
        %swap3A_148 = arith.constant 0 : index
        %swap3A_149 = tpu.vector_load %arg24[%swap3A, %swap3A_148] {strides = array<i32>} : memref<128x64xf32, #tpu.memory_space<vmem>>, vector<16xf32>,
        tpu.vector_store %arg24[%swap3A, %swap3A_148], %bitcast3A_144 {strides = array<i32>} : memref<128x64xf32, #tpu.memory_space<vmem>>, vector<16xf32>,
        %swap3A_150 = arith.index_cast %add3A_139 : i32 to index
        %swap3A_151 = arith.constant 16 : index
        %swap3A_152 = tpu.vector_load %arg24[%swap3A_150, %swap3A_151] {strides = array<i32>} : memref<128x64xf32, #tpu.memory_space<vmem>>, vector<16xf32>,
        tpu.vector_store %arg24[%swap3A_150, %swap3A_151], %bitcast3A_147 {strides = array<i32>} : memref<128x64xf32, #tpu.memory_space<vmem>>, vector<16xf32>,
        %get3A_153 = arith.index_cast %add3A_139 : i32 to index
        %get3A_154 = arith.constant 32 : index
        %get3A_155 = tpu.vector_load %arg21[%get3A_153, %get3A_154] {strides = array<i32>} : memref<128x64xbf16, #tpu.memory_space<vmem>>, vector<32xbf16>,
        %bitcast3A_156 = vector.bitcast %get3A_155 : vector<32xbf16> to vector<16xi32>
        %shift_left3A_157 = arith.constant 16 : i32
        %shift_left3A_158 = vector.broadcast %shift_left3A_157 : i32 to vector<16xi32>
        %shift_left3A_159 = arith.shli %bitcast3A_156, %shift_left3A_158 : vector<16xi32>
        %bitcast3A_160 = vector.bitcast %shift_left3A_159 : vector<16xi32> to vector<16xf32>
        %and3A_161 = arith.constant -65536 : i32
        %and3A_162 = vector.broadcast %and3A_161 : i32 to vector<16xi32>
        %and3A_163 = arith.andi %bitcast3A_156, %and3A_162 : vector<16xi32>
        %bitcast3A_164 = vector.bitcast %and3A_163 : vector<16xi32> to vector<16xf32>
        %swap3A_165 = arith.index_cast %add3A_139 : i32 to index
        %swap3A_166 = arith.constant 32 : index
        %swap3A_167 = tpu.vector_load %arg24[%swap3A_165, %swap3A_166] {strides = array<i32>} : memref<128x64xf32, #tpu.memory_space<vmem>>, vector<16xf32>,
        tpu.vector_store %arg24[%swap3A_165, %swap3A_166], %bitcast3A_160 {strides = array<i32>} : memref<128x64xf32, #tpu.memory_space<vmem>>, vector<16xf32>,
        %swap3A_168 = arith.index_cast %add3A_139 : i32 to index
        %swap3A_169 = arith.constant 48 : index
        %swap3A_170 = tpu.vector_load %arg24[%swap3A_168, %swap3A_169] {strides = array<i32>} : memref<128x64xf32, #tpu.memory_space<vmem>>, vector<16xf32>,
        tpu.vector_store %arg24[%swap3A_168, %swap3A_169], %bitcast3A_164 {strides = array<i32>} : memref<128x64xf32, #tpu.memory_space<vmem>>, vector<16xf32>,
        %add3A_171 = arith.constant 1 : i32
        %add3A_172 = arith.addi %add3A_137, %add3A_171 : i32
        %get3A_173 = arith.index_cast %add3A_172 : i32 to index
        %get3A_174 = arith.constant 0 : index
        %get3A_175 = tpu.vector_load %arg21[%get3A_173, %get3A_174] {strides = array<i32>} : memref<128x64xbf16, #tpu.memory_space<vmem>>, vector<32xbf16>,
        %bitcast3A_176 = vector.bitcast %get3A_175 : vector<32xbf16> to vector<16xi32>
        %shift_left3A_177 = arith.constant 16 : i32
        %shift_left3A_178 = vector.broadcast %shift_left3A_177 : i32 to vector<16xi32>
        %shift_left3A_179 = arith.shli %bitcast3A_176, %shift_left3A_178 : vector<16xi32>
        %bitcast3A_180 = vector.bitcast %shift_left3A_179 : vector<16xi32> to vector<16xf32>
        %and3A_181 = arith.constant -65536 : i32
        %and3A_182 = vector.broadcast %and3A_181 : i32 to vector<16xi32>
        %and3A_183 = arith.andi %bitcast3A_176, %and3A_182 : vector<16xi32>
        %bitcast3A_184 = vector.bitcast %and3A_183 : vector<16xi32> to vector<16xf32>
        %swap3A_185 = arith.index_cast %add3A_172 : i32 to index
        %swap3A_186 = arith.constant 0 : index
        %swap3A_187 = tpu.vector_load %arg24[%swap3A_185, %swap3A_186] {strides = array<i32>} : memref<128x64xf32, #tpu.memory_space<vmem>>, vector<16xf32>,
        tpu.vector_store %arg24[%swap3A_185, %swap3A_186], %bitcast3A_180 {strides = array<i32>} : memref<128x64xf32, #tpu.memory_space<vmem>>, vector<16xf32>,
        %swap3A_188 = arith.index_cast %add3A_172 : i32 to index
        %swap3A_189 = arith.constant 16 : index
        %swap3A_190 = tpu.vector_load %arg24[%swap3A_188, %swap3A_189] {strides = array<i32>} : memref<128x64xf32, #tpu.memory_space<vmem>>, vector<16xf32>,
        tpu.vector_store %arg24[%swap3A_188, %swap3A_189], %bitcast3A_184 {strides = array<i32>} : memref<128x64xf32, #tpu.memory_space<vmem>>, vector<16xf32>,
        %get3A_191 = arith.index_cast %add3A_172 : i32 to index
        %get3A_192 = arith.constant 32 : index
        %get3A_193 = tpu.vector_load %arg21[%get3A_191, %get3A_192] {strides = array<i32>} : memref<128x64xbf16, #tpu.memory_space<vmem>>, vector<32xbf16>,
        %bitcast3A_194 = vector.bitcast %get3A_193 : vector<32xbf16> to vector<16xi32>
        %shift_left3A_195 = arith.constant 16 : i32
        %shift_left3A_196 = vector.broadcast %shift_left3A_195 : i32 to vector<16xi32>
        %shift_left3A_197 = arith.shli %bitcast3A_194, %shift_left3A_196 : vector<16xi32>
        %bitcast3A_198 = vector.bitcast %shift_left3A_197 : vector<16xi32> to vector<16xf32>
        %and3A_199 = arith.constant -65536 : i32
        %and3A_200 = vector.broadcast %and3A_199 : i32 to vector<16xi32>
        %and3A_201 = arith.andi %bitcast3A_194, %and3A_200 : vector<16xi32>
        %bitcast3A_202 = vector.bitcast %and3A_201 : vector<16xi32> to vector<16xf32>
        %swap3A_203 = arith.index_cast %add3A_172 : i32 to index
        %swap3A_204 = arith.constant 32 : index
        %swap3A_205 = tpu.vector_load %arg24[%swap3A_203, %swap3A_204] {strides = array<i32>} : memref<128x64xf32, #tpu.memory_space<vmem>>, vector<16xf32>,
        tpu.vector_store %arg24[%swap3A_203, %swap3A_204], %bitcast3A_198 {strides = array<i32>} : memref<128x64xf32, #tpu.memory_space<vmem>>, vector<16xf32>,
        %swap3A_206 = arith.index_cast %add3A_172 : i32 to index
        %swap3A_207 = arith.constant 48 : index
        %swap3A_208 = tpu.vector_load %arg24[%swap3A_206, %swap3A_207] {strides = array<i32>} : memref<128x64xf32, #tpu.memory_space<vmem>>, vector<16xf32>,
        tpu.vector_store %arg24[%swap3A_206, %swap3A_207], %bitcast3A_202 {strides = array<i32>} : memref<128x64xf32, #tpu.memory_space<vmem>>, vector<16xf32>,
        %add3A_209 = arith.constant 2 : i32
        %add3A_210 = arith.addi %add3A_137, %add3A_209 : i32
        %get3A_211 = arith.index_cast %add3A_210 : i32 to index
        %get3A_212 = arith.constant 0 : index
        %get3A_213 = tpu.vector_load %arg21[%get3A_211, %get3A_212] {strides = array<i32>} : memref<128x64xbf16, #tpu.memory_space<vmem>>, vector<32xbf16>,
        %bitcast3A_214 = vector.bitcast %get3A_213 : vector<32xbf16> to vector<16xi32>
        %shift_left3A_215 = arith.constant 16 : i32
        %shift_left3A_216 = vector.broadcast %shift_left3A_215 : i32 to vector<16xi32>
        %shift_left3A_217 = arith.shli %bitcast3A_214, %shift_left3A_216 : vector<16xi32>
        %bitcast3A_218 = vector.bitcast %shift_left3A_217 : vector<16xi32> to vector<16xf32>
        %and3A_219 = arith.constant -65536 : i32
        %and3A_220 = vector.broadcast %and3A_219 : i32 to vector<16xi32>
        %and3A_221 = arith.andi %bitcast3A_214, %and3A_220 : vector<16xi32>
        %bitcast3A_222 = vector.bitcast %and3A_221 : vector<16xi32> to vector<16xf32>
        %swap3A_223 = arith.index_cast %add3A_210 : i32 to index
        %swap3A_224 = arith.constant 0 : index
        %swap3A_225 = tpu.vector_load %arg24[%swap3A_223, %swap3A_224] {strides = array<i32>} : memref<128x64xf32, #tpu.memory_space<vmem>>, vector<16xf32>,
        tpu.vector_store %arg24[%swap3A_223, %swap3A_224], %bitcast3A_218 {strides = array<i32>} : memref<128x64xf32, #tpu.memory_space<vmem>>, vector<16xf32>,
        %swap3A_226 = arith.index_cast %add3A_210 : i32 to index
        %swap3A_227 = arith.constant 16 : index
        %swap3A_228 = tpu.vector_load %arg24[%swap3A_226, %swap3A_227] {strides = array<i32>} : memref<128x64xf32, #tpu.memory_space<vmem>>, vector<16xf32>,
        tpu.vector_store %arg24[%swap3A_226, %swap3A_227], %bitcast3A_222 {strides = array<i32>} : memref<128x64xf32, #tpu.memory_space<vmem>>, vector<16xf32>,
        %get3A_229 = arith.index_cast %add3A_210 : i32 to index
        %get3A_230 = arith.constant 32 : index
        %get3A_231 = tpu.vector_load %arg21[%get3A_229, %get3A_230] {strides = array<i32>} : memref<128x64xbf16, #tpu.memory_space<vmem>>, vector<32xbf16>,
        %bitcast3A_232 = vector.bitcast %get3A_231 : vector<32xbf16> to vector<16xi32>
        %shift_left3A_233 = arith.constant 16 : i32
        %shift_left3A_234 = vector.broadcast %shift_left3A_233 : i32 to vector<16xi32>
        %shift_left3A_235 = arith.shli %bitcast3A_232, %shift_left3A_234 : vector<16xi32>
        %bitcast3A_236 = vector.bitcast %shift_left3A_235 : vector<16xi32> to vector<16xf32>
        %and3A_237 = arith.constant -65536 : i32
        %and3A_238 = vector.broadcast %and3A_237 : i32 to vector<16xi32>
        %and3A_239 = arith.andi %bitcast3A_232, %and3A_238 : vector<16xi32>
        %bitcast3A_240 = vector.bitcast %and3A_239 : vector<16xi32> to vector<16xf32>
        %swap3A_241 = arith.index_cast %add3A_210 : i32 to index
        %swap3A_242 = arith.constant 32 : index
        %swap3A_243 = tpu.vector_load %arg24[%swap3A_241, %swap3A_242] {strides = array<i32>} : memref<128x64xf32, #tpu.memory_space<vmem>>, vector<16xf32>,
        tpu.vector_store %arg24[%swap3A_241, %swap3A_242], %bitcast3A_236 {strides = array<i32>} : memref<128x64xf32, #tpu.memory_space<vmem>>, vector<16xf32>,
        %swap3A_244 = arith.index_cast %add3A_210 : i32 to index
        %swap3A_245 = arith.constant 48 : index
        %swap3A_246 = tpu.vector_load %arg24[%swap3A_244, %swap3A_245] {strides = array<i32>} : memref<128x64xf32, #tpu.memory_space<vmem>>, vector<16xf32>,
        tpu.vector_store %arg24[%swap3A_244, %swap3A_245], %bitcast3A_240 {strides = array<i32>} : memref<128x64xf32, #tpu.memory_space<vmem>>, vector<16xf32>,
        %add3A_247 = arith.constant 3 : i32
        %add3A_248 = arith.addi %add3A_137, %add3A_247 : i32
        %get3A_249 = arith.index_cast %add3A_248 : i32 to index
        %get3A_250 = arith.constant 0 : index
        %get3A_251 = tpu.vector_load %arg21[%get3A_249, %get3A_250] {strides = array<i32>} : memref<128x64xbf16, #tpu.memory_space<vmem>>, vector<32xbf16>,
        %bitcast3A_252 = vector.bitcast %get3A_251 : vector<32xbf16> to vector<16xi32>
        %shift_left3A_253 = arith.constant 16 : i32
        %shift_left3A_254 = vector.broadcast %shift_left3A_253 : i32 to vector<16xi32>
        %shift_left3A_255 = arith.shli %bitcast3A_252, %shift_left3A_254 : vector<16xi32>
        %bitcast3A_256 = vector.bitcast %shift_left3A_255 : vector<16xi32> to vector<16xf32>
        %and3A_257 = arith.constant -65536 : i32
        %and3A_258 = vector.broadcast %and3A_257 : i32 to vector<16xi32>
        %and3A_259 = arith.andi %bitcast3A_252, %and3A_258 : vector<16xi32>
        %bitcast3A_260 = vector.bitcast %and3A_259 : vector<16xi32> to vector<16xf32>
        %swap3A_261 = arith.index_cast %add3A_248 : i32 to index
        %swap3A_262 = arith.constant 0 : index
        %swap3A_263 = tpu.vector_load %arg24[%swap3A_261, %swap3A_262] {strides = array<i32>} : memref<128x64xf32, #tpu.memory_space<vmem>>, vector<16xf32>,
        tpu.vector_store %arg24[%swap3A_261, %swap3A_262], %bitcast3A_256 {strides = array<i32>} : memref<128x64xf32, #tpu.memory_space<vmem>>, vector<16xf32>,
        %swap3A_264 = arith.index_cast %add3A_248 : i32 to index
        %swap3A_265 = arith.constant 16 : index
        %swap3A_266 = tpu.vector_load %arg24[%swap3A_264, %swap3A_265] {strides = array<i32>} : memref<128x64xf32, #tpu.memory_space<vmem>>, vector<16xf32>,
        tpu.vector_store %arg24[%swap3A_264, %swap3A_265], %bitcast3A_260 {strides = array<i32>} : memref<128x64xf32, #tpu.memory_space<vmem>>, vector<16xf32>,
        %get3A_267 = arith.index_cast %add3A_248 : i32 to index
        %get3A_268 = arith.constant 32 : index
        %get3A_269 = tpu.vector_load %arg21[%get3A_267, %get3A_268] {strides = array<i32>} : memref<128x64xbf16, #tpu.memory_space<vmem>>, vector<32xbf16>,
        %bitcast3A_270 = vector.bitcast %get3A_269 : vector<32xbf16> to vector<16xi32>
        %shift_left3A_271 = arith.constant 16 : i32
        %shift_left3A_272 = vector.broadcast %shift_left3A_271 : i32 to vector<16xi32>
        %shift_left3A_273 = arith.shli %bitcast3A_270, %shift_left3A_272 : vector<16xi32>
        %bitcast3A_274 = vector.bitcast %shift_left3A_273 : vector<16xi32> to vector<16xf32>
        %and3A_275 = arith.constant -65536 : i32
        %and3A_276 = vector.broadcast %and3A_275 : i32 to vector<16xi32>
        %and3A_277 = arith.andi %bitcast3A_270, %and3A_276 : vector<16xi32>
        %bitcast3A_278 = vector.bitcast %and3A_277 : vector<16xi32> to vector<16xf32>
        %swap3A_279 = arith.index_cast %add3A_248 : i32 to index
        %swap3A_280 = arith.constant 32 : index
        %swap3A_281 = tpu.vector_load %arg24[%swap3A_279, %swap3A_280] {strides = array<i32>} : memref<128x64xf32, #tpu.memory_space<vmem>>, vector<16xf32>,
        tpu.vector_store %arg24[%swap3A_279, %swap3A_280], %bitcast3A_274 {strides = array<i32>} : memref<128x64xf32, #tpu.memory_space<vmem>>, vector<16xf32>,
        %swap3A_282 = arith.index_cast %add3A_248 : i32 to index
        %swap3A_283 = arith.constant 48 : index
        %swap3A_284 = tpu.vector_load %arg24[%swap3A_282, %swap3A_283] {strides = array<i32>} : memref<128x64xf32, #tpu.memory_space<vmem>>, vector<16xf32>,
        tpu.vector_store %arg24[%swap3A_282, %swap3A_283], %bitcast3A_278 {strides = array<i32>} : memref<128x64xf32, #tpu.memory_space<vmem>>, vector<16xf32>,
      }
      %scan3A_108 = arith.constant 32 : i32
      "tpu.region"() ({
        %run_scoped3A = tpu.sem_alloc : memref<!tpu.dma_semaphore, #tpu.memory_space<semaphore_mem>>
        %dma_start3A_133 = arith.constant 0 : i32
        %dma_start3A_134 = arith.constant 0 : i32
        %dma_start3A_135 = tpu.memref_slice %arg26[%dma_start3A_133, %dma_start3A_134] : memref<10016x64xf32, #tpu.memory_space<vmem_shared>> -> memref<10016x64xf32, #tpu.memory_space<vmem_shared>>
        tpu.enqueue_indirect_dma source(%arg24 : memref<128x64xf32, #tpu.memory_space<vmem>>) target(%dma_start3A_135 : memref<10016x64xf32, #tpu.memory_space<vmem_shared>>) offsets(%arg16 : memref<128xi32, #tpu.memory_space<vmem>>) semaphore(%run_scoped3A : memref<!tpu.dma_semaphore, #tpu.memory_space<semaphore_mem>>) {add = true}
        %dma_wait3A_136 = arith.constant 0 : i32
        %dma_wait3A_137 = arith.constant 0 : i32
        %dma_wait3A_138 = tpu.memref_slice %arg26[%dma_wait3A_136, %dma_wait3A_137] : memref<10016x64xf32, #tpu.memory_space<vmem_shared>> -> memref<10016x64xf32, #tpu.memory_space<vmem_shared>>
        tpu.wait_indirect_dma semaphore(%run_scoped3A : memref<!tpu.dma_semaphore, #tpu.memory_space<semaphore_mem>>) src(%arg24 : memref<128x64xf32, #tpu.memory_space<vmem>>) dst(%dma_wait3A_138 : memref<10016x64xf32, #tpu.memory_space<vmem_shared>>)
        tpu.yield
      }) : () -> ()
      %add3A_109 = arith.constant 5 : i32
      %add3A_110 = arith.addi %add3A_100, %add3A_109 : i32
      %lt3A_111 = arith.constant 80 : i32
      %lt3A_112 = arith.cmpi slt, %add3A_110, %lt3A_111 : i32
      %convert_element_type3A_113 = arith.extui %lt3A_112 : i1 to i32
      %cond3A_114 = arith.constant 0 : i32
      %cond3A_115 = arith.cmpi ne, %convert_element_type3A_113, %cond3A_114 : i32
      scf.if %cond3A_115 {
        %add3A_133 = arith.constant 5 : i32
        %add3A_134 = arith.addi %add3A_100, %add3A_133 : i32
        %scan3A_135 = arith.constant 0 : i32
        %scan3A_136 = arith.constant 8 : i32
        %scan3A_137 = arith.addi %scan3A_135, %scan3A_136 : i32
        %scan3A_138 = arith.constant 1 : i32
        scf.for %scan3A_143 = %scan3A_135 to %scan3A_137 step %scan3A_138  : i32 {
          %mul3A_144 = arith.constant 16 : i32
          %mul3A_145 = arith.muli %scan3A_143, %mul3A_144 : i32
          %add3A_146 = arith.constant 0 : i32
          %add3A_147 = arith.addi %add3A_146, %mul3A_145 : i32
          %get3A = arith.index_cast %add3A_134 : i32 to index
          %get3A_148 = arith.index_cast %add3A_147 : i32 to index
          %get3A_149 = tpu.vector_load %arg7[%get3A, %get3A_148] {strides = array<i32>} : memref<80x128xi32, #tpu.memory_space<vmem>>, vector<16xi32>,
          %and3A = arith.constant 65535 : i32
          %and3A_150 = vector.broadcast %and3A : i32 to vector<16xi32>
          %and3A_151 = arith.andi %get3A_149, %and3A_150 : vector<16xi32>
          %swap3A = arith.index_cast %add3A_147 : i32 to index
          %swap3A_152 = tpu.vector_load %arg11[%swap3A] {strides = array<i32>} : memref<128xi32, #tpu.memory_space<vmem>>, vector<16xi32>,
          tpu.vector_store %arg11[%swap3A], %and3A_151 {strides = array<i32>} : memref<128xi32, #tpu.memory_space<vmem>>, vector<16xi32>,
          %shift_right_logical3A = arith.constant 16 : i32
          %shift_right_logical3A_153 = vector.broadcast %shift_right_logical3A : i32 to vector<16xi32>
          %shift_right_logical3A_154 = arith.shrui %get3A_149, %shift_right_logical3A_153 : vector<16xi32>
          %swap3A_155 = arith.index_cast %add3A_147 : i32 to index
          %swap3A_156 = tpu.vector_load %arg16[%swap3A_155] {strides = array<i32>} : memref<128xi32, #tpu.memory_space<vmem>>, vector<16xi32>,
          tpu.vector_store %arg16[%swap3A_155], %shift_right_logical3A_154 {strides = array<i32>} : memref<128xi32, #tpu.memory_space<vmem>>, vector<16xi32>,
        }
        %scan3A_139 = arith.constant 8 : i32
        %dma_start3A_140 = arith.constant 0 : i32
        %dma_start3A_141 = arith.constant 0 : i32
        %dma_start3A_142 = tpu.memref_slice %arg27[%dma_start3A_140, %dma_start3A_141] : memref<10000x64xbf16, #tpu.memory_space<vmem_shared>> -> memref<10000x64xbf16, #tpu.memory_space<vmem_shared>>
        tpu.enqueue_indirect_dma source(%dma_start3A_142 : memref<10000x64xbf16, #tpu.memory_space<vmem_shared>>) target(%arg21 : memref<128x64xbf16, #tpu.memory_space<vmem>>) offsets(%arg11 : memref<128xi32, #tpu.memory_space<vmem>>) semaphore(%arg31 : memref<!tpu.dma_semaphore, #tpu.memory_space<semaphore_mem>>)
      } else {
      }
      %add3A_116 = arith.constant 4 : i32
      %add3A_117 = arith.addi %add3A_61, %add3A_116 : i32
      %dma_wait3A_118 = arith.constant 0 : i32
      %dma_wait3A_119 = arith.constant 0 : i32
      %dma_wait3A_120 = tpu.memref_slice %arg27[%dma_wait3A_118, %dma_wait3A_119] : memref<10000x64xbf16, #tpu.memory_space<vmem_shared>> -> memref<10000x64xbf16, #tpu.memory_space<vmem_shared>>
      tpu.wait_indirect_dma semaphore(%arg32 : memref<!tpu.dma_semaphore, #tpu.memory_space<semaphore_mem>>) src(%dma_wait3A_120 : memref<10000x64xbf16, #tpu.memory_space<vmem_shared>>) dst(%arg22 : memref<128x64xbf16, #tpu.memory_space<vmem>>)
      %scan3A_121 = arith.constant 0 : i32
      %scan3A_122 = arith.constant 32 : i32
      %scan3A_123 = arith.addi %scan3A_121, %scan3A_122 : i32
      %scan3A_124 = arith.constant 1 : i32
      scf.for %scan3A_133 = %scan3A_121 to %scan3A_123 step %scan3A_124  : i32 {
        %mul3A_134 = arith.constant 4 : i32
        %mul3A_135 = arith.muli %scan3A_133, %mul3A_134 : i32
        %add3A_136 = arith.constant 0 : i32
        %add3A_137 = arith.addi %add3A_136, %mul3A_135 : i32
        %add3A_138 = arith.constant 0 : i32
        %add3A_139 = arith.addi %add3A_137, %add3A_138 : i32
        %get3A = arith.index_cast %add3A_139 : i32 to index
        %get3A_140 = arith.constant 0 : index
        %get3A_141 = tpu.vector_load %arg22[%get3A, %get3A_140] {strides = array<i32>} : memref<128x64xbf16, #tpu.memory_space<vmem>>, vector<32xbf16>,
        %bitcast3A = vector.bitcast %get3A_141 : vector<32xbf16> to vector<16xi32>
        %shift_left3A = arith.constant 16 : i32
        %shift_left3A_142 = vector.broadcast %shift_left3A : i32 to vector<16xi32>
        %shift_left3A_143 = arith.shli %bitcast3A, %shift_left3A_142 : vector<16xi32>
        %bitcast3A_144 = vector.bitcast %shift_left3A_143 : vector<16xi32> to vector<16xf32>
        %and3A = arith.constant -65536 : i32
        %and3A_145 = vector.broadcast %and3A : i32 to vector<16xi32>
        %and3A_146 = arith.andi %bitcast3A, %and3A_145 : vector<16xi32>
        %bitcast3A_147 = vector.bitcast %and3A_146 : vector<16xi32> to vector<16xf32>
        %swap3A = arith.index_cast %add3A_139 : i32 to index
        %swap3A_148 = arith.constant 0 : index
        %swap3A_149 = tpu.vector_load %arg25[%swap3A, %swap3A_148] {strides = array<i32>} : memref<128x64xf32, #tpu.memory_space<vmem>>, vector<16xf32>,
        tpu.vector_store %arg25[%swap3A, %swap3A_148], %bitcast3A_144 {strides = array<i32>} : memref<128x64xf32, #tpu.memory_space<vmem>>, vector<16xf32>,
        %swap3A_150 = arith.index_cast %add3A_139 : i32 to index
        %swap3A_151 = arith.constant 16 : index
        %swap3A_152 = tpu.vector_load %arg25[%swap3A_150, %swap3A_151] {strides = array<i32>} : memref<128x64xf32, #tpu.memory_space<vmem>>, vector<16xf32>,
        tpu.vector_store %arg25[%swap3A_150, %swap3A_151], %bitcast3A_147 {strides = array<i32>} : memref<128x64xf32, #tpu.memory_space<vmem>>, vector<16xf32>,
        %get3A_153 = arith.index_cast %add3A_139 : i32 to index
        %get3A_154 = arith.constant 32 : index
        %get3A_155 = tpu.vector_load %arg22[%get3A_153, %get3A_154] {strides = array<i32>} : memref<128x64xbf16, #tpu.memory_space<vmem>>, vector<32xbf16>,
        %bitcast3A_156 = vector.bitcast %get3A_155 : vector<32xbf16> to vector<16xi32>
        %shift_left3A_157 = arith.constant 16 : i32
        %shift_left3A_158 = vector.broadcast %shift_left3A_157 : i32 to vector<16xi32>
        %shift_left3A_159 = arith.shli %bitcast3A_156, %shift_left3A_158 : vector<16xi32>
        %bitcast3A_160 = vector.bitcast %shift_left3A_159 : vector<16xi32> to vector<16xf32>
        %and3A_161 = arith.constant -65536 : i32
        %and3A_162 = vector.broadcast %and3A_161 : i32 to vector<16xi32>
        %and3A_163 = arith.andi %bitcast3A_156, %and3A_162 : vector<16xi32>
        %bitcast3A_164 = vector.bitcast %and3A_163 : vector<16xi32> to vector<16xf32>
        %swap3A_165 = arith.index_cast %add3A_139 : i32 to index
        %swap3A_166 = arith.constant 32 : index
        %swap3A_167 = tpu.vector_load %arg25[%swap3A_165, %swap3A_166] {strides = array<i32>} : memref<128x64xf32, #tpu.memory_space<vmem>>, vector<16xf32>,
        tpu.vector_store %arg25[%swap3A_165, %swap3A_166], %bitcast3A_160 {strides = array<i32>} : memref<128x64xf32, #tpu.memory_space<vmem>>, vector<16xf32>,
        %swap3A_168 = arith.index_cast %add3A_139 : i32 to index
        %swap3A_169 = arith.constant 48 : index
        %swap3A_170 = tpu.vector_load %arg25[%swap3A_168, %swap3A_169] {strides = array<i32>} : memref<128x64xf32, #tpu.memory_space<vmem>>, vector<16xf32>,
        tpu.vector_store %arg25[%swap3A_168, %swap3A_169], %bitcast3A_164 {strides = array<i32>} : memref<128x64xf32, #tpu.memory_space<vmem>>, vector<16xf32>,
        %add3A_171 = arith.constant 1 : i32
        %add3A_172 = arith.addi %add3A_137, %add3A_171 : i32
        %get3A_173 = arith.index_cast %add3A_172 : i32 to index
        %get3A_174 = arith.constant 0 : index
        %get3A_175 = tpu.vector_load %arg22[%get3A_173, %get3A_174] {strides = array<i32>} : memref<128x64xbf16, #tpu.memory_space<vmem>>, vector<32xbf16>,
        %bitcast3A_176 = vector.bitcast %get3A_175 : vector<32xbf16> to vector<16xi32>
        %shift_left3A_177 = arith.constant 16 : i32
        %shift_left3A_178 = vector.broadcast %shift_left3A_177 : i32 to vector<16xi32>
        %shift_left3A_179 = arith.shli %bitcast3A_176, %shift_left3A_178 : vector<16xi32>
        %bitcast3A_180 = vector.bitcast %shift_left3A_179 : vector<16xi32> to vector<16xf32>
        %and3A_181 = arith.constant -65536 : i32
        %and3A_182 = vector.broadcast %and3A_181 : i32 to vector<16xi32>
        %and3A_183 = arith.andi %bitcast3A_176, %and3A_182 : vector<16xi32>
        %bitcast3A_184 = vector.bitcast %and3A_183 : vector<16xi32> to vector<16xf32>
        %swap3A_185 = arith.index_cast %add3A_172 : i32 to index
        %swap3A_186 = arith.constant 0 : index
        %swap3A_187 = tpu.vector_load %arg25[%swap3A_185, %swap3A_186] {strides = array<i32>} : memref<128x64xf32, #tpu.memory_space<vmem>>, vector<16xf32>,
        tpu.vector_store %arg25[%swap3A_185, %swap3A_186], %bitcast3A_180 {strides = array<i32>} : memref<128x64xf32, #tpu.memory_space<vmem>>, vector<16xf32>,
        %swap3A_188 = arith.index_cast %add3A_172 : i32 to index
        %swap3A_189 = arith.constant 16 : index
        %swap3A_190 = tpu.vector_load %arg25[%swap3A_188, %swap3A_189] {strides = array<i32>} : memref<128x64xf32, #tpu.memory_space<vmem>>, vector<16xf32>,
        tpu.vector_store %arg25[%swap3A_188, %swap3A_189], %bitcast3A_184 {strides = array<i32>} : memref<128x64xf32, #tpu.memory_space<vmem>>, vector<16xf32>,
        %get3A_191 = arith.index_cast %add3A_172 : i32 to index
        %get3A_192 = arith.constant 32 : index
        %get3A_193 = tpu.vector_load %arg22[%get3A_191, %get3A_192] {strides = array<i32>} : memref<128x64xbf16, #tpu.memory_space<vmem>>, vector<32xbf16>,
        %bitcast3A_194 = vector.bitcast %get3A_193 : vector<32xbf16> to vector<16xi32>
        %shift_left3A_195 = arith.constant 16 : i32
        %shift_left3A_196 = vector.broadcast %shift_left3A_195 : i32 to vector<16xi32>
        %shift_left3A_197 = arith.shli %bitcast3A_194, %shift_left3A_196 : vector<16xi32>
        %bitcast3A_198 = vector.bitcast %shift_left3A_197 : vector<16xi32> to vector<16xf32>
        %and3A_199 = arith.constant -65536 : i32
        %and3A_200 = vector.broadcast %and3A_199 : i32 to vector<16xi32>
        %and3A_201 = arith.andi %bitcast3A_194, %and3A_200 : vector<16xi32>
        %bitcast3A_202 = vector.bitcast %and3A_201 : vector<16xi32> to vector<16xf32>
        %swap3A_203 = arith.index_cast %add3A_172 : i32 to index
        %swap3A_204 = arith.constant 32 : index
        %swap3A_205 = tpu.vector_load %arg25[%swap3A_203, %swap3A_204] {strides = array<i32>} : memref<128x64xf32, #tpu.memory_space<vmem>>, vector<16xf32>,
        tpu.vector_store %arg25[%swap3A_203, %swap3A_204], %bitcast3A_198 {strides = array<i32>} : memref<128x64xf32, #tpu.memory_space<vmem>>, vector<16xf32>,
        %swap3A_206 = arith.index_cast %add3A_172 : i32 to index
        %swap3A_207 = arith.constant 48 : index
        %swap3A_208 = tpu.vector_load %arg25[%swap3A_206, %swap3A_207] {strides = array<i32>} : memref<128x64xf32, #tpu.memory_space<vmem>>, vector<16xf32>,
        tpu.vector_store %arg25[%swap3A_206, %swap3A_207], %bitcast3A_202 {strides = array<i32>} : memref<128x64xf32, #tpu.memory_space<vmem>>, vector<16xf32>,
        %add3A_209 = arith.constant 2 : i32
        %add3A_210 = arith.addi %add3A_137, %add3A_209 : i32
        %get3A_211 = arith.index_cast %add3A_210 : i32 to index
        %get3A_212 = arith.constant 0 : index
        %get3A_213 = tpu.vector_load %arg22[%get3A_211, %get3A_212] {strides = array<i32>} : memref<128x64xbf16, #tpu.memory_space<vmem>>, vector<32xbf16>,
        %bitcast3A_214 = vector.bitcast %get3A_213 : vector<32xbf16> to vector<16xi32>
        %shift_left3A_215 = arith.constant 16 : i32
        %shift_left3A_216 = vector.broadcast %shift_left3A_215 : i32 to vector<16xi32>
        %shift_left3A_217 = arith.shli %bitcast3A_214, %shift_left3A_216 : vector<16xi32>
        %bitcast3A_218 = vector.bitcast %shift_left3A_217 : vector<16xi32> to vector<16xf32>
        %and3A_219 = arith.constant -65536 : i32
        %and3A_220 = vector.broadcast %and3A_219 : i32 to vector<16xi32>
        %and3A_221 = arith.andi %bitcast3A_214, %and3A_220 : vector<16xi32>
        %bitcast3A_222 = vector.bitcast %and3A_221 : vector<16xi32> to vector<16xf32>
        %swap3A_223 = arith.index_cast %add3A_210 : i32 to index
        %swap3A_224 = arith.constant 0 : index
        %swap3A_225 = tpu.vector_load %arg25[%swap3A_223, %swap3A_224] {strides = array<i32>} : memref<128x64xf32, #tpu.memory_space<vmem>>, vector<16xf32>,
        tpu.vector_store %arg25[%swap3A_223, %swap3A_224], %bitcast3A_218 {strides = array<i32>} : memref<128x64xf32, #tpu.memory_space<vmem>>, vector<16xf32>,
        %swap3A_226 = arith.index_cast %add3A_210 : i32 to index
        %swap3A_227 = arith.constant 16 : index
        %swap3A_228 = tpu.vector_load %arg25[%swap3A_226, %swap3A_227] {strides = array<i32>} : memref<128x64xf32, #tpu.memory_space<vmem>>, vector<16xf32>,
        tpu.vector_store %arg25[%swap3A_226, %swap3A_227], %bitcast3A_222 {strides = array<i32>} : memref<128x64xf32, #tpu.memory_space<vmem>>, vector<16xf32>,
        %get3A_229 = arith.index_cast %add3A_210 : i32 to index
        %get3A_230 = arith.constant 32 : index
        %get3A_231 = tpu.vector_load %arg22[%get3A_229, %get3A_230] {strides = array<i32>} : memref<128x64xbf16, #tpu.memory_space<vmem>>, vector<32xbf16>,
        %bitcast3A_232 = vector.bitcast %get3A_231 : vector<32xbf16> to vector<16xi32>
        %shift_left3A_233 = arith.constant 16 : i32
        %shift_left3A_234 = vector.broadcast %shift_left3A_233 : i32 to vector<16xi32>
        %shift_left3A_235 = arith.shli %bitcast3A_232, %shift_left3A_234 : vector<16xi32>
        %bitcast3A_236 = vector.bitcast %shift_left3A_235 : vector<16xi32> to vector<16xf32>
        %and3A_237 = arith.constant -65536 : i32
        %and3A_238 = vector.broadcast %and3A_237 : i32 to vector<16xi32>
        %and3A_239 = arith.andi %bitcast3A_232, %and3A_238 : vector<16xi32>
        %bitcast3A_240 = vector.bitcast %and3A_239 : vector<16xi32> to vector<16xf32>
        %swap3A_241 = arith.index_cast %add3A_210 : i32 to index
        %swap3A_242 = arith.constant 32 : index
        %swap3A_243 = tpu.vector_load %arg25[%swap3A_241, %swap3A_242] {strides = array<i32>} : memref<128x64xf32, #tpu.memory_space<vmem>>, vector<16xf32>,
        tpu.vector_store %arg25[%swap3A_241, %swap3A_242], %bitcast3A_236 {strides = array<i32>} : memref<128x64xf32, #tpu.memory_space<vmem>>, vector<16xf32>,
        %swap3A_244 = arith.index_cast %add3A_210 : i32 to index
        %swap3A_245 = arith.constant 48 : index
        %swap3A_246 = tpu.vector_load %arg25[%swap3A_244, %swap3A_245] {strides = array<i32>} : memref<128x64xf32, #tpu.memory_space<vmem>>, vector<16xf32>,
        tpu.vector_store %arg25[%swap3A_244, %swap3A_245], %bitcast3A_240 {strides = array<i32>} : memref<128x64xf32, #tpu.memory_space<vmem>>, vector<16xf32>,
        %add3A_247 = arith.constant 3 : i32
        %add3A_248 = arith.addi %add3A_137, %add3A_247 : i32
        %get3A_249 = arith.index_cast %add3A_248 : i32 to index
        %get3A_250 = arith.constant 0 : index
        %get3A_251 = tpu.vector_load %arg22[%get3A_249, %get3A_250] {strides = array<i32>} : memref<128x64xbf16, #tpu.memory_space<vmem>>, vector<32xbf16>,
        %bitcast3A_252 = vector.bitcast %get3A_251 : vector<32xbf16> to vector<16xi32>
        %shift_left3A_253 = arith.constant 16 : i32
        %shift_left3A_254 = vector.broadcast %shift_left3A_253 : i32 to vector<16xi32>
        %shift_left3A_255 = arith.shli %bitcast3A_252, %shift_left3A_254 : vector<16xi32>
        %bitcast3A_256 = vector.bitcast %shift_left3A_255 : vector<16xi32> to vector<16xf32>
        %and3A_257 = arith.constant -65536 : i32
        %and3A_258 = vector.broadcast %and3A_257 : i32 to vector<16xi32>
        %and3A_259 = arith.andi %bitcast3A_252, %and3A_258 : vector<16xi32>
        %bitcast3A_260 = vector.bitcast %and3A_259 : vector<16xi32> to vector<16xf32>
        %swap3A_261 = arith.index_cast %add3A_248 : i32 to index
        %swap3A_262 = arith.constant 0 : index
        %swap3A_263 = tpu.vector_load %arg25[%swap3A_261, %swap3A_262] {strides = array<i32>} : memref<128x64xf32, #tpu.memory_space<vmem>>, vector<16xf32>,
        tpu.vector_store %arg25[%swap3A_261, %swap3A_262], %bitcast3A_256 {strides = array<i32>} : memref<128x64xf32, #tpu.memory_space<vmem>>, vector<16xf32>,
        %swap3A_264 = arith.index_cast %add3A_248 : i32 to index
        %swap3A_265 = arith.constant 16 : index
        %swap3A_266 = tpu.vector_load %arg25[%swap3A_264, %swap3A_265] {strides = array<i32>} : memref<128x64xf32, #tpu.memory_space<vmem>>, vector<16xf32>,
        tpu.vector_store %arg25[%swap3A_264, %swap3A_265], %bitcast3A_260 {strides = array<i32>} : memref<128x64xf32, #tpu.memory_space<vmem>>, vector<16xf32>,
        %get3A_267 = arith.index_cast %add3A_248 : i32 to index
        %get3A_268 = arith.constant 32 : index
        %get3A_269 = tpu.vector_load %arg22[%get3A_267, %get3A_268] {strides = array<i32>} : memref<128x64xbf16, #tpu.memory_space<vmem>>, vector<32xbf16>,
        %bitcast3A_270 = vector.bitcast %get3A_269 : vector<32xbf16> to vector<16xi32>
        %shift_left3A_271 = arith.constant 16 : i32
        %shift_left3A_272 = vector.broadcast %shift_left3A_271 : i32 to vector<16xi32>
        %shift_left3A_273 = arith.shli %bitcast3A_270, %shift_left3A_272 : vector<16xi32>
        %bitcast3A_274 = vector.bitcast %shift_left3A_273 : vector<16xi32> to vector<16xf32>
        %and3A_275 = arith.constant -65536 : i32
        %and3A_276 = vector.broadcast %and3A_275 : i32 to vector<16xi32>
        %and3A_277 = arith.andi %bitcast3A_270, %and3A_276 : vector<16xi32>
        %bitcast3A_278 = vector.bitcast %and3A_277 : vector<16xi32> to vector<16xf32>
        %swap3A_279 = arith.index_cast %add3A_248 : i32 to index
        %swap3A_280 = arith.constant 32 : index
        %swap3A_281 = tpu.vector_load %arg25[%swap3A_279, %swap3A_280] {strides = array<i32>} : memref<128x64xf32, #tpu.memory_space<vmem>>, vector<16xf32>,
        tpu.vector_store %arg25[%swap3A_279, %swap3A_280], %bitcast3A_274 {strides = array<i32>} : memref<128x64xf32, #tpu.memory_space<vmem>>, vector<16xf32>,
        %swap3A_282 = arith.index_cast %add3A_248 : i32 to index
        %swap3A_283 = arith.constant 48 : index
        %swap3A_284 = tpu.vector_load %arg25[%swap3A_282, %swap3A_283] {strides = array<i32>} : memref<128x64xf32, #tpu.memory_space<vmem>>, vector<16xf32>,
        tpu.vector_store %arg25[%swap3A_282, %swap3A_283], %bitcast3A_278 {strides = array<i32>} : memref<128x64xf32, #tpu.memory_space<vmem>>, vector<16xf32>,
      }
      %scan3A_125 = arith.constant 32 : i32
      "tpu.region"() ({
        %run_scoped3A = tpu.sem_alloc : memref<!tpu.dma_semaphore, #tpu.memory_space<semaphore_mem>>
        %dma_start3A_133 = arith.constant 0 : i32
        %dma_start3A_134 = arith.constant 0 : i32
        %dma_start3A_135 = tpu.memref_slice %arg26[%dma_start3A_133, %dma_start3A_134] : memref<10016x64xf32, #tpu.memory_space<vmem_shared>> -> memref<10016x64xf32, #tpu.memory_space<vmem_shared>>
        tpu.enqueue_indirect_dma source(%arg25 : memref<128x64xf32, #tpu.memory_space<vmem>>) target(%dma_start3A_135 : memref<10016x64xf32, #tpu.memory_space<vmem_shared>>) offsets(%arg17 : memref<128xi32, #tpu.memory_space<vmem>>) semaphore(%run_scoped3A : memref<!tpu.dma_semaphore, #tpu.memory_space<semaphore_mem>>) {add = true}
        %dma_wait3A_136 = arith.constant 0 : i32
        %dma_wait3A_137 = arith.constant 0 : i32
        %dma_wait3A_138 = tpu.memref_slice %arg26[%dma_wait3A_136, %dma_wait3A_137] : memref<10016x64xf32, #tpu.memory_space<vmem_shared>> -> memref<10016x64xf32, #tpu.memory_space<vmem_shared>>
        tpu.wait_indirect_dma semaphore(%run_scoped3A : memref<!tpu.dma_semaphore, #tpu.memory_space<semaphore_mem>>) src(%arg25 : memref<128x64xf32, #tpu.memory_space<vmem>>) dst(%dma_wait3A_138 : memref<10016x64xf32, #tpu.memory_space<vmem_shared>>)
        tpu.yield
      }) : () -> ()
      %add3A_126 = arith.constant 5 : i32
      %add3A_127 = arith.addi %add3A_117, %add3A_126 : i32
      %lt3A_128 = arith.constant 80 : i32
      %lt3A_129 = arith.cmpi slt, %add3A_127, %lt3A_128 : i32
      %convert_element_type3A_130 = arith.extui %lt3A_129 : i1 to i32
      %cond3A_131 = arith.constant 0 : i32
      %cond3A_132 = arith.cmpi ne, %convert_element_type3A_130, %cond3A_131 : i32
      scf.if %cond3A_132 {
        %add3A_133 = arith.constant 5 : i32
        %add3A_134 = arith.addi %add3A_117, %add3A_133 : i32
        %scan3A_135 = arith.constant 0 : i32
        %scan3A_136 = arith.constant 8 : i32
        %scan3A_137 = arith.addi %scan3A_135, %scan3A_136 : i32
        %scan3A_138 = arith.constant 1 : i32
        scf.for %scan3A_143 = %scan3A_135 to %scan3A_137 step %scan3A_138  : i32 {
          %mul3A_144 = arith.constant 16 : i32
          %mul3A_145 = arith.muli %scan3A_143, %mul3A_144 : i32
          %add3A_146 = arith.constant 0 : i32
          %add3A_147 = arith.addi %add3A_146, %mul3A_145 : i32
          %get3A = arith.index_cast %add3A_134 : i32 to index
          %get3A_148 = arith.index_cast %add3A_147 : i32 to index
          %get3A_149 = tpu.vector_load %arg7[%get3A, %get3A_148] {strides = array<i32>} : memref<80x128xi32, #tpu.memory_space<vmem>>, vector<16xi32>,
          %and3A = arith.constant 65535 : i32
          %and3A_150 = vector.broadcast %and3A : i32 to vector<16xi32>
          %and3A_151 = arith.andi %get3A_149, %and3A_150 : vector<16xi32>
          %swap3A = arith.index_cast %add3A_147 : i32 to index
          %swap3A_152 = tpu.vector_load %arg12[%swap3A] {strides = array<i32>} : memref<128xi32, #tpu.memory_space<vmem>>, vector<16xi32>,
          tpu.vector_store %arg12[%swap3A], %and3A_151 {strides = array<i32>} : memref<128xi32, #tpu.memory_space<vmem>>, vector<16xi32>,
          %shift_right_logical3A = arith.constant 16 : i32
          %shift_right_logical3A_153 = vector.broadcast %shift_right_logical3A : i32 to vector<16xi32>
          %shift_right_logical3A_154 = arith.shrui %get3A_149, %shift_right_logical3A_153 : vector<16xi32>
          %swap3A_155 = arith.index_cast %add3A_147 : i32 to index
          %swap3A_156 = tpu.vector_load %arg17[%swap3A_155] {strides = array<i32>} : memref<128xi32, #tpu.memory_space<vmem>>, vector<16xi32>,
          tpu.vector_store %arg17[%swap3A_155], %shift_right_logical3A_154 {strides = array<i32>} : memref<128xi32, #tpu.memory_space<vmem>>, vector<16xi32>,
        }
        %scan3A_139 = arith.constant 8 : i32
        %dma_start3A_140 = arith.constant 0 : i32
        %dma_start3A_141 = arith.constant 0 : i32
        %dma_start3A_142 = tpu.memref_slice %arg27[%dma_start3A_140, %dma_start3A_141] : memref<10000x64xbf16, #tpu.memory_space<vmem_shared>> -> memref<10000x64xbf16, #tpu.memory_space<vmem_shared>>
        tpu.enqueue_indirect_dma source(%dma_start3A_142 : memref<10000x64xbf16, #tpu.memory_space<vmem_shared>>) target(%arg22 : memref<128x64xbf16, #tpu.memory_space<vmem>>) offsets(%arg12 : memref<128xi32, #tpu.memory_space<vmem>>) semaphore(%arg32 : memref<!tpu.dma_semaphore, #tpu.memory_space<semaphore_mem>>)
      } else {
      }
    }
    %scan3A_51 = arith.constant 16 : i32
    %barrier3A_52 = arith.constant 0 : index
    tpu.barrier barrier_id(%barrier3A_52)
    %mul3A_53 = arith.constant 626 : i32
    %mul3A_54 = arith.muli %arg1, %mul3A_53 : i32
    %mul3A_55 = arith.constant 626 : i32
    %mul3A_56 = arith.muli %arg1, %mul3A_55 : i32
    "tpu.region"() ({
      %run_scoped3A = tpu.sem_alloc : memref<!tpu.dma_semaphore, #tpu.memory_space<semaphore_mem>>
      %dma_start3A_57 = arith.constant 0 : i32
      %dma_start3A_58 = tpu.memref_slice %arg6[%arg0, %mul3A_56, %dma_start3A_57] : memref<2x10016x64xf32, #tpu.memory_space<hbm>> -> memref<1x626x64xf32, #tpu.memory_space<hbm>>
      %dma_start3A_59 = tpu.memref_squeeze %dma_start3A_58 : memref<1x626x64xf32, #tpu.memory_space<hbm>> -> memref<626x64xf32, #tpu.memory_space<hbm>>
      %dma_start3A_60 = arith.constant 0 : i32
      %dma_start3A_61 = tpu.memref_slice %arg26[%mul3A_54, %dma_start3A_60] : memref<10016x64xf32, #tpu.memory_space<vmem_shared>> -> memref<626x64xf32, #tpu.memory_space<vmem_shared>>
      tpu.enqueue_dma source(%dma_start3A_61 : memref<626x64xf32, #tpu.memory_space<vmem_shared>>) target(%dma_start3A_59 : memref<626x64xf32, #tpu.memory_space<hbm>>) target_semaphore(%run_scoped3A : memref<!tpu.dma_semaphore, #tpu.memory_space<semaphore_mem>>)
      %dma_wait3A = arith.constant 0 : i32
      %dma_wait3A_62 = tpu.memref_slice %arg6[%arg0, %mul3A_56, %dma_wait3A] : memref<2x10016x64xf32, #tpu.memory_space<hbm>> -> memref<1x626x64xf32, #tpu.memory_space<hbm>>
      %dma_wait3A_63 = tpu.memref_squeeze %dma_wait3A_62 : memref<1x626x64xf32, #tpu.memory_space<hbm>> -> memref<626x64xf32, #tpu.memory_space<hbm>>
      %dma_wait3A_64 = arith.constant 0 : i32
      %dma_wait3A_65 = tpu.memref_slice %arg26[%mul3A_54, %dma_wait3A_64] : memref<10016x64xf32, #tpu.memory_space<vmem_shared>> -> memref<626x64xf32, #tpu.memory_space<vmem_shared>>
      tpu.wait_dma2 semaphore(%run_scoped3A : memref<!tpu.dma_semaphore, #tpu.memory_space<semaphore_mem>>) src(%dma_wait3A_65 : memref<626x64xf32, #tpu.memory_space<vmem_shared>>) dst(%dma_wait3A_63 : memref<626x64xf32, #tpu.memory_space<hbm>>)
      tpu.yield
    }) : () -> ()
    return
  }
}

module attributes {stable_mosaic.version = 14 : i64} {
  func.func @_proj_body(%arg0: memref<10000x128xf32, #tpu.memory_space<vmem>>, %arg1: memref<128x64xf32, #tpu.memory_space<vmem>>, %arg2: memref<128x64xf32, #tpu.memory_space<vmem>>, %arg3: memref<2500x128xi32, #tpu.memory_space<vmem>>, %arg4: memref<2500x128xi32, #tpu.memory_space<vmem>>, %arg5: memref<10000x64xf32, #tpu.memory_space<vmem>>, %arg6: memref<10000x64xbf16, #tpu.memory_space<vmem>>, %arg7: memref<2560x128xi32, #tpu.memory_space<vmem>>) attributes {dimension_semantics = [], scalar_prefetch = 0 : i64, scratch_operands = 0 : i64, tpu.core_type = #tpu.core_type<tc>} {
    %get3A = arith.constant 0 : index
    %get3A_0 = arith.constant 0 : index
    %get3A_1 = vector.load %arg0[%get3A, %get3A_0] : memref<10000x128xf32, #tpu.memory_space<vmem>>, vector<10000x128xf32>
    %get3A_2 = arith.constant 0 : index
    %get3A_3 = arith.constant 0 : index
    %get3A_4 = vector.load %arg1[%get3A_2, %get3A_3] : memref<128x64xf32, #tpu.memory_space<vmem>>, vector<128x64xf32>
    %dot_general3A = arith.constant dense<0.000000e+00> : vector<10000x64xf32>
    %dot_general3A_5 = tpu.matmul %get3A_1, %get3A_4, %dot_general3A {dimension_numbers = #tpu.dot_dimension_numbers<[1], [0], [0], [1], [0, 0, 1, 1], [], []>, transpose_lhs_hint = false} : vector<10000x128xf32>, vector<128x64xf32>, vector<10000x64xf32> -> vector<10000x64xf32>
    %swap3A = arith.constant 0 : index
    %swap3A_6 = arith.constant 0 : index
    %swap3A_7 = vector.load %arg5[%swap3A, %swap3A_6] : memref<10000x64xf32, #tpu.memory_space<vmem>>, vector<10000x64xf32>
    tpu.vector_store %arg5[%swap3A, %swap3A_6], %dot_general3A_5 {strides = array<i32>} : memref<10000x64xf32, #tpu.memory_space<vmem>>, vector<10000x64xf32>,
    %get3A_8 = arith.constant 0 : index
    %get3A_9 = arith.constant 0 : index
    %get3A_10 = vector.load %arg0[%get3A_8, %get3A_9] : memref<10000x128xf32, #tpu.memory_space<vmem>>, vector<10000x128xf32>
    %get3A_11 = arith.constant 0 : index
    %get3A_12 = arith.constant 0 : index
    %get3A_13 = vector.load %arg2[%get3A_11, %get3A_12] : memref<128x64xf32, #tpu.memory_space<vmem>>, vector<128x64xf32>
    %dot_general3A_14 = arith.constant dense<0.000000e+00> : vector<10000x64xf32>
    %dot_general3A_15 = tpu.matmul %get3A_10, %get3A_13, %dot_general3A_14 {dimension_numbers = #tpu.dot_dimension_numbers<[1], [0], [0], [1], [0, 0, 1, 1], [], []>, transpose_lhs_hint = false} : vector<10000x128xf32>, vector<128x64xf32>, vector<10000x64xf32> -> vector<10000x64xf32>
    %convert_element_type3A = arith.truncf %dot_general3A_15 : vector<10000x64xf32> to vector<10000x64xbf16>
    %swap3A_16 = arith.constant 0 : index
    %swap3A_17 = arith.constant 0 : index
    %swap3A_18 = vector.load %arg6[%swap3A_16, %swap3A_17] : memref<10000x64xbf16, #tpu.memory_space<vmem>>, vector<10000x64xbf16>
    tpu.vector_store %arg6[%swap3A_16, %swap3A_17], %convert_element_type3A {strides = array<i32>} : memref<10000x64xbf16, #tpu.memory_space<vmem>>, vector<10000x64xbf16>,
    %get3A_19 = arith.constant 0 : index
    %get3A_20 = arith.constant 0 : index
    %get3A_21 = vector.load %arg3[%get3A_19, %get3A_20] : memref<2500x128xi32, #tpu.memory_space<vmem>>, vector<2500x128xi32>
    %get3A_22 = arith.constant 0 : index
    %get3A_23 = arith.constant 0 : index
    %get3A_24 = vector.load %arg4[%get3A_22, %get3A_23] : memref<2500x128xi32, #tpu.memory_space<vmem>>, vector<2500x128xi32>
    %shift_left3A = arith.constant 16 : i32
    %shift_left3A_25 = vector.broadcast %shift_left3A : i32 to vector<2500x128xi32>
    %shift_left3A_26 = arith.shli %get3A_24, %shift_left3A_25 : vector<2500x128xi32>
    %or3A = arith.ori %get3A_21, %shift_left3A_26 : vector<2500x128xi32>
    %swap3A_27 = arith.constant 0 : index
    %swap3A_28 = arith.constant 0 : index
    %swap3A_29 = vector.load %arg7[%swap3A_27, %swap3A_28] : memref<2560x128xi32, #tpu.memory_space<vmem>>, vector<2500x128xi32>
    tpu.vector_store %arg7[%swap3A_27, %swap3A_28], %or3A {strides = array<i32>} : memref<2560x128xi32, #tpu.memory_space<vmem>>, vector<2500x128xi32>,
    %broadcast_in_dim3A = arith.constant 655884288 : i32
    %broadcast_in_dim3A_30 = vector.broadcast %broadcast_in_dim3A : i32 to vector<60x128xi32>
    %swap3A_31 = arith.constant 2500 : index
    %swap3A_32 = arith.constant 0 : index
    %swap3A_33 = vector.load %arg7[%swap3A_31, %swap3A_32] : memref<2560x128xi32, #tpu.memory_space<vmem>>, vector<60x128xi32>
    tpu.vector_store %arg7[%swap3A_31, %swap3A_32], %broadcast_in_dim3A_30 {strides = array<i32>} : memref<2560x128xi32, #tpu.memory_space<vmem>>, vector<60x128xi32>,
    return
  }
}

module attributes {stable_mosaic.version = 14 : i64} {
  func.func @_mid_body(%arg0: memref<2x10016x64xf32, #tpu.memory_space<vmem>>, %arg1: memref<10000x64xf32, #tpu.memory_space<vmem>>, %arg2: memref<1x64xf32, #tpu.memory_space<vmem>>, %arg3: memref<64x64xf32, #tpu.memory_space<vmem>>, %arg4: memref<1x64xf32, #tpu.memory_space<vmem>>, %arg5: memref<1x64xf32, #tpu.memory_space<vmem>>, %arg6: memref<1x64xf32, #tpu.memory_space<vmem>>, %arg7: memref<1x64xf32, #tpu.memory_space<vmem>>, %arg8: memref<1x64xf32, #tpu.memory_space<vmem>>, %arg9: memref<64x64xf32, #tpu.memory_space<vmem>>, %arg10: memref<64x64xf32, #tpu.memory_space<vmem>>, %arg11: memref<10000x64xf32, #tpu.memory_space<vmem>>, %arg12: memref<10000x64xbf16, #tpu.memory_space<vmem>>) attributes {dimension_semantics = [], scalar_prefetch = 0 : i64, scratch_operands = 0 : i64, tpu.core_type = #tpu.core_type<tc>} {
    %get3A = arith.constant 0 : index
    %get3A_0 = arith.constant 0 : index
    %get3A_1 = arith.constant 0 : index
    %get3A_2 = vector.load %arg0[%get3A, %get3A_0, %get3A_1] : memref<2x10016x64xf32, #tpu.memory_space<vmem>>, vector<1x10000x64xf32>
    %get3A_3 = vector.shape_cast %get3A_2 : vector<1x10000x64xf32> to vector<10000x64xf32>
    %get3A_4 = arith.constant 1 : index
    %get3A_5 = arith.constant 0 : index
    %get3A_6 = arith.constant 0 : index
    %get3A_7 = vector.load %arg0[%get3A_4, %get3A_5, %get3A_6] : memref<2x10016x64xf32, #tpu.memory_space<vmem>>, vector<1x10000x64xf32>
    %get3A_8 = vector.shape_cast %get3A_7 : vector<1x10000x64xf32> to vector<10000x64xf32>
    %add3A = arith.addf %get3A_3, %get3A_8 : vector<10000x64xf32>
    %get3A_9 = arith.constant 0 : index
    %get3A_10 = arith.constant 0 : index
    %get3A_11 = vector.load %arg1[%get3A_9, %get3A_10] : memref<10000x64xf32, #tpu.memory_space<vmem>>, vector<10000x64xf32>
    %add3A_12 = arith.addf %add3A, %get3A_11 : vector<10000x64xf32>
    %get3A_13 = arith.constant 0 : index
    %get3A_14 = arith.constant 0 : index
    %get3A_15 = vector.load %arg2[%get3A_13, %get3A_14] : memref<1x64xf32, #tpu.memory_space<vmem>>, vector<1x64xf32>
    %add3A_16 = vector.broadcast %get3A_15 : vector<1x64xf32> to vector<10000x64xf32>
    %add3A_17 = arith.addf %add3A_12, %add3A_16 : vector<10000x64xf32>
    %max3A = arith.constant 0.000000e+00 : f32
    %max3A_18 = vector.broadcast %max3A : f32 to vector<10000x64xf32>
    %max3A_19 = arith.maximumf %add3A_17, %max3A_18 : vector<10000x64xf32>
    %get3A_20 = arith.constant 0 : index
    %get3A_21 = arith.constant 0 : index
    %get3A_22 = vector.load %arg3[%get3A_20, %get3A_21] : memref<64x64xf32, #tpu.memory_space<vmem>>, vector<64x64xf32>
    %dot_general3A = arith.constant dense<0.000000e+00> : vector<10000x64xf32>
    %dot_general3A_23 = tpu.matmul %max3A_19, %get3A_22, %dot_general3A {dimension_numbers = #tpu.dot_dimension_numbers<[1], [0], [0], [1], [0, 0, 1, 1], [], []>, transpose_lhs_hint = false} : vector<10000x64xf32>, vector<64x64xf32>, vector<10000x64xf32> -> vector<10000x64xf32>
    %get3A_24 = arith.constant 0 : index
    %get3A_25 = arith.constant 0 : index
    %get3A_26 = vector.load %arg4[%get3A_24, %get3A_25] : memref<1x64xf32, #tpu.memory_space<vmem>>, vector<1x64xf32>
    %add3A_27 = vector.broadcast %get3A_26 : vector<1x64xf32> to vector<10000x64xf32>
    %add3A_28 = arith.addf %dot_general3A_23, %add3A_27 : vector<10000x64xf32>
    %max3A_29 = arith.constant 0.000000e+00 : f32
    %max3A_30 = vector.broadcast %max3A_29 : f32 to vector<10000x64xf32>
    %max3A_31 = arith.maximumf %add3A_28, %max3A_30 : vector<10000x64xf32>
    %get3A_32 = arith.constant 0 : index
    %get3A_33 = arith.constant 0 : index
    %get3A_34 = vector.load %arg7[%get3A_32, %get3A_33] : memref<1x64xf32, #tpu.memory_space<vmem>>, vector<1x64xf32>
    %sub3A = vector.broadcast %get3A_34 : vector<1x64xf32> to vector<10000x64xf32>
    %sub3A_35 = arith.subf %max3A_31, %sub3A : vector<10000x64xf32>
    %get3A_36 = arith.constant 0 : index
    %get3A_37 = arith.constant 0 : index
    %get3A_38 = vector.load %arg8[%get3A_36, %get3A_37] : memref<1x64xf32, #tpu.memory_space<vmem>>, vector<1x64xf32>
    %add3A_39 = arith.constant 9.99999974E-6 : f32
    %add3A_40 = vector.broadcast %add3A_39 : f32 to vector<1x64xf32>
    %add3A_41 = arith.addf %get3A_38, %add3A_40 : vector<1x64xf32>
    %sqrt3A = math.sqrt %add3A_41 : vector<1x64xf32>
    %div3A = vector.broadcast %sqrt3A : vector<1x64xf32> to vector<10000x64xf32>
    %div3A_42 = arith.divf %sub3A_35, %div3A : vector<10000x64xf32>
    %get3A_43 = arith.constant 0 : index
    %get3A_44 = arith.constant 0 : index
    %get3A_45 = vector.load %arg5[%get3A_43, %get3A_44] : memref<1x64xf32, #tpu.memory_space<vmem>>, vector<1x64xf32>
    %mul3A = vector.broadcast %get3A_45 : vector<1x64xf32> to vector<10000x64xf32>
    %mul3A_46 = arith.mulf %div3A_42, %mul3A : vector<10000x64xf32>
    %get3A_47 = arith.constant 0 : index
    %get3A_48 = arith.constant 0 : index
    %get3A_49 = vector.load %arg6[%get3A_47, %get3A_48] : memref<1x64xf32, #tpu.memory_space<vmem>>, vector<1x64xf32>
    %add3A_50 = vector.broadcast %get3A_49 : vector<1x64xf32> to vector<10000x64xf32>
    %add3A_51 = arith.addf %mul3A_46, %add3A_50 : vector<10000x64xf32>
    %get3A_52 = arith.constant 0 : index
    %get3A_53 = arith.constant 0 : index
    %get3A_54 = vector.load %arg9[%get3A_52, %get3A_53] : memref<64x64xf32, #tpu.memory_space<vmem>>, vector<64x64xf32>
    %dot_general3A_55 = arith.constant dense<0.000000e+00> : vector<10000x64xf32>
    %dot_general3A_56 = tpu.matmul %add3A_51, %get3A_54, %dot_general3A_55 {dimension_numbers = #tpu.dot_dimension_numbers<[1], [0], [0], [1], [0, 0, 1, 1], [], []>, transpose_lhs_hint = false} : vector<10000x64xf32>, vector<64x64xf32>, vector<10000x64xf32> -> vector<10000x64xf32>
    %swap3A = arith.constant 0 : index
    %swap3A_57 = arith.constant 0 : index
    %swap3A_58 = vector.load %arg11[%swap3A, %swap3A_57] : memref<10000x64xf32, #tpu.memory_space<vmem>>, vector<10000x64xf32>
    tpu.vector_store %arg11[%swap3A, %swap3A_57], %dot_general3A_56 {strides = array<i32>} : memref<10000x64xf32, #tpu.memory_space<vmem>>, vector<10000x64xf32>,
    %get3A_59 = arith.constant 0 : index
    %get3A_60 = arith.constant 0 : index
    %get3A_61 = vector.load %arg10[%get3A_59, %get3A_60] : memref<64x64xf32, #tpu.memory_space<vmem>>, vector<64x64xf32>
    %dot_general3A_62 = arith.constant dense<0.000000e+00> : vector<10000x64xf32>
    %dot_general3A_63 = tpu.matmul %add3A_51, %get3A_61, %dot_general3A_62 {dimension_numbers = #tpu.dot_dimension_numbers<[1], [0], [0], [1], [0, 0, 1, 1], [], []>, transpose_lhs_hint = false} : vector<10000x64xf32>, vector<64x64xf32>, vector<10000x64xf32> -> vector<10000x64xf32>
    %convert_element_type3A = arith.truncf %dot_general3A_63 : vector<10000x64xf32> to vector<10000x64xbf16>
    %swap3A_64 = arith.constant 0 : index
    %swap3A_65 = arith.constant 0 : index
    %swap3A_66 = vector.load %arg12[%swap3A_64, %swap3A_65] : memref<10000x64xbf16, #tpu.memory_space<vmem>>, vector<10000x64xbf16>
    tpu.vector_store %arg12[%swap3A_64, %swap3A_65], %convert_element_type3A {strides = array<i32>} : memref<10000x64xbf16, #tpu.memory_space<vmem>>, vector<10000x64xbf16>,
    return
  }
}

module attributes {stable_mosaic.version = 14 : i64} {
  func.func @_tail_body(%arg0: memref<2x10016x64xf32, #tpu.memory_space<vmem>>, %arg1: memref<10000x64xf32, #tpu.memory_space<vmem>>, %arg2: memref<1x64xf32, #tpu.memory_space<vmem>>, %arg3: memref<64x64xf32, #tpu.memory_space<vmem>>, %arg4: memref<1x64xf32, #tpu.memory_space<vmem>>, %arg5: memref<1x64xf32, #tpu.memory_space<vmem>>, %arg6: memref<1x64xf32, #tpu.memory_space<vmem>>, %arg7: memref<1x64xf32, #tpu.memory_space<vmem>>, %arg8: memref<1x64xf32, #tpu.memory_space<vmem>>, %arg9: memref<1x10000xi32, #tpu.memory_space<vmem>>, %arg10: memref<64x64xf32, #tpu.memory_space<vmem>>, %arg11: memref<1x64xf32, #tpu.memory_space<vmem>>, %arg12: memref<64x10xf32, #tpu.memory_space<vmem>>, %arg13: memref<1x10xf32, #tpu.memory_space<vmem>>, %arg14: memref<64x10xf32, #tpu.memory_space<vmem>>) attributes {dimension_semantics = [], scalar_prefetch = 0 : i64, scratch_operands = 0 : i64, tpu.core_type = #tpu.core_type<tc>} {
    %get3A = arith.constant 0 : index
    %get3A_0 = arith.constant 0 : index
    %get3A_1 = arith.constant 0 : index
    %get3A_2 = vector.load %arg0[%get3A, %get3A_0, %get3A_1] : memref<2x10016x64xf32, #tpu.memory_space<vmem>>, vector<1x10000x64xf32>
    %get3A_3 = vector.shape_cast %get3A_2 : vector<1x10000x64xf32> to vector<10000x64xf32>
    %get3A_4 = arith.constant 1 : index
    %get3A_5 = arith.constant 0 : index
    %get3A_6 = arith.constant 0 : index
    %get3A_7 = vector.load %arg0[%get3A_4, %get3A_5, %get3A_6] : memref<2x10016x64xf32, #tpu.memory_space<vmem>>, vector<1x10000x64xf32>
    %get3A_8 = vector.shape_cast %get3A_7 : vector<1x10000x64xf32> to vector<10000x64xf32>
    %add3A = arith.addf %get3A_3, %get3A_8 : vector<10000x64xf32>
    %get3A_9 = arith.constant 0 : index
    %get3A_10 = arith.constant 0 : index
    %get3A_11 = vector.load %arg1[%get3A_9, %get3A_10] : memref<10000x64xf32, #tpu.memory_space<vmem>>, vector<10000x64xf32>
    %add3A_12 = arith.addf %add3A, %get3A_11 : vector<10000x64xf32>
    %get3A_13 = arith.constant 0 : index
    %get3A_14 = arith.constant 0 : index
    %get3A_15 = vector.load %arg2[%get3A_13, %get3A_14] : memref<1x64xf32, #tpu.memory_space<vmem>>, vector<1x64xf32>
    %add3A_16 = vector.broadcast %get3A_15 : vector<1x64xf32> to vector<10000x64xf32>
    %add3A_17 = arith.addf %add3A_12, %add3A_16 : vector<10000x64xf32>
    %max3A = arith.constant 0.000000e+00 : f32
    %max3A_18 = vector.broadcast %max3A : f32 to vector<10000x64xf32>
    %max3A_19 = arith.maximumf %add3A_17, %max3A_18 : vector<10000x64xf32>
    %get3A_20 = arith.constant 0 : index
    %get3A_21 = arith.constant 0 : index
    %get3A_22 = vector.load %arg3[%get3A_20, %get3A_21] : memref<64x64xf32, #tpu.memory_space<vmem>>, vector<64x64xf32>
    %dot_general3A = arith.constant dense<0.000000e+00> : vector<10000x64xf32>
    %dot_general3A_23 = tpu.matmul %max3A_19, %get3A_22, %dot_general3A {dimension_numbers = #tpu.dot_dimension_numbers<[1], [0], [0], [1], [0, 0, 1, 1], [], []>, transpose_lhs_hint = false} : vector<10000x64xf32>, vector<64x64xf32>, vector<10000x64xf32> -> vector<10000x64xf32>
    %get3A_24 = arith.constant 0 : index
    %get3A_25 = arith.constant 0 : index
    %get3A_26 = vector.load %arg4[%get3A_24, %get3A_25] : memref<1x64xf32, #tpu.memory_space<vmem>>, vector<1x64xf32>
    %add3A_27 = vector.broadcast %get3A_26 : vector<1x64xf32> to vector<10000x64xf32>
    %add3A_28 = arith.addf %dot_general3A_23, %add3A_27 : vector<10000x64xf32>
    %max3A_29 = arith.constant 0.000000e+00 : f32
    %max3A_30 = vector.broadcast %max3A_29 : f32 to vector<10000x64xf32>
    %max3A_31 = arith.maximumf %add3A_28, %max3A_30 : vector<10000x64xf32>
    %get3A_32 = arith.constant 0 : index
    %get3A_33 = arith.constant 0 : index
    %get3A_34 = vector.load %arg7[%get3A_32, %get3A_33] : memref<1x64xf32, #tpu.memory_space<vmem>>, vector<1x64xf32>
    %sub3A = vector.broadcast %get3A_34 : vector<1x64xf32> to vector<10000x64xf32>
    %sub3A_35 = arith.subf %max3A_31, %sub3A : vector<10000x64xf32>
    %get3A_36 = arith.constant 0 : index
    %get3A_37 = arith.constant 0 : index
    %get3A_38 = vector.load %arg8[%get3A_36, %get3A_37] : memref<1x64xf32, #tpu.memory_space<vmem>>, vector<1x64xf32>
    %add3A_39 = arith.constant 9.99999974E-6 : f32
    %add3A_40 = vector.broadcast %add3A_39 : f32 to vector<1x64xf32>
    %add3A_41 = arith.addf %get3A_38, %add3A_40 : vector<1x64xf32>
    %sqrt3A = math.sqrt %add3A_41 : vector<1x64xf32>
    %div3A = vector.broadcast %sqrt3A : vector<1x64xf32> to vector<10000x64xf32>
    %div3A_42 = arith.divf %sub3A_35, %div3A : vector<10000x64xf32>
    %get3A_43 = arith.constant 0 : index
    %get3A_44 = arith.constant 0 : index
    %get3A_45 = vector.load %arg5[%get3A_43, %get3A_44] : memref<1x64xf32, #tpu.memory_space<vmem>>, vector<1x64xf32>
    %mul3A = vector.broadcast %get3A_45 : vector<1x64xf32> to vector<10000x64xf32>
    %mul3A_46 = arith.mulf %div3A_42, %mul3A : vector<10000x64xf32>
    %get3A_47 = arith.constant 0 : index
    %get3A_48 = arith.constant 0 : index
    %get3A_49 = vector.load %arg6[%get3A_47, %get3A_48] : memref<1x64xf32, #tpu.memory_space<vmem>>, vector<1x64xf32>
    %add3A_50 = vector.broadcast %get3A_49 : vector<1x64xf32> to vector<10000x64xf32>
    %add3A_51 = arith.addf %mul3A_46, %add3A_50 : vector<10000x64xf32>
    %iota3A = tpu.iota {dimensions = array<i32: 0>} : vector<64x10000xi32>
    %get3A_52 = arith.constant 0 : index
    %get3A_53 = arith.constant 0 : index
    %get3A_54 = vector.load %arg9[%get3A_52, %get3A_53] : memref<1x10000xi32, #tpu.memory_space<vmem>>, vector<1x10000xi32>
    %eq3A = vector.broadcast %get3A_54 : vector<1x10000xi32> to vector<64x10000xi32>
    %eq3A_55 = arith.cmpi eq, %iota3A, %eq3A : vector<64x10000xi32>
    %convert_element_type3A = arith.extui %eq3A_55 : vector<64x10000xi1> to vector<64x10000xi32>
    %convert_element_type3A_56 = arith.sitofp %convert_element_type3A : vector<64x10000xi32> to vector<64x10000xf32>
    %dot_general3A_57 = arith.constant dense<0.000000e+00> : vector<64x64xf32>
    %dot_general3A_58 = tpu.matmul %convert_element_type3A_56, %add3A_51, %dot_general3A_57 {dimension_numbers = #tpu.dot_dimension_numbers<[1], [0], [0], [1], [0, 0, 1, 1], [], []>, transpose_lhs_hint = false} : vector<64x10000xf32>, vector<10000x64xf32>, vector<64x64xf32> -> vector<64x64xf32>
    %reduce_sum3A = arith.constant dense<0.000000e+00> : vector<64xf32>
    %reduce_sum3A_59 = vector.multi_reduction <add>, %convert_element_type3A_56, %reduce_sum3A [1] : vector<64x10000xf32> to vector<64xf32>
    %broadcast_in_dim3A = vector.shape_cast %reduce_sum3A_59 : vector<64xf32> to vector<64x1xf32>
    %max3A_60 = arith.constant 1.000000e+00 : f32
    %max3A_61 = vector.broadcast %max3A_60 : f32 to vector<64x1xf32>
    %max3A_62 = arith.maximumf %broadcast_in_dim3A, %max3A_61 : vector<64x1xf32>
    %div3A_63 = vector.broadcast %max3A_62 : vector<64x1xf32> to vector<64x64xf32>
    %div3A_64 = arith.divf %dot_general3A_58, %div3A_63 : vector<64x64xf32>
    %get3A_65 = arith.constant 0 : index
    %get3A_66 = arith.constant 0 : index
    %get3A_67 = vector.load %arg10[%get3A_65, %get3A_66] : memref<64x64xf32, #tpu.memory_space<vmem>>, vector<64x64xf32>
    %dot_general3A_68 = arith.constant dense<0.000000e+00> : vector<64x64xf32>
    %dot_general3A_69 = tpu.matmul %div3A_64, %get3A_67, %dot_general3A_68 {dimension_numbers = #tpu.dot_dimension_numbers<[1], [0], [0], [1], [0, 0, 1, 1], [], []>, transpose_lhs_hint = false} : vector<64x64xf32>, vector<64x64xf32>, vector<64x64xf32> -> vector<64x64xf32>
    %get3A_70 = arith.constant 0 : index
    %get3A_71 = arith.constant 0 : index
    %get3A_72 = vector.load %arg11[%get3A_70, %get3A_71] : memref<1x64xf32, #tpu.memory_space<vmem>>, vector<1x64xf32>
    %add3A_73 = vector.broadcast %get3A_72 : vector<1x64xf32> to vector<64x64xf32>
    %add3A_74 = arith.addf %dot_general3A_69, %add3A_73 : vector<64x64xf32>
    %max3A_75 = arith.constant 0.000000e+00 : f32
    %max3A_76 = vector.broadcast %max3A_75 : f32 to vector<64x64xf32>
    %max3A_77 = arith.maximumf %add3A_74, %max3A_76 : vector<64x64xf32>
    %get3A_78 = arith.constant 0 : index
    %get3A_79 = arith.constant 0 : index
    %get3A_80 = vector.load %arg12[%get3A_78, %get3A_79] : memref<64x10xf32, #tpu.memory_space<vmem>>, vector<64x10xf32>
    %dot_general3A_81 = arith.constant dense<0.000000e+00> : vector<64x10xf32>
    %dot_general3A_82 = tpu.matmul %max3A_77, %get3A_80, %dot_general3A_81 {dimension_numbers = #tpu.dot_dimension_numbers<[1], [0], [0], [1], [0, 0, 1, 1], [], []>, transpose_lhs_hint = false} : vector<64x64xf32>, vector<64x10xf32>, vector<64x10xf32> -> vector<64x10xf32>
    %get3A_83 = arith.constant 0 : index
    %get3A_84 = arith.constant 0 : index
    %get3A_85 = vector.load %arg13[%get3A_83, %get3A_84] : memref<1x10xf32, #tpu.memory_space<vmem>>, vector<1x10xf32>
    %add3A_86 = vector.broadcast %get3A_85 : vector<1x10xf32> to vector<64x10xf32>
    %add3A_87 = arith.addf %dot_general3A_82, %add3A_86 : vector<64x10xf32>
    %swap3A = arith.constant 0 : index
    %swap3A_88 = arith.constant 0 : index
    %swap3A_89 = vector.load %arg14[%swap3A, %swap3A_88] : memref<64x10xf32, #tpu.memory_space<vmem>>, vector<64x10xf32>
    tpu.vector_store %arg14[%swap3A, %swap3A_88], %add3A_87 {strides = array<i32>} : memref<64x10xf32, #tpu.memory_space<vmem>>, vector<64x10xf32>,
    return
  }
}

</mosaic_0001>

<sc_bundles>
// kernel: kernel.10.cloned.1.call-start
scs
__scs_entry_jumppad:
0x0: {  	(pc) =	sbr.rel $0x88, $3  }
0x1: {  	(tag) =	ssettag $0x0;
	lr =	simm.s32 $0x1  }
0x2: {  	[smem:$0x3F8A] =	sst lr;
	_ =	strace $0xD0000000  }
0x3: {  	_ = 	snop  }
0x4: {  	_ = 	snop  }
0x5: {  	_ = 	snop  }
0x6: {  	_ = 	snop  }
0x7: {  	_ = 	snop  }
__scs_overlays_trampoline_lowered:
0x8: {  	[smem:$0x3F99] =	sst s0  }
0x9: {  	[smem:$0x3F9A] =	sst s1  }
0xa: {  	[smem:$0x3F9B] =	sst s2  }
0xb: {  	[smem:$0x3F9C] =	sst s3  }
0xc: {  	[smem:$0x3F9D] =	sst s4  }
0xd: {  	[smem:$0x3F9E] =	sst s5  }
0xe: {  	[smem:$0x3F9F] =	sst s6  }
0xf: {  	[smem:$0x3FA0] =	sst s7  }
0x10: {  	[smem:$0x3FA1] =	sst s8  }
0x11: {  	[smem:$0x3FA2] =	sst s9;
	s0 =	simm.s32 @!p0 $0x0  }
0x12: {  	s1 =	sld [smem:$0x3F88];
	s0 =	simm.s32 @p0 $0x1  }
0x13: {  	[smem:$0x3FA3] =	sst s0;
	s0 =	simm.s32 @!p1 $0x0  }
0x14: {  	s2 =	sld [smem:$0x3F87];
	s0 =	simm.s32 @p1 $0x1  }
0x15: {  	[smem:$0x3FA4] =	sst s0;
	s0 =	simm.s32 @!p2 $0x0  }
0x16: {  	s3 =	sld [smem:$0x3FDB];
	s0 =	simm.s32 @p2 $0x1  }
0x17: {  	s4 =	simm.s32 $0x1BF5;
	[smem:$0x3FA6] =	sst s0  }
0x18: {  	s0 =	sld [smem:$0x3F89];
	_ =	swait.ge [sflag:s4], $0x0  }
0x19: {  	s7 =	sld [smem:$0x3F8A]  }
0x1a: {  	s8 =	sadd.s32 $0xFFFFE003, lr  }
0x1b: {  	s9 =	sadd.s32 $0xFFFFFEF7, lr;
	s5 =	simm.s32 $0xFFFFFFFF;
	p2 =	slt.u32 s8, $0xFFFFF086  }
0x1c: {  	p1 =	slt.u32 s9, $0xF7A;
	s5 =	simm.s32 @!p2 $0x0  }
0x1d: {  	s5 =	simm.s32 @p1 $0x1;
	p0 =	seq.s32 s7, s2  }
0x1e: {  	s7 =	smul.u32 @!p0 $0xF7A, s2;
	p2 =	seq.s32 @!p0 s5, $0x0  }
0x1f: {  	s9 =	smul.u32 $0xF7A, s1;
	s8 =	simm.s32 @!p0 $0x1BF5;
	p2 =	por !p2, p0  }
0x20: {  	[sflag:s8] =	ssyncset.s32 @!p0 $0xFFFFF086;
	s6 =	sadd.s32 @!p0 s3, s7;
	s7 =	simm.s32 @!p0 $0x108  }
0x21: {  	s3 =	sadd.s32 s3, s9;
	s6 =	sadd.s32 @!p0 $0x88, s6;
	s7 =	simm.s32 @p2 $0x1082  }
0x22: {  	[simem:s7], [sflag:s8] =	dma.local @!p0 [hbm:s6], $0xF7A  }
0x23: {  	s9 =	sor.u32 $0xD0000000, s2;
	s6 =	simm.s32 $0x108;
	_ =	swait.ge @!p0 [sflag:s8], $0x0  }
0x24: {  	s3 =	sadd.s32 $0x88, s3;
	s6 =	simm.s32 @!p1 $0x1082;
	[sflag:s4] =	ssyncset.s32 $0xFFFFF086  }
0x25: {  	[simem:s6], [sflag:s4] =	dma.local [hbm:s3], $0xF7A  }
0x26: {  	[smem:$0x3F8A] =	sst s1;
	(tag) =	ssettag s2;
	_ =	strace s9  }
0x27: {  	s1 =	sld [smem:$0x3F9A]  }
0x28: {  	s2 =	sld [smem:$0x3F9B]  }
0x29: {  	s4 =	sld [smem:$0x3F9D]  }
0x2a: {  	p0 =	seq.s32 s5, $0x0;
	s5 =	sld [smem:$0x3F9E]  }
0x2b: {  	s6 =	sld [smem:$0x3F9F]  }
0x2c: {  	s7 =	sld [smem:$0x3FA0]  }
0x2d: {  	s3 =	simm.s32 $0x108;
	s8 =	sld [smem:$0x3FA1]  }
0x2e: {  	s3 =	simm.s32 @!p0 $0x1082;
	s9 =	sld [smem:$0x3FA2]  }
0x2f: {  	lr =	sadd.s32 s0, s3;
	s0 =	sld [smem:$0x3F99]  }
0x30: {  	s3 =	sld [smem:$0x3F9C]  }
0x31: {  	[smem:$0x3FA5] =	sst s10  }
0x32: {  	s10 =	sld [smem:$0x3FA3];
	_ =	sdelay $0x3  }
0x33: {  	p0 =	seq.s32 s10, $0x1;
	s10 =	sld [smem:$0x3FA5];
	_ =	sdelay $0x3  }
0x34: {  	[smem:$0x3FA5] =	sst s10  }
0x35: {  	s10 =	sld [smem:$0x3FA4];
	_ =	sdelay $0x3  }
0x36: {  	p1 =	seq.s32 s10, $0x1;
	s10 =	sld [smem:$0x3FA5];
	_ =	sdelay $0x3  }
0x37: {  	[smem:$0x3FA5] =	sst s10  }
0x38: {  	s10 =	sld [smem:$0x3FA6]  }
0x39: {  	_ = 	snop;
	(pc) =	sbr.ind lr, $3  }
0x3a: {  	_ = 	snop  }
0x3b: {  	_ = 	snop  }
0x3c: {  	p2 =	seq.s32 s10, $0x1;
	s10 =	sld [smem:$0x3FA5]  }
0x3d: {  	_ =	shalt  }
0x3e: {  	_ =	shalt  }
0x3f: {  	_ =	shalt  }
0x40: {  	_ =	shalt  }
0x41: {  	_ =	shalt  }
0x42: {  	_ =	shalt  }
0x43: {  	_ =	shalt  }
0x44: {  	_ =	shalt  }
0x45: {  	_ =	shalt  }
0x46: {  	_ =	shalt  }
0x47: {  	_ =	shalt  }
0x48: {  	_ =	shalt  }
0x49: {  	_ =	shalt  }
0x4a: {  	_ =	shalt  }
0x4b: {  	_ =	shalt  }
0x4c: {  	_ =	shalt  }
0x4d: {  	_ =	shalt  }
0x4e: {  	_ =	shalt  }
0x4f: {  	_ =	shalt  }
0x50: {  	_ =	shalt  }
0x51: {  	_ =	shalt  }
0x52: {  	_ =	shalt  }
0x53: {  	_ =	shalt  }
0x54: {  	_ =	shalt  }
0x55: {  	_ =	shalt  }
0x56: {  	_ =	shalt  }
0x57: {  	_ =	shalt  }
0x58: {  	_ =	shalt  }
0x59: {  	_ =	shalt  }
0x5a: {  	_ =	shalt  }
0x5b: {  	_ =	shalt  }
0x5c: {  	_ =	shalt  }
0x5d: {  	_ =	shalt  }
0x5e: {  	_ =	shalt  }
0x5f: {  	_ =	shalt  }
0x60: {  	_ =	shalt  }
0x61: {  	_ =	shalt  }
0x62: {  	_ =	shalt  }
0x63: {  	_ =	shalt  }
0x64: {  	_ =	shalt  }
0x65: {  	_ =	shalt  }
0x66: {  	_ =	shalt  }
0x67: {  	_ =	shalt  }
0x68: {  	_ =	shalt  }
0x69: {  	_ =	shalt  }
0x6a: {  	_ =	shalt  }
0x6b: {  	_ =	shalt  }
0x6c: {  	_ =	shalt  }
0x6d: {  	_ =	shalt  }
0x6e: {  	_ =	shalt  }
0x6f: {  	_ =	shalt  }
0x70: {  	_ =	shalt  }
0x71: {  	_ =	shalt  }
0x72: {  	_ =	shalt  }
0x73: {  	_ =	shalt  }
0x74: {  	_ =	shalt  }
0x75: {  	_ =	shalt  }
0x76: {  	_ =	shalt  }
0x77: {  	_ =	shalt  }
0x78: {  	_ =	shalt  }
0x79: {  	_ =	shalt  }
0x7a: {  	_ =	shalt  }
0x7b: {  	_ =	shalt  }
0x7c: {  	_ =	shalt  }
0x7d: {  	_ =	shalt  }
0x7e: {  	_ =	shalt  }
0x7f: {  	_ =	shalt  }
0x80: {  	_ =	shalt  }
0x81: {  	_ =	shalt  }
0x82: {  	_ =	shalt  }
0x83: {  	_ =	shalt  }
0x84: {  	_ =	shalt  }
0x85: {  	_ =	shalt  }
0x86: {  	_ =	shalt  }
0x87: {  	_ =	shalt  }
.Lfunc_end0:
.L_simem_size_0:
called_computation.1_lowered:
.L_overlay_start_0:
0x88: {  	s2 =	sld [smem:$0x3FD9]  }
0x89: {  	s3 =	sld [smem:$0x3FFE];
	_ =	sdelay $0x1  }
0x8a: {  	s1 =	srdreg.scid  }
0x8b: {  	s0 =	sand.u32 $0x1, s1  }
0x8c: {  	s16 =	sshll.u32 s0, $0xA;
	s2 =	sadd.s32 s3, s2  }
0x8d: {  	s2 =	sadd.s32 s2, s16  }
0x8e: {  	[smem:$0x3FB1] =	sst s2  }
0x8f: {  	_ = 	snop  }
0x90: {  	(tm) =	ssettm $0x1  }
0x91: {  	s17 =	sld [smem:$0x3FFB];
	_ =	sdelay $0x3  }
0x92: {  	_ =	strace s17  }
0x93: {  	s2 =	sld [smem:$0x3FFC];
	_ =	sdelay $0x3  }
0x94: {  	_ =	strace s2  }
0x95: {  	s2 =	sld [smem:$0x3FFD];
	_ =	sdelay $0x3  }
0x96: {  	_ =	strace s2  }
0x97: {  	_ =	strace $0x8FFFFFFF  }
0x98: {  	s18 =	sld [smem:$0x3FDB];
	_ =	sdelay $0x1  }
0x99: {  	s19 =	simm.s32 $_scs_section_size  }
0x9a: {  	s4 =	simm.s32 $_size__tile_overlayer_lowered;
	s5 =	simm.s32 $_tile_overlayer_lowered  }
0x9b: {  	s22 =	simm.s32 $0x1BFF;
	s21 =	sshll.u32 s5, $0x1;
	s2 =	sadd.s32 s19, s18  }
0x9c: {  	s6 =	simm.s32 $0x0;
	s20 =	sshll.u32 s4, $0x1;
	s4 =	sadd.s32 s21, s2  }
0x9d: {  	[timem:s6], [sflag:s22] =	dma.local [hbm:s4], s20  }
0x9e: {  	_ =	swait.ge [sflag:s22], s20  }
0x9f: {  	s3 =	ssub.s32 $0x0, s20;
	[sflag:s22] =	ssyncset.done $0x0  }
0xa0: {  	[sflag:s22] =	ssyncadd.s32 s3;
	_ =	sdelay $0x1  }
0xa1: {  	s23 =	simm.s32 $0x1B8B  }
0xa2: {  	_ =	swait.ge [sflag:s23], $0x1  }
0xa3: {  	[sflag:s23] =	ssyncset.done $0x0  }
0xa4: {  	s25 =	simm.s32 $0x1B8E;
	s24 =	sld [smem:$0x3FFE];
	[sflag:s23] =	ssyncadd.s32 $0xFFFFFFFF  }
0xa5: {  	s26 =	simm.s32 $execute0_lowered;
	[smem:$0x3FD2] =	sst s25  }
0xa6: {  	s4 =	sshll.u32 s26, $0x1;
	_ =	strace $0x80000049;
	[dreg:$0x1] =	wrdreg $0xFFFFFFFF  }
0xa7: {  	s28 =	simm.s32 $_size_execute0_lowered;
	s2 =	sadd.s32 s2, s4;
	[dreg:$0x0] =	wrdreg $0x0  }
0xa8: {  	s4 =	sshll.u32 s28, $0x1;
	[dreg:$0x2] =	wrdreg s2  }
0xa9: {  	[dreg:$0x3] =	wrdreg s4  }
0xaa: {  	[dreg:$0x4] =	wrdreg $0xC0  }
0xab: {  	_ =	task [dreg:s6], $0x5FFFF  }
0xac: {  	[dreg:$0x1] =	wrdreg $0xFFFFFFFF  }
0xad: {  	[dreg:$0x0] =	wrdreg $0x60  }
0xae: {  	[dreg:$0x2] =	wrdreg s24  }
0xaf: {  	[dreg:$0x3] =	wrdreg $0xFD000  }
0xb0: {  	[dreg:$0x4] =	wrdreg $0x199800  }
0xb1: {  	[dreg:$0x5] =	wrdreg $0x9  }
0xb2: {  	_ =	task.clear_ibuf [dreg:s6], $0x6FFFF;
	_ =	strace $0x90000049  }
0xb3: {  	s29 =	simm.s32 $0x9;
	_ =	strace $0x8000004B  }
0xb4: {  	_ =	swait.ge [sflag:s29], $0x1  }
0xb5: {  	[sflag:s29] =	ssyncadd.s32 $0xFFFFFFFF  }
0xb6: {  	_ =	strace $0x9000004B  }
0xb7: {  	_ =	sfence  }
0xb8: {  	s30 =	sld [smem:$0x0];
	_ =	sdelay $0x2  }
0xb9: {  	s31 =	sshll.u32 s1, $0xD;
	s1 =	sshrl.u32 s1, $0x2  }
0xba: {  	s3 =	sand.u32 $0x4000, s31;
	s1 =	sadd.s32 s1, s30  }
0xbb: {  	s0 =	sor.u32 s3, s0;
	s1 =	sshll.u32 s1, $0x11  }
0xbc: {  	s0 =	sor.u32 s1, s0  }
0xbd: {  	s0 =	sadd.s32 $0x8F2B, s0  }
0xbe: {  	[sflag:s0] =	ssyncadd.remote.s32 $0x1  }
0xbf: {  	_ =	sfence.sel $0xFFFF  }
0xc0: {  	[dreg:$0x0] =	wrdreg $0xFFFFFFFF;
	(pc) =	sbr.abs _section_cstart, $3  }
0xc1: {  	[dreg:$0x1] =	wrdreg $0xFFFFFFFF  }
0xc2: {  	_ =	task.clear_ibuf [dreg:s6], $0x2FFFF;
	_ =	strace $0x9FFFFFFF  }
0xc3: {  	(tm) =	ssettm $0x7FFFFFFF  }
tec
execute0_lowered:
.L_overlay_start_1:
0x0: {  	(tag) =	ssettag $0x1  }
0x1: {  	s0 =	srdreg.scid;
	s1 =	rddreg [dreg:$0x0]  }
0x2: {  	s11 =	stileid.u32;
	s2 =	rddreg [dreg:$0x1];
	s23 =	simm.s32 $0x0  }
0x3: {  	s13 =	simm.s32 $0x6;
	s15 =	simm.s32 $0x80;
	s17 =	simm.s32 $0x2D00  }
0x4: {  	s19 =	simm.s32 $0x4D00;
	s20 =	simm.s32 $0x2900;
	s21 =	simm.s32 $0x5D00  }
0x5: {  	s28 =	simm.s32 $0x2A80;
	s29 =	simm.s32 $0x2;
	s30 =	simm.s32 $0x2B00  }
0x6: {  	s31 =	simm.s32 $0x9D00;
	s16 =	simm.s32 $0x4;
	s4 =	smul.u32 $0x9C40, s11  }
0x7: {  	s22 =	simm.s32 $0xBD00;
	s0 =	sand.u32 $0x1, s0;
	s7 =	smul.u32 $0x9C80, s11  }
0x8: {  	[smem:$0x7FF] =	sst s23;
	s10 =	sadd.s32 $0x2AA00, s1;
	s25 =	sshll.u32 s11, $0x6  }
0x9: {  	s23 =	simm.s32 $0x5;
	s3 =	sshll.u32 s0, $0x4;
	s9 =	smul.u32 $0x9C800, s0  }
0xa: {  	s0 =	ssub.s32 $0x2, s0;
	s5 =	sor.u32 s11, s3;
	s3 =	rddreg [dreg:$0x2]  }
0xb: {  	s8 =	sshrl.u32 s4, $0x4;
	_ =	strace $0x8000004A;
	[dreg:$0x4] =	wrdreg s10  }
0xc: {  	s24 =	sshrl.u32 s0, $0x1;
	s4 =	sshrl.u32 s4, $0x1;
	s11 =	simm.s32 $0x0  }
0xd: {  	s6 =	smul.u32 $0x500, s5;
	s5 =	sadd.s32 $0xD200, s1;
	s8 =	sadd.s32 s8, s1  }
0xe: {  	s9 =	sadd.s32 s7, s9;
	s0 =	ssub.s32 s0, s24;
	s7 =	sadd.s32 s7, s2  }
0xf: {  	s4 =	sadd.s32 s4, s3;
	s24 =	simm.s32 $0x2A00;
	s9 =	sshrl.u32 s9, $0x3  }
0x10: {  	s8 =	sadd.s32 $0x20C00, s8;
	s0 =	smax.u32 s0, $0x1;
	s10 =	sshrl.u32 s7, $0x3  }
0x11: {  	s26 =	sshrl.u32 s4, $0x3;
	s4 =	simm.s32 $0x2C00;
	[dreg:$0x6] =	wrdreg s8  }
0x12: {  	s6 =	sadd.s32 s6, s1;
	s1 =	sadd.s32 s9, s1;
	[dreg:$0x9] =	wrdreg s0  }
.Ltmp0:
0x13: {  	s9 =	sor.u32 $0x1C06, s25;
	[dreg:$0xb] =	wrdreg s26;
	(pc) =	sbr.rel .LBB2_1-.Ltmp0, $4  }
0x14: {  	s25 =	simm.s32 $0x8D00;
	s26 =	simm.s32 $0x1;
	[dreg:$0xa] =	wrdreg s10  }
0x15: {  	s0 =	simm.s32 $0x2B80;
	s6 =	sadd.s32 $0x3200, s6;
	[dreg:$0x5] =	wrdreg s9  }
0x16: {  	s8 =	simm.s32 $0xDD00;
	s1 =	sadd.s32 $0x2BE00, s1;
	[dreg:$0x7] =	wrdreg s6  }
0x17: {  	[dreg:$0x8] =	wrdreg s1;
	s1 =	simm.s32 $0x3;
	s6 =	simm.s32 $0x2C80  }
.LBB2_13:
0x18: {  	[bflag:$0x0] =	sbarrier.arrive $0xFFFF  }
0x19: {  	s9 =	rddreg [dreg:$0x5]  }
0x1a: {  	s7 =	rddreg [dreg:$0x8]  }
0x1b: {  	s10 =	rddreg [dreg:$0xa]  }
0x1c: {  	[hbm:s7], [sflag:s9] =	dma.local [spmem:s10], $0x1390  }
0x1d: {  	_ =	swait.ge [sflag:s13], $0x1390  }
0x1e: {  	s11 =	rddreg [dreg:$0xc]  }
0x1f: {  	s18 =	rddreg [dreg:$0x9];
	s11 =	sadd.s32 $0x1, s11  }
0x20: {  	p0 =	sne.s32 s11, s18  }
.Ltmp1:
0x21: {  	_ = 	snop;
	(pc) =	sbr.rel @!p0 .LBB2_14-.Ltmp1, $3  }
0x22: {  	_ =	sdelay $0x1  }
0x23: {  	[sflag:s13] =	ssyncset.done $0x0  }
0x24: {  	[sflag:s13] =	ssyncadd.s32 $0xFFFFEC70  }
.LBB2_1:
0x25: {  	[dreg:$0xc] =	wrdreg s11  }
0x26: {  	s7 =	rddreg [dreg:$0x4]  }
0x27: {  	[spmem:s10], [sflag:s9] =	dma.local [hbm:s7], $0x1390  }
0x28: {  	_ =	swait.ge [sflag:s13], $0x1390  }
0x29: {  	[sflag:s13] =	ssyncset.done $0x0;
	s14 =	rddreg [dreg:$0x6]  }
0x2a: {  	s18 =	rddreg [dreg:$0xb];
	[sflag:s13] =	ssyncadd.s32 $0xFFFFEC70  }
0x2b: {  	[spmem:s18], [sflag:s9] =	dma.local [hbm:s14], $0x9C4  }
0x2c: {  	_ =	swait.ge [sflag:s13], $0x9C4  }
0x2d: {  	[sflag:s13] =	ssyncset.done $0x0  }
0x2e: {  	s9 =	simm.s32 $0x0;
	s10 =	rddreg [dreg:$0x7];
	[sflag:s13] =	ssyncadd.s32 $0xFFFFF63C  }
0x2f: {  	[tilespmem:s9], [sflag:$0x6] =	stream.linear.gather [hbm4b:s10+s9], $0x2800, $0x38;
	[tilespmem:$0x1E7A0] =	vst v63  }
0x30: {  	_ =	swait.ge [sflag:s13], $0x2800  }
0x31: {  	[sflag:s13] =	ssyncset.done $0x0  }
0x32: {  	[sflag:s13] =	ssyncadd.s32 $0xFFFFD800  }
0x33: {  	[bflag:$0x0] =	sbarrier.arrive $0xFFFF  }
0x34: {  	v0 =	vld [tilespmem:$0x0];
	_ =	sdelay $0x1  }
0x35: {  	v1 =	vld [tilespmem:$0x10];
	_ =	sdelay $0x1  }
0x36: {  	v2 =	vld [tilespmem:$0x20]  }
0x37: {  	v3 =	vand.u32 $0xFFFF, v0  }
0x38: {  	v11 =	vld [tilespmem:$0x30];
	v0 =	vshrl.u32 v0, $0x10;
	[tilespmem:$0x2800] =	vst v3  }
0x39: {  	v12 =	vand.u32 $0xFFFF, v1;
	[tilespmem:$0x2A80] =	vst v0  }
0x3a: {  	v14 =	vld [tilespmem:$0x40];
	v13 =	vshrl.u32 v1, $0x10;
	[tilespmem:$0x2810] =	vst v12  }
0x3b: {  	v15 =	vand.u32 $0xFFFF, v2;
	[tilespmem:$0x2A90] =	vst v13  }
0x3c: {  	v17 =	vld [tilespmem:$0x50];
	v16 =	vshrl.u32 v2, $0x10;
	[tilespmem:$0x2820] =	vst v15  }
0x3d: {  	v18 =	vand.u32 $0xFFFF, v11;
	[tilespmem:$0x2AA0] =	vst v16  }
0x3e: {  	v20 =	vld [tilespmem:$0x60];
	v19 =	vshrl.u32 v11, $0x10;
	[tilespmem:$0x2830] =	vst v18  }
0x3f: {  	v21 =	vand.u32 $0xFFFF, v14;
	[tilespmem:$0x2AB0] =	vst v19  }
0x40: {  	v23 =	vld [tilespmem:$0x70];
	v22 =	vshrl.u32 v14, $0x10;
	[tilespmem:$0x2840] =	vst v21  }
0x41: {  	v24 =	vand.u32 $0xFFFF, v17;
	[tilespmem:$0x2AC0] =	vst v22  }
0x42: {  	v25 =	vshrl.u32 v17, $0x10;
	[tilespmem:$0x2850] =	vst v24  }
0x43: {  	v26 =	vand.u32 $0xFFFF, v20;
	[tilespmem:$0x2AD0] =	vst v25  }
0x44: {  	v27 =	vshrl.u32 v20, $0x10;
	[tilespmem:$0x2860] =	vst v26  }
0x45: {  	v28 =	vand.u32 $0xFFFF, v23;
	[tilespmem:$0x2AE0] =	vst v27  }
0x46: {  	v29 =	vshrl.u32 v23, $0x10;
	[tilespmem:$0x2870] =	vst v28  }
0x47: {  	s11 =	simm.s32 $0x2800;
	[tilespmem:$0x2AF0] =	vst v29  }
0x48: {  	[tilespmem:s17], [sflag:$0x1] =	stream.indirect.gather [hbm4b:s5+s15], $0x40, s11, s15, $0xb8;
	[tilespmem:$0x1E7A0] =	vst v63  }
0x49: {  	v30 =	vld [tilespmem:$0x80];
	_ =	sdelay $0x1  }
0x4a: {  	v31 =	vld [tilespmem:$0x90];
	_ =	sdelay $0x1  }
0x4b: {  	v32 =	vld [tilespmem:$0xA0]  }
0x4c: {  	v33 =	vand.u32 $0xFFFF, v30  }
0x4d: {  	v34 =	vld [tilespmem:$0xB0];
	v0 =	vshrl.u32 v30, $0x10;
	[tilespmem:$0x2880] =	vst v33  }
0x4e: {  	v35 =	vand.u32 $0xFFFF, v31;
	[tilespmem:$0x2B00] =	vst v0  }
0x4f: {  	v37 =	vld [tilespmem:$0xC0];
	v36 =	vshrl.u32 v31, $0x10;
	[tilespmem:$0x2890] =	vst v35  }
0x50: {  	v38 =	vand.u32 $0xFFFF, v32;
	[tilespmem:$0x2B10] =	vst v36  }
0x51: {  	v40 =	vld [tilespmem:$0xD0];
	v39 =	vshrl.u32 v32, $0x10;
	[tilespmem:$0x28A0] =	vst v38  }
0x52: {  	v41 =	vand.u32 $0xFFFF, v34;
	[tilespmem:$0x2B20] =	vst v39  }
0x53: {  	v43 =	vld [tilespmem:$0xE0];
	v42 =	vshrl.u32 v34, $0x10;
	[tilespmem:$0x28B0] =	vst v41  }
0x54: {  	v44 =	vand.u32 $0xFFFF, v37;
	[tilespmem:$0x2B30] =	vst v42  }
0x55: {  	v46 =	vld [tilespmem:$0xF0];
	v45 =	vshrl.u32 v37, $0x10;
	[tilespmem:$0x28C0] =	vst v44  }
0x56: {  	v47 =	vand.u32 $0xFFFF, v40;
	[tilespmem:$0x2B40] =	vst v45  }
0x57: {  	v48 =	vshrl.u32 v40, $0x10;
	[tilespmem:$0x28D0] =	vst v47  }
0x58: {  	v49 =	vand.u32 $0xFFFF, v43;
	[tilespmem:$0x2B50] =	vst v48  }
0x59: {  	v50 =	vshrl.u32 v43, $0x10;
	[tilespmem:$0x28E0] =	vst v49  }
0x5a: {  	v51 =	vand.u32 $0xFFFF, v46;
	[tilespmem:$0x2B60] =	vst v50  }
0x5b: {  	v52 =	vshrl.u32 v46, $0x10;
	[tilespmem:$0x28F0] =	vst v51  }
0x5c: {  	s12 =	simm.s32 $0x2880;
	[tilespmem:$0x2B70] =	vst v52  }
0x5d: {  	[tilespmem:s19], [sflag:$0x2] =	stream.indirect.gather [spmem:s3], $0x20, s12, s15, $0xb8;
	[tilespmem:$0x1E7A0] =	vst v63  }
0x5e: {  	v53 =	vld [tilespmem:$0x100];
	_ =	sdelay $0x1  }
0x5f: {  	v54 =	vld [tilespmem:$0x110];
	_ =	sdelay $0x1  }
0x60: {  	v55 =	vld [tilespmem:$0x120]  }
0x61: {  	v56 =	vand.u32 $0xFFFF, v53  }
0x62: {  	v57 =	vld [tilespmem:$0x130];
	v0 =	vshrl.u32 v53, $0x10;
	[tilespmem:$0x2900] =	vst v56  }
0x63: {  	v58 =	vand.u32 $0xFFFF, v54;
	[tilespmem:$0x2B80] =	vst v0  }
0x64: {  	v60 =	vld [tilespmem:$0x140];
	v59 =	vshrl.u32 v54, $0x10;
	[tilespmem:$0x2910] =	vst v58  }
0x65: {  	v61 =	vand.u32 $0xFFFF, v55;
	[tilespmem:$0x2B90] =	vst v59  }
0x66: {  	v63 =	vld [tilespmem:$0x150];
	v62 =	vshrl.u32 v55, $0x10;
	[tilespmem:$0x2920] =	vst v61  }
0x67: {  	v6 =	vand.u32 $0xFFFF, v57;
	[tilespmem:$0x2BA0] =	vst v62  }
0x68: {  	v8 =	vld [tilespmem:$0x160];
	v7 =	vshrl.u32 v57, $0x10;
	[tilespmem:$0x2930] =	vst v6  }
0x69: {  	v9 =	vand.u32 $0xFFFF, v60;
	[tilespmem:$0x2BB0] =	vst v7  }
0x6a: {  	v11 =	vld [tilespmem:$0x170];
	v10 =	vshrl.u32 v60, $0x10;
	[tilespmem:$0x2940] =	vst v9  }
0x6b: {  	v12 =	vand.u32 $0xFFFF, v63;
	[tilespmem:$0x2BC0] =	vst v10  }
0x6c: {  	v13 =	vshrl.u32 v63, $0x10;
	[tilespmem:$0x2950] =	vst v12  }
0x6d: {  	v14 =	vand.u32 $0xFFFF, v8;
	[tilespmem:$0x2BD0] =	vst v13  }
0x6e: {  	v15 =	vshrl.u32 v8, $0x10;
	[tilespmem:$0x2960] =	vst v14  }
0x6f: {  	v16 =	vand.u32 $0xFFFF, v11;
	[tilespmem:$0x2BE0] =	vst v15  }
0x70: {  	v17 =	vshrl.u32 v11, $0x10;
	[tilespmem:$0x2970] =	vst v16  }
0x71: {  	[tilespmem:$0x2BF0] =	vst v17  }
0x72: {  	[tilespmem:s21], [sflag:$0x3] =	stream.indirect.gather [hbm4b:s5+s15], $0x40, s20, s15, $0xb8;
	[tilespmem:$0x1E7A0] =	vst v63  }
0x73: {  	v18 =	vld [tilespmem:$0x180];
	_ =	sdelay $0x1  }
0x74: {  	v19 =	vld [tilespmem:$0x190];
	_ =	sdelay $0x1  }
0x75: {  	v20 =	vld [tilespmem:$0x1A0]  }
0x76: {  	v21 =	vand.u32 $0xFFFF, v18  }
0x77: {  	v22 =	vld [tilespmem:$0x1B0];
	v0 =	vshrl.u32 v18, $0x10;
	[tilespmem:$0x2980] =	vst v21  }
0x78: {  	v23 =	vand.u32 $0xFFFF, v19;
	[tilespmem:$0x2C00] =	vst v0  }
0x79: {  	v25 =	vld [tilespmem:$0x1C0];
	v24 =	vshrl.u32 v19, $0x10;
	[tilespmem:$0x2990] =	vst v23  }
0x7a: {  	v26 =	vand.u32 $0xFFFF, v20;
	[tilespmem:$0x2C10] =	vst v24  }
0x7b: {  	v28 =	vld [tilespmem:$0x1D0];
	v27 =	vshrl.u32 v20, $0x10;
	[tilespmem:$0x29A0] =	vst v26  }
0x7c: {  	v29 =	vand.u32 $0xFFFF, v22;
	[tilespmem:$0x2C20] =	vst v27  }
0x7d: {  	v31 =	vld [tilespmem:$0x1E0];
	v30 =	vshrl.u32 v22, $0x10;
	[tilespmem:$0x29B0] =	vst v29  }
0x7e: {  	v32 =	vand.u32 $0xFFFF, v25;
	[tilespmem:$0x2C30] =	vst v30  }
0x7f: {  	v34 =	vld [tilespmem:$0x1F0];
	v33 =	vshrl.u32 v25, $0x10;
	[tilespmem:$0x29C0] =	vst v32  }
0x80: {  	v35 =	vand.u32 $0xFFFF, v28;
	[tilespmem:$0x2C40] =	vst v33  }
0x81: {  	v36 =	vshrl.u32 v28, $0x10;
	[tilespmem:$0x29D0] =	vst v35  }
0x82: {  	v37 =	vand.u32 $0xFFFF, v31;
	[tilespmem:$0x2C50] =	vst v36  }
0x83: {  	v38 =	vshrl.u32 v31, $0x10;
	[tilespmem:$0x29E0] =	vst v37  }
0x84: {  	v39 =	vand.u32 $0xFFFF, v34;
	[tilespmem:$0x2C60] =	vst v38  }
0x85: {  	v40 =	vshrl.u32 v34, $0x10;
	[tilespmem:$0x29F0] =	vst v39  }
0x86: {  	s14 =	simm.s32 $0x2980;
	s18 =	simm.s32 $0x7D00;
	[tilespmem:$0x2C70] =	vst v40  }
0x87: {  	[tilespmem:s18], [sflag:$0x4] =	stream.indirect.gather [spmem:s3], $0x20, s14, s15, $0xb8;
	[tilespmem:$0x1E7A0] =	vst v63  }
0x88: {  	v41 =	vld [tilespmem:$0x200];
	_ =	sdelay $0x1  }
0x89: {  	v42 =	vld [tilespmem:$0x210];
	_ =	sdelay $0x1  }
0x8a: {  	v43 =	vld [tilespmem:$0x220]  }
0x8b: {  	v44 =	vand.u32 $0xFFFF, v41  }
0x8c: {  	v45 =	vld [tilespmem:$0x230];
	v0 =	vshrl.u32 v41, $0x10;
	[tilespmem:$0x2A00] =	vst v44  }
0x8d: {  	v46 =	vand.u32 $0xFFFF, v42;
	[tilespmem:$0x2C80] =	vst v0  }
0x8e: {  	v48 =	vld [tilespmem:$0x240];
	v47 =	vshrl.u32 v42, $0x10;
	[tilespmem:$0x2A10] =	vst v46  }
0x8f: {  	v49 =	vand.u32 $0xFFFF, v43;
	[tilespmem:$0x2C90] =	vst v47  }
0x90: {  	v51 =	vld [tilespmem:$0x250];
	v50 =	vshrl.u32 v43, $0x10;
	[tilespmem:$0x2A20] =	vst v49  }
0x91: {  	v52 =	vand.u32 $0xFFFF, v45;
	[tilespmem:$0x2CA0] =	vst v50  }
0x92: {  	v54 =	vld [tilespmem:$0x260];
	v53 =	vshrl.u32 v45, $0x10;
	[tilespmem:$0x2A30] =	vst v52  }
0x93: {  	v55 =	vand.u32 $0xFFFF, v48;
	[tilespmem:$0x2CB0] =	vst v53  }
0x94: {  	v57 =	vld [tilespmem:$0x270];
	v56 =	vshrl.u32 v48, $0x10;
	[tilespmem:$0x2A40] =	vst v55  }
0x95: {  	v58 =	vand.u32 $0xFFFF, v51;
	[tilespmem:$0x2CC0] =	vst v56  }
0x96: {  	v59 =	vshrl.u32 v51, $0x10;
	[tilespmem:$0x2A50] =	vst v58  }
0x97: {  	v60 =	vand.u32 $0xFFFF, v54;
	[tilespmem:$0x2CD0] =	vst v59  }
0x98: {  	v61 =	vshrl.u32 v54, $0x10;
	[tilespmem:$0x2A60] =	vst v60  }
0x99: {  	v62 =	vand.u32 $0xFFFF, v57;
	[tilespmem:$0x2CE0] =	vst v61  }
0x9a: {  	v63 =	vshrl.u32 v57, $0x10;
	[tilespmem:$0x2A70] =	vst v62  }
0x9b: {  	s10 =	simm.s32 $0x0;
	[tilespmem:$0x2CF0] =	vst v63  }
0x9c: {  	[tilespmem:s25], [sflag:$0x5] =	stream.indirect.gather [spmem:s3], $0x20, s24, s15, $0xb8;
	[tilespmem:$0x1E7A0] =	vst v63  }
.LBB2_2:
0x9d: {  	_ =	swait.ge [sflag:s26], $0x2000  }
0x9e: {  	[sflag:s26] =	ssyncset.done $0x0  }
0x9f: {  	p0 =	seq.s32 s10, $0xF;
	[sflag:s26] =	ssyncadd.s32 $0xFFFFE000  }
0xa0: {  	[spmem:s2] =	stream.indirect.scatter.add.f32 [tilespmem:s17], [sflag:$0x6], $0x40, s28, s15, $0xb8;
	[tilespmem:$0x1E7A0] =	vst v63  }
0xa1: {  	s7 =	smul.u32 @!p0 $0xA00, s10;
	_ =	swait.ge [sflag:s13], $0x2000  }
0xa2: {  	[sflag:s13] =	ssyncset.done $0x0  }
0xa3: {  	s11 =	sshra.s32 @!p0 s7, $0x2;
	[sflag:s13] =	ssyncadd.s32 $0xFFFFE000  }
0xa4: {  	v0 =	vld @!p0 [tilespmem:s11+$0x280];
	_ =	sdelay $0x4  }
0xa5: {  	v1 =	vand.u32 @!p0 $0xFFFF, v0  }
0xa6: {  	v0 =	vshrl.u32 @!p0 v0, $0x10;
	[tilespmem:$0x2800] =	vst @!p0 v1  }
0xa7: {  	[tilespmem:$0x2A80] =	vst @!p0 v0  }
0xa8: {  	v0 =	vld @!p0 [tilespmem:s11+$0x290];
	_ =	sdelay $0x4  }
0xa9: {  	v1 =	vand.u32 @!p0 $0xFFFF, v0  }
0xaa: {  	v0 =	vshrl.u32 @!p0 v0, $0x10;
	[tilespmem:$0x2810] =	vst @!p0 v1  }
0xab: {  	[tilespmem:$0x2A90] =	vst @!p0 v0  }
0xac: {  	v0 =	vld @!p0 [tilespmem:s11+$0x2A0];
	_ =	sdelay $0x4  }
0xad: {  	v1 =	vand.u32 @!p0 $0xFFFF, v0  }
0xae: {  	v0 =	vshrl.u32 @!p0 v0, $0x10;
	[tilespmem:$0x2820] =	vst @!p0 v1  }
0xaf: {  	[tilespmem:$0x2AA0] =	vst @!p0 v0  }
0xb0: {  	v0 =	vld @!p0 [tilespmem:s11+$0x2B0];
	_ =	sdelay $0x4  }
0xb1: {  	v1 =	vand.u32 @!p0 $0xFFFF, v0  }
0xb2: {  	v0 =	vshrl.u32 @!p0 v0, $0x10;
	[tilespmem:$0x2830] =	vst @!p0 v1  }
0xb3: {  	[tilespmem:$0x2AB0] =	vst @!p0 v0  }
0xb4: {  	v0 =	vld @!p0 [tilespmem:s11+$0x2C0];
	_ =	sdelay $0x4  }
0xb5: {  	v1 =	vand.u32 @!p0 $0xFFFF, v0  }
0xb6: {  	v0 =	vshrl.u32 @!p0 v0, $0x10;
	[tilespmem:$0x2840] =	vst @!p0 v1  }
0xb7: {  	[tilespmem:$0x2AC0] =	vst @!p0 v0  }
0xb8: {  	v0 =	vld @!p0 [tilespmem:s11+$0x2D0];
	_ =	sdelay $0x4  }
0xb9: {  	v1 =	vand.u32 @!p0 $0xFFFF, v0  }
0xba: {  	v0 =	vshrl.u32 @!p0 v0, $0x10;
	[tilespmem:$0x2850] =	vst @!p0 v1  }
0xbb: {  	[tilespmem:$0x2AD0] =	vst @!p0 v0  }
0xbc: {  	v0 =	vld @!p0 [tilespmem:s11+$0x2E0];
	_ =	sdelay $0x4  }
0xbd: {  	v1 =	vand.u32 @!p0 $0xFFFF, v0  }
0xbe: {  	v0 =	vshrl.u32 @!p0 v0, $0x10;
	[tilespmem:$0x2860] =	vst @!p0 v1  }
0xbf: {  	[tilespmem:$0x2AE0] =	vst @!p0 v0  }
0xc0: {  	v0 =	vld @!p0 [tilespmem:s11+$0x2F0];
	_ =	sdelay $0x4  }
0xc1: {  	v1 =	vand.u32 @!p0 $0xFFFF, v0  }
0xc2: {  	v0 =	vshrl.u32 @!p0 v0, $0x10;
	[tilespmem:$0x2870] =	vst @!p0 v1  }
0xc3: {  	s9 =	simm.s32 @!p0 $0x2800;
	s12 =	simm.s32 @!p0 $0x2D00;
	s7 =	simm.s32 @!p0 $0x80;
	[tilespmem:$0x2AF0] =	vst @!p0 v0  }
0xc4: {  	[tilespmem:s12], [sflag:$0x1] =	stream.indirect.gather @!p0 [hbm4b:s5+s7], $0x40, s9, s7, $0xb8;
	[tilespmem:$0x1E7A0] =	vst v63  }
0xc5: {  	_ =	swait.ge [sflag:s29], $0x1000  }
0xc6: {  	[sflag:s29] =	ssyncset.done $0x0  }
0xc7: {  	s12 =	simm.s32 $0x0;
	[sflag:s29] =	ssyncadd.s32 $0xFFFFF000  }
0xc8: {  	v0 =	vld [tilespmem:s12+$0x4D00];
	_ =	sdelay $0x4  }
0xc9: {  	s14 =	simm.s32 $0x9D80;
	v1 =	vshll.u32 v0, $0x10  }
0xca: {  	v0 =	vand.u32 $0xFFFF0000, v0;
	[tilespmem:s14+$0xFFFFFF80] =	vst v1  }
0xcb: {  	[tilespmem:s14+$0xFFFFFF90] =	vst v0  }
0xcc: {  	v0 =	vld [tilespmem:s12+$0x4D10];
	_ =	sdelay $0x4  }
0xcd: {  	v1 =	vshll.u32 v0, $0x10  }
0xce: {  	v0 =	vand.u32 $0xFFFF0000, v0;
	[tilespmem:s14+$0xFFFFFFA0] =	vst v1  }
0xcf: {  	[tilespmem:s14+$0xFFFFFFB0] =	vst v0  }
0xd0: {  	v0 =	vld [tilespmem:s12+$0x4D20];
	_ =	sdelay $0x4  }
0xd1: {  	v1 =	vshll.u32 v0, $0x10  }
0xd2: {  	v0 =	vand.u32 $0xFFFF0000, v0;
	[tilespmem:s14+$0xFFFFFFC0] =	vst v1  }
0xd3: {  	[tilespmem:s14+$0xFFFFFFD0] =	vst v0  }
0xd4: {  	v0 =	vld [tilespmem:s12+$0x4D30];
	_ =	sdelay $0x4  }
0xd5: {  	v1 =	vshll.u32 v0, $0x10  }
0xd6: {  	v0 =	vand.u32 $0xFFFF0000, v0;
	[tilespmem:s14+$0xFFFFFFE0] =	vst v1  }
0xd7: {  	[tilespmem:s14+$0xFFFFFFF0] =	vst v0  }
0xd8: {  	v0 =	vld [tilespmem:s12+$0x4D40];
	_ =	sdelay $0x4  }
0xd9: {  	v1 =	vshll.u32 v0, $0x10  }
0xda: {  	v0 =	vand.u32 $0xFFFF0000, v0;
	[tilespmem:s14+$0x0] =	vst v1  }
0xdb: {  	[tilespmem:s14+$0x10] =	vst v0  }
0xdc: {  	v0 =	vld [tilespmem:s12+$0x4D50];
	_ =	sdelay $0x4  }
0xdd: {  	v1 =	vshll.u32 v0, $0x10  }
0xde: {  	v0 =	vand.u32 $0xFFFF0000, v0;
	[tilespmem:s14+$0x20] =	vst v1  }
0xdf: {  	[tilespmem:s14+$0x30] =	vst v0  }
0xe0: {  	v0 =	vld [tilespmem:s12+$0x4D60];
	_ =	sdelay $0x4  }
0xe1: {  	v1 =	vshll.u32 v0, $0x10  }
0xe2: {  	s7 =	simm.s32 $0x200;
	s9 =	simm.s32 $0x9D80;
	v0 =	vand.u32 $0xFFFF0000, v0;
	[tilespmem:s14+$0x40] =	vst v1  }
.LBB2_3:
0xe3: {  	p1 =	sne.s32 s7, $0x3E00  }
0xe4: {  	[tilespmem:s14+$0x50] =	vst v0;
	s9 =	sadd.s32 $0x100, s9;
	s18 =	smov.u32 s7;
	s7 =	sadd.s32 $0x200, s7  }
0xe5: {  	v0 =	vld [tilespmem:s12+$0x4D70];
	_ =	sdelay $0x4  }
0xe6: {  	v1 =	vshll.u32 v0, $0x10;
	v0 =	vand.u32 $0xFFFF0000, v0  }
0xe7: {  	[tilespmem:s14+$0x60] =	vst v1  }
0xe8: {  	s12 =	sshra.s32 s18, $0x2;
	[tilespmem:s14+$0x70] =	vst v0;
	s14 =	smov.u32 s9  }
0xe9: {  	v0 =	vld [tilespmem:s12+$0x4D00];
	_ =	sdelay $0x4  }
0xea: {  	v1 =	vshll.u32 v0, $0x10;
	v0 =	vand.u32 $0xFFFF0000, v0  }
0xeb: {  	[tilespmem:s9+$0xFFFFFF80] =	vst v1  }
0xec: {  	[tilespmem:s9+$0xFFFFFF90] =	vst v0  }
0xed: {  	v0 =	vld [tilespmem:s12+$0x4D10];
	_ =	sdelay $0x4  }
0xee: {  	v1 =	vshll.u32 v0, $0x10;
	v0 =	vand.u32 $0xFFFF0000, v0  }
0xef: {  	[tilespmem:s9+$0xFFFFFFA0] =	vst v1  }
0xf0: {  	[tilespmem:s9+$0xFFFFFFB0] =	vst v0  }
0xf1: {  	v0 =	vld [tilespmem:s12+$0x4D20];
	_ =	sdelay $0x4  }
0xf2: {  	v1 =	vshll.u32 v0, $0x10;
	v0 =	vand.u32 $0xFFFF0000, v0  }
0xf3: {  	[tilespmem:s9+$0xFFFFFFC0] =	vst v1  }
0xf4: {  	[tilespmem:s9+$0xFFFFFFD0] =	vst v0  }
0xf5: {  	v0 =	vld [tilespmem:s12+$0x4D30];
	_ =	sdelay $0x4  }
0xf6: {  	v1 =	vshll.u32 v0, $0x10;
	v0 =	vand.u32 $0xFFFF0000, v0  }
0xf7: {  	[tilespmem:s9+$0xFFFFFFE0] =	vst v1  }
0xf8: {  	[tilespmem:s9+$0xFFFFFFF0] =	vst v0  }
0xf9: {  	v0 =	vld [tilespmem:s12+$0x4D40];
	_ =	sdelay $0x4  }
0xfa: {  	v1 =	vshll.u32 v0, $0x10;
	v0 =	vand.u32 $0xFFFF0000, v0  }
0xfb: {  	[tilespmem:s9+$0x0] =	vst v1  }
0xfc: {  	[tilespmem:s9+$0x10] =	vst v0  }
0xfd: {  	v0 =	vld [tilespmem:s12+$0x4D50];
	_ =	sdelay $0x4  }
0xfe: {  	v1 =	vshll.u32 v0, $0x10;
	v0 =	vand.u32 $0xFFFF0000, v0  }
0xff: {  	[tilespmem:s9+$0x20] =	vst v1  }
0x100: {  	[tilespmem:s9+$0x30] =	vst v0  }
0x101: {  	v0 =	vld [tilespmem:s12+$0x4D60];
	_ =	sdelay $0x1  }
.Ltmp2:
0x102: {  	(pc) =	sbr.rel @p1 .LBB2_3-.Ltmp2, $3  }
0x103: {  	_ =	sdelay $0x1  }
0x104: {  	v1 =	vshll.u32 v0, $0x10;
	v0 =	vand.u32 $0xFFFF0000, v0  }
0x105: {  	[tilespmem:s9+$0x40] =	vst v1  }
0x106: {  	[tilespmem:s14+$0x50] =	vst v0  }
0x107: {  	v0 =	vld [tilespmem:s12+$0x4D70];
	_ =	sdelay $0x4  }
0x108: {  	v1 =	vshll.u32 v0, $0x10  }
0x109: {  	v0 =	vand.u32 $0xFFFF0000, v0;
	[tilespmem:s14+$0x60] =	vst v1  }
.Ltmp3:
0x10a: {  	[tilespmem:s14+$0x70] =	vst v0;
	(pc) =	sbr.rel @!p0 .LBB2_5-.Ltmp3, $4  }
0x10b: {  	[spmem:s2] =	stream.indirect.scatter.add.f32 [tilespmem:s31], [sflag:$0x6], $0x40, s30, s15, $0xb8;
	[tilespmem:$0x1E7A0] =	vst v63  }
0x10c: {  	_ =	swait.ge [sflag:s13], $0x2000  }
0x10d: {  	[sflag:s13] =	ssyncset.done $0x0  }
0x10e: {  	[sflag:s13] =	ssyncadd.s32 $0xFFFFE000  }
0x10f: {  	_ =	swait.ge [sflag:s1], $0x2000  }
0x110: {  	[sflag:s1] =	ssyncset.done $0x0  }
.Ltmp4:
0x111: {  	[sflag:s1] =	ssyncadd.s32 $0xFFFFE000;
	(pc) =	sbr.rel .LBB2_7-.Ltmp4, $4  }
0x112: {  	[spmem:s2] =	stream.indirect.scatter.add.f32 [tilespmem:s21], [sflag:$0x6], $0x40, s0, s15, $0xb8;
	[tilespmem:$0x1E7A0] =	vst v63  }
0x113: {  	_ =	swait.ge [sflag:s13], $0x2000  }
0x114: {  	[sflag:s13] =	ssyncset.done $0x0  }
0x115: {  	[sflag:s13] =	ssyncadd.s32 $0xFFFFE000  }
.LBB2_5:
0x116: {  	s7 =	smul.u32 $0xA00, s10;
	_ =	sdelay $0x1  }
0x117: {  	s7 =	sshra.s32 s7, $0x2  }
0x118: {  	v0 =	vld [tilespmem:s7+$0x300];
	_ =	sdelay $0x4  }
0x119: {  	v1 =	vand.u32 $0xFFFF, v0  }
0x11a: {  	v0 =	vshrl.u32 v0, $0x10;
	[tilespmem:$0x2880] =	vst v1  }
0x11b: {  	[tilespmem:$0x2B00] =	vst v0  }
0x11c: {  	v0 =	vld [tilespmem:s7+$0x310];
	_ =	sdelay $0x4  }
0x11d: {  	v48 =	vand.u32 $0xFFFF, v0  }
0x11e: {  	v0 =	vshrl.u32 v0, $0x10;
	[tilespmem:$0x2890] =	vst v48  }
0x11f: {  	[tilespmem:$0x2B10] =	vst v0  }
0x120: {  	v0 =	vld [tilespmem:s7+$0x320];
	_ =	sdelay $0x4  }
0x121: {  	v49 =	vand.u32 $0xFFFF, v0  }
0x122: {  	v0 =	vshrl.u32 v0, $0x10;
	[tilespmem:$0x28A0] =	vst v49  }
0x123: {  	[tilespmem:$0x2B20] =	vst v0  }
0x124: {  	v0 =	vld [tilespmem:s7+$0x330];
	_ =	sdelay $0x4  }
0x125: {  	v50 =	vand.u32 $0xFFFF, v0  }
0x126: {  	v0 =	vshrl.u32 v0, $0x10;
	[tilespmem:$0x28B0] =	vst v50  }
0x127: {  	[tilespmem:$0x2B30] =	vst v0  }
0x128: {  	v0 =	vld [tilespmem:s7+$0x340];
	_ =	sdelay $0x4  }
0x129: {  	v51 =	vand.u32 $0xFFFF, v0  }
0x12a: {  	v0 =	vshrl.u32 v0, $0x10;
	[tilespmem:$0x28C0] =	vst v51  }
0x12b: {  	[tilespmem:$0x2B40] =	vst v0  }
0x12c: {  	v0 =	vld [tilespmem:s7+$0x350];
	_ =	sdelay $0x4  }
0x12d: {  	v52 =	vand.u32 $0xFFFF, v0  }
0x12e: {  	v0 =	vshrl.u32 v0, $0x10;
	[tilespmem:$0x28D0] =	vst v52  }
0x12f: {  	[tilespmem:$0x2B50] =	vst v0  }
0x130: {  	v0 =	vld [tilespmem:s7+$0x360];
	_ =	sdelay $0x4  }
0x131: {  	v53 =	vand.u32 $0xFFFF, v0  }
0x132: {  	v0 =	vshrl.u32 v0, $0x10;
	[tilespmem:$0x28E0] =	vst v53  }
0x133: {  	[tilespmem:$0x2B60] =	vst v0  }
0x134: {  	v0 =	vld [tilespmem:s7+$0x370];
	_ =	sdelay $0x4  }
0x135: {  	v54 =	vand.u32 $0xFFFF, v0  }
0x136: {  	v0 =	vshrl.u32 v0, $0x10;
	[tilespmem:$0x28F0] =	vst v54  }
0x137: {  	s9 =	simm.s32 $0x2880;
	[tilespmem:$0x2B70] =	vst v0  }
0x138: {  	[tilespmem:s19], [sflag:$0x2] =	stream.indirect.gather [spmem:s3], $0x20, s9, s15, $0xb8;
	[tilespmem:$0x1E7A0] =	vst v63  }
0x139: {  	_ =	swait.ge [sflag:s1], $0x2000  }
0x13a: {  	[sflag:s1] =	ssyncset.done $0x0  }
0x13b: {  	[sflag:s1] =	ssyncadd.s32 $0xFFFFE000  }
0x13c: {  	[spmem:s2] =	stream.indirect.scatter.add.f32 [tilespmem:s21], [sflag:$0x6], $0x40, s0, s15, $0xb8;
	[tilespmem:$0x1E7A0] =	vst v63  }
0x13d: {  	_ =	swait.ge [sflag:s13], $0x2000  }
0x13e: {  	[sflag:s13] =	ssyncset.done $0x0  }
0x13f: {  	[sflag:s13] =	ssyncadd.s32 $0xFFFFE000  }
0x140: {  	v55 =	vld [tilespmem:s7+$0x380];
	_ =	sdelay $0x4  }
0x141: {  	v56 =	vand.u32 $0xFFFF, v55  }
0x142: {  	v0 =	vshrl.u32 v55, $0x10;
	[tilespmem:$0x2900] =	vst v56  }
0x143: {  	[tilespmem:$0x2B80] =	vst v0  }
0x144: {  	v0 =	vld [tilespmem:s7+$0x390];
	_ =	sdelay $0x4  }
0x145: {  	v57 =	vand.u32 $0xFFFF, v0  }
0x146: {  	v0 =	vshrl.u32 v0, $0x10;
	[tilespmem:$0x2910] =	vst v57  }
0x147: {  	[tilespmem:$0x2B90] =	vst v0  }
0x148: {  	v0 =	vld [tilespmem:s7+$0x3A0];
	_ =	sdelay $0x4  }
0x149: {  	v58 =	vand.u32 $0xFFFF, v0  }
0x14a: {  	v0 =	vshrl.u32 v0, $0x10;
	[tilespmem:$0x2920] =	vst v58  }
0x14b: {  	[tilespmem:$0x2BA0] =	vst v0  }
0x14c: {  	v0 =	vld [tilespmem:s7+$0x3B0];
	_ =	sdelay $0x4  }
0x14d: {  	v59 =	vand.u32 $0xFFFF, v0  }
0x14e: {  	v0 =	vshrl.u32 v0, $0x10;
	[tilespmem:$0x2930] =	vst v59  }
0x14f: {  	[tilespmem:$0x2BB0] =	vst v0  }
0x150: {  	v0 =	vld [tilespmem:s7+$0x3C0];
	_ =	sdelay $0x4  }
0x151: {  	v60 =	vand.u32 $0xFFFF, v0  }
0x152: {  	v0 =	vshrl.u32 v0, $0x10;
	[tilespmem:$0x2940] =	vst v60  }
0x153: {  	[tilespmem:$0x2BC0] =	vst v0  }
0x154: {  	v0 =	vld [tilespmem:s7+$0x3D0];
	_ =	sdelay $0x4  }
0x155: {  	v61 =	vand.u32 $0xFFFF, v0  }
0x156: {  	v0 =	vshrl.u32 v0, $0x10;
	[tilespmem:$0x2950] =	vst v61  }
0x157: {  	[tilespmem:$0x2BD0] =	vst v0  }
0x158: {  	v0 =	vld [tilespmem:s7+$0x3E0];
	_ =	sdelay $0x4  }
0x159: {  	v62 =	vand.u32 $0xFFFF, v0  }
0x15a: {  	v0 =	vshrl.u32 v0, $0x10;
	[tilespmem:$0x2960] =	vst v62  }
0x15b: {  	[tilespmem:$0x2BE0] =	vst v0  }
0x15c: {  	v0 =	vld [tilespmem:s7+$0x3F0];
	_ =	sdelay $0x4  }
0x15d: {  	v63 =	vand.u32 $0xFFFF, v0  }
0x15e: {  	v0 =	vshrl.u32 v0, $0x10;
	[tilespmem:$0x2970] =	vst v63  }
0x15f: {  	[tilespmem:$0x2BF0] =	vst v0  }
0x160: {  	[tilespmem:s21], [sflag:$0x3] =	stream.indirect.gather [hbm4b:s5+s15], $0x40, s20, s15, $0xb8;
	[tilespmem:$0x1E7A0] =	vst v63  }
.LBB2_7:
0x161: {  	_ =	swait.ge [sflag:s16], $0x1000  }
0x162: {  	[sflag:s16] =	ssyncset.done $0x0  }
0x163: {  	s12 =	simm.s32 $0x0;
	[sflag:s16] =	ssyncadd.s32 $0xFFFFF000  }
0x164: {  	v0 =	vld [tilespmem:s12+$0x7D00];
	_ =	sdelay $0x4  }
0x165: {  	s14 =	simm.s32 $0xBD80;
	v1 =	vshll.u32 v0, $0x10  }
0x166: {  	v0 =	vand.u32 $0xFFFF0000, v0;
	[tilespmem:s14+$0xFFFFFF80] =	vst v1  }
0x167: {  	[tilespmem:s14+$0xFFFFFF90] =	vst v0  }
0x168: {  	v0 =	vld [tilespmem:s12+$0x7D10];
	_ =	sdelay $0x4  }
0x169: {  	v1 =	vshll.u32 v0, $0x10  }
0x16a: {  	v0 =	vand.u32 $0xFFFF0000, v0;
	[tilespmem:s14+$0xFFFFFFA0] =	vst v1  }
0x16b: {  	[tilespmem:s14+$0xFFFFFFB0] =	vst v0  }
0x16c: {  	v0 =	vld [tilespmem:s12+$0x7D20];
	_ =	sdelay $0x4  }
0x16d: {  	v1 =	vshll.u32 v0, $0x10  }
0x16e: {  	v0 =	vand.u32 $0xFFFF0000, v0;
	[tilespmem:s14+$0xFFFFFFC0] =	vst v1  }
0x16f: {  	[tilespmem:s14+$0xFFFFFFD0] =	vst v0  }
0x170: {  	v0 =	vld [tilespmem:s12+$0x7D30];
	_ =	sdelay $0x4  }
0x171: {  	v1 =	vshll.u32 v0, $0x10  }
0x172: {  	v0 =	vand.u32 $0xFFFF0000, v0;
	[tilespmem:s14+$0xFFFFFFE0] =	vst v1  }
0x173: {  	[tilespmem:s14+$0xFFFFFFF0] =	vst v0  }
0x174: {  	v0 =	vld [tilespmem:s12+$0x7D40];
	_ =	sdelay $0x4  }
0x175: {  	v1 =	vshll.u32 v0, $0x10  }
0x176: {  	v0 =	vand.u32 $0xFFFF0000, v0;
	[tilespmem:s14+$0x0] =	vst v1  }
0x177: {  	[tilespmem:s14+$0x10] =	vst v0  }
0x178: {  	v0 =	vld [tilespmem:s12+$0x7D50];
	_ =	sdelay $0x4  }
0x179: {  	v1 =	vshll.u32 v0, $0x10  }
0x17a: {  	v0 =	vand.u32 $0xFFFF0000, v0;
	[tilespmem:s14+$0x20] =	vst v1  }
0x17b: {  	[tilespmem:s14+$0x30] =	vst v0  }
0x17c: {  	v0 =	vld [tilespmem:s12+$0x7D60];
	_ =	sdelay $0x4  }
0x17d: {  	v1 =	vshll.u32 v0, $0x10  }
0x17e: {  	s7 =	simm.s32 $0x200;
	s9 =	simm.s32 $0xBD80;
	v0 =	vand.u32 $0xFFFF0000, v0;
	[tilespmem:s14+$0x40] =	vst v1  }
.LBB2_8:
0x17f: {  	p1 =	sne.s32 s7, $0x3E00  }
0x180: {  	[tilespmem:s14+$0x50] =	vst v0;
	s9 =	sadd.s32 $0x100, s9;
	s18 =	smov.u32 s7;
	s7 =	sadd.s32 $0x200, s7  }
0x181: {  	v0 =	vld [tilespmem:s12+$0x7D70];
	_ =	sdelay $0x4  }
0x182: {  	v1 =	vshll.u32 v0, $0x10;
	v0 =	vand.u32 $0xFFFF0000, v0  }
0x183: {  	[tilespmem:s14+$0x60] =	vst v1  }
0x184: {  	s12 =	sshra.s32 s18, $0x2;
	[tilespmem:s14+$0x70] =	vst v0;
	s14 =	smov.u32 s9  }
0x185: {  	v0 =	vld [tilespmem:s12+$0x7D00];
	_ =	sdelay $0x4  }
0x186: {  	v1 =	vshll.u32 v0, $0x10;
	v0 =	vand.u32 $0xFFFF0000, v0  }
0x187: {  	[tilespmem:s9+$0xFFFFFF80] =	vst v1  }
0x188: {  	[tilespmem:s9+$0xFFFFFF90] =	vst v0  }
0x189: {  	v0 =	vld [tilespmem:s12+$0x7D10];
	_ =	sdelay $0x4  }
0x18a: {  	v1 =	vshll.u32 v0, $0x10;
	v0 =	vand.u32 $0xFFFF0000, v0  }
0x18b: {  	[tilespmem:s9+$0xFFFFFFA0] =	vst v1  }
0x18c: {  	[tilespmem:s9+$0xFFFFFFB0] =	vst v0  }
0x18d: {  	v0 =	vld [tilespmem:s12+$0x7D20];
	_ =	sdelay $0x4  }
0x18e: {  	v1 =	vshll.u32 v0, $0x10;
	v0 =	vand.u32 $0xFFFF0000, v0  }
0x18f: {  	[tilespmem:s9+$0xFFFFFFC0] =	vst v1  }
0x190: {  	[tilespmem:s9+$0xFFFFFFD0] =	vst v0  }
0x191: {  	v0 =	vld [tilespmem:s12+$0x7D30];
	_ =	sdelay $0x4  }
0x192: {  	v1 =	vshll.u32 v0, $0x10;
	v0 =	vand.u32 $0xFFFF0000, v0  }
0x193: {  	[tilespmem:s9+$0xFFFFFFE0] =	vst v1  }
0x194: {  	[tilespmem:s9+$0xFFFFFFF0] =	vst v0  }
0x195: {  	v0 =	vld [tilespmem:s12+$0x7D40];
	_ =	sdelay $0x4  }
0x196: {  	v1 =	vshll.u32 v0, $0x10;
	v0 =	vand.u32 $0xFFFF0000, v0  }
0x197: {  	[tilespmem:s9+$0x0] =	vst v1  }
0x198: {  	[tilespmem:s9+$0x10] =	vst v0  }
0x199: {  	v0 =	vld [tilespmem:s12+$0x7D50];
	_ =	sdelay $0x4  }
0x19a: {  	v1 =	vshll.u32 v0, $0x10;
	v0 =	vand.u32 $0xFFFF0000, v0  }
0x19b: {  	[tilespmem:s9+$0x20] =	vst v1  }
0x19c: {  	[tilespmem:s9+$0x30] =	vst v0  }
0x19d: {  	v0 =	vld [tilespmem:s12+$0x7D60];
	_ =	sdelay $0x1  }
.Ltmp5:
0x19e: {  	(pc) =	sbr.rel @p1 .LBB2_8-.Ltmp5, $3  }
0x19f: {  	_ =	sdelay $0x1  }
0x1a0: {  	v1 =	vshll.u32 v0, $0x10;
	v0 =	vand.u32 $0xFFFF0000, v0  }
0x1a1: {  	[tilespmem:s9+$0x40] =	vst v1  }
0x1a2: {  	[tilespmem:s14+$0x50] =	vst v0  }
0x1a3: {  	v0 =	vld [tilespmem:s12+$0x7D70];
	_ =	sdelay $0x4  }
0x1a4: {  	v1 =	vshll.u32 v0, $0x10  }
0x1a5: {  	v0 =	vand.u32 $0xFFFF0000, v0;
	[tilespmem:s14+$0x60] =	vst v1  }
0x1a6: {  	[tilespmem:s14+$0x70] =	vst v0  }
0x1a7: {  	[spmem:s2] =	stream.indirect.scatter.add.f32 [tilespmem:s22], [sflag:$0x6], $0x40, s4, s15, $0xb8;
	[tilespmem:$0x1E7A0] =	vst v63  }
0x1a8: {  	_ =	swait.ge [sflag:s13], $0x2000  }
0x1a9: {  	[sflag:s13] =	ssyncset.done $0x0  }
0x1aa: {  	[sflag:s13] =	ssyncadd.s32 $0xFFFFE000  }
0x1ab: {  	v0 =	vld @!p0 [tilespmem:s11+$0x400];
	_ =	sdelay $0x4  }
0x1ac: {  	v1 =	vand.u32 @!p0 $0xFFFF, v0  }
0x1ad: {  	v0 =	vshrl.u32 @!p0 v0, $0x10;
	[tilespmem:$0x2980] =	vst @!p0 v1  }
0x1ae: {  	[tilespmem:$0x2C00] =	vst @!p0 v0  }
0x1af: {  	v0 =	vld @!p0 [tilespmem:s11+$0x410];
	_ =	sdelay $0x4  }
0x1b0: {  	v1 =	vand.u32 @!p0 $0xFFFF, v0  }
0x1b1: {  	v0 =	vshrl.u32 @!p0 v0, $0x10;
	[tilespmem:$0x2990] =	vst @!p0 v1  }
0x1b2: {  	[tilespmem:$0x2C10] =	vst @!p0 v0  }
0x1b3: {  	v0 =	vld @!p0 [tilespmem:s11+$0x420];
	_ =	sdelay $0x4  }
0x1b4: {  	v1 =	vand.u32 @!p0 $0xFFFF, v0  }
0x1b5: {  	v0 =	vshrl.u32 @!p0 v0, $0x10;
	[tilespmem:$0x29A0] =	vst @!p0 v1  }
0x1b6: {  	[tilespmem:$0x2C20] =	vst @!p0 v0  }
0x1b7: {  	v0 =	vld @!p0 [tilespmem:s11+$0x430];
	_ =	sdelay $0x4  }
0x1b8: {  	v1 =	vand.u32 @!p0 $0xFFFF, v0  }
0x1b9: {  	v0 =	vshrl.u32 @!p0 v0, $0x10;
	[tilespmem:$0x29B0] =	vst @!p0 v1  }
0x1ba: {  	[tilespmem:$0x2C30] =	vst @!p0 v0  }
0x1bb: {  	v0 =	vld @!p0 [tilespmem:s11+$0x440];
	_ =	sdelay $0x4  }
0x1bc: {  	v1 =	vand.u32 @!p0 $0xFFFF, v0  }
0x1bd: {  	v0 =	vshrl.u32 @!p0 v0, $0x10;
	[tilespmem:$0x29C0] =	vst @!p0 v1  }
0x1be: {  	[tilespmem:$0x2C40] =	vst @!p0 v0  }
0x1bf: {  	v0 =	vld @!p0 [tilespmem:s11+$0x450];
	_ =	sdelay $0x4  }
0x1c0: {  	v1 =	vand.u32 @!p0 $0xFFFF, v0  }
0x1c1: {  	v0 =	vshrl.u32 @!p0 v0, $0x10;
	[tilespmem:$0x29D0] =	vst @!p0 v1  }
0x1c2: {  	[tilespmem:$0x2C50] =	vst @!p0 v0  }
0x1c3: {  	v0 =	vld @!p0 [tilespmem:s11+$0x460];
	_ =	sdelay $0x4  }
0x1c4: {  	v1 =	vand.u32 @!p0 $0xFFFF, v0  }
0x1c5: {  	v0 =	vshrl.u32 @!p0 v0, $0x10;
	[tilespmem:$0x29E0] =	vst @!p0 v1  }
0x1c6: {  	[tilespmem:$0x2C60] =	vst @!p0 v0  }
0x1c7: {  	v0 =	vld @!p0 [tilespmem:s11+$0x470];
	_ =	sdelay $0x4  }
0x1c8: {  	v1 =	vand.u32 @!p0 $0xFFFF, v0  }
0x1c9: {  	v0 =	vshrl.u32 @!p0 v0, $0x10;
	[tilespmem:$0x29F0] =	vst @!p0 v1  }
0x1ca: {  	s7 =	simm.s32 @!p0 $0x80;
	s9 =	simm.s32 @!p0 $0x2980;
	s11 =	simm.s32 @!p0 $0x7D00;
	[tilespmem:$0x2C70] =	vst @!p0 v0  }
0x1cb: {  	[tilespmem:s11], [sflag:$0x4] =	stream.indirect.gather @!p0 [spmem:s3], $0x20, s9, s7, $0xb8;
	[tilespmem:$0x1E7A0] =	vst v63  }
0x1cc: {  	_ =	swait.ge [sflag:s23], $0x1000  }
0x1cd: {  	[sflag:s23] =	ssyncset.done $0x0  }
0x1ce: {  	s12 =	simm.s32 $0x0;
	[sflag:s23] =	ssyncadd.s32 $0xFFFFF000  }
0x1cf: {  	v0 =	vld [tilespmem:s12+$0x8D00];
	_ =	sdelay $0x4  }
0x1d0: {  	s11 =	simm.s32 $0xDD80;
	v1 =	vshll.u32 v0, $0x10  }
0x1d1: {  	v0 =	vand.u32 $0xFFFF0000, v0;
	[tilespmem:s11+$0xFFFFFF80] =	vst v1  }
0x1d2: {  	[tilespmem:s11+$0xFFFFFF90] =	vst v0  }
0x1d3: {  	v0 =	vld [tilespmem:s12+$0x8D10];
	_ =	sdelay $0x4  }
0x1d4: {  	v1 =	vshll.u32 v0, $0x10  }
0x1d5: {  	v0 =	vand.u32 $0xFFFF0000, v0;
	[tilespmem:s11+$0xFFFFFFA0] =	vst v1  }
0x1d6: {  	[tilespmem:s11+$0xFFFFFFB0] =	vst v0  }
0x1d7: {  	v0 =	vld [tilespmem:s12+$0x8D20];
	_ =	sdelay $0x4  }
0x1d8: {  	v1 =	vshll.u32 v0, $0x10  }
0x1d9: {  	v0 =	vand.u32 $0xFFFF0000, v0;
	[tilespmem:s11+$0xFFFFFFC0] =	vst v1  }
0x1da: {  	[tilespmem:s11+$0xFFFFFFD0] =	vst v0  }
0x1db: {  	v0 =	vld [tilespmem:s12+$0x8D30];
	_ =	sdelay $0x4  }
0x1dc: {  	v1 =	vshll.u32 v0, $0x10  }
0x1dd: {  	v0 =	vand.u32 $0xFFFF0000, v0;
	[tilespmem:s11+$0xFFFFFFE0] =	vst v1  }
0x1de: {  	[tilespmem:s11+$0xFFFFFFF0] =	vst v0  }
0x1df: {  	v0 =	vld [tilespmem:s12+$0x8D40];
	_ =	sdelay $0x4  }
0x1e0: {  	v1 =	vshll.u32 v0, $0x10  }
0x1e1: {  	v0 =	vand.u32 $0xFFFF0000, v0;
	[tilespmem:s11+$0x0] =	vst v1  }
0x1e2: {  	[tilespmem:s11+$0x10] =	vst v0  }
0x1e3: {  	v0 =	vld [tilespmem:s12+$0x8D50];
	_ =	sdelay $0x4  }
0x1e4: {  	v1 =	vshll.u32 v0, $0x10  }
0x1e5: {  	v0 =	vand.u32 $0xFFFF0000, v0;
	[tilespmem:s11+$0x20] =	vst v1  }
0x1e6: {  	[tilespmem:s11+$0x30] =	vst v0  }
0x1e7: {  	v0 =	vld [tilespmem:s12+$0x8D60];
	_ =	sdelay $0x4  }
0x1e8: {  	v1 =	vshll.u32 v0, $0x10  }
0x1e9: {  	s7 =	simm.s32 $0x200;
	s9 =	simm.s32 $0xDD80;
	v0 =	vand.u32 $0xFFFF0000, v0;
	[tilespmem:s11+$0x40] =	vst v1  }
.LBB2_10:
0x1ea: {  	p1 =	sne.s32 s7, $0x3E00  }
0x1eb: {  	[tilespmem:s11+$0x50] =	vst v0;
	s9 =	sadd.s32 $0x100, s9;
	s14 =	smov.u32 s7;
	s7 =	sadd.s32 $0x200, s7  }
0x1ec: {  	v0 =	vld [tilespmem:s12+$0x8D70];
	_ =	sdelay $0x4  }
0x1ed: {  	v1 =	vshll.u32 v0, $0x10;
	v0 =	vand.u32 $0xFFFF0000, v0  }
0x1ee: {  	[tilespmem:s11+$0x60] =	vst v1  }
0x1ef: {  	s12 =	sshra.s32 s14, $0x2;
	[tilespmem:s11+$0x70] =	vst v0;
	s11 =	smov.u32 s9  }
0x1f0: {  	v0 =	vld [tilespmem:s12+$0x8D00];
	_ =	sdelay $0x4  }
0x1f1: {  	v1 =	vshll.u32 v0, $0x10;
	v0 =	vand.u32 $0xFFFF0000, v0  }
0x1f2: {  	[tilespmem:s9+$0xFFFFFF80] =	vst v1  }
0x1f3: {  	[tilespmem:s9+$0xFFFFFF90] =	vst v0  }
0x1f4: {  	v0 =	vld [tilespmem:s12+$0x8D10];
	_ =	sdelay $0x4  }
0x1f5: {  	v1 =	vshll.u32 v0, $0x10;
	v0 =	vand.u32 $0xFFFF0000, v0  }
0x1f6: {  	[tilespmem:s9+$0xFFFFFFA0] =	vst v1  }
0x1f7: {  	[tilespmem:s9+$0xFFFFFFB0] =	vst v0  }
0x1f8: {  	v0 =	vld [tilespmem:s12+$0x8D20];
	_ =	sdelay $0x4  }
0x1f9: {  	v1 =	vshll.u32 v0, $0x10;
	v0 =	vand.u32 $0xFFFF0000, v0  }
0x1fa: {  	[tilespmem:s9+$0xFFFFFFC0] =	vst v1  }
0x1fb: {  	[tilespmem:s9+$0xFFFFFFD0] =	vst v0  }
0x1fc: {  	v0 =	vld [tilespmem:s12+$0x8D30];
	_ =	sdelay $0x4  }
0x1fd: {  	v1 =	vshll.u32 v0, $0x10;
	v0 =	vand.u32 $0xFFFF0000, v0  }
0x1fe: {  	[tilespmem:s9+$0xFFFFFFE0] =	vst v1  }
0x1ff: {  	[tilespmem:s9+$0xFFFFFFF0] =	vst v0  }
0x200: {  	v0 =	vld [tilespmem:s12+$0x8D40];
	_ =	sdelay $0x4  }
0x201: {  	v1 =	vshll.u32 v0, $0x10;
	v0 =	vand.u32 $0xFFFF0000, v0  }
0x202: {  	[tilespmem:s9+$0x0] =	vst v1  }
0x203: {  	[tilespmem:s9+$0x10] =	vst v0  }
0x204: {  	v0 =	vld [tilespmem:s12+$0x8D50];
	_ =	sdelay $0x4  }
0x205: {  	v1 =	vshll.u32 v0, $0x10;
	v0 =	vand.u32 $0xFFFF0000, v0  }
0x206: {  	[tilespmem:s9+$0x20] =	vst v1  }
0x207: {  	[tilespmem:s9+$0x30] =	vst v0  }
0x208: {  	v0 =	vld [tilespmem:s12+$0x8D60];
	_ =	sdelay $0x1  }
.Ltmp6:
0x209: {  	(pc) =	sbr.rel @p1 .LBB2_10-.Ltmp6, $3  }
0x20a: {  	_ =	sdelay $0x1  }
0x20b: {  	v1 =	vshll.u32 v0, $0x10;
	v0 =	vand.u32 $0xFFFF0000, v0  }
0x20c: {  	[tilespmem:s9+$0x40] =	vst v1  }
0x20d: {  	[tilespmem:s11+$0x50] =	vst v0  }
0x20e: {  	v0 =	vld [tilespmem:s12+$0x8D70];
	_ =	sdelay $0x4  }
0x20f: {  	v1 =	vshll.u32 v0, $0x10  }
0x210: {  	v0 =	vand.u32 $0xFFFF0000, v0;
	[tilespmem:s11+$0x60] =	vst v1  }
.Ltmp7:
0x211: {  	[tilespmem:s11+$0x70] =	vst v0;
	(pc) =	sbr.rel @p0 .LBB2_13-.Ltmp7, $4  }
0x212: {  	[spmem:s2] =	stream.indirect.scatter.add.f32 [tilespmem:s8], [sflag:$0x6], $0x40, s6, s15, $0xb8;
	[tilespmem:$0x1E7A0] =	vst v63  }
0x213: {  	_ =	swait.ge [sflag:s13], $0x2000  }
0x214: {  	[sflag:s13] =	ssyncset.done $0x0  }
0x215: {  	[sflag:s13] =	ssyncadd.s32 $0xFFFFE000  }
0x216: {  	s7 =	smul.u32 $0xA00, s10;
	_ =	sdelay $0x1  }
0x217: {  	s7 =	sshra.s32 s7, $0x2  }
0x218: {  	v0 =	vld [tilespmem:s7+$0x480];
	_ =	sdelay $0x4  }
0x219: {  	v1 =	vand.u32 $0xFFFF, v0  }
0x21a: {  	v0 =	vshrl.u32 v0, $0x10;
	[tilespmem:$0x2A00] =	vst v1  }
0x21b: {  	[tilespmem:$0x2C80] =	vst v0  }
0x21c: {  	v0 =	vld [tilespmem:s7+$0x490];
	_ =	sdelay $0x4  }
0x21d: {  	v57 =	vand.u32 $0xFFFF, v0  }
0x21e: {  	v0 =	vshrl.u32 v0, $0x10;
	[tilespmem:$0x2A10] =	vst v57  }
0x21f: {  	[tilespmem:$0x2C90] =	vst v0  }
0x220: {  	v0 =	vld [tilespmem:s7+$0x4A0];
	_ =	sdelay $0x4  }
0x221: {  	v58 =	vand.u32 $0xFFFF, v0  }
0x222: {  	v0 =	vshrl.u32 v0, $0x10;
	[tilespmem:$0x2A20] =	vst v58  }
0x223: {  	[tilespmem:$0x2CA0] =	vst v0  }
0x224: {  	v0 =	vld [tilespmem:s7+$0x4B0];
	_ =	sdelay $0x4  }
0x225: {  	v59 =	vand.u32 $0xFFFF, v0  }
0x226: {  	v0 =	vshrl.u32 v0, $0x10;
	[tilespmem:$0x2A30] =	vst v59  }
0x227: {  	[tilespmem:$0x2CB0] =	vst v0  }
0x228: {  	v0 =	vld [tilespmem:s7+$0x4C0];
	_ =	sdelay $0x4  }
0x229: {  	v60 =	vand.u32 $0xFFFF, v0  }
0x22a: {  	v0 =	vshrl.u32 v0, $0x10;
	[tilespmem:$0x2A40] =	vst v60  }
0x22b: {  	[tilespmem:$0x2CC0] =	vst v0  }
0x22c: {  	v0 =	vld [tilespmem:s7+$0x4D0];
	_ =	sdelay $0x4  }
0x22d: {  	v61 =	vand.u32 $0xFFFF, v0  }
0x22e: {  	v0 =	vshrl.u32 v0, $0x10;
	[tilespmem:$0x2A50] =	vst v61  }
0x22f: {  	[tilespmem:$0x2CD0] =	vst v0  }
0x230: {  	v0 =	vld [tilespmem:s7+$0x4E0];
	_ =	sdelay $0x4  }
0x231: {  	v62 =	vand.u32 $0xFFFF, v0  }
0x232: {  	v0 =	vshrl.u32 v0, $0x10;
	[tilespmem:$0x2A60] =	vst v62  }
0x233: {  	[tilespmem:$0x2CE0] =	vst v0  }
0x234: {  	v0 =	vld [tilespmem:s7+$0x4F0];
	_ =	sdelay $0x3  }
.Ltmp8:
0x235: {  	_ = 	snop;
	(pc) =	sbr.rel .LBB2_2-.Ltmp8, $4  }
0x236: {  	v63 =	vand.u32 $0xFFFF, v0  }
0x237: {  	v0 =	vshrl.u32 v0, $0x10;
	[tilespmem:$0x2A70] =	vst v63  }
0x238: {  	s10 =	sadd.s32 $0x1, s10;
	[tilespmem:$0x2CF0] =	vst v0  }
0x239: {  	[tilespmem:s25], [sflag:$0x5] =	stream.indirect.gather [spmem:s3], $0x20, s24, s15, $0xb8;
	[tilespmem:$0x1E7A0] =	vst v63  }
.LBB2_14:
0x23a: {  	_ =	sfence.sel $0x180000  }
0x23b: {  	[bflag:$0x0] =	sbarrier.arrive $0xFFFF  }
0x23c: {  	_ =	strace $0x9000004A  }
0x23d: {  	s0 =	stileid.u32;
	[bflag:$0x2] =	sbarrier.arrive $0xFFFF  }
0x23e: {  	p0 =	sne.s32 s0, $0x0;
	s0 =	rddreg [dreg:$0x3]  }
0x23f: {  	s0 =	sadd.s32 @!p0 $0x100000, s0  }
0x240: {  	[sflag:s0] =	ssyncadd.tile.s32 @!p0 $0x1;
	_ =	shalt  }
.Lfunc_end2:
_tile_overlayer_lowered:
.L_overlay_start_2:
0x241: {  	(tag) =	ssettag $0x2  }
0x242: {  	s0 =	rddreg [dreg:$0x0];
	s2 =	stileid.u32  }
0x243: {  	s1 =	rddreg [dreg:$0x1];
	p0 =	sne.s32 s2, $0x0  }
0x244: {  	s3 =	rddreg [dreg:$0x2];
	[bflag:$0x3] =	sbarrier.arrive $0xFFFF;
	s2 =	simm.s32 @!p0 $0x1C06  }
0x245: {  	[timem:s3], [sflag:s2] =	dma.local @!p0 [hbm:s0], s1  }
0x246: {  	s0 =	simm.s32 @!p0 $0x6  }
0x247: {  	_ =	swait.ge @!p0 [sflag:s0], s1  }
0x248: {  	s1 =	ssub.s32 @!p0 $0x0, s1;
	[sflag:s0] =	ssyncset.done @!p0 $0x0  }
0x249: {  	[sflag:s0] =	ssyncadd.s32 @!p0 s1  }
0x24a: {  	[bflag:$0x3] =	sbarrier.arrive $0xFFFF  }
0x24b: {  	_ =	shalt  }

// kernel: kernel.7.cloned.1.call-start
scs
__scs_entry_jumppad:
0x0: {  	(pc) =	sbr.rel $0x88, $3  }
0x1: {  	(tag) =	ssettag $0x0;
	lr =	simm.s32 $0x1  }
0x2: {  	[smem:$0x3F8A] =	sst lr;
	_ =	strace $0xD0000000  }
0x3: {  	_ = 	snop  }
0x4: {  	_ = 	snop  }
0x5: {  	_ = 	snop  }
0x6: {  	_ = 	snop  }
0x7: {  	_ = 	snop  }
__scs_overlays_trampoline_lowered:
0x8: {  	[smem:$0x3F99] =	sst s0  }
0x9: {  	[smem:$0x3F9A] =	sst s1  }
0xa: {  	[smem:$0x3F9B] =	sst s2  }
0xb: {  	[smem:$0x3F9C] =	sst s3  }
0xc: {  	[smem:$0x3F9D] =	sst s4  }
0xd: {  	[smem:$0x3F9E] =	sst s5  }
0xe: {  	[smem:$0x3F9F] =	sst s6  }
0xf: {  	[smem:$0x3FA0] =	sst s7  }
0x10: {  	[smem:$0x3FA1] =	sst s8  }
0x11: {  	[smem:$0x3FA2] =	sst s9;
	s0 =	simm.s32 @!p0 $0x0  }
0x12: {  	s1 =	sld [smem:$0x3F88];
	s0 =	simm.s32 @p0 $0x1  }
0x13: {  	[smem:$0x3FA3] =	sst s0;
	s0 =	simm.s32 @!p1 $0x0  }
0x14: {  	s2 =	sld [smem:$0x3F87];
	s0 =	simm.s32 @p1 $0x1  }
0x15: {  	[smem:$0x3FA4] =	sst s0;
	s0 =	simm.s32 @!p2 $0x0  }
0x16: {  	s3 =	sld [smem:$0x3FDB];
	s0 =	simm.s32 @p2 $0x1  }
0x17: {  	s4 =	simm.s32 $0x1BF5;
	[smem:$0x3FA6] =	sst s0  }
0x18: {  	s0 =	sld [smem:$0x3F89];
	_ =	swait.ge [sflag:s4], $0x0  }
0x19: {  	s7 =	sld [smem:$0x3F8A]  }
0x1a: {  	s8 =	sadd.s32 $0xFFFFE003, lr  }
0x1b: {  	s9 =	sadd.s32 $0xFFFFFEF7, lr;
	s5 =	simm.s32 $0xFFFFFFFF;
	p2 =	slt.u32 s8, $0xFFFFF086  }
0x1c: {  	p1 =	slt.u32 s9, $0xF7A;
	s5 =	simm.s32 @!p2 $0x0  }
0x1d: {  	s5 =	simm.s32 @p1 $0x1;
	p0 =	seq.s32 s7, s2  }
0x1e: {  	s7 =	smul.u32 @!p0 $0xF7A, s2;
	p2 =	seq.s32 @!p0 s5, $0x0  }
0x1f: {  	s9 =	smul.u32 $0xF7A, s1;
	s8 =	simm.s32 @!p0 $0x1BF5;
	p2 =	por !p2, p0  }
0x20: {  	[sflag:s8] =	ssyncset.s32 @!p0 $0xFFFFF086;
	s6 =	sadd.s32 @!p0 s3, s7;
	s7 =	simm.s32 @!p0 $0x108  }
0x21: {  	s3 =	sadd.s32 s3, s9;
	s6 =	sadd.s32 @!p0 $0x88, s6;
	s7 =	simm.s32 @p2 $0x1082  }
0x22: {  	[simem:s7], [sflag:s8] =	dma.local @!p0 [hbm:s6], $0xF7A  }
0x23: {  	s9 =	sor.u32 $0xD0000000, s2;
	s6 =	simm.s32 $0x108;
	_ =	swait.ge @!p0 [sflag:s8], $0x0  }
0x24: {  	s3 =	sadd.s32 $0x88, s3;
	s6 =	simm.s32 @!p1 $0x1082;
	[sflag:s4] =	ssyncset.s32 $0xFFFFF086  }
0x25: {  	[simem:s6], [sflag:s4] =	dma.local [hbm:s3], $0xF7A  }
0x26: {  	[smem:$0x3F8A] =	sst s1;
	(tag) =	ssettag s2;
	_ =	strace s9  }
0x27: {  	s1 =	sld [smem:$0x3F9A]  }
0x28: {  	s2 =	sld [smem:$0x3F9B]  }
0x29: {  	s4 =	sld [smem:$0x3F9D]  }
0x2a: {  	p0 =	seq.s32 s5, $0x0;
	s5 =	sld [smem:$0x3F9E]  }
0x2b: {  	s6 =	sld [smem:$0x3F9F]  }
0x2c: {  	s7 =	sld [smem:$0x3FA0]  }
0x2d: {  	s3 =	simm.s32 $0x108;
	s8 =	sld [smem:$0x3FA1]  }
0x2e: {  	s3 =	simm.s32 @!p0 $0x1082;
	s9 =	sld [smem:$0x3FA2]  }
0x2f: {  	lr =	sadd.s32 s0, s3;
	s0 =	sld [smem:$0x3F99]  }
0x30: {  	s3 =	sld [smem:$0x3F9C]  }
0x31: {  	[smem:$0x3FA5] =	sst s10  }
0x32: {  	s10 =	sld [smem:$0x3FA3];
	_ =	sdelay $0x3  }
0x33: {  	p0 =	seq.s32 s10, $0x1;
	s10 =	sld [smem:$0x3FA5];
	_ =	sdelay $0x3  }
0x34: {  	[smem:$0x3FA5] =	sst s10  }
0x35: {  	s10 =	sld [smem:$0x3FA4];
	_ =	sdelay $0x3  }
0x36: {  	p1 =	seq.s32 s10, $0x1;
	s10 =	sld [smem:$0x3FA5];
	_ =	sdelay $0x3  }
0x37: {  	[smem:$0x3FA5] =	sst s10  }
0x38: {  	s10 =	sld [smem:$0x3FA6]  }
0x39: {  	_ = 	snop;
	(pc) =	sbr.ind lr, $3  }
0x3a: {  	_ = 	snop  }
0x3b: {  	_ = 	snop  }
0x3c: {  	p2 =	seq.s32 s10, $0x1;
	s10 =	sld [smem:$0x3FA5]  }
0x3d: {  	_ =	shalt  }
0x3e: {  	_ =	shalt  }
0x3f: {  	_ =	shalt  }
0x40: {  	_ =	shalt  }
0x41: {  	_ =	shalt  }
0x42: {  	_ =	shalt  }
0x43: {  	_ =	shalt  }
0x44: {  	_ =	shalt  }
0x45: {  	_ =	shalt  }
0x46: {  	_ =	shalt  }
0x47: {  	_ =	shalt  }
0x48: {  	_ =	shalt  }
0x49: {  	_ =	shalt  }
0x4a: {  	_ =	shalt  }
0x4b: {  	_ =	shalt  }
0x4c: {  	_ =	shalt  }
0x4d: {  	_ =	shalt  }
0x4e: {  	_ =	shalt  }
0x4f: {  	_ =	shalt  }
0x50: {  	_ =	shalt  }
0x51: {  	_ =	shalt  }
0x52: {  	_ =	shalt  }
0x53: {  	_ =	shalt  }
0x54: {  	_ =	shalt  }
0x55: {  	_ =	shalt  }
0x56: {  	_ =	shalt  }
0x57: {  	_ =	shalt  }
0x58: {  	_ =	shalt  }
0x59: {  	_ =	shalt  }
0x5a: {  	_ =	shalt  }
0x5b: {  	_ =	shalt  }
0x5c: {  	_ =	shalt  }
0x5d: {  	_ =	shalt  }
0x5e: {  	_ =	shalt  }
0x5f: {  	_ =	shalt  }
0x60: {  	_ =	shalt  }
0x61: {  	_ =	shalt  }
0x62: {  	_ =	shalt  }
0x63: {  	_ =	shalt  }
0x64: {  	_ =	shalt  }
0x65: {  	_ =	shalt  }
0x66: {  	_ =	shalt  }
0x67: {  	_ =	shalt  }
0x68: {  	_ =	shalt  }
0x69: {  	_ =	shalt  }
0x6a: {  	_ =	shalt  }
0x6b: {  	_ =	shalt  }
0x6c: {  	_ =	shalt  }
0x6d: {  	_ =	shalt  }
0x6e: {  	_ =	shalt  }
0x6f: {  	_ =	shalt  }
0x70: {  	_ =	shalt  }
0x71: {  	_ =	shalt  }
0x72: {  	_ =	shalt  }
0x73: {  	_ =	shalt  }
0x74: {  	_ =	shalt  }
0x75: {  	_ =	shalt  }
0x76: {  	_ =	shalt  }
0x77: {  	_ =	shalt  }
0x78: {  	_ =	shalt  }
0x79: {  	_ =	shalt  }
0x7a: {  	_ =	shalt  }
0x7b: {  	_ =	shalt  }
0x7c: {  	_ =	shalt  }
0x7d: {  	_ =	shalt  }
0x7e: {  	_ =	shalt  }
0x7f: {  	_ =	shalt  }
0x80: {  	_ =	shalt  }
0x81: {  	_ =	shalt  }
0x82: {  	_ =	shalt  }
0x83: {  	_ =	shalt  }
0x84: {  	_ =	shalt  }
0x85: {  	_ =	shalt  }
0x86: {  	_ =	shalt  }
0x87: {  	_ =	shalt  }
.Lfunc_end0:
.L_simem_size_0:
called_computation_lowered:
.L_overlay_start_0:
0x88: {  	s2 =	sld [smem:$0x3FD9]  }
0x89: {  	s3 =	sld [smem:$0x3FFE];
	_ =	sdelay $0x1  }
0x8a: {  	s1 =	srdreg.scid  }
0x8b: {  	s0 =	sand.u32 $0x1, s1  }
0x8c: {  	s16 =	sshll.u32 s0, $0xA;
	s2 =	sadd.s32 s3, s2  }
0x8d: {  	s2 =	sadd.s32 s2, s16  }
0x8e: {  	[smem:$0x3FB1] =	sst s2  }
0x8f: {  	_ = 	snop  }
0x90: {  	(tm) =	ssettm $0x1  }
0x91: {  	s17 =	sld [smem:$0x3FFB];
	_ =	sdelay $0x3  }
0x92: {  	_ =	strace s17  }
0x93: {  	s2 =	sld [smem:$0x3FFC];
	_ =	sdelay $0x3  }
0x94: {  	_ =	strace s2  }
0x95: {  	s2 =	sld [smem:$0x3FFD];
	_ =	sdelay $0x3  }
0x96: {  	_ =	strace s2  }
0x97: {  	_ =	strace $0x8FFFFFFF  }
0x98: {  	s18 =	sld [smem:$0x3FDB];
	_ =	sdelay $0x1  }
0x99: {  	s19 =	simm.s32 $_scs_section_size  }
0x9a: {  	s4 =	simm.s32 $_size__tile_overlayer_lowered;
	s5 =	simm.s32 $_tile_overlayer_lowered  }
0x9b: {  	s22 =	simm.s32 $0x1BFF;
	s21 =	sshll.u32 s5, $0x1;
	s2 =	sadd.s32 s19, s18  }
0x9c: {  	s6 =	simm.s32 $0x0;
	s20 =	sshll.u32 s4, $0x1;
	s4 =	sadd.s32 s21, s2  }
0x9d: {  	[timem:s6], [sflag:s22] =	dma.local [hbm:s4], s20  }
0x9e: {  	_ =	swait.ge [sflag:s22], s20  }
0x9f: {  	s3 =	ssub.s32 $0x0, s20;
	[sflag:s22] =	ssyncset.done $0x0  }
0xa0: {  	[sflag:s22] =	ssyncadd.s32 s3;
	_ =	sdelay $0x1  }
0xa1: {  	s23 =	simm.s32 $0x1B8B  }
0xa2: {  	_ =	swait.ge [sflag:s23], $0x1  }
0xa3: {  	[sflag:s23] =	ssyncset.done $0x0  }
0xa4: {  	s25 =	simm.s32 $0x1B8E;
	s24 =	sld [smem:$0x3FFE];
	[sflag:s23] =	ssyncadd.s32 $0xFFFFFFFF  }
0xa5: {  	s26 =	simm.s32 $execute0_lowered;
	[smem:$0x3FD2] =	sst s25  }
0xa6: {  	s4 =	sshll.u32 s26, $0x1;
	_ =	strace $0x80000046;
	[dreg:$0x1] =	wrdreg $0xFFFFFFFF  }
0xa7: {  	s28 =	simm.s32 $_size_execute0_lowered;
	s2 =	sadd.s32 s2, s4;
	[dreg:$0x0] =	wrdreg $0x0  }
0xa8: {  	s4 =	sshll.u32 s28, $0x1;
	[dreg:$0x2] =	wrdreg s2  }
0xa9: {  	[dreg:$0x3] =	wrdreg s4  }
0xaa: {  	[dreg:$0x4] =	wrdreg $0xC0  }
0xab: {  	_ =	task [dreg:s6], $0x5FFFF  }
0xac: {  	[dreg:$0x1] =	wrdreg $0xFFFFFFFF  }
0xad: {  	[dreg:$0x0] =	wrdreg $0x60  }
0xae: {  	[dreg:$0x2] =	wrdreg s24  }
0xaf: {  	[dreg:$0x3] =	wrdreg $0xFD000  }
0xb0: {  	[dreg:$0x4] =	wrdreg $0x199800  }
0xb1: {  	[dreg:$0x5] =	wrdreg $0x9  }
0xb2: {  	_ =	task.clear_ibuf [dreg:s6], $0x6FFFF;
	_ =	strace $0x90000046  }
0xb3: {  	s29 =	simm.s32 $0x9;
	_ =	strace $0x80000048  }
0xb4: {  	_ =	swait.ge [sflag:s29], $0x1  }
0xb5: {  	[sflag:s29] =	ssyncadd.s32 $0xFFFFFFFF  }
0xb6: {  	_ =	strace $0x90000048  }
0xb7: {  	_ =	sfence  }
0xb8: {  	s30 =	sld [smem:$0x0];
	_ =	sdelay $0x2  }
0xb9: {  	s31 =	sshll.u32 s1, $0xD;
	s1 =	sshrl.u32 s1, $0x2  }
0xba: {  	s3 =	sand.u32 $0x4000, s31;
	s1 =	sadd.s32 s1, s30  }
0xbb: {  	s0 =	sor.u32 s3, s0;
	s1 =	sshll.u32 s1, $0x11  }
0xbc: {  	s0 =	sor.u32 s1, s0  }
0xbd: {  	s0 =	sadd.s32 $0x8F2B, s0  }
0xbe: {  	[sflag:s0] =	ssyncadd.remote.s32 $0x1  }
0xbf: {  	_ =	sfence.sel $0xFFFF  }
0xc0: {  	[dreg:$0x0] =	wrdreg $0xFFFFFFFF;
	(pc) =	sbr.abs _section_cstart, $3  }
0xc1: {  	[dreg:$0x1] =	wrdreg $0xFFFFFFFF  }
0xc2: {  	_ =	task.clear_ibuf [dreg:s6], $0x2FFFF;
	_ =	strace $0x9FFFFFFF  }
0xc3: {  	(tm) =	ssettm $0x7FFFFFFF  }
tec
execute0_lowered:
.L_overlay_start_1:
0x0: {  	(tag) =	ssettag $0x1  }
0x1: {  	s0 =	srdreg.scid;
	s1 =	rddreg [dreg:$0x0]  }
0x2: {  	s11 =	stileid.u32;
	s2 =	rddreg [dreg:$0x1];
	s23 =	simm.s32 $0x0  }
0x3: {  	s13 =	simm.s32 $0x6;
	s15 =	simm.s32 $0x80;
	s17 =	simm.s32 $0x2D00  }
0x4: {  	s19 =	simm.s32 $0x4D00;
	s20 =	simm.s32 $0x2900;
	s21 =	simm.s32 $0x5D00  }
0x5: {  	s28 =	simm.s32 $0x2A80;
	s29 =	simm.s32 $0x2;
	s30 =	simm.s32 $0x2B00  }
0x6: {  	s31 =	simm.s32 $0x9D00;
	s16 =	simm.s32 $0x4;
	s4 =	smul.u32 $0x9C40, s11  }
0x7: {  	s22 =	simm.s32 $0xBD00;
	s0 =	sand.u32 $0x1, s0;
	s7 =	smul.u32 $0x9C80, s11  }
0x8: {  	[smem:$0x7FF] =	sst s23;
	s10 =	sadd.s32 $0x2AA00, s1;
	s25 =	sshll.u32 s11, $0x6  }
0x9: {  	s23 =	simm.s32 $0x5;
	s3 =	sshll.u32 s0, $0x4;
	s9 =	smul.u32 $0x9C800, s0  }
0xa: {  	s0 =	ssub.s32 $0x2, s0;
	s5 =	sor.u32 s11, s3;
	s3 =	rddreg [dreg:$0x2]  }
0xb: {  	s8 =	sshrl.u32 s4, $0x4;
	_ =	strace $0x80000047;
	[dreg:$0x4] =	wrdreg s10  }
0xc: {  	s24 =	sshrl.u32 s0, $0x1;
	s4 =	sshrl.u32 s4, $0x1;
	s11 =	simm.s32 $0x0  }
0xd: {  	s6 =	smul.u32 $0x500, s5;
	s5 =	sadd.s32 $0xD200, s1;
	s8 =	sadd.s32 s8, s1  }
0xe: {  	s9 =	sadd.s32 s7, s9;
	s0 =	ssub.s32 s0, s24;
	s7 =	sadd.s32 s7, s2  }
0xf: {  	s4 =	sadd.s32 s4, s3;
	s24 =	simm.s32 $0x2A00;
	s9 =	sshrl.u32 s9, $0x3  }
0x10: {  	s8 =	sadd.s32 $0x20C00, s8;
	s0 =	smax.u32 s0, $0x1;
	s10 =	sshrl.u32 s7, $0x3  }
0x11: {  	s26 =	sshrl.u32 s4, $0x3;
	s4 =	simm.s32 $0x2C00;
	[dreg:$0x6] =	wrdreg s8  }
0x12: {  	s6 =	sadd.s32 s6, s1;
	s1 =	sadd.s32 s9, s1;
	[dreg:$0x9] =	wrdreg s0  }
.Ltmp0:
0x13: {  	s9 =	sor.u32 $0x1C06, s25;
	[dreg:$0xb] =	wrdreg s26;
	(pc) =	sbr.rel .LBB2_1-.Ltmp0, $4  }
0x14: {  	s25 =	simm.s32 $0x8D00;
	s26 =	simm.s32 $0x1;
	[dreg:$0xa] =	wrdreg s10  }
0x15: {  	s0 =	simm.s32 $0x2B80;
	s6 =	sadd.s32 $0x3200, s6;
	[dreg:$0x5] =	wrdreg s9  }
0x16: {  	s8 =	simm.s32 $0xDD00;
	s1 =	sadd.s32 $0x2BE00, s1;
	[dreg:$0x7] =	wrdreg s6  }
0x17: {  	[dreg:$0x8] =	wrdreg s1;
	s1 =	simm.s32 $0x3;
	s6 =	simm.s32 $0x2C80  }
.LBB2_13:
0x18: {  	[bflag:$0x0] =	sbarrier.arrive $0xFFFF  }
0x19: {  	s9 =	rddreg [dreg:$0x5]  }
0x1a: {  	s7 =	rddreg [dreg:$0x8]  }
0x1b: {  	s10 =	rddreg [dreg:$0xa]  }
0x1c: {  	[hbm:s7], [sflag:s9] =	dma.local [spmem:s10], $0x1390  }
0x1d: {  	_ =	swait.ge [sflag:s13], $0x1390  }
0x1e: {  	s11 =	rddreg [dreg:$0xc]  }
0x1f: {  	s18 =	rddreg [dreg:$0x9];
	s11 =	sadd.s32 $0x1, s11  }
0x20: {  	p0 =	sne.s32 s11, s18  }
.Ltmp1:
0x21: {  	_ = 	snop;
	(pc) =	sbr.rel @!p0 .LBB2_14-.Ltmp1, $3  }
0x22: {  	_ =	sdelay $0x1  }
0x23: {  	[sflag:s13] =	ssyncset.done $0x0  }
0x24: {  	[sflag:s13] =	ssyncadd.s32 $0xFFFFEC70  }
.LBB2_1:
0x25: {  	[dreg:$0xc] =	wrdreg s11  }
0x26: {  	s7 =	rddreg [dreg:$0x4]  }
0x27: {  	[spmem:s10], [sflag:s9] =	dma.local [hbm:s7], $0x1390  }
0x28: {  	_ =	swait.ge [sflag:s13], $0x1390  }
0x29: {  	[sflag:s13] =	ssyncset.done $0x0;
	s14 =	rddreg [dreg:$0x6]  }
0x2a: {  	s18 =	rddreg [dreg:$0xb];
	[sflag:s13] =	ssyncadd.s32 $0xFFFFEC70  }
0x2b: {  	[spmem:s18], [sflag:s9] =	dma.local [hbm:s14], $0x9C4  }
0x2c: {  	_ =	swait.ge [sflag:s13], $0x9C4  }
0x2d: {  	[sflag:s13] =	ssyncset.done $0x0  }
0x2e: {  	s9 =	simm.s32 $0x0;
	s10 =	rddreg [dreg:$0x7];
	[sflag:s13] =	ssyncadd.s32 $0xFFFFF63C  }
0x2f: {  	[tilespmem:s9], [sflag:$0x6] =	stream.linear.gather [hbm4b:s10+s9], $0x2800, $0x38;
	[tilespmem:$0x1E7A0] =	vst v63  }
0x30: {  	_ =	swait.ge [sflag:s13], $0x2800  }
0x31: {  	[sflag:s13] =	ssyncset.done $0x0  }
0x32: {  	[sflag:s13] =	ssyncadd.s32 $0xFFFFD800  }
0x33: {  	[bflag:$0x0] =	sbarrier.arrive $0xFFFF  }
0x34: {  	v0 =	vld [tilespmem:$0x0];
	_ =	sdelay $0x1  }
0x35: {  	v1 =	vld [tilespmem:$0x10];
	_ =	sdelay $0x1  }
0x36: {  	v2 =	vld [tilespmem:$0x20]  }
0x37: {  	v3 =	vand.u32 $0xFFFF, v0  }
0x38: {  	v11 =	vld [tilespmem:$0x30];
	v0 =	vshrl.u32 v0, $0x10;
	[tilespmem:$0x2800] =	vst v3  }
0x39: {  	v12 =	vand.u32 $0xFFFF, v1;
	[tilespmem:$0x2A80] =	vst v0  }
0x3a: {  	v14 =	vld [tilespmem:$0x40];
	v13 =	vshrl.u32 v1, $0x10;
	[tilespmem:$0x2810] =	vst v12  }
0x3b: {  	v15 =	vand.u32 $0xFFFF, v2;
	[tilespmem:$0x2A90] =	vst v13  }
0x3c: {  	v17 =	vld [tilespmem:$0x50];
	v16 =	vshrl.u32 v2, $0x10;
	[tilespmem:$0x2820] =	vst v15  }
0x3d: {  	v18 =	vand.u32 $0xFFFF, v11;
	[tilespmem:$0x2AA0] =	vst v16  }
0x3e: {  	v20 =	vld [tilespmem:$0x60];
	v19 =	vshrl.u32 v11, $0x10;
	[tilespmem:$0x2830] =	vst v18  }
0x3f: {  	v21 =	vand.u32 $0xFFFF, v14;
	[tilespmem:$0x2AB0] =	vst v19  }
0x40: {  	v23 =	vld [tilespmem:$0x70];
	v22 =	vshrl.u32 v14, $0x10;
	[tilespmem:$0x2840] =	vst v21  }
0x41: {  	v24 =	vand.u32 $0xFFFF, v17;
	[tilespmem:$0x2AC0] =	vst v22  }
0x42: {  	v25 =	vshrl.u32 v17, $0x10;
	[tilespmem:$0x2850] =	vst v24  }
0x43: {  	v26 =	vand.u32 $0xFFFF, v20;
	[tilespmem:$0x2AD0] =	vst v25  }
0x44: {  	v27 =	vshrl.u32 v20, $0x10;
	[tilespmem:$0x2860] =	vst v26  }
0x45: {  	v28 =	vand.u32 $0xFFFF, v23;
	[tilespmem:$0x2AE0] =	vst v27  }
0x46: {  	v29 =	vshrl.u32 v23, $0x10;
	[tilespmem:$0x2870] =	vst v28  }
0x47: {  	s11 =	simm.s32 $0x2800;
	[tilespmem:$0x2AF0] =	vst v29  }
0x48: {  	[tilespmem:s17], [sflag:$0x1] =	stream.indirect.gather [hbm4b:s5+s15], $0x40, s11, s15, $0xb8;
	[tilespmem:$0x1E7A0] =	vst v63  }
0x49: {  	v30 =	vld [tilespmem:$0x80];
	_ =	sdelay $0x1  }
0x4a: {  	v31 =	vld [tilespmem:$0x90];
	_ =	sdelay $0x1  }
0x4b: {  	v32 =	vld [tilespmem:$0xA0]  }
0x4c: {  	v33 =	vand.u32 $0xFFFF, v30  }
0x4d: {  	v34 =	vld [tilespmem:$0xB0];
	v0 =	vshrl.u32 v30, $0x10;
	[tilespmem:$0x2880] =	vst v33  }
0x4e: {  	v35 =	vand.u32 $0xFFFF, v31;
	[tilespmem:$0x2B00] =	vst v0  }
0x4f: {  	v37 =	vld [tilespmem:$0xC0];
	v36 =	vshrl.u32 v31, $0x10;
	[tilespmem:$0x2890] =	vst v35  }
0x50: {  	v38 =	vand.u32 $0xFFFF, v32;
	[tilespmem:$0x2B10] =	vst v36  }
0x51: {  	v40 =	vld [tilespmem:$0xD0];
	v39 =	vshrl.u32 v32, $0x10;
	[tilespmem:$0x28A0] =	vst v38  }
0x52: {  	v41 =	vand.u32 $0xFFFF, v34;
	[tilespmem:$0x2B20] =	vst v39  }
0x53: {  	v43 =	vld [tilespmem:$0xE0];
	v42 =	vshrl.u32 v34, $0x10;
	[tilespmem:$0x28B0] =	vst v41  }
0x54: {  	v44 =	vand.u32 $0xFFFF, v37;
	[tilespmem:$0x2B30] =	vst v42  }
0x55: {  	v46 =	vld [tilespmem:$0xF0];
	v45 =	vshrl.u32 v37, $0x10;
	[tilespmem:$0x28C0] =	vst v44  }
0x56: {  	v47 =	vand.u32 $0xFFFF, v40;
	[tilespmem:$0x2B40] =	vst v45  }
0x57: {  	v48 =	vshrl.u32 v40, $0x10;
	[tilespmem:$0x28D0] =	vst v47  }
0x58: {  	v49 =	vand.u32 $0xFFFF, v43;
	[tilespmem:$0x2B50] =	vst v48  }
0x59: {  	v50 =	vshrl.u32 v43, $0x10;
	[tilespmem:$0x28E0] =	vst v49  }
0x5a: {  	v51 =	vand.u32 $0xFFFF, v46;
	[tilespmem:$0x2B60] =	vst v50  }
0x5b: {  	v52 =	vshrl.u32 v46, $0x10;
	[tilespmem:$0x28F0] =	vst v51  }
0x5c: {  	s12 =	simm.s32 $0x2880;
	[tilespmem:$0x2B70] =	vst v52  }
0x5d: {  	[tilespmem:s19], [sflag:$0x2] =	stream.indirect.gather [spmem:s3], $0x20, s12, s15, $0xb8;
	[tilespmem:$0x1E7A0] =	vst v63  }
0x5e: {  	v53 =	vld [tilespmem:$0x100];
	_ =	sdelay $0x1  }
0x5f: {  	v54 =	vld [tilespmem:$0x110];
	_ =	sdelay $0x1  }
0x60: {  	v55 =	vld [tilespmem:$0x120]  }
0x61: {  	v56 =	vand.u32 $0xFFFF, v53  }
0x62: {  	v57 =	vld [tilespmem:$0x130];
	v0 =	vshrl.u32 v53, $0x10;
	[tilespmem:$0x2900] =	vst v56  }
0x63: {  	v58 =	vand.u32 $0xFFFF, v54;
	[tilespmem:$0x2B80] =	vst v0  }
0x64: {  	v60 =	vld [tilespmem:$0x140];
	v59 =	vshrl.u32 v54, $0x10;
	[tilespmem:$0x2910] =	vst v58  }
0x65: {  	v61 =	vand.u32 $0xFFFF, v55;
	[tilespmem:$0x2B90] =	vst v59  }
0x66: {  	v63 =	vld [tilespmem:$0x150];
	v62 =	vshrl.u32 v55, $0x10;
	[tilespmem:$0x2920] =	vst v61  }
0x67: {  	v6 =	vand.u32 $0xFFFF, v57;
	[tilespmem:$0x2BA0] =	vst v62  }
0x68: {  	v8 =	vld [tilespmem:$0x160];
	v7 =	vshrl.u32 v57, $0x10;
	[tilespmem:$0x2930] =	vst v6  }
0x69: {  	v9 =	vand.u32 $0xFFFF, v60;
	[tilespmem:$0x2BB0] =	vst v7  }
0x6a: {  	v11 =	vld [tilespmem:$0x170];
	v10 =	vshrl.u32 v60, $0x10;
	[tilespmem:$0x2940] =	vst v9  }
0x6b: {  	v12 =	vand.u32 $0xFFFF, v63;
	[tilespmem:$0x2BC0] =	vst v10  }
0x6c: {  	v13 =	vshrl.u32 v63, $0x10;
	[tilespmem:$0x2950] =	vst v12  }
0x6d: {  	v14 =	vand.u32 $0xFFFF, v8;
	[tilespmem:$0x2BD0] =	vst v13  }
0x6e: {  	v15 =	vshrl.u32 v8, $0x10;
	[tilespmem:$0x2960] =	vst v14  }
0x6f: {  	v16 =	vand.u32 $0xFFFF, v11;
	[tilespmem:$0x2BE0] =	vst v15  }
0x70: {  	v17 =	vshrl.u32 v11, $0x10;
	[tilespmem:$0x2970] =	vst v16  }
0x71: {  	[tilespmem:$0x2BF0] =	vst v17  }
0x72: {  	[tilespmem:s21], [sflag:$0x3] =	stream.indirect.gather [hbm4b:s5+s15], $0x40, s20, s15, $0xb8;
	[tilespmem:$0x1E7A0] =	vst v63  }
0x73: {  	v18 =	vld [tilespmem:$0x180];
	_ =	sdelay $0x1  }
0x74: {  	v19 =	vld [tilespmem:$0x190];
	_ =	sdelay $0x1  }
0x75: {  	v20 =	vld [tilespmem:$0x1A0]  }
0x76: {  	v21 =	vand.u32 $0xFFFF, v18  }
0x77: {  	v22 =	vld [tilespmem:$0x1B0];
	v0 =	vshrl.u32 v18, $0x10;
	[tilespmem:$0x2980] =	vst v21  }
0x78: {  	v23 =	vand.u32 $0xFFFF, v19;
	[tilespmem:$0x2C00] =	vst v0  }
0x79: {  	v25 =	vld [tilespmem:$0x1C0];
	v24 =	vshrl.u32 v19, $0x10;
	[tilespmem:$0x2990] =	vst v23  }
0x7a: {  	v26 =	vand.u32 $0xFFFF, v20;
	[tilespmem:$0x2C10] =	vst v24  }
0x7b: {  	v28 =	vld [tilespmem:$0x1D0];
	v27 =	vshrl.u32 v20, $0x10;
	[tilespmem:$0x29A0] =	vst v26  }
0x7c: {  	v29 =	vand.u32 $0xFFFF, v22;
	[tilespmem:$0x2C20] =	vst v27  }
0x7d: {  	v31 =	vld [tilespmem:$0x1E0];
	v30 =	vshrl.u32 v22, $0x10;
	[tilespmem:$0x29B0] =	vst v29  }
0x7e: {  	v32 =	vand.u32 $0xFFFF, v25;
	[tilespmem:$0x2C30] =	vst v30  }
0x7f: {  	v34 =	vld [tilespmem:$0x1F0];
	v33 =	vshrl.u32 v25, $0x10;
	[tilespmem:$0x29C0] =	vst v32  }
0x80: {  	v35 =	vand.u32 $0xFFFF, v28;
	[tilespmem:$0x2C40] =	vst v33  }
0x81: {  	v36 =	vshrl.u32 v28, $0x10;
	[tilespmem:$0x29D0] =	vst v35  }
0x82: {  	v37 =	vand.u32 $0xFFFF, v31;
	[tilespmem:$0x2C50] =	vst v36  }
0x83: {  	v38 =	vshrl.u32 v31, $0x10;
	[tilespmem:$0x29E0] =	vst v37  }
0x84: {  	v39 =	vand.u32 $0xFFFF, v34;
	[tilespmem:$0x2C60] =	vst v38  }
0x85: {  	v40 =	vshrl.u32 v34, $0x10;
	[tilespmem:$0x29F0] =	vst v39  }
0x86: {  	s14 =	simm.s32 $0x2980;
	s18 =	simm.s32 $0x7D00;
	[tilespmem:$0x2C70] =	vst v40  }
0x87: {  	[tilespmem:s18], [sflag:$0x4] =	stream.indirect.gather [spmem:s3], $0x20, s14, s15, $0xb8;
	[tilespmem:$0x1E7A0] =	vst v63  }
0x88: {  	v41 =	vld [tilespmem:$0x200];
	_ =	sdelay $0x1  }
0x89: {  	v42 =	vld [tilespmem:$0x210];
	_ =	sdelay $0x1  }
0x8a: {  	v43 =	vld [tilespmem:$0x220]  }
0x8b: {  	v44 =	vand.u32 $0xFFFF, v41  }
0x8c: {  	v45 =	vld [tilespmem:$0x230];
	v0 =	vshrl.u32 v41, $0x10;
	[tilespmem:$0x2A00] =	vst v44  }
0x8d: {  	v46 =	vand.u32 $0xFFFF, v42;
	[tilespmem:$0x2C80] =	vst v0  }
0x8e: {  	v48 =	vld [tilespmem:$0x240];
	v47 =	vshrl.u32 v42, $0x10;
	[tilespmem:$0x2A10] =	vst v46  }
0x8f: {  	v49 =	vand.u32 $0xFFFF, v43;
	[tilespmem:$0x2C90] =	vst v47  }
0x90: {  	v51 =	vld [tilespmem:$0x250];
	v50 =	vshrl.u32 v43, $0x10;
	[tilespmem:$0x2A20] =	vst v49  }
0x91: {  	v52 =	vand.u32 $0xFFFF, v45;
	[tilespmem:$0x2CA0] =	vst v50  }
0x92: {  	v54 =	vld [tilespmem:$0x260];
	v53 =	vshrl.u32 v45, $0x10;
	[tilespmem:$0x2A30] =	vst v52  }
0x93: {  	v55 =	vand.u32 $0xFFFF, v48;
	[tilespmem:$0x2CB0] =	vst v53  }
0x94: {  	v57 =	vld [tilespmem:$0x270];
	v56 =	vshrl.u32 v48, $0x10;
	[tilespmem:$0x2A40] =	vst v55  }
0x95: {  	v58 =	vand.u32 $0xFFFF, v51;
	[tilespmem:$0x2CC0] =	vst v56  }
0x96: {  	v59 =	vshrl.u32 v51, $0x10;
	[tilespmem:$0x2A50] =	vst v58  }
0x97: {  	v60 =	vand.u32 $0xFFFF, v54;
	[tilespmem:$0x2CD0] =	vst v59  }
0x98: {  	v61 =	vshrl.u32 v54, $0x10;
	[tilespmem:$0x2A60] =	vst v60  }
0x99: {  	v62 =	vand.u32 $0xFFFF, v57;
	[tilespmem:$0x2CE0] =	vst v61  }
0x9a: {  	v63 =	vshrl.u32 v57, $0x10;
	[tilespmem:$0x2A70] =	vst v62  }
0x9b: {  	s10 =	simm.s32 $0x0;
	[tilespmem:$0x2CF0] =	vst v63  }
0x9c: {  	[tilespmem:s25], [sflag:$0x5] =	stream.indirect.gather [spmem:s3], $0x20, s24, s15, $0xb8;
	[tilespmem:$0x1E7A0] =	vst v63  }
.LBB2_2:
0x9d: {  	_ =	swait.ge [sflag:s26], $0x2000  }
0x9e: {  	[sflag:s26] =	ssyncset.done $0x0  }
0x9f: {  	p0 =	seq.s32 s10, $0xF;
	[sflag:s26] =	ssyncadd.s32 $0xFFFFE000  }
0xa0: {  	[spmem:s2] =	stream.indirect.scatter.add.f32 [tilespmem:s17], [sflag:$0x6], $0x40, s28, s15, $0xb8;
	[tilespmem:$0x1E7A0] =	vst v63  }
0xa1: {  	s7 =	smul.u32 @!p0 $0xA00, s10;
	_ =	swait.ge [sflag:s13], $0x2000  }
0xa2: {  	[sflag:s13] =	ssyncset.done $0x0  }
0xa3: {  	s11 =	sshra.s32 @!p0 s7, $0x2;
	[sflag:s13] =	ssyncadd.s32 $0xFFFFE000  }
0xa4: {  	v0 =	vld @!p0 [tilespmem:s11+$0x280];
	_ =	sdelay $0x4  }
0xa5: {  	v1 =	vand.u32 @!p0 $0xFFFF, v0  }
0xa6: {  	v0 =	vshrl.u32 @!p0 v0, $0x10;
	[tilespmem:$0x2800] =	vst @!p0 v1  }
0xa7: {  	[tilespmem:$0x2A80] =	vst @!p0 v0  }
0xa8: {  	v0 =	vld @!p0 [tilespmem:s11+$0x290];
	_ =	sdelay $0x4  }
0xa9: {  	v1 =	vand.u32 @!p0 $0xFFFF, v0  }
0xaa: {  	v0 =	vshrl.u32 @!p0 v0, $0x10;
	[tilespmem:$0x2810] =	vst @!p0 v1  }
0xab: {  	[tilespmem:$0x2A90] =	vst @!p0 v0  }
0xac: {  	v0 =	vld @!p0 [tilespmem:s11+$0x2A0];
	_ =	sdelay $0x4  }
0xad: {  	v1 =	vand.u32 @!p0 $0xFFFF, v0  }
0xae: {  	v0 =	vshrl.u32 @!p0 v0, $0x10;
	[tilespmem:$0x2820] =	vst @!p0 v1  }
0xaf: {  	[tilespmem:$0x2AA0] =	vst @!p0 v0  }
0xb0: {  	v0 =	vld @!p0 [tilespmem:s11+$0x2B0];
	_ =	sdelay $0x4  }
0xb1: {  	v1 =	vand.u32 @!p0 $0xFFFF, v0  }
0xb2: {  	v0 =	vshrl.u32 @!p0 v0, $0x10;
	[tilespmem:$0x2830] =	vst @!p0 v1  }
0xb3: {  	[tilespmem:$0x2AB0] =	vst @!p0 v0  }
0xb4: {  	v0 =	vld @!p0 [tilespmem:s11+$0x2C0];
	_ =	sdelay $0x4  }
0xb5: {  	v1 =	vand.u32 @!p0 $0xFFFF, v0  }
0xb6: {  	v0 =	vshrl.u32 @!p0 v0, $0x10;
	[tilespmem:$0x2840] =	vst @!p0 v1  }
0xb7: {  	[tilespmem:$0x2AC0] =	vst @!p0 v0  }
0xb8: {  	v0 =	vld @!p0 [tilespmem:s11+$0x2D0];
	_ =	sdelay $0x4  }
0xb9: {  	v1 =	vand.u32 @!p0 $0xFFFF, v0  }
0xba: {  	v0 =	vshrl.u32 @!p0 v0, $0x10;
	[tilespmem:$0x2850] =	vst @!p0 v1  }
0xbb: {  	[tilespmem:$0x2AD0] =	vst @!p0 v0  }
0xbc: {  	v0 =	vld @!p0 [tilespmem:s11+$0x2E0];
	_ =	sdelay $0x4  }
0xbd: {  	v1 =	vand.u32 @!p0 $0xFFFF, v0  }
0xbe: {  	v0 =	vshrl.u32 @!p0 v0, $0x10;
	[tilespmem:$0x2860] =	vst @!p0 v1  }
0xbf: {  	[tilespmem:$0x2AE0] =	vst @!p0 v0  }
0xc0: {  	v0 =	vld @!p0 [tilespmem:s11+$0x2F0];
	_ =	sdelay $0x4  }
0xc1: {  	v1 =	vand.u32 @!p0 $0xFFFF, v0  }
0xc2: {  	v0 =	vshrl.u32 @!p0 v0, $0x10;
	[tilespmem:$0x2870] =	vst @!p0 v1  }
0xc3: {  	s9 =	simm.s32 @!p0 $0x2800;
	s12 =	simm.s32 @!p0 $0x2D00;
	s7 =	simm.s32 @!p0 $0x80;
	[tilespmem:$0x2AF0] =	vst @!p0 v0  }
0xc4: {  	[tilespmem:s12], [sflag:$0x1] =	stream.indirect.gather @!p0 [hbm4b:s5+s7], $0x40, s9, s7, $0xb8;
	[tilespmem:$0x1E7A0] =	vst v63  }
0xc5: {  	_ =	swait.ge [sflag:s29], $0x1000  }
0xc6: {  	[sflag:s29] =	ssyncset.done $0x0  }
0xc7: {  	s12 =	simm.s32 $0x0;
	[sflag:s29] =	ssyncadd.s32 $0xFFFFF000  }
0xc8: {  	v0 =	vld [tilespmem:s12+$0x4D00];
	_ =	sdelay $0x4  }
0xc9: {  	s14 =	simm.s32 $0x9D80;
	v1 =	vshll.u32 v0, $0x10  }
0xca: {  	v0 =	vand.u32 $0xFFFF0000, v0;
	[tilespmem:s14+$0xFFFFFF80] =	vst v1  }
0xcb: {  	[tilespmem:s14+$0xFFFFFF90] =	vst v0  }
0xcc: {  	v0 =	vld [tilespmem:s12+$0x4D10];
	_ =	sdelay $0x4  }
0xcd: {  	v1 =	vshll.u32 v0, $0x10  }
0xce: {  	v0 =	vand.u32 $0xFFFF0000, v0;
	[tilespmem:s14+$0xFFFFFFA0] =	vst v1  }
0xcf: {  	[tilespmem:s14+$0xFFFFFFB0] =	vst v0  }
0xd0: {  	v0 =	vld [tilespmem:s12+$0x4D20];
	_ =	sdelay $0x4  }
0xd1: {  	v1 =	vshll.u32 v0, $0x10  }
0xd2: {  	v0 =	vand.u32 $0xFFFF0000, v0;
	[tilespmem:s14+$0xFFFFFFC0] =	vst v1  }
0xd3: {  	[tilespmem:s14+$0xFFFFFFD0] =	vst v0  }
0xd4: {  	v0 =	vld [tilespmem:s12+$0x4D30];
	_ =	sdelay $0x4  }
0xd5: {  	v1 =	vshll.u32 v0, $0x10  }
0xd6: {  	v0 =	vand.u32 $0xFFFF0000, v0;
	[tilespmem:s14+$0xFFFFFFE0] =	vst v1  }
0xd7: {  	[tilespmem:s14+$0xFFFFFFF0] =	vst v0  }
0xd8: {  	v0 =	vld [tilespmem:s12+$0x4D40];
	_ =	sdelay $0x4  }
0xd9: {  	v1 =	vshll.u32 v0, $0x10  }
0xda: {  	v0 =	vand.u32 $0xFFFF0000, v0;
	[tilespmem:s14+$0x0] =	vst v1  }
0xdb: {  	[tilespmem:s14+$0x10] =	vst v0  }
0xdc: {  	v0 =	vld [tilespmem:s12+$0x4D50];
	_ =	sdelay $0x4  }
0xdd: {  	v1 =	vshll.u32 v0, $0x10  }
0xde: {  	v0 =	vand.u32 $0xFFFF0000, v0;
	[tilespmem:s14+$0x20] =	vst v1  }
0xdf: {  	[tilespmem:s14+$0x30] =	vst v0  }
0xe0: {  	v0 =	vld [tilespmem:s12+$0x4D60];
	_ =	sdelay $0x4  }
0xe1: {  	v1 =	vshll.u32 v0, $0x10  }
0xe2: {  	s7 =	simm.s32 $0x200;
	s9 =	simm.s32 $0x9D80;
	v0 =	vand.u32 $0xFFFF0000, v0;
	[tilespmem:s14+$0x40] =	vst v1  }
.LBB2_3:
0xe3: {  	p1 =	sne.s32 s7, $0x3E00  }
0xe4: {  	[tilespmem:s14+$0x50] =	vst v0;
	s9 =	sadd.s32 $0x100, s9;
	s18 =	smov.u32 s7;
	s7 =	sadd.s32 $0x200, s7  }
0xe5: {  	v0 =	vld [tilespmem:s12+$0x4D70];
	_ =	sdelay $0x4  }
0xe6: {  	v1 =	vshll.u32 v0, $0x10;
	v0 =	vand.u32 $0xFFFF0000, v0  }
0xe7: {  	[tilespmem:s14+$0x60] =	vst v1  }
0xe8: {  	s12 =	sshra.s32 s18, $0x2;
	[tilespmem:s14+$0x70] =	vst v0;
	s14 =	smov.u32 s9  }
0xe9: {  	v0 =	vld [tilespmem:s12+$0x4D00];
	_ =	sdelay $0x4  }
0xea: {  	v1 =	vshll.u32 v0, $0x10;
	v0 =	vand.u32 $0xFFFF0000, v0  }
0xeb: {  	[tilespmem:s9+$0xFFFFFF80] =	vst v1  }
0xec: {  	[tilespmem:s9+$0xFFFFFF90] =	vst v0  }
0xed: {  	v0 =	vld [tilespmem:s12+$0x4D10];
	_ =	sdelay $0x4  }
0xee: {  	v1 =	vshll.u32 v0, $0x10;
	v0 =	vand.u32 $0xFFFF0000, v0  }
0xef: {  	[tilespmem:s9+$0xFFFFFFA0] =	vst v1  }
0xf0: {  	[tilespmem:s9+$0xFFFFFFB0] =	vst v0  }
0xf1: {  	v0 =	vld [tilespmem:s12+$0x4D20];
	_ =	sdelay $0x4  }
0xf2: {  	v1 =	vshll.u32 v0, $0x10;
	v0 =	vand.u32 $0xFFFF0000, v0  }
0xf3: {  	[tilespmem:s9+$0xFFFFFFC0] =	vst v1  }
0xf4: {  	[tilespmem:s9+$0xFFFFFFD0] =	vst v0  }
0xf5: {  	v0 =	vld [tilespmem:s12+$0x4D30];
	_ =	sdelay $0x4  }
0xf6: {  	v1 =	vshll.u32 v0, $0x10;
	v0 =	vand.u32 $0xFFFF0000, v0  }
0xf7: {  	[tilespmem:s9+$0xFFFFFFE0] =	vst v1  }
0xf8: {  	[tilespmem:s9+$0xFFFFFFF0] =	vst v0  }
0xf9: {  	v0 =	vld [tilespmem:s12+$0x4D40];
	_ =	sdelay $0x4  }
0xfa: {  	v1 =	vshll.u32 v0, $0x10;
	v0 =	vand.u32 $0xFFFF0000, v0  }
0xfb: {  	[tilespmem:s9+$0x0] =	vst v1  }
0xfc: {  	[tilespmem:s9+$0x10] =	vst v0  }
0xfd: {  	v0 =	vld [tilespmem:s12+$0x4D50];
	_ =	sdelay $0x4  }
0xfe: {  	v1 =	vshll.u32 v0, $0x10;
	v0 =	vand.u32 $0xFFFF0000, v0  }
0xff: {  	[tilespmem:s9+$0x20] =	vst v1  }
0x100: {  	[tilespmem:s9+$0x30] =	vst v0  }
0x101: {  	v0 =	vld [tilespmem:s12+$0x4D60];
	_ =	sdelay $0x1  }
.Ltmp2:
0x102: {  	(pc) =	sbr.rel @p1 .LBB2_3-.Ltmp2, $3  }
0x103: {  	_ =	sdelay $0x1  }
0x104: {  	v1 =	vshll.u32 v0, $0x10;
	v0 =	vand.u32 $0xFFFF0000, v0  }
0x105: {  	[tilespmem:s9+$0x40] =	vst v1  }
0x106: {  	[tilespmem:s14+$0x50] =	vst v0  }
0x107: {  	v0 =	vld [tilespmem:s12+$0x4D70];
	_ =	sdelay $0x4  }
0x108: {  	v1 =	vshll.u32 v0, $0x10  }
0x109: {  	v0 =	vand.u32 $0xFFFF0000, v0;
	[tilespmem:s14+$0x60] =	vst v1  }
.Ltmp3:
0x10a: {  	[tilespmem:s14+$0x70] =	vst v0;
	(pc) =	sbr.rel @!p0 .LBB2_5-.Ltmp3, $4  }
0x10b: {  	[spmem:s2] =	stream.indirect.scatter.add.f32 [tilespmem:s31], [sflag:$0x6], $0x40, s30, s15, $0xb8;
	[tilespmem:$0x1E7A0] =	vst v63  }
0x10c: {  	_ =	swait.ge [sflag:s13], $0x2000  }
0x10d: {  	[sflag:s13] =	ssyncset.done $0x0  }
0x10e: {  	[sflag:s13] =	ssyncadd.s32 $0xFFFFE000  }
0x10f: {  	_ =	swait.ge [sflag:s1], $0x2000  }
0x110: {  	[sflag:s1] =	ssyncset.done $0x0  }
.Ltmp4:
0x111: {  	[sflag:s1] =	ssyncadd.s32 $0xFFFFE000;
	(pc) =	sbr.rel .LBB2_7-.Ltmp4, $4  }
0x112: {  	[spmem:s2] =	stream.indirect.scatter.add.f32 [tilespmem:s21], [sflag:$0x6], $0x40, s0, s15, $0xb8;
	[tilespmem:$0x1E7A0] =	vst v63  }
0x113: {  	_ =	swait.ge [sflag:s13], $0x2000  }
0x114: {  	[sflag:s13] =	ssyncset.done $0x0  }
0x115: {  	[sflag:s13] =	ssyncadd.s32 $0xFFFFE000  }
.LBB2_5:
0x116: {  	s7 =	smul.u32 $0xA00, s10;
	_ =	sdelay $0x1  }
0x117: {  	s7 =	sshra.s32 s7, $0x2  }
0x118: {  	v0 =	vld [tilespmem:s7+$0x300];
	_ =	sdelay $0x4  }
0x119: {  	v1 =	vand.u32 $0xFFFF, v0  }
0x11a: {  	v0 =	vshrl.u32 v0, $0x10;
	[tilespmem:$0x2880] =	vst v1  }
0x11b: {  	[tilespmem:$0x2B00] =	vst v0  }
0x11c: {  	v0 =	vld [tilespmem:s7+$0x310];
	_ =	sdelay $0x4  }
0x11d: {  	v48 =	vand.u32 $0xFFFF, v0  }
0x11e: {  	v0 =	vshrl.u32 v0, $0x10;
	[tilespmem:$0x2890] =	vst v48  }
0x11f: {  	[tilespmem:$0x2B10] =	vst v0  }
0x120: {  	v0 =	vld [tilespmem:s7+$0x320];
	_ =	sdelay $0x4  }
0x121: {  	v49 =	vand.u32 $0xFFFF, v0  }
0x122: {  	v0 =	vshrl.u32 v0, $0x10;
	[tilespmem:$0x28A0] =	vst v49  }
0x123: {  	[tilespmem:$0x2B20] =	vst v0  }
0x124: {  	v0 =	vld [tilespmem:s7+$0x330];
	_ =	sdelay $0x4  }
0x125: {  	v50 =	vand.u32 $0xFFFF, v0  }
0x126: {  	v0 =	vshrl.u32 v0, $0x10;
	[tilespmem:$0x28B0] =	vst v50  }
0x127: {  	[tilespmem:$0x2B30] =	vst v0  }
0x128: {  	v0 =	vld [tilespmem:s7+$0x340];
	_ =	sdelay $0x4  }
0x129: {  	v51 =	vand.u32 $0xFFFF, v0  }
0x12a: {  	v0 =	vshrl.u32 v0, $0x10;
	[tilespmem:$0x28C0] =	vst v51  }
0x12b: {  	[tilespmem:$0x2B40] =	vst v0  }
0x12c: {  	v0 =	vld [tilespmem:s7+$0x350];
	_ =	sdelay $0x4  }
0x12d: {  	v52 =	vand.u32 $0xFFFF, v0  }
0x12e: {  	v0 =	vshrl.u32 v0, $0x10;
	[tilespmem:$0x28D0] =	vst v52  }
0x12f: {  	[tilespmem:$0x2B50] =	vst v0  }
0x130: {  	v0 =	vld [tilespmem:s7+$0x360];
	_ =	sdelay $0x4  }
0x131: {  	v53 =	vand.u32 $0xFFFF, v0  }
0x132: {  	v0 =	vshrl.u32 v0, $0x10;
	[tilespmem:$0x28E0] =	vst v53  }
0x133: {  	[tilespmem:$0x2B60] =	vst v0  }
0x134: {  	v0 =	vld [tilespmem:s7+$0x370];
	_ =	sdelay $0x4  }
0x135: {  	v54 =	vand.u32 $0xFFFF, v0  }
0x136: {  	v0 =	vshrl.u32 v0, $0x10;
	[tilespmem:$0x28F0] =	vst v54  }
0x137: {  	s9 =	simm.s32 $0x2880;
	[tilespmem:$0x2B70] =	vst v0  }
0x138: {  	[tilespmem:s19], [sflag:$0x2] =	stream.indirect.gather [spmem:s3], $0x20, s9, s15, $0xb8;
	[tilespmem:$0x1E7A0] =	vst v63  }
0x139: {  	_ =	swait.ge [sflag:s1], $0x2000  }
0x13a: {  	[sflag:s1] =	ssyncset.done $0x0  }
0x13b: {  	[sflag:s1] =	ssyncadd.s32 $0xFFFFE000  }
0x13c: {  	[spmem:s2] =	stream.indirect.scatter.add.f32 [tilespmem:s21], [sflag:$0x6], $0x40, s0, s15, $0xb8;
	[tilespmem:$0x1E7A0] =	vst v63  }
0x13d: {  	_ =	swait.ge [sflag:s13], $0x2000  }
0x13e: {  	[sflag:s13] =	ssyncset.done $0x0  }
0x13f: {  	[sflag:s13] =	ssyncadd.s32 $0xFFFFE000  }
0x140: {  	v55 =	vld [tilespmem:s7+$0x380];
	_ =	sdelay $0x4  }
0x141: {  	v56 =	vand.u32 $0xFFFF, v55  }
0x142: {  	v0 =	vshrl.u32 v55, $0x10;
	[tilespmem:$0x2900] =	vst v56  }
0x143: {  	[tilespmem:$0x2B80] =	vst v0  }
0x144: {  	v0 =	vld [tilespmem:s7+$0x390];
	_ =	sdelay $0x4  }
0x145: {  	v57 =	vand.u32 $0xFFFF, v0  }
0x146: {  	v0 =	vshrl.u32 v0, $0x10;
	[tilespmem:$0x2910] =	vst v57  }
0x147: {  	[tilespmem:$0x2B90] =	vst v0  }
0x148: {  	v0 =	vld [tilespmem:s7+$0x3A0];
	_ =	sdelay $0x4  }
0x149: {  	v58 =	vand.u32 $0xFFFF, v0  }
0x14a: {  	v0 =	vshrl.u32 v0, $0x10;
	[tilespmem:$0x2920] =	vst v58  }
0x14b: {  	[tilespmem:$0x2BA0] =	vst v0  }
0x14c: {  	v0 =	vld [tilespmem:s7+$0x3B0];
	_ =	sdelay $0x4  }
0x14d: {  	v59 =	vand.u32 $0xFFFF, v0  }
0x14e: {  	v0 =	vshrl.u32 v0, $0x10;
	[tilespmem:$0x2930] =	vst v59  }
0x14f: {  	[tilespmem:$0x2BB0] =	vst v0  }
0x150: {  	v0 =	vld [tilespmem:s7+$0x3C0];
	_ =	sdelay $0x4  }
0x151: {  	v60 =	vand.u32 $0xFFFF, v0  }
0x152: {  	v0 =	vshrl.u32 v0, $0x10;
	[tilespmem:$0x2940] =	vst v60  }
0x153: {  	[tilespmem:$0x2BC0] =	vst v0  }
0x154: {  	v0 =	vld [tilespmem:s7+$0x3D0];
	_ =	sdelay $0x4  }
0x155: {  	v61 =	vand.u32 $0xFFFF, v0  }
0x156: {  	v0 =	vshrl.u32 v0, $0x10;
	[tilespmem:$0x2950] =	vst v61  }
0x157: {  	[tilespmem:$0x2BD0] =	vst v0  }
0x158: {  	v0 =	vld [tilespmem:s7+$0x3E0];
	_ =	sdelay $0x4  }
0x159: {  	v62 =	vand.u32 $0xFFFF, v0  }
0x15a: {  	v0 =	vshrl.u32 v0, $0x10;
	[tilespmem:$0x2960] =	vst v62  }
0x15b: {  	[tilespmem:$0x2BE0] =	vst v0  }
0x15c: {  	v0 =	vld [tilespmem:s7+$0x3F0];
	_ =	sdelay $0x4  }
0x15d: {  	v63 =	vand.u32 $0xFFFF, v0  }
0x15e: {  	v0 =	vshrl.u32 v0, $0x10;
	[tilespmem:$0x2970] =	vst v63  }
0x15f: {  	[tilespmem:$0x2BF0] =	vst v0  }
0x160: {  	[tilespmem:s21], [sflag:$0x3] =	stream.indirect.gather [hbm4b:s5+s15], $0x40, s20, s15, $0xb8;
	[tilespmem:$0x1E7A0] =	vst v63  }
.LBB2_7:
0x161: {  	_ =	swait.ge [sflag:s16], $0x1000  }
0x162: {  	[sflag:s16] =	ssyncset.done $0x0  }
0x163: {  	s12 =	simm.s32 $0x0;
	[sflag:s16] =	ssyncadd.s32 $0xFFFFF000  }
0x164: {  	v0 =	vld [tilespmem:s12+$0x7D00];
	_ =	sdelay $0x4  }
0x165: {  	s14 =	simm.s32 $0xBD80;
	v1 =	vshll.u32 v0, $0x10  }
0x166: {  	v0 =	vand.u32 $0xFFFF0000, v0;
	[tilespmem:s14+$0xFFFFFF80] =	vst v1  }
0x167: {  	[tilespmem:s14+$0xFFFFFF90] =	vst v0  }
0x168: {  	v0 =	vld [tilespmem:s12+$0x7D10];
	_ =	sdelay $0x4  }
0x169: {  	v1 =	vshll.u32 v0, $0x10  }
0x16a: {  	v0 =	vand.u32 $0xFFFF0000, v0;
	[tilespmem:s14+$0xFFFFFFA0] =	vst v1  }
0x16b: {  	[tilespmem:s14+$0xFFFFFFB0] =	vst v0  }
0x16c: {  	v0 =	vld [tilespmem:s12+$0x7D20];
	_ =	sdelay $0x4  }
0x16d: {  	v1 =	vshll.u32 v0, $0x10  }
0x16e: {  	v0 =	vand.u32 $0xFFFF0000, v0;
	[tilespmem:s14+$0xFFFFFFC0] =	vst v1  }
0x16f: {  	[tilespmem:s14+$0xFFFFFFD0] =	vst v0  }
0x170: {  	v0 =	vld [tilespmem:s12+$0x7D30];
	_ =	sdelay $0x4  }
0x171: {  	v1 =	vshll.u32 v0, $0x10  }
0x172: {  	v0 =	vand.u32 $0xFFFF0000, v0;
	[tilespmem:s14+$0xFFFFFFE0] =	vst v1  }
0x173: {  	[tilespmem:s14+$0xFFFFFFF0] =	vst v0  }
0x174: {  	v0 =	vld [tilespmem:s12+$0x7D40];
	_ =	sdelay $0x4  }
0x175: {  	v1 =	vshll.u32 v0, $0x10  }
0x176: {  	v0 =	vand.u32 $0xFFFF0000, v0;
	[tilespmem:s14+$0x0] =	vst v1  }
0x177: {  	[tilespmem:s14+$0x10] =	vst v0  }
0x178: {  	v0 =	vld [tilespmem:s12+$0x7D50];
	_ =	sdelay $0x4  }
0x179: {  	v1 =	vshll.u32 v0, $0x10  }
0x17a: {  	v0 =	vand.u32 $0xFFFF0000, v0;
	[tilespmem:s14+$0x20] =	vst v1  }
0x17b: {  	[tilespmem:s14+$0x30] =	vst v0  }
0x17c: {  	v0 =	vld [tilespmem:s12+$0x7D60];
	_ =	sdelay $0x4  }
0x17d: {  	v1 =	vshll.u32 v0, $0x10  }
0x17e: {  	s7 =	simm.s32 $0x200;
	s9 =	simm.s32 $0xBD80;
	v0 =	vand.u32 $0xFFFF0000, v0;
	[tilespmem:s14+$0x40] =	vst v1  }
.LBB2_8:
0x17f: {  	p1 =	sne.s32 s7, $0x3E00  }
0x180: {  	[tilespmem:s14+$0x50] =	vst v0;
	s9 =	sadd.s32 $0x100, s9;
	s18 =	smov.u32 s7;
	s7 =	sadd.s32 $0x200, s7  }
0x181: {  	v0 =	vld [tilespmem:s12+$0x7D70];
	_ =	sdelay $0x4  }
0x182: {  	v1 =	vshll.u32 v0, $0x10;
	v0 =	vand.u32 $0xFFFF0000, v0  }
0x183: {  	[tilespmem:s14+$0x60] =	vst v1  }
0x184: {  	s12 =	sshra.s32 s18, $0x2;
	[tilespmem:s14+$0x70] =	vst v0;
	s14 =	smov.u32 s9  }
0x185: {  	v0 =	vld [tilespmem:s12+$0x7D00];
	_ =	sdelay $0x4  }
0x186: {  	v1 =	vshll.u32 v0, $0x10;
	v0 =	vand.u32 $0xFFFF0000, v0  }
0x187: {  	[tilespmem:s9+$0xFFFFFF80] =	vst v1  }
0x188: {  	[tilespmem:s9+$0xFFFFFF90] =	vst v0  }
0x189: {  	v0 =	vld [tilespmem:s12+$0x7D10];
	_ =	sdelay $0x4  }
0x18a: {  	v1 =	vshll.u32 v0, $0x10;
	v0 =	vand.u32 $0xFFFF0000, v0  }
0x18b: {  	[tilespmem:s9+$0xFFFFFFA0] =	vst v1  }
0x18c: {  	[tilespmem:s9+$0xFFFFFFB0] =	vst v0  }
0x18d: {  	v0 =	vld [tilespmem:s12+$0x7D20];
	_ =	sdelay $0x4  }
0x18e: {  	v1 =	vshll.u32 v0, $0x10;
	v0 =	vand.u32 $0xFFFF0000, v0  }
0x18f: {  	[tilespmem:s9+$0xFFFFFFC0] =	vst v1  }
0x190: {  	[tilespmem:s9+$0xFFFFFFD0] =	vst v0  }
0x191: {  	v0 =	vld [tilespmem:s12+$0x7D30];
	_ =	sdelay $0x4  }
0x192: {  	v1 =	vshll.u32 v0, $0x10;
	v0 =	vand.u32 $0xFFFF0000, v0  }
0x193: {  	[tilespmem:s9+$0xFFFFFFE0] =	vst v1  }
0x194: {  	[tilespmem:s9+$0xFFFFFFF0] =	vst v0  }
0x195: {  	v0 =	vld [tilespmem:s12+$0x7D40];
	_ =	sdelay $0x4  }
0x196: {  	v1 =	vshll.u32 v0, $0x10;
	v0 =	vand.u32 $0xFFFF0000, v0  }
0x197: {  	[tilespmem:s9+$0x0] =	vst v1  }
0x198: {  	[tilespmem:s9+$0x10] =	vst v0  }
0x199: {  	v0 =	vld [tilespmem:s12+$0x7D50];
	_ =	sdelay $0x4  }
0x19a: {  	v1 =	vshll.u32 v0, $0x10;
	v0 =	vand.u32 $0xFFFF0000, v0  }
0x19b: {  	[tilespmem:s9+$0x20] =	vst v1  }
0x19c: {  	[tilespmem:s9+$0x30] =	vst v0  }
0x19d: {  	v0 =	vld [tilespmem:s12+$0x7D60];
	_ =	sdelay $0x1  }
.Ltmp5:
0x19e: {  	(pc) =	sbr.rel @p1 .LBB2_8-.Ltmp5, $3  }
0x19f: {  	_ =	sdelay $0x1  }
0x1a0: {  	v1 =	vshll.u32 v0, $0x10;
	v0 =	vand.u32 $0xFFFF0000, v0  }
0x1a1: {  	[tilespmem:s9+$0x40] =	vst v1  }
0x1a2: {  	[tilespmem:s14+$0x50] =	vst v0  }
0x1a3: {  	v0 =	vld [tilespmem:s12+$0x7D70];
	_ =	sdelay $0x4  }
0x1a4: {  	v1 =	vshll.u32 v0, $0x10  }
0x1a5: {  	v0 =	vand.u32 $0xFFFF0000, v0;
	[tilespmem:s14+$0x60] =	vst v1  }
0x1a6: {  	[tilespmem:s14+$0x70] =	vst v0  }
0x1a7: {  	[spmem:s2] =	stream.indirect.scatter.add.f32 [tilespmem:s22], [sflag:$0x6], $0x40, s4, s15, $0xb8;
	[tilespmem:$0x1E7A0] =	vst v63  }
0x1a8: {  	_ =	swait.ge [sflag:s13], $0x2000  }
0x1a9: {  	[sflag:s13] =	ssyncset.done $0x0  }
0x1aa: {  	[sflag:s13] =	ssyncadd.s32 $0xFFFFE000  }
0x1ab: {  	v0 =	vld @!p0 [tilespmem:s11+$0x400];
	_ =	sdelay $0x4  }
0x1ac: {  	v1 =	vand.u32 @!p0 $0xFFFF, v0  }
0x1ad: {  	v0 =	vshrl.u32 @!p0 v0, $0x10;
	[tilespmem:$0x2980] =	vst @!p0 v1  }
0x1ae: {  	[tilespmem:$0x2C00] =	vst @!p0 v0  }
0x1af: {  	v0 =	vld @!p0 [tilespmem:s11+$0x410];
	_ =	sdelay $0x4  }
0x1b0: {  	v1 =	vand.u32 @!p0 $0xFFFF, v0  }
0x1b1: {  	v0 =	vshrl.u32 @!p0 v0, $0x10;
	[tilespmem:$0x2990] =	vst @!p0 v1  }
0x1b2: {  	[tilespmem:$0x2C10] =	vst @!p0 v0  }
0x1b3: {  	v0 =	vld @!p0 [tilespmem:s11+$0x420];
	_ =	sdelay $0x4  }
0x1b4: {  	v1 =	vand.u32 @!p0 $0xFFFF, v0  }
0x1b5: {  	v0 =	vshrl.u32 @!p0 v0, $0x10;
	[tilespmem:$0x29A0] =	vst @!p0 v1  }
0x1b6: {  	[tilespmem:$0x2C20] =	vst @!p0 v0  }
0x1b7: {  	v0 =	vld @!p0 [tilespmem:s11+$0x430];
	_ =	sdelay $0x4  }
0x1b8: {  	v1 =	vand.u32 @!p0 $0xFFFF, v0  }
0x1b9: {  	v0 =	vshrl.u32 @!p0 v0, $0x10;
	[tilespmem:$0x29B0] =	vst @!p0 v1  }
0x1ba: {  	[tilespmem:$0x2C30] =	vst @!p0 v0  }
0x1bb: {  	v0 =	vld @!p0 [tilespmem:s11+$0x440];
	_ =	sdelay $0x4  }
0x1bc: {  	v1 =	vand.u32 @!p0 $0xFFFF, v0  }
0x1bd: {  	v0 =	vshrl.u32 @!p0 v0, $0x10;
	[tilespmem:$0x29C0] =	vst @!p0 v1  }
0x1be: {  	[tilespmem:$0x2C40] =	vst @!p0 v0  }
0x1bf: {  	v0 =	vld @!p0 [tilespmem:s11+$0x450];
	_ =	sdelay $0x4  }
0x1c0: {  	v1 =	vand.u32 @!p0 $0xFFFF, v0  }
0x1c1: {  	v0 =	vshrl.u32 @!p0 v0, $0x10;
	[tilespmem:$0x29D0] =	vst @!p0 v1  }
0x1c2: {  	[tilespmem:$0x2C50] =	vst @!p0 v0  }
0x1c3: {  	v0 =	vld @!p0 [tilespmem:s11+$0x460];
	_ =	sdelay $0x4  }
0x1c4: {  	v1 =	vand.u32 @!p0 $0xFFFF, v0  }
0x1c5: {  	v0 =	vshrl.u32 @!p0 v0, $0x10;
	[tilespmem:$0x29E0] =	vst @!p0 v1  }
0x1c6: {  	[tilespmem:$0x2C60] =	vst @!p0 v0  }
0x1c7: {  	v0 =	vld @!p0 [tilespmem:s11+$0x470];
	_ =	sdelay $0x4  }
0x1c8: {  	v1 =	vand.u32 @!p0 $0xFFFF, v0  }
0x1c9: {  	v0 =	vshrl.u32 @!p0 v0, $0x10;
	[tilespmem:$0x29F0] =	vst @!p0 v1  }
0x1ca: {  	s7 =	simm.s32 @!p0 $0x80;
	s9 =	simm.s32 @!p0 $0x2980;
	s11 =	simm.s32 @!p0 $0x7D00;
	[tilespmem:$0x2C70] =	vst @!p0 v0  }
0x1cb: {  	[tilespmem:s11], [sflag:$0x4] =	stream.indirect.gather @!p0 [spmem:s3], $0x20, s9, s7, $0xb8;
	[tilespmem:$0x1E7A0] =	vst v63  }
0x1cc: {  	_ =	swait.ge [sflag:s23], $0x1000  }
0x1cd: {  	[sflag:s23] =	ssyncset.done $0x0  }
0x1ce: {  	s12 =	simm.s32 $0x0;
	[sflag:s23] =	ssyncadd.s32 $0xFFFFF000  }
0x1cf: {  	v0 =	vld [tilespmem:s12+$0x8D00];
	_ =	sdelay $0x4  }
0x1d0: {  	s11 =	simm.s32 $0xDD80;
	v1 =	vshll.u32 v0, $0x10  }
0x1d1: {  	v0 =	vand.u32 $0xFFFF0000, v0;
	[tilespmem:s11+$0xFFFFFF80] =	vst v1  }
0x1d2: {  	[tilespmem:s11+$0xFFFFFF90] =	vst v0  }
0x1d3: {  	v0 =	vld [tilespmem:s12+$0x8D10];
	_ =	sdelay $0x4  }
0x1d4: {  	v1 =	vshll.u32 v0, $0x10  }
0x1d5: {  	v0 =	vand.u32 $0xFFFF0000, v0;
	[tilespmem:s11+$0xFFFFFFA0] =	vst v1  }
0x1d6: {  	[tilespmem:s11+$0xFFFFFFB0] =	vst v0  }
0x1d7: {  	v0 =	vld [tilespmem:s12+$0x8D20];
	_ =	sdelay $0x4  }
0x1d8: {  	v1 =	vshll.u32 v0, $0x10  }
0x1d9: {  	v0 =	vand.u32 $0xFFFF0000, v0;
	[tilespmem:s11+$0xFFFFFFC0] =	vst v1  }
0x1da: {  	[tilespmem:s11+$0xFFFFFFD0] =	vst v0  }
0x1db: {  	v0 =	vld [tilespmem:s12+$0x8D30];
	_ =	sdelay $0x4  }
0x1dc: {  	v1 =	vshll.u32 v0, $0x10  }
0x1dd: {  	v0 =	vand.u32 $0xFFFF0000, v0;
	[tilespmem:s11+$0xFFFFFFE0] =	vst v1  }
0x1de: {  	[tilespmem:s11+$0xFFFFFFF0] =	vst v0  }
0x1df: {  	v0 =	vld [tilespmem:s12+$0x8D40];
	_ =	sdelay $0x4  }
0x1e0: {  	v1 =	vshll.u32 v0, $0x10  }
0x1e1: {  	v0 =	vand.u32 $0xFFFF0000, v0;
	[tilespmem:s11+$0x0] =	vst v1  }
0x1e2: {  	[tilespmem:s11+$0x10] =	vst v0  }
0x1e3: {  	v0 =	vld [tilespmem:s12+$0x8D50];
	_ =	sdelay $0x4  }
0x1e4: {  	v1 =	vshll.u32 v0, $0x10  }
0x1e5: {  	v0 =	vand.u32 $0xFFFF0000, v0;
	[tilespmem:s11+$0x20] =	vst v1  }
0x1e6: {  	[tilespmem:s11+$0x30] =	vst v0  }
0x1e7: {  	v0 =	vld [tilespmem:s12+$0x8D60];
	_ =	sdelay $0x4  }
0x1e8: {  	v1 =	vshll.u32 v0, $0x10  }
0x1e9: {  	s7 =	simm.s32 $0x200;
	s9 =	simm.s32 $0xDD80;
	v0 =	vand.u32 $0xFFFF0000, v0;
	[tilespmem:s11+$0x40] =	vst v1  }
.LBB2_10:
0x1ea: {  	p1 =	sne.s32 s7, $0x3E00  }
0x1eb: {  	[tilespmem:s11+$0x50] =	vst v0;
	s9 =	sadd.s32 $0x100, s9;
	s14 =	smov.u32 s7;
	s7 =	sadd.s32 $0x200, s7  }
0x1ec: {  	v0 =	vld [tilespmem:s12+$0x8D70];
	_ =	sdelay $0x4  }
0x1ed: {  	v1 =	vshll.u32 v0, $0x10;
	v0 =	vand.u32 $0xFFFF0000, v0  }
0x1ee: {  	[tilespmem:s11+$0x60] =	vst v1  }
0x1ef: {  	s12 =	sshra.s32 s14, $0x2;
	[tilespmem:s11+$0x70] =	vst v0;
	s11 =	smov.u32 s9  }
0x1f0: {  	v0 =	vld [tilespmem:s12+$0x8D00];
	_ =	sdelay $0x4  }
0x1f1: {  	v1 =	vshll.u32 v0, $0x10;
	v0 =	vand.u32 $0xFFFF0000, v0  }
0x1f2: {  	[tilespmem:s9+$0xFFFFFF80] =	vst v1  }
0x1f3: {  	[tilespmem:s9+$0xFFFFFF90] =	vst v0  }
0x1f4: {  	v0 =	vld [tilespmem:s12+$0x8D10];
	_ =	sdelay $0x4  }
0x1f5: {  	v1 =	vshll.u32 v0, $0x10;
	v0 =	vand.u32 $0xFFFF0000, v0  }
0x1f6: {  	[tilespmem:s9+$0xFFFFFFA0] =	vst v1  }
0x1f7: {  	[tilespmem:s9+$0xFFFFFFB0] =	vst v0  }
0x1f8: {  	v0 =	vld [tilespmem:s12+$0x8D20];
	_ =	sdelay $0x4  }
0x1f9: {  	v1 =	vshll.u32 v0, $0x10;
	v0 =	vand.u32 $0xFFFF0000, v0  }
0x1fa: {  	[tilespmem:s9+$0xFFFFFFC0] =	vst v1  }
0x1fb: {  	[tilespmem:s9+$0xFFFFFFD0] =	vst v0  }
0x1fc: {  	v0 =	vld [tilespmem:s12+$0x8D30];
	_ =	sdelay $0x4  }
0x1fd: {  	v1 =	vshll.u32 v0, $0x10;
	v0 =	vand.u32 $0xFFFF0000, v0  }
0x1fe: {  	[tilespmem:s9+$0xFFFFFFE0] =	vst v1  }
0x1ff: {  	[tilespmem:s9+$0xFFFFFFF0] =	vst v0  }
0x200: {  	v0 =	vld [tilespmem:s12+$0x8D40];
	_ =	sdelay $0x4  }
0x201: {  	v1 =	vshll.u32 v0, $0x10;
	v0 =	vand.u32 $0xFFFF0000, v0  }
0x202: {  	[tilespmem:s9+$0x0] =	vst v1  }
0x203: {  	[tilespmem:s9+$0x10] =	vst v0  }
0x204: {  	v0 =	vld [tilespmem:s12+$0x8D50];
	_ =	sdelay $0x4  }
0x205: {  	v1 =	vshll.u32 v0, $0x10;
	v0 =	vand.u32 $0xFFFF0000, v0  }
0x206: {  	[tilespmem:s9+$0x20] =	vst v1  }
0x207: {  	[tilespmem:s9+$0x30] =	vst v0  }
0x208: {  	v0 =	vld [tilespmem:s12+$0x8D60];
	_ =	sdelay $0x1  }
.Ltmp6:
0x209: {  	(pc) =	sbr.rel @p1 .LBB2_10-.Ltmp6, $3  }
0x20a: {  	_ =	sdelay $0x1  }
0x20b: {  	v1 =	vshll.u32 v0, $0x10;
	v0 =	vand.u32 $0xFFFF0000, v0  }
0x20c: {  	[tilespmem:s9+$0x40] =	vst v1  }
0x20d: {  	[tilespmem:s11+$0x50] =	vst v0  }
0x20e: {  	v0 =	vld [tilespmem:s12+$0x8D70];
	_ =	sdelay $0x4  }
0x20f: {  	v1 =	vshll.u32 v0, $0x10  }
0x210: {  	v0 =	vand.u32 $0xFFFF0000, v0;
	[tilespmem:s11+$0x60] =	vst v1  }
.Ltmp7:
0x211: {  	[tilespmem:s11+$0x70] =	vst v0;
	(pc) =	sbr.rel @p0 .LBB2_13-.Ltmp7, $4  }
0x212: {  	[spmem:s2] =	stream.indirect.scatter.add.f32 [tilespmem:s8], [sflag:$0x6], $0x40, s6, s15, $0xb8;
	[tilespmem:$0x1E7A0] =	vst v63  }
0x213: {  	_ =	swait.ge [sflag:s13], $0x2000  }
0x214: {  	[sflag:s13] =	ssyncset.done $0x0  }
0x215: {  	[sflag:s13] =	ssyncadd.s32 $0xFFFFE000  }
0x216: {  	s7 =	smul.u32 $0xA00, s10;
	_ =	sdelay $0x1  }
0x217: {  	s7 =	sshra.s32 s7, $0x2  }
0x218: {  	v0 =	vld [tilespmem:s7+$0x480];
	_ =	sdelay $0x4  }
0x219: {  	v1 =	vand.u32 $0xFFFF, v0  }
0x21a: {  	v0 =	vshrl.u32 v0, $0x10;
	[tilespmem:$0x2A00] =	vst v1  }
0x21b: {  	[tilespmem:$0x2C80] =	vst v0  }
0x21c: {  	v0 =	vld [tilespmem:s7+$0x490];
	_ =	sdelay $0x4  }
0x21d: {  	v57 =	vand.u32 $0xFFFF, v0  }
0x21e: {  	v0 =	vshrl.u32 v0, $0x10;
	[tilespmem:$0x2A10] =	vst v57  }
0x21f: {  	[tilespmem:$0x2C90] =	vst v0  }
0x220: {  	v0 =	vld [tilespmem:s7+$0x4A0];
	_ =	sdelay $0x4  }
0x221: {  	v58 =	vand.u32 $0xFFFF, v0  }
0x222: {  	v0 =	vshrl.u32 v0, $0x10;
	[tilespmem:$0x2A20] =	vst v58  }
0x223: {  	[tilespmem:$0x2CA0] =	vst v0  }
0x224: {  	v0 =	vld [tilespmem:s7+$0x4B0];
	_ =	sdelay $0x4  }
0x225: {  	v59 =	vand.u32 $0xFFFF, v0  }
0x226: {  	v0 =	vshrl.u32 v0, $0x10;
	[tilespmem:$0x2A30] =	vst v59  }
0x227: {  	[tilespmem:$0x2CB0] =	vst v0  }
0x228: {  	v0 =	vld [tilespmem:s7+$0x4C0];
	_ =	sdelay $0x4  }
0x229: {  	v60 =	vand.u32 $0xFFFF, v0  }
0x22a: {  	v0 =	vshrl.u32 v0, $0x10;
	[tilespmem:$0x2A40] =	vst v60  }
0x22b: {  	[tilespmem:$0x2CC0] =	vst v0  }
0x22c: {  	v0 =	vld [tilespmem:s7+$0x4D0];
	_ =	sdelay $0x4  }
0x22d: {  	v61 =	vand.u32 $0xFFFF, v0  }
0x22e: {  	v0 =	vshrl.u32 v0, $0x10;
	[tilespmem:$0x2A50] =	vst v61  }
0x22f: {  	[tilespmem:$0x2CD0] =	vst v0  }
0x230: {  	v0 =	vld [tilespmem:s7+$0x4E0];
	_ =	sdelay $0x4  }
0x231: {  	v62 =	vand.u32 $0xFFFF, v0  }
0x232: {  	v0 =	vshrl.u32 v0, $0x10;
	[tilespmem:$0x2A60] =	vst v62  }
0x233: {  	[tilespmem:$0x2CE0] =	vst v0  }
0x234: {  	v0 =	vld [tilespmem:s7+$0x4F0];
	_ =	sdelay $0x3  }
.Ltmp8:
0x235: {  	_ = 	snop;
	(pc) =	sbr.rel .LBB2_2-.Ltmp8, $4  }
0x236: {  	v63 =	vand.u32 $0xFFFF, v0  }
0x237: {  	v0 =	vshrl.u32 v0, $0x10;
	[tilespmem:$0x2A70] =	vst v63  }
0x238: {  	s10 =	sadd.s32 $0x1, s10;
	[tilespmem:$0x2CF0] =	vst v0  }
0x239: {  	[tilespmem:s25], [sflag:$0x5] =	stream.indirect.gather [spmem:s3], $0x20, s24, s15, $0xb8;
	[tilespmem:$0x1E7A0] =	vst v63  }
.LBB2_14:
0x23a: {  	_ =	sfence.sel $0x180000  }
0x23b: {  	[bflag:$0x0] =	sbarrier.arrive $0xFFFF  }
0x23c: {  	_ =	strace $0x90000047  }
0x23d: {  	s0 =	stileid.u32;
	[bflag:$0x2] =	sbarrier.arrive $0xFFFF  }
0x23e: {  	p0 =	sne.s32 s0, $0x0;
	s0 =	rddreg [dreg:$0x3]  }
0x23f: {  	s0 =	sadd.s32 @!p0 $0x100000, s0  }
0x240: {  	[sflag:s0] =	ssyncadd.tile.s32 @!p0 $0x1;
	_ =	shalt  }
.Lfunc_end2:
_tile_overlayer_lowered:
.L_overlay_start_2:
0x241: {  	(tag) =	ssettag $0x2  }
0x242: {  	s0 =	rddreg [dreg:$0x0];
	s2 =	stileid.u32  }
0x243: {  	s1 =	rddreg [dreg:$0x1];
	p0 =	sne.s32 s2, $0x0  }
0x244: {  	s3 =	rddreg [dreg:$0x2];
	[bflag:$0x3] =	sbarrier.arrive $0xFFFF;
	s2 =	simm.s32 @!p0 $0x1C06  }
0x245: {  	[timem:s3], [sflag:s2] =	dma.local @!p0 [hbm:s0], s1  }
0x246: {  	s0 =	simm.s32 @!p0 $0x6  }
0x247: {  	_ =	swait.ge @!p0 [sflag:s0], s1  }
0x248: {  	s1 =	ssub.s32 @!p0 $0x0, s1;
	[sflag:s0] =	ssyncset.done @!p0 $0x0  }
0x249: {  	[sflag:s0] =	ssyncadd.s32 @!p0 s1  }
0x24a: {  	[bflag:$0x3] =	sbarrier.arrive $0xFFFF  }
0x24b: {  	_ =	shalt  }

</sc_bundles>
